<compile_context>
chip_gen: v7x
topology: tpu7x:2x2x1
jax: 0.10.2.dev20260603
libtpu: 0.0.44.dev20260713+nightly
codegen_flags: <defaults>
</compile_context>

<pallas_src>
import functools
import jax
import jax.numpy as jnp
import numpy as np
from jax import lax
from jax.experimental import pallas as pl
from jax.experimental.pallas import tpu as pltpu
from jax.experimental.pallas import tpu_sc as plsc

N_NODES = 10000
N_GRAPHS = 64
D = 128
DH = 64
CHUNK = 128
NCORES = 2
NSUB = 16
ROW_BLK = 1000
AGG_ROWS = 10240


def _pack_bf16_halves(e):
    ub = lax.bitcast_convert_type(e, jnp.uint32)
    r16 = (ub + jnp.uint32(0x8000)) >> jnp.uint32(16)
    packs = []
    for g in range(D // 32):
        a = r16[:, 32 * g:32 * g + 16]
        b = r16[:, 32 * g + 16:32 * g + 32]
        packs.append(a | (b << jnp.uint32(16)))
    half0 = lax.bitcast_convert_type(jnp.concatenate(packs[:2], axis=1), jnp.int32)
    half1 = lax.bitcast_convert_type(jnp.concatenate(packs[2:], axis=1), jnp.int32)
    return half0, half1


def _edge_proj_body(ea_ref, We1_ref, be1_ref, We2_ref, be2_ref, e1_ref, e2_ref):
    ea = ea_ref[...]
    e1 = jnp.dot(ea, We1_ref[...], preferred_element_type=jnp.float32) + be1_ref[...]
    e2 = jnp.dot(ea, We2_ref[...], preferred_element_type=jnp.float32) + be2_ref[...]
    e1_ref[0], e1_ref[1] = _pack_bf16_halves(e1)
    e2_ref[0], e2_ref[1] = _pack_bf16_halves(e2)


def _edge_proj(ea_p, We1, be1, We2, be2, e_pad, blk):
    grid = e_pad // blk
    return pl.pallas_call(
        _edge_proj_body,
        grid=(grid,),
        in_specs=[
            pl.BlockSpec((blk, 3), lambda i: (i, 0)),
            pl.BlockSpec((3, D), lambda i: (0, 0)),
            pl.BlockSpec((1, D), lambda i: (0, 0)),
            pl.BlockSpec((3, D), lambda i: (0, 0)),
            pl.BlockSpec((1, D), lambda i: (0, 0)),
        ],
        out_specs=[
            pl.BlockSpec((2, blk, DH // 2), lambda i: (0, i, 0)),
            pl.BlockSpec((2, blk, DH // 2), lambda i: (0, i, 0)),
        ],
        out_shape=[
            jax.ShapeDtypeStruct((2, e_pad, DH // 2), jnp.int32),
            jax.ShapeDtypeStruct((2, e_pad, DH // 2), jnp.int32),
        ],
    )(ea_p, We1, be1, We2, be2)


def _edge_pass_body(n_chunks, x_hbm, e_hbm, src_hbm, dst_hbm, out_hbm,
                    idx_src, idx_dst, xg0, xg1, ev0, ev1, mv0, mv1, aggr_sh,
                    gs0, gs1, es0, es1, ss0, ss1):
    c = lax.axis_index("c")
    s = lax.axis_index("s")
    xg = (xg0, xg1)
    ev = (ev0, ev1)
    mv = (mv0, mv1)
    gsem = (gs0, gs1)
    esem = (es0, es1)
    ssem = (ss0, ss1)

    def zrow(r, _):
        for j in range(DH // 16):
            mv0[r, pl.ds(j * 16, 16)] = jnp.zeros((16,), jnp.float32)
        return 0
    lax.fori_loop(0, CHUNK, zrow, 0)
    for k in range(5):
        pltpu.sync_copy(mv0, aggr_sh.at[pl.ds(s * 640 + k * CHUNK, CHUNK)])
    plsc.subcore_barrier()

    pltpu.sync_copy(src_hbm.at[s], idx_src)
    pltpu.sync_copy(dst_hbm.at[s], idx_dst)
    coff = c * N_NODES

    def shift_row(g, _):
        for j in range(CHUNK // 16):
            sl = pl.ds(j * 16, 16)
            idx_src[g, sl] = idx_src[g, sl] + coff
        return 0
    lax.fori_loop(0, n_chunks, shift_row, 0)

    def issue_in(g, b):
        base = (s * n_chunks + g) * CHUNK
        pltpu.async_copy(x_hbm.at[idx_src.at[g]], xg[b], gsem[b])
        pltpu.async_copy(e_hbm.at[c, pl.ds(base, CHUNK)], ev[b], esem[b])

    def wait_in(g, b):
        base = (s * n_chunks + g) * CHUNK
        pltpu.make_async_copy(x_hbm.at[idx_src.at[g]], xg[b], gsem[b]).wait()
        pltpu.make_async_copy(e_hbm.at[c, pl.ds(base, CHUNK)], ev[b], esem[b]).wait()

    def wait_sc(g, b):
        pltpu.make_async_copy(mv[b], aggr_sh.at[idx_dst.at[g]], ssem[b]).wait()

    issue_in(0, 0)
    issue_in(1, 1)

    def pair_body(gp, _):
        for b in range(2):
            g = gp * 2 + b
            wait_in(g, b)

            @pl.when(g >= 2)
            def _():
                wait_sc(g - 2, b)

            @plsc.parallel_loop(0, CHUNK, step=1, unroll=8)
            def _(r):
                for grp in range(DH // 32):
                    ep = ev[b][r, pl.ds(16 * grp, 16)]
                    ea_ = lax.bitcast_convert_type(ep << 16, jnp.float32)
                    eb_ = lax.bitcast_convert_type(ep & jnp.int32(-65536), jnp.float32)
                    sa = pl.ds(32 * grp, 16)
                    sb = pl.ds(32 * grp + 16, 16)
                    mv[b][r, sa] = jnp.maximum(xg[b][r, sa] + ea_, 0.0)
                    mv[b][r, sb] = jnp.maximum(xg[b][r, sb] + eb_, 0.0)
            pltpu.async_copy(mv[b], aggr_sh.at[idx_dst.at[g]], ssem[b], add=True)

            @pl.when(g + 2 < n_chunks)
            def _():
                issue_in(g + 2, b)
        return 0
    lax.fori_loop(0, n_chunks // 2, pair_body, 0)
    wait_sc(n_chunks - 2, 0)
    wait_sc(n_chunks - 1, 1)

    plsc.subcore_barrier()
    for k in range(5):
        row = s * 640 + k * CHUNK
        pltpu.sync_copy(aggr_sh.at[pl.ds(row, CHUNK)], mv0)
        pltpu.sync_copy(mv0, out_hbm.at[c, pl.ds(row, CHUNK)])


def _edge_pass(x2, e2s, src_r, dst_r, n_chunks):
    mesh = plsc.VectorSubcoreMesh(core_axis_name="c", subcore_axis_name="s")
    kern = pl.kernel(
        functools.partial(_edge_pass_body, n_chunks),
        out_type=jax.ShapeDtypeStruct((NCORES, AGG_ROWS, DH), jnp.float32),
        mesh=mesh,
        compiler_params=pltpu.CompilerParams(use_tc_tiling_on_sc=False),
        scratch_types=[
            pltpu.VMEM((n_chunks, CHUNK), jnp.int32),
            pltpu.VMEM((n_chunks, CHUNK), jnp.int32),
            pltpu.VMEM((CHUNK, DH), jnp.float32),
            pltpu.VMEM((CHUNK, DH), jnp.float32),
            pltpu.VMEM((CHUNK, DH // 2), jnp.int32),
            pltpu.VMEM((CHUNK, DH // 2), jnp.int32),
            pltpu.VMEM((CHUNK, DH), jnp.float32),
            pltpu.VMEM((CHUNK, DH), jnp.float32),
            pltpu.VMEM_SHARED((AGG_ROWS, DH), jnp.float32),
            pltpu.SemaphoreType.DMA,
            pltpu.SemaphoreType.DMA,
            pltpu.SemaphoreType.DMA,
            pltpu.SemaphoreType.DMA,
            pltpu.SemaphoreType.DMA,
            pltpu.SemaphoreType.DMA,
        ],
    )
    return kern(x2, e2s, src_r, dst_r)


def _split_body(x_ref, o_ref):
    @pl.when(pl.program_id(0) == 0)
    def _():
        o_ref[...] = x_ref[...][:, :DH]

    @pl.when(pl.program_id(0) == 1)
    def _():
        o_ref[...] = x_ref[...][:, DH:]


def _split_rows(x):
    nb = N_NODES // ROW_BLK
    return pl.pallas_call(
        _split_body,
        grid=(2, nb),
        in_specs=[pl.BlockSpec((ROW_BLK, D), lambda h, i: (i, 0))],
        out_specs=pl.BlockSpec((ROW_BLK, DH), lambda h, i: (h * (N_NODES // ROW_BLK) + i, 0)),
        out_shape=jax.ShapeDtypeStruct((2 * N_NODES, DH), jnp.float32),
    )(x)


def _node_mlp_body(xl_ref, xh_ref, a_ref, Wa_ref, ba_ref, Wb_ref, bb_ref, h_ref):
    x = jnp.concatenate([xl_ref[...], xh_ref[...]], axis=-1)
    a = jnp.concatenate([a_ref[0], a_ref[1]], axis=-1)
    h0 = x + a
    t = jnp.maximum(jnp.dot(h0, Wa_ref[...], preferred_element_type=jnp.float32) + ba_ref[...], 0.0)
    h = jnp.maximum(jnp.dot(t, Wb_ref[...], preferred_element_type=jnp.float32) + bb_ref[...], 0.0)
    h_ref[0] = h[:, :DH]
    h_ref[1] = h[:, DH:]


def _node_mlp(x2f, aggr, Wa, ba, Wb, bb):
    grid = N_NODES // ROW_BLK
    return pl.pallas_call(
        _node_mlp_body,
        grid=(grid,),
        in_specs=[
            pl.BlockSpec((ROW_BLK, DH), lambda i: (i, 0)),
            pl.BlockSpec((ROW_BLK, DH), lambda i: (N_NODES // ROW_BLK + i, 0)),
            pl.BlockSpec((2, ROW_BLK, DH), lambda i: (0, i, 0)),
            pl.BlockSpec((D, D), lambda i: (0, 0)),
            pl.BlockSpec((1, D), lambda i: (0, 0)),
            pl.BlockSpec((D, D), lambda i: (0, 0)),
            pl.BlockSpec((1, D), lambda i: (0, 0)),
        ],
        out_specs=pl.BlockSpec((2, ROW_BLK, DH), lambda i: (0, i, 0)),
        out_shape=jax.ShapeDtypeStruct((2, N_NODES, DH), jnp.float32),
    )(x2f, x2f, aggr, Wa, ba, Wb, bb)


def _pool_mlp_body(x_ref, a_ref, batch_ref, Wa_ref, ba_ref, Wb_ref, bb_ref,
                   Wm1_ref, bm1_ref, Wm2_ref, bm2_ref, o_ref, acc_ref):
    x = jnp.concatenate([x_ref[0], x_ref[1]], axis=-1)
    a = jnp.concatenate([a_ref[0], a_ref[1]], axis=-1)
    h0 = x + a
    t = jnp.maximum(jnp.dot(h0, Wa_ref[...], preferred_element_type=jnp.float32) + ba_ref[...], 0.0)
    h = jnp.maximum(jnp.dot(t, Wb_ref[...], preferred_element_type=jnp.float32) + bb_ref[...], 0.0)
    b = batch_ref[0, 0]
    oh = (lax.broadcasted_iota(jnp.int32, (N_GRAPHS, ROW_BLK), 0) == b[None, :]).astype(jnp.float32)
    part = jnp.dot(oh, h, preferred_element_type=jnp.float32)

    @pl.when(pl.program_id(0) == 0)
    def _():
        acc_ref[...] = jnp.zeros_like(acc_ref)
    acc_ref[...] += part

    @pl.when(pl.program_id(0) == pl.num_programs(0) - 1)
    def _():
        tm = jnp.maximum(jnp.dot(acc_ref[...], Wm1_ref[...], preferred_element_type=jnp.float32) + bm1_ref[...], 0.0)
        o_ref[...] = jnp.dot(tm, Wm2_ref[...], preferred_element_type=jnp.float32) + bm2_ref[...]


def _pool_mlp(h2, aggr, batch_r, Wa, ba, Wb, bb, Wm1, bm1, Wm2, bm2):
    grid = N_NODES // ROW_BLK
    wspec = pl.BlockSpec((D, D), lambda i: (0, 0))
    bspec = pl.BlockSpec((1, D), lambda i: (0, 0))
    return pl.pallas_call(
        _pool_mlp_body,
        grid=(grid,),
        in_specs=[
            pl.BlockSpec((2, ROW_BLK, DH), lambda i: (0, i, 0)),
            pl.BlockSpec((2, ROW_BLK, DH), lambda i: (0, i, 0)),
            pl.BlockSpec((1, 1, ROW_BLK), lambda i: (i, 0, 0)),
            wspec, bspec, wspec, bspec,
            wspec, bspec, wspec, bspec,
        ],
        out_specs=pl.BlockSpec((N_GRAPHS, D), lambda i: (0, 0)),
        out_shape=jax.ShapeDtypeStruct((N_GRAPHS, D), jnp.float32),
        scratch_shapes=[pltpu.VMEM((N_GRAPHS, D), jnp.float32)],
    )(h2, aggr, batch_r, Wa, ba, Wb, bb, Wm1, bm1, Wm2, bm2)


def kernel(x, edge_index, edge_attr, batch, We1, be1, W1a, b1a, W1b, b1b,
           We2, be2, W2a, b2a, W2b, b2b, Wm1, bm1, Wm2, bm2):
    E = edge_index.shape[1]
    n_chunks = (E + NSUB * CHUNK - 1) // (NSUB * CHUNK)
    n_chunks += n_chunks % 2
    e_pad = n_chunks * NSUB * CHUNK
    pad = e_pad - E

    src_r = jnp.concatenate([edge_index[0], jnp.zeros((pad,), jnp.int32)]).reshape(NSUB, n_chunks, CHUNK)
    dst_r = jnp.concatenate([edge_index[1], jnp.full((pad,), N_NODES, jnp.int32)]).reshape(NSUB, n_chunks, CHUNK)
    batch_r = batch.reshape(N_NODES // ROW_BLK, 1, ROW_BLK)

    x2f = _split_rows(x)
    e1, e2 = _edge_proj(edge_attr, We1, be1.reshape(1, D), We2, be2.reshape(1, D), e_pad, 4096)
    aggr1 = _edge_pass(x2f, e1, src_r, dst_r, n_chunks)
    h1 = _node_mlp(x2f, aggr1, W1a, b1a.reshape(1, D), W1b, b1b.reshape(1, D))

    aggr2 = _edge_pass(h1.reshape(2 * N_NODES, DH), e2, src_r, dst_r, n_chunks)
    pooled = _pool_mlp(h1, aggr2, batch_r, W2a, b2a.reshape(1, D), W2b, b2b.reshape(1, D),
                       Wm1, bm1.reshape(1, D), Wm2, bm2.reshape(1, D))
    return pooled

# --- scband reference (transcript-rebuilt; emitter-appended) ---
"""Pipeline reference for scband-mol-net-49898930045492 (READ-ONLY COPY).

The authoritative reference and input builder live on the scoring server;
editing this copy changes nothing except your own understanding.
"""

import jax, jax.numpy as jnp
import numpy as np

N = 10000
E = 320000
D = 128
H = 128
O = 128
G = 64

def _lin(k, fi, fo):
    k1, k2 = jax.random.split(k)
    bound = 1.0 / np.sqrt(fi)
    W = jax.random.uniform(k1, (fi, fo), minval=-bound, maxval=bound, dtype=jnp.float32)
    b = jax.random.uniform(k2, (fo,), minval=-bound, maxval=bound, dtype=jnp.float32)
    return W, b

def setup_inputs(seed: int = 0):
    key = jax.random.key(seed)
    ks = jax.random.split(key, 12)
    x = jax.random.normal(ks[0], (N, D), dtype=jnp.float32)
    edge_index = jax.random.randint(ks[1], (2, E), 0, N, dtype=jnp.int32)
    edge_attr = jax.random.normal(ks[2], (E, 3), dtype=jnp.float32)
    batch = jnp.sort(jax.random.randint(ks[3], (N,), 0, G, dtype=jnp.int32))
    We1, be1 = _lin(ks[4], 3, D)
    W1a, b1a = _lin(ks[5], D, H)
    W1b, b1b = _lin(ks[6], H, H)
    We2, be2 = _lin(ks[7], 3, H)
    W2a, b2a = _lin(ks[8], H, H)
    W2b, b2b = _lin(ks[9], H, H)
    Wm1, bm1 = _lin(ks[10], H, H)
    Wm2, bm2 = _lin(ks[11], H, O)
    return {"x": x, "edge_index": edge_index, "edge_attr": edge_attr, "batch": batch,
            "We1": We1, "be1": be1, "W1a": W1a, "b1a": b1a, "W1b": W1b, "b1b": b1b,
            "We2": We2, "be2": be2, "W2a": W2a, "b2a": b2a, "W2b": W2b, "b2b": b2b,
            "Wm1": Wm1, "bm1": bm1, "Wm2": Wm2, "bm2": bm2}

def _gine(x, src, dst, ea, We, be, Wa, ba, Wb, bb):
    # GINEConv (eps=0): message = relu(x_j + lin_edge(edge_attr)); sum-aggregate; nn((1+eps)*x + aggr)
    m = jax.nn.relu(x[src] + ea @ We + be)
    aggr = jax.ops.segment_sum(m, dst, num_segments=x.shape[0])
    h = x + aggr
    return jax.nn.relu(h @ Wa + ba) @ Wb + bb

def reference(x, edge_index, edge_attr, batch, We1, be1, W1a, b1a, W1b, b1b, We2, be2, W2a, b2a, W2b, b2b, Wm1, bm1, Wm2, bm2):
    src = edge_index[0]
    dst = edge_index[1]
    h = jax.nn.relu(_gine(x, src, dst, edge_attr, We1, be1, W1a, b1a, W1b, b1b))
    h = jax.nn.relu(_gine(h, src, dst, edge_attr, We2, be2, W2a, b2a, W2b, b2b))
    pooled = jax.ops.segment_sum(h, batch, num_segments=G)
    return jax.nn.relu(pooled @ Wm1 + bm1) @ Wm2 + bm2

if __name__ == "__main__":
    import jax
    _d = setup_inputs()
    print(jax.jit(kernel)(*tuple(_d.values())))

</pallas_src>

<mosaic_0001>
#map = affine_map<(d0, d1) -> (0, 0)>
#map1 = affine_map<(d0, d1) -> (0, 0, 0)>
module attributes {stable_mosaic.version = 14 : i64} {
  func.func @_edge_pass_body(%arg0: i32, %arg1: i32, %arg2: memref<20000x64xf32, #tpu.memory_space<hbm>>, %arg3: memref<2x323584x32xi32, #tpu.memory_space<hbm>>, %arg4: memref<16x158x128xi32, #tpu.memory_space<hbm>>, %arg5: memref<16x158x128xi32, #tpu.memory_space<hbm>>, %arg6: memref<2x10240x64xf32, #tpu.memory_space<hbm>>, %arg7: memref<158x128xi32, #tpu.memory_space<vmem>>, %arg8: memref<158x128xi32, #tpu.memory_space<vmem>>, %arg9: memref<128x64xf32, #tpu.memory_space<vmem>>, %arg10: memref<128x64xf32, #tpu.memory_space<vmem>>, %arg11: memref<128x32xi32, #tpu.memory_space<vmem>>, %arg12: memref<128x32xi32, #tpu.memory_space<vmem>>, %arg13: memref<128x64xf32, #tpu.memory_space<vmem>>, %arg14: memref<128x64xf32, #tpu.memory_space<vmem>>, %arg15: memref<10240x64xf32, #tpu.memory_space<vmem_shared>>, %arg16: memref<!tpu.dma_semaphore, #tpu.memory_space<semaphore_mem>>, %arg17: memref<!tpu.dma_semaphore, #tpu.memory_space<semaphore_mem>>, %arg18: memref<!tpu.dma_semaphore, #tpu.memory_space<semaphore_mem>>, %arg19: memref<!tpu.dma_semaphore, #tpu.memory_space<semaphore_mem>>, %arg20: memref<!tpu.dma_semaphore, #tpu.memory_space<semaphore_mem>>, %arg21: memref<!tpu.dma_semaphore, #tpu.memory_space<semaphore_mem>>) attributes {dimension_semantics = [#tpu.dimension_semantics<core_parallel>, #tpu.dimension_semantics<subcore_parallel>], iteration_bounds = array<i64: 2, 16>, scalar_prefetch = 0 : i64, scratch_operands = 15 : i64, tpu.core_type = #tpu.core_type<sc_vector_subcore>, window_params = [{transform_indices = #map}, {transform_indices = #map1}, {transform_indices = #map1}, {transform_indices = #map1}, {transform_indices = #map1}]} {
    %scan3A = arith.constant 0 : i32
    %scan3A_0 = arith.constant 0 : i32
    %scan3A_1 = arith.constant 128 : i32
    %scan3A_2 = arith.addi %scan3A_0, %scan3A_1 : i32
    %scan3A_3 = arith.constant 1 : i32
    %scan3A_4 = scf.for %scan3A_111 = %scan3A_0 to %scan3A_2 step %scan3A_3 iter_args(%scan3A_112 = %scan3A) -> (i32)  : i32 {
      %broadcast_in_dim3A = arith.constant 0.000000e+00 : f32
      %broadcast_in_dim3A_113 = vector.broadcast %broadcast_in_dim3A : f32 to vector<16xf32>
      %swap3A = arith.index_cast %scan3A_111 : i32 to index
      %swap3A_114 = arith.constant 0 : index
      %swap3A_115 = tpu.vector_load %arg13[%swap3A, %swap3A_114] {strides = array<i32>} : memref<128x64xf32, #tpu.memory_space<vmem>>, vector<1x16xf32>,
      %swap3A_116 = vector.shape_cast %swap3A_115 : vector<1x16xf32> to vector<16xf32>
      %swap3A_117 = vector.shape_cast %broadcast_in_dim3A_113 : vector<16xf32> to vector<1x16xf32>
      tpu.vector_store %arg13[%swap3A, %swap3A_114], %swap3A_117 {strides = array<i32>} : memref<128x64xf32, #tpu.memory_space<vmem>>, vector<1x16xf32>,
      %broadcast_in_dim3A_118 = arith.constant 0.000000e+00 : f32
      %broadcast_in_dim3A_119 = vector.broadcast %broadcast_in_dim3A_118 : f32 to vector<16xf32>
      %swap3A_120 = arith.index_cast %scan3A_111 : i32 to index
      %swap3A_121 = arith.constant 16 : index
      %swap3A_122 = tpu.vector_load %arg13[%swap3A_120, %swap3A_121] {strides = array<i32>} : memref<128x64xf32, #tpu.memory_space<vmem>>, vector<1x16xf32>,
      %swap3A_123 = vector.shape_cast %swap3A_122 : vector<1x16xf32> to vector<16xf32>
      %swap3A_124 = vector.shape_cast %broadcast_in_dim3A_119 : vector<16xf32> to vector<1x16xf32>
      tpu.vector_store %arg13[%swap3A_120, %swap3A_121], %swap3A_124 {strides = array<i32>} : memref<128x64xf32, #tpu.memory_space<vmem>>, vector<1x16xf32>,
      %broadcast_in_dim3A_125 = arith.constant 0.000000e+00 : f32
      %broadcast_in_dim3A_126 = vector.broadcast %broadcast_in_dim3A_125 : f32 to vector<16xf32>
      %swap3A_127 = arith.index_cast %scan3A_111 : i32 to index
      %swap3A_128 = arith.constant 32 : index
      %swap3A_129 = tpu.vector_load %arg13[%swap3A_127, %swap3A_128] {strides = array<i32>} : memref<128x64xf32, #tpu.memory_space<vmem>>, vector<1x16xf32>,
      %swap3A_130 = vector.shape_cast %swap3A_129 : vector<1x16xf32> to vector<16xf32>
      %swap3A_131 = vector.shape_cast %broadcast_in_dim3A_126 : vector<16xf32> to vector<1x16xf32>
      tpu.vector_store %arg13[%swap3A_127, %swap3A_128], %swap3A_131 {strides = array<i32>} : memref<128x64xf32, #tpu.memory_space<vmem>>, vector<1x16xf32>,
      %broadcast_in_dim3A_132 = arith.constant 0.000000e+00 : f32
      %broadcast_in_dim3A_133 = vector.broadcast %broadcast_in_dim3A_132 : f32 to vector<16xf32>
      %swap3A_134 = arith.index_cast %scan3A_111 : i32 to index
      %swap3A_135 = arith.constant 48 : index
      %swap3A_136 = tpu.vector_load %arg13[%swap3A_134, %swap3A_135] {strides = array<i32>} : memref<128x64xf32, #tpu.memory_space<vmem>>, vector<1x16xf32>,
      %swap3A_137 = vector.shape_cast %swap3A_136 : vector<1x16xf32> to vector<16xf32>
      %swap3A_138 = vector.shape_cast %broadcast_in_dim3A_133 : vector<16xf32> to vector<1x16xf32>
      tpu.vector_store %arg13[%swap3A_134, %swap3A_135], %swap3A_138 {strides = array<i32>} : memref<128x64xf32, #tpu.memory_space<vmem>>, vector<1x16xf32>,
      %scan3A_139 = arith.constant 0 : i32
      scf.yield %scan3A_139 : i32
    }
    %scan3A_5 = arith.constant 128 : i32
    %mul3A = arith.constant 640 : i32
    %mul3A_6 = arith.muli %arg1, %mul3A : i32
    %add3A = arith.constant 0 : i32
    %add3A_7 = arith.addi %mul3A_6, %add3A : i32
    "tpu.region"() ({
      %run_scoped3A = tpu.sem_alloc : memref<!tpu.dma_semaphore, #tpu.memory_space<semaphore_mem>>
      %dma_start3A_111 = arith.constant 0 : i32
      %dma_start3A_112 = tpu.memref_slice %arg15[%add3A_7, %dma_start3A_111] : memref<10240x64xf32, #tpu.memory_space<vmem_shared>> -> memref<128x64xf32, #tpu.memory_space<vmem_shared>>
      %dma_start3A_113 = arith.constant 0 : i32
      %dma_start3A_114 = tpu.memref_slice %arg15[%add3A_7, %dma_start3A_113] : memref<10240x64xf32, #tpu.memory_space<vmem_shared>> -> memref<128x64xf32, #tpu.memory_space<vmem_shared>>
      tpu.enqueue_dma source(%arg13 : memref<128x64xf32, #tpu.memory_space<vmem>>) target(%dma_start3A_114 : memref<128x64xf32, #tpu.memory_space<vmem_shared>>) target_semaphore(%run_scoped3A : memref<!tpu.dma_semaphore, #tpu.memory_space<semaphore_mem>>)
      %dma_wait3A_115 = arith.constant 0 : i32
      %dma_wait3A_116 = tpu.memref_slice %arg15[%add3A_7, %dma_wait3A_115] : memref<10240x64xf32, #tpu.memory_space<vmem_shared>> -> memref<128x64xf32, #tpu.memory_space<vmem_shared>>
      %dma_wait3A_117 = arith.constant 0 : i32
      %dma_wait3A_118 = tpu.memref_slice %arg15[%add3A_7, %dma_wait3A_117] : memref<10240x64xf32, #tpu.memory_space<vmem_shared>> -> memref<128x64xf32, #tpu.memory_space<vmem_shared>>
      tpu.wait_dma2 semaphore(%run_scoped3A : memref<!tpu.dma_semaphore, #tpu.memory_space<semaphore_mem>>) src(%arg13 : memref<128x64xf32, #tpu.memory_space<vmem>>) dst(%dma_wait3A_118 : memref<128x64xf32, #tpu.memory_space<vmem_shared>>)
      tpu.yield
    }) : () -> ()
    %mul3A_8 = arith.constant 640 : i32
    %mul3A_9 = arith.muli %arg1, %mul3A_8 : i32
    %add3A_10 = arith.constant 128 : i32
    %add3A_11 = arith.addi %mul3A_9, %add3A_10 : i32
    "tpu.region"() ({
      %run_scoped3A = tpu.sem_alloc : memref<!tpu.dma_semaphore, #tpu.memory_space<semaphore_mem>>
      %dma_start3A_111 = arith.constant 0 : i32
      %dma_start3A_112 = tpu.memref_slice %arg15[%add3A_11, %dma_start3A_111] : memref<10240x64xf32, #tpu.memory_space<vmem_shared>> -> memref<128x64xf32, #tpu.memory_space<vmem_shared>>
      %dma_start3A_113 = arith.constant 0 : i32
      %dma_start3A_114 = tpu.memref_slice %arg15[%add3A_11, %dma_start3A_113] : memref<10240x64xf32, #tpu.memory_space<vmem_shared>> -> memref<128x64xf32, #tpu.memory_space<vmem_shared>>
      tpu.enqueue_dma source(%arg13 : memref<128x64xf32, #tpu.memory_space<vmem>>) target(%dma_start3A_114 : memref<128x64xf32, #tpu.memory_space<vmem_shared>>) target_semaphore(%run_scoped3A : memref<!tpu.dma_semaphore, #tpu.memory_space<semaphore_mem>>)
      %dma_wait3A_115 = arith.constant 0 : i32
      %dma_wait3A_116 = tpu.memref_slice %arg15[%add3A_11, %dma_wait3A_115] : memref<10240x64xf32, #tpu.memory_space<vmem_shared>> -> memref<128x64xf32, #tpu.memory_space<vmem_shared>>
      %dma_wait3A_117 = arith.constant 0 : i32
      %dma_wait3A_118 = tpu.memref_slice %arg15[%add3A_11, %dma_wait3A_117] : memref<10240x64xf32, #tpu.memory_space<vmem_shared>> -> memref<128x64xf32, #tpu.memory_space<vmem_shared>>
      tpu.wait_dma2 semaphore(%run_scoped3A : memref<!tpu.dma_semaphore, #tpu.memory_space<semaphore_mem>>) src(%arg13 : memref<128x64xf32, #tpu.memory_space<vmem>>) dst(%dma_wait3A_118 : memref<128x64xf32, #tpu.memory_space<vmem_shared>>)
      tpu.yield
    }) : () -> ()
    %mul3A_12 = arith.constant 640 : i32
    %mul3A_13 = arith.muli %arg1, %mul3A_12 : i32
    %add3A_14 = arith.constant 256 : i32
    %add3A_15 = arith.addi %mul3A_13, %add3A_14 : i32
    "tpu.region"() ({
      %run_scoped3A = tpu.sem_alloc : memref<!tpu.dma_semaphore, #tpu.memory_space<semaphore_mem>>
      %dma_start3A_111 = arith.constant 0 : i32
      %dma_start3A_112 = tpu.memref_slice %arg15[%add3A_15, %dma_start3A_111] : memref<10240x64xf32, #tpu.memory_space<vmem_shared>> -> memref<128x64xf32, #tpu.memory_space<vmem_shared>>
      %dma_start3A_113 = arith.constant 0 : i32
      %dma_start3A_114 = tpu.memref_slice %arg15[%add3A_15, %dma_start3A_113] : memref<10240x64xf32, #tpu.memory_space<vmem_shared>> -> memref<128x64xf32, #tpu.memory_space<vmem_shared>>
      tpu.enqueue_dma source(%arg13 : memref<128x64xf32, #tpu.memory_space<vmem>>) target(%dma_start3A_114 : memref<128x64xf32, #tpu.memory_space<vmem_shared>>) target_semaphore(%run_scoped3A : memref<!tpu.dma_semaphore, #tpu.memory_space<semaphore_mem>>)
      %dma_wait3A_115 = arith.constant 0 : i32
      %dma_wait3A_116 = tpu.memref_slice %arg15[%add3A_15, %dma_wait3A_115] : memref<10240x64xf32, #tpu.memory_space<vmem_shared>> -> memref<128x64xf32, #tpu.memory_space<vmem_shared>>
      %dma_wait3A_117 = arith.constant 0 : i32
      %dma_wait3A_118 = tpu.memref_slice %arg15[%add3A_15, %dma_wait3A_117] : memref<10240x64xf32, #tpu.memory_space<vmem_shared>> -> memref<128x64xf32, #tpu.memory_space<vmem_shared>>
      tpu.wait_dma2 semaphore(%run_scoped3A : memref<!tpu.dma_semaphore, #tpu.memory_space<semaphore_mem>>) src(%arg13 : memref<128x64xf32, #tpu.memory_space<vmem>>) dst(%dma_wait3A_118 : memref<128x64xf32, #tpu.memory_space<vmem_shared>>)
      tpu.yield
    }) : () -> ()
    %mul3A_16 = arith.constant 640 : i32
    %mul3A_17 = arith.muli %arg1, %mul3A_16 : i32
    %add3A_18 = arith.constant 384 : i32
    %add3A_19 = arith.addi %mul3A_17, %add3A_18 : i32
    "tpu.region"() ({
      %run_scoped3A = tpu.sem_alloc : memref<!tpu.dma_semaphore, #tpu.memory_space<semaphore_mem>>
      %dma_start3A_111 = arith.constant 0 : i32
      %dma_start3A_112 = tpu.memref_slice %arg15[%add3A_19, %dma_start3A_111] : memref<10240x64xf32, #tpu.memory_space<vmem_shared>> -> memref<128x64xf32, #tpu.memory_space<vmem_shared>>
      %dma_start3A_113 = arith.constant 0 : i32
      %dma_start3A_114 = tpu.memref_slice %arg15[%add3A_19, %dma_start3A_113] : memref<10240x64xf32, #tpu.memory_space<vmem_shared>> -> memref<128x64xf32, #tpu.memory_space<vmem_shared>>
      tpu.enqueue_dma source(%arg13 : memref<128x64xf32, #tpu.memory_space<vmem>>) target(%dma_start3A_114 : memref<128x64xf32, #tpu.memory_space<vmem_shared>>) target_semaphore(%run_scoped3A : memref<!tpu.dma_semaphore, #tpu.memory_space<semaphore_mem>>)
      %dma_wait3A_115 = arith.constant 0 : i32
      %dma_wait3A_116 = tpu.memref_slice %arg15[%add3A_19, %dma_wait3A_115] : memref<10240x64xf32, #tpu.memory_space<vmem_shared>> -> memref<128x64xf32, #tpu.memory_space<vmem_shared>>
      %dma_wait3A_117 = arith.constant 0 : i32
      %dma_wait3A_118 = tpu.memref_slice %arg15[%add3A_19, %dma_wait3A_117] : memref<10240x64xf32, #tpu.memory_space<vmem_shared>> -> memref<128x64xf32, #tpu.memory_space<vmem_shared>>
      tpu.wait_dma2 semaphore(%run_scoped3A : memref<!tpu.dma_semaphore, #tpu.memory_space<semaphore_mem>>) src(%arg13 : memref<128x64xf32, #tpu.memory_space<vmem>>) dst(%dma_wait3A_118 : memref<128x64xf32, #tpu.memory_space<vmem_shared>>)
      tpu.yield
    }) : () -> ()
    %mul3A_20 = arith.constant 640 : i32
    %mul3A_21 = arith.muli %arg1, %mul3A_20 : i32
    %add3A_22 = arith.constant 512 : i32
    %add3A_23 = arith.addi %mul3A_21, %add3A_22 : i32
    "tpu.region"() ({
      %run_scoped3A = tpu.sem_alloc : memref<!tpu.dma_semaphore, #tpu.memory_space<semaphore_mem>>
      %dma_start3A_111 = arith.constant 0 : i32
      %dma_start3A_112 = tpu.memref_slice %arg15[%add3A_23, %dma_start3A_111] : memref<10240x64xf32, #tpu.memory_space<vmem_shared>> -> memref<128x64xf32, #tpu.memory_space<vmem_shared>>
      %dma_start3A_113 = arith.constant 0 : i32
      %dma_start3A_114 = tpu.memref_slice %arg15[%add3A_23, %dma_start3A_113] : memref<10240x64xf32, #tpu.memory_space<vmem_shared>> -> memref<128x64xf32, #tpu.memory_space<vmem_shared>>
      tpu.enqueue_dma source(%arg13 : memref<128x64xf32, #tpu.memory_space<vmem>>) target(%dma_start3A_114 : memref<128x64xf32, #tpu.memory_space<vmem_shared>>) target_semaphore(%run_scoped3A : memref<!tpu.dma_semaphore, #tpu.memory_space<semaphore_mem>>)
      %dma_wait3A_115 = arith.constant 0 : i32
      %dma_wait3A_116 = tpu.memref_slice %arg15[%add3A_23, %dma_wait3A_115] : memref<10240x64xf32, #tpu.memory_space<vmem_shared>> -> memref<128x64xf32, #tpu.memory_space<vmem_shared>>
      %dma_wait3A_117 = arith.constant 0 : i32
      %dma_wait3A_118 = tpu.memref_slice %arg15[%add3A_23, %dma_wait3A_117] : memref<10240x64xf32, #tpu.memory_space<vmem_shared>> -> memref<128x64xf32, #tpu.memory_space<vmem_shared>>
      tpu.wait_dma2 semaphore(%run_scoped3A : memref<!tpu.dma_semaphore, #tpu.memory_space<semaphore_mem>>) src(%arg13 : memref<128x64xf32, #tpu.memory_space<vmem>>) dst(%dma_wait3A_118 : memref<128x64xf32, #tpu.memory_space<vmem_shared>>)
      tpu.yield
    }) : () -> ()
    %barrier3A = arith.constant 0 : index
    tpu.barrier barrier_id(%barrier3A)
    "tpu.region"() ({
      %run_scoped3A = tpu.sem_alloc : memref<!tpu.dma_semaphore, #tpu.memory_space<semaphore_mem>>
      %dma_start3A_111 = arith.constant 0 : i32
      %dma_start3A_112 = arith.constant 0 : i32
      %dma_start3A_113 = tpu.memref_slice %arg4[%arg1, %dma_start3A_111, %dma_start3A_112] : memref<16x158x128xi32, #tpu.memory_space<hbm>> -> memref<1x158x128xi32, #tpu.memory_space<hbm>>
      %dma_start3A_114 = tpu.memref_squeeze %dma_start3A_113 : memref<1x158x128xi32, #tpu.memory_space<hbm>> -> memref<158x128xi32, #tpu.memory_space<hbm>>
      %dma_start3A_115 = arith.constant 0 : i32
      %dma_start3A_116 = arith.constant 0 : i32
      %dma_start3A_117 = tpu.memref_slice %arg4[%arg1, %dma_start3A_115, %dma_start3A_116] : memref<16x158x128xi32, #tpu.memory_space<hbm>> -> memref<1x158x128xi32, #tpu.memory_space<hbm>>
      %dma_start3A_118 = tpu.memref_squeeze %dma_start3A_117 : memref<1x158x128xi32, #tpu.memory_space<hbm>> -> memref<158x128xi32, #tpu.memory_space<hbm>>
      tpu.enqueue_dma source(%dma_start3A_118 : memref<158x128xi32, #tpu.memory_space<hbm>>) target(%arg7 : memref<158x128xi32, #tpu.memory_space<vmem>>) target_semaphore(%run_scoped3A : memref<!tpu.dma_semaphore, #tpu.memory_space<semaphore_mem>>)
      %dma_wait3A_119 = arith.constant 0 : i32
      %dma_wait3A_120 = arith.constant 0 : i32
      %dma_wait3A_121 = tpu.memref_slice %arg4[%arg1, %dma_wait3A_119, %dma_wait3A_120] : memref<16x158x128xi32, #tpu.memory_space<hbm>> -> memref<1x158x128xi32, #tpu.memory_space<hbm>>
      %dma_wait3A_122 = tpu.memref_squeeze %dma_wait3A_121 : memref<1x158x128xi32, #tpu.memory_space<hbm>> -> memref<158x128xi32, #tpu.memory_space<hbm>>
      %dma_wait3A_123 = arith.constant 0 : i32
      %dma_wait3A_124 = arith.constant 0 : i32
      %dma_wait3A_125 = tpu.memref_slice %arg4[%arg1, %dma_wait3A_123, %dma_wait3A_124] : memref<16x158x128xi32, #tpu.memory_space<hbm>> -> memref<1x158x128xi32, #tpu.memory_space<hbm>>
      %dma_wait3A_126 = tpu.memref_squeeze %dma_wait3A_125 : memref<1x158x128xi32, #tpu.memory_space<hbm>> -> memref<158x128xi32, #tpu.memory_space<hbm>>
      tpu.wait_dma2 semaphore(%run_scoped3A : memref<!tpu.dma_semaphore, #tpu.memory_space<semaphore_mem>>) src(%dma_wait3A_126 : memref<158x128xi32, #tpu.memory_space<hbm>>) dst(%arg7 : memref<158x128xi32, #tpu.memory_space<vmem>>)
      tpu.yield
    }) : () -> ()
    "tpu.region"() ({
      %run_scoped3A = tpu.sem_alloc : memref<!tpu.dma_semaphore, #tpu.memory_space<semaphore_mem>>
      %dma_start3A_111 = arith.constant 0 : i32
      %dma_start3A_112 = arith.constant 0 : i32
      %dma_start3A_113 = tpu.memref_slice %arg5[%arg1, %dma_start3A_111, %dma_start3A_112] : memref<16x158x128xi32, #tpu.memory_space<hbm>> -> memref<1x158x128xi32, #tpu.memory_space<hbm>>
      %dma_start3A_114 = tpu.memref_squeeze %dma_start3A_113 : memref<1x158x128xi32, #tpu.memory_space<hbm>> -> memref<158x128xi32, #tpu.memory_space<hbm>>
      %dma_start3A_115 = arith.constant 0 : i32
      %dma_start3A_116 = arith.constant 0 : i32
      %dma_start3A_117 = tpu.memref_slice %arg5[%arg1, %dma_start3A_115, %dma_start3A_116] : memref<16x158x128xi32, #tpu.memory_space<hbm>> -> memref<1x158x128xi32, #tpu.memory_space<hbm>>
      %dma_start3A_118 = tpu.memref_squeeze %dma_start3A_117 : memref<1x158x128xi32, #tpu.memory_space<hbm>> -> memref<158x128xi32, #tpu.memory_space<hbm>>
      tpu.enqueue_dma source(%dma_start3A_118 : memref<158x128xi32, #tpu.memory_space<hbm>>) target(%arg8 : memref<158x128xi32, #tpu.memory_space<vmem>>) target_semaphore(%run_scoped3A : memref<!tpu.dma_semaphore, #tpu.memory_space<semaphore_mem>>)
      %dma_wait3A_119 = arith.constant 0 : i32
      %dma_wait3A_120 = arith.constant 0 : i32
      %dma_wait3A_121 = tpu.memref_slice %arg5[%arg1, %dma_wait3A_119, %dma_wait3A_120] : memref<16x158x128xi32, #tpu.memory_space<hbm>> -> memref<1x158x128xi32, #tpu.memory_space<hbm>>
      %dma_wait3A_122 = tpu.memref_squeeze %dma_wait3A_121 : memref<1x158x128xi32, #tpu.memory_space<hbm>> -> memref<158x128xi32, #tpu.memory_space<hbm>>
      %dma_wait3A_123 = arith.constant 0 : i32
      %dma_wait3A_124 = arith.constant 0 : i32
      %dma_wait3A_125 = tpu.memref_slice %arg5[%arg1, %dma_wait3A_123, %dma_wait3A_124] : memref<16x158x128xi32, #tpu.memory_space<hbm>> -> memref<1x158x128xi32, #tpu.memory_space<hbm>>
      %dma_wait3A_126 = tpu.memref_squeeze %dma_wait3A_125 : memref<1x158x128xi32, #tpu.memory_space<hbm>> -> memref<158x128xi32, #tpu.memory_space<hbm>>
      tpu.wait_dma2 semaphore(%run_scoped3A : memref<!tpu.dma_semaphore, #tpu.memory_space<semaphore_mem>>) src(%dma_wait3A_126 : memref<158x128xi32, #tpu.memory_space<hbm>>) dst(%arg8 : memref<158x128xi32, #tpu.memory_space<vmem>>)
      tpu.yield
    }) : () -> ()
    %mul3A_24 = arith.constant 10000 : i32
    %mul3A_25 = arith.muli %arg0, %mul3A_24 : i32
    %scan3A_26 = arith.constant 0 : i32
    %scan3A_27 = arith.constant 0 : i32
    %scan3A_28 = arith.constant 158 : i32
    %scan3A_29 = arith.addi %scan3A_27, %scan3A_28 : i32
    %scan3A_30 = arith.constant 1 : i32
    %scan3A_31 = scf.for %scan3A_111 = %scan3A_27 to %scan3A_29 step %scan3A_30 iter_args(%scan3A_112 = %scan3A_26) -> (i32)  : i32 {
      %get3A = arith.index_cast %scan3A_111 : i32 to index
      %get3A_113 = arith.constant 0 : index
      %get3A_114 = tpu.vector_load %arg7[%get3A, %get3A_113] {strides = array<i32>} : memref<158x128xi32, #tpu.memory_space<vmem>>, vector<1x16xi32>,
      %get3A_115 = vector.shape_cast %get3A_114 : vector<1x16xi32> to vector<16xi32>
      %add3A_116 = vector.broadcast %mul3A_25 : i32 to vector<16xi32>
      %add3A_117 = arith.addi %get3A_115, %add3A_116 : vector<16xi32>
      %swap3A = arith.index_cast %scan3A_111 : i32 to index
      %swap3A_118 = arith.constant 0 : index
      %swap3A_119 = tpu.vector_load %arg7[%swap3A, %swap3A_118] {strides = array<i32>} : memref<158x128xi32, #tpu.memory_space<vmem>>, vector<1x16xi32>,
      %swap3A_120 = vector.shape_cast %swap3A_119 : vector<1x16xi32> to vector<16xi32>
      %swap3A_121 = vector.shape_cast %add3A_117 : vector<16xi32> to vector<1x16xi32>
      tpu.vector_store %arg7[%swap3A, %swap3A_118], %swap3A_121 {strides = array<i32>} : memref<158x128xi32, #tpu.memory_space<vmem>>, vector<1x16xi32>,
      %get3A_122 = arith.index_cast %scan3A_111 : i32 to index
      %get3A_123 = arith.constant 16 : index
      %get3A_124 = tpu.vector_load %arg7[%get3A_122, %get3A_123] {strides = array<i32>} : memref<158x128xi32, #tpu.memory_space<vmem>>, vector<1x16xi32>,
      %get3A_125 = vector.shape_cast %get3A_124 : vector<1x16xi32> to vector<16xi32>
      %add3A_126 = vector.broadcast %mul3A_25 : i32 to vector<16xi32>
      %add3A_127 = arith.addi %get3A_125, %add3A_126 : vector<16xi32>
      %swap3A_128 = arith.index_cast %scan3A_111 : i32 to index
      %swap3A_129 = arith.constant 16 : index
      %swap3A_130 = tpu.vector_load %arg7[%swap3A_128, %swap3A_129] {strides = array<i32>} : memref<158x128xi32, #tpu.memory_space<vmem>>, vector<1x16xi32>,
      %swap3A_131 = vector.shape_cast %swap3A_130 : vector<1x16xi32> to vector<16xi32>
      %swap3A_132 = vector.shape_cast %add3A_127 : vector<16xi32> to vector<1x16xi32>
      tpu.vector_store %arg7[%swap3A_128, %swap3A_129], %swap3A_132 {strides = array<i32>} : memref<158x128xi32, #tpu.memory_space<vmem>>, vector<1x16xi32>,
      %get3A_133 = arith.index_cast %scan3A_111 : i32 to index
      %get3A_134 = arith.constant 32 : index
      %get3A_135 = tpu.vector_load %arg7[%get3A_133, %get3A_134] {strides = array<i32>} : memref<158x128xi32, #tpu.memory_space<vmem>>, vector<1x16xi32>,
      %get3A_136 = vector.shape_cast %get3A_135 : vector<1x16xi32> to vector<16xi32>
      %add3A_137 = vector.broadcast %mul3A_25 : i32 to vector<16xi32>
      %add3A_138 = arith.addi %get3A_136, %add3A_137 : vector<16xi32>
      %swap3A_139 = arith.index_cast %scan3A_111 : i32 to index
      %swap3A_140 = arith.constant 32 : index
      %swap3A_141 = tpu.vector_load %arg7[%swap3A_139, %swap3A_140] {strides = array<i32>} : memref<158x128xi32, #tpu.memory_space<vmem>>, vector<1x16xi32>,
      %swap3A_142 = vector.shape_cast %swap3A_141 : vector<1x16xi32> to vector<16xi32>
      %swap3A_143 = vector.shape_cast %add3A_138 : vector<16xi32> to vector<1x16xi32>
      tpu.vector_store %arg7[%swap3A_139, %swap3A_140], %swap3A_143 {strides = array<i32>} : memref<158x128xi32, #tpu.memory_space<vmem>>, vector<1x16xi32>,
      %get3A_144 = arith.index_cast %scan3A_111 : i32 to index
      %get3A_145 = arith.constant 48 : index
      %get3A_146 = tpu.vector_load %arg7[%get3A_144, %get3A_145] {strides = array<i32>} : memref<158x128xi32, #tpu.memory_space<vmem>>, vector<1x16xi32>,
      %get3A_147 = vector.shape_cast %get3A_146 : vector<1x16xi32> to vector<16xi32>
      %add3A_148 = vector.broadcast %mul3A_25 : i32 to vector<16xi32>
      %add3A_149 = arith.addi %get3A_147, %add3A_148 : vector<16xi32>
      %swap3A_150 = arith.index_cast %scan3A_111 : i32 to index
      %swap3A_151 = arith.constant 48 : index
      %swap3A_152 = tpu.vector_load %arg7[%swap3A_150, %swap3A_151] {strides = array<i32>} : memref<158x128xi32, #tpu.memory_space<vmem>>, vector<1x16xi32>,
      %swap3A_153 = vector.shape_cast %swap3A_152 : vector<1x16xi32> to vector<16xi32>
      %swap3A_154 = vector.shape_cast %add3A_149 : vector<16xi32> to vector<1x16xi32>
      tpu.vector_store %arg7[%swap3A_150, %swap3A_151], %swap3A_154 {strides = array<i32>} : memref<158x128xi32, #tpu.memory_space<vmem>>, vector<1x16xi32>,
      %get3A_155 = arith.index_cast %scan3A_111 : i32 to index
      %get3A_156 = arith.constant 64 : index
      %get3A_157 = tpu.vector_load %arg7[%get3A_155, %get3A_156] {strides = array<i32>} : memref<158x128xi32, #tpu.memory_space<vmem>>, vector<1x16xi32>,
      %get3A_158 = vector.shape_cast %get3A_157 : vector<1x16xi32> to vector<16xi32>
      %add3A_159 = vector.broadcast %mul3A_25 : i32 to vector<16xi32>
      %add3A_160 = arith.addi %get3A_158, %add3A_159 : vector<16xi32>
      %swap3A_161 = arith.index_cast %scan3A_111 : i32 to index
      %swap3A_162 = arith.constant 64 : index
      %swap3A_163 = tpu.vector_load %arg7[%swap3A_161, %swap3A_162] {strides = array<i32>} : memref<158x128xi32, #tpu.memory_space<vmem>>, vector<1x16xi32>,
      %swap3A_164 = vector.shape_cast %swap3A_163 : vector<1x16xi32> to vector<16xi32>
      %swap3A_165 = vector.shape_cast %add3A_160 : vector<16xi32> to vector<1x16xi32>
      tpu.vector_store %arg7[%swap3A_161, %swap3A_162], %swap3A_165 {strides = array<i32>} : memref<158x128xi32, #tpu.memory_space<vmem>>, vector<1x16xi32>,
      %get3A_166 = arith.index_cast %scan3A_111 : i32 to index
      %get3A_167 = arith.constant 80 : index
      %get3A_168 = tpu.vector_load %arg7[%get3A_166, %get3A_167] {strides = array<i32>} : memref<158x128xi32, #tpu.memory_space<vmem>>, vector<1x16xi32>,
      %get3A_169 = vector.shape_cast %get3A_168 : vector<1x16xi32> to vector<16xi32>
      %add3A_170 = vector.broadcast %mul3A_25 : i32 to vector<16xi32>
      %add3A_171 = arith.addi %get3A_169, %add3A_170 : vector<16xi32>
      %swap3A_172 = arith.index_cast %scan3A_111 : i32 to index
      %swap3A_173 = arith.constant 80 : index
      %swap3A_174 = tpu.vector_load %arg7[%swap3A_172, %swap3A_173] {strides = array<i32>} : memref<158x128xi32, #tpu.memory_space<vmem>>, vector<1x16xi32>,
      %swap3A_175 = vector.shape_cast %swap3A_174 : vector<1x16xi32> to vector<16xi32>
      %swap3A_176 = vector.shape_cast %add3A_171 : vector<16xi32> to vector<1x16xi32>
      tpu.vector_store %arg7[%swap3A_172, %swap3A_173], %swap3A_176 {strides = array<i32>} : memref<158x128xi32, #tpu.memory_space<vmem>>, vector<1x16xi32>,
      %get3A_177 = arith.index_cast %scan3A_111 : i32 to index
      %get3A_178 = arith.constant 96 : index
      %get3A_179 = tpu.vector_load %arg7[%get3A_177, %get3A_178] {strides = array<i32>} : memref<158x128xi32, #tpu.memory_space<vmem>>, vector<1x16xi32>,
      %get3A_180 = vector.shape_cast %get3A_179 : vector<1x16xi32> to vector<16xi32>
      %add3A_181 = vector.broadcast %mul3A_25 : i32 to vector<16xi32>
      %add3A_182 = arith.addi %get3A_180, %add3A_181 : vector<16xi32>
      %swap3A_183 = arith.index_cast %scan3A_111 : i32 to index
      %swap3A_184 = arith.constant 96 : index
      %swap3A_185 = tpu.vector_load %arg7[%swap3A_183, %swap3A_184] {strides = array<i32>} : memref<158x128xi32, #tpu.memory_space<vmem>>, vector<1x16xi32>,
      %swap3A_186 = vector.shape_cast %swap3A_185 : vector<1x16xi32> to vector<16xi32>
      %swap3A_187 = vector.shape_cast %add3A_182 : vector<16xi32> to vector<1x16xi32>
      tpu.vector_store %arg7[%swap3A_183, %swap3A_184], %swap3A_187 {strides = array<i32>} : memref<158x128xi32, #tpu.memory_space<vmem>>, vector<1x16xi32>,
      %get3A_188 = arith.index_cast %scan3A_111 : i32 to index
      %get3A_189 = arith.constant 112 : index
      %get3A_190 = tpu.vector_load %arg7[%get3A_188, %get3A_189] {strides = array<i32>} : memref<158x128xi32, #tpu.memory_space<vmem>>, vector<1x16xi32>,
      %get3A_191 = vector.shape_cast %get3A_190 : vector<1x16xi32> to vector<16xi32>
      %add3A_192 = vector.broadcast %mul3A_25 : i32 to vector<16xi32>
      %add3A_193 = arith.addi %get3A_191, %add3A_192 : vector<16xi32>
      %swap3A_194 = arith.index_cast %scan3A_111 : i32 to index
      %swap3A_195 = arith.constant 112 : index
      %swap3A_196 = tpu.vector_load %arg7[%swap3A_194, %swap3A_195] {strides = array<i32>} : memref<158x128xi32, #tpu.memory_space<vmem>>, vector<1x16xi32>,
      %swap3A_197 = vector.shape_cast %swap3A_196 : vector<1x16xi32> to vector<16xi32>
      %swap3A_198 = vector.shape_cast %add3A_193 : vector<16xi32> to vector<1x16xi32>
      tpu.vector_store %arg7[%swap3A_194, %swap3A_195], %swap3A_198 {strides = array<i32>} : memref<158x128xi32, #tpu.memory_space<vmem>>, vector<1x16xi32>,
      %scan3A_199 = arith.constant 0 : i32
      scf.yield %scan3A_199 : i32
    }
    %scan3A_32 = arith.constant 158 : i32
    %mul3A_33 = arith.constant 158 : i32
    %mul3A_34 = arith.muli %arg1, %mul3A_33 : i32
    %add3A_35 = arith.constant 0 : i32
    %add3A_36 = arith.addi %mul3A_34, %add3A_35 : i32
    %mul3A_37 = arith.constant 128 : i32
    %mul3A_38 = arith.muli %add3A_36, %mul3A_37 : i32
    %dma_start3A = arith.constant 0 : i32
    %dma_start3A_39 = arith.constant 0 : i32
    %dma_start3A_40 = tpu.memref_slice %arg7[%dma_start3A, %dma_start3A_39] : memref<158x128xi32, #tpu.memory_space<vmem>> -> memref<1x128xi32, #tpu.memory_space<vmem>>
    %dma_start3A_41 = tpu.memref_squeeze %dma_start3A_40 : memref<1x128xi32, #tpu.memory_space<vmem>> -> memref<128xi32, #tpu.memory_space<vmem>>
    %dma_start3A_42 = arith.constant 0 : i32
    %dma_start3A_43 = arith.constant 0 : i32
    %dma_start3A_44 = tpu.memref_slice %arg2[%dma_start3A_42, %dma_start3A_43] : memref<20000x64xf32, #tpu.memory_space<hbm>> -> memref<20000x64xf32, #tpu.memory_space<hbm>>
    tpu.enqueue_indirect_dma source(%dma_start3A_44 : memref<20000x64xf32, #tpu.memory_space<hbm>>) target(%arg9 : memref<128x64xf32, #tpu.memory_space<vmem>>) offsets(%dma_start3A_41 : memref<128xi32, #tpu.memory_space<vmem>>) semaphore(%arg16 : memref<!tpu.dma_semaphore, #tpu.memory_space<semaphore_mem>>)
    %dma_start3A_45 = arith.constant 0 : i32
    %dma_start3A_46 = tpu.memref_slice %arg3[%arg0, %mul3A_38, %dma_start3A_45] : memref<2x323584x32xi32, #tpu.memory_space<hbm>> -> memref<1x128x32xi32, #tpu.memory_space<hbm>>
    %dma_start3A_47 = tpu.memref_squeeze %dma_start3A_46 : memref<1x128x32xi32, #tpu.memory_space<hbm>> -> memref<128x32xi32, #tpu.memory_space<hbm>>
    %dma_start3A_48 = arith.constant 0 : i32
    %dma_start3A_49 = tpu.memref_slice %arg3[%arg0, %mul3A_38, %dma_start3A_48] : memref<2x323584x32xi32, #tpu.memory_space<hbm>> -> memref<1x128x32xi32, #tpu.memory_space<hbm>>
    %dma_start3A_50 = tpu.memref_squeeze %dma_start3A_49 : memref<1x128x32xi32, #tpu.memory_space<hbm>> -> memref<128x32xi32, #tpu.memory_space<hbm>>
    tpu.enqueue_dma source(%dma_start3A_50 : memref<128x32xi32, #tpu.memory_space<hbm>>) target(%arg11 : memref<128x32xi32, #tpu.memory_space<vmem>>) target_semaphore(%arg18 : memref<!tpu.dma_semaphore, #tpu.memory_space<semaphore_mem>>)
    %mul3A_51 = arith.constant 158 : i32
    %mul3A_52 = arith.muli %arg1, %mul3A_51 : i32
    %add3A_53 = arith.constant 1 : i32
    %add3A_54 = arith.addi %mul3A_52, %add3A_53 : i32
    %mul3A_55 = arith.constant 128 : i32
    %mul3A_56 = arith.muli %add3A_54, %mul3A_55 : i32
    %dma_start3A_57 = arith.constant 1 : i32
    %dma_start3A_58 = arith.constant 0 : i32
    %dma_start3A_59 = tpu.memref_slice %arg7[%dma_start3A_57, %dma_start3A_58] : memref<158x128xi32, #tpu.memory_space<vmem>> -> memref<1x128xi32, #tpu.memory_space<vmem>>
    %dma_start3A_60 = tpu.memref_squeeze %dma_start3A_59 : memref<1x128xi32, #tpu.memory_space<vmem>> -> memref<128xi32, #tpu.memory_space<vmem>>
    %dma_start3A_61 = arith.constant 0 : i32
    %dma_start3A_62 = arith.constant 0 : i32
    %dma_start3A_63 = tpu.memref_slice %arg2[%dma_start3A_61, %dma_start3A_62] : memref<20000x64xf32, #tpu.memory_space<hbm>> -> memref<20000x64xf32, #tpu.memory_space<hbm>>
    tpu.enqueue_indirect_dma source(%dma_start3A_63 : memref<20000x64xf32, #tpu.memory_space<hbm>>) target(%arg10 : memref<128x64xf32, #tpu.memory_space<vmem>>) offsets(%dma_start3A_60 : memref<128xi32, #tpu.memory_space<vmem>>) semaphore(%arg17 : memref<!tpu.dma_semaphore, #tpu.memory_space<semaphore_mem>>)
    %dma_start3A_64 = arith.constant 0 : i32
    %dma_start3A_65 = tpu.memref_slice %arg3[%arg0, %mul3A_56, %dma_start3A_64] : memref<2x323584x32xi32, #tpu.memory_space<hbm>> -> memref<1x128x32xi32, #tpu.memory_space<hbm>>
    %dma_start3A_66 = tpu.memref_squeeze %dma_start3A_65 : memref<1x128x32xi32, #tpu.memory_space<hbm>> -> memref<128x32xi32, #tpu.memory_space<hbm>>
    %dma_start3A_67 = arith.constant 0 : i32
    %dma_start3A_68 = tpu.memref_slice %arg3[%arg0, %mul3A_56, %dma_start3A_67] : memref<2x323584x32xi32, #tpu.memory_space<hbm>> -> memref<1x128x32xi32, #tpu.memory_space<hbm>>
    %dma_start3A_69 = tpu.memref_squeeze %dma_start3A_68 : memref<1x128x32xi32, #tpu.memory_space<hbm>> -> memref<128x32xi32, #tpu.memory_space<hbm>>
    tpu.enqueue_dma source(%dma_start3A_69 : memref<128x32xi32, #tpu.memory_space<hbm>>) target(%arg12 : memref<128x32xi32, #tpu.memory_space<vmem>>) target_semaphore(%arg19 : memref<!tpu.dma_semaphore, #tpu.memory_space<semaphore_mem>>)
    %scan3A_70 = arith.constant 0 : i32
    %scan3A_71 = arith.constant 0 : i32
    %scan3A_72 = arith.constant 79 : i32
    %scan3A_73 = arith.addi %scan3A_71, %scan3A_72 : i32
    %scan3A_74 = arith.constant 1 : i32
    %scan3A_75 = scf.for %scan3A_111 = %scan3A_71 to %scan3A_73 step %scan3A_74 iter_args(%scan3A_112 = %scan3A_70) -> (i32)  : i32 {
      %mul3A_113 = arith.constant 2 : i32
      %mul3A_114 = arith.muli %scan3A_111, %mul3A_113 : i32
      %add3A_115 = arith.constant 0 : i32
      %add3A_116 = arith.addi %mul3A_114, %add3A_115 : i32
      %mul3A_117 = arith.constant 158 : i32
      %mul3A_118 = arith.muli %arg1, %mul3A_117 : i32
      %add3A_119 = arith.addi %mul3A_118, %add3A_116 : i32
      %mul3A_120 = arith.constant 128 : i32
      %mul3A_121 = arith.muli %add3A_119, %mul3A_120 : i32
      %dma_wait3A_122 = arith.constant 0 : i32
      %dma_wait3A_123 = tpu.memref_slice %arg7[%add3A_116, %dma_wait3A_122] : memref<158x128xi32, #tpu.memory_space<vmem>> -> memref<1x128xi32, #tpu.memory_space<vmem>>
      %dma_wait3A_124 = tpu.memref_squeeze %dma_wait3A_123 : memref<1x128xi32, #tpu.memory_space<vmem>> -> memref<128xi32, #tpu.memory_space<vmem>>
      %dma_wait3A_125 = arith.constant 0 : i32
      %dma_wait3A_126 = arith.constant 0 : i32
      %dma_wait3A_127 = tpu.memref_slice %arg2[%dma_wait3A_125, %dma_wait3A_126] : memref<20000x64xf32, #tpu.memory_space<hbm>> -> memref<20000x64xf32, #tpu.memory_space<hbm>>
      tpu.wait_indirect_dma semaphore(%arg16 : memref<!tpu.dma_semaphore, #tpu.memory_space<semaphore_mem>>) src(%dma_wait3A_127 : memref<20000x64xf32, #tpu.memory_space<hbm>>) dst(%arg9 : memref<128x64xf32, #tpu.memory_space<vmem>>)
      %dma_wait3A_128 = arith.constant 0 : i32
      %dma_wait3A_129 = tpu.memref_slice %arg3[%arg0, %mul3A_121, %dma_wait3A_128] : memref<2x323584x32xi32, #tpu.memory_space<hbm>> -> memref<1x128x32xi32, #tpu.memory_space<hbm>>
      %dma_wait3A_130 = tpu.memref_squeeze %dma_wait3A_129 : memref<1x128x32xi32, #tpu.memory_space<hbm>> -> memref<128x32xi32, #tpu.memory_space<hbm>>
      %dma_wait3A_131 = arith.constant 0 : i32
      %dma_wait3A_132 = tpu.memref_slice %arg3[%arg0, %mul3A_121, %dma_wait3A_131] : memref<2x323584x32xi32, #tpu.memory_space<hbm>> -> memref<1x128x32xi32, #tpu.memory_space<hbm>>
      %dma_wait3A_133 = tpu.memref_squeeze %dma_wait3A_132 : memref<1x128x32xi32, #tpu.memory_space<hbm>> -> memref<128x32xi32, #tpu.memory_space<hbm>>
      tpu.wait_dma2 semaphore(%arg18 : memref<!tpu.dma_semaphore, #tpu.memory_space<semaphore_mem>>) src(%dma_wait3A_133 : memref<128x32xi32, #tpu.memory_space<hbm>>) dst(%arg11 : memref<128x32xi32, #tpu.memory_space<vmem>>)
      %ge3A = arith.constant 2 : i32
      %ge3A_134 = arith.cmpi sge, %add3A_116, %ge3A : i32
      %convert_element_type3A = arith.extui %ge3A_134 : i1 to i32
      %cond3A = arith.constant 0 : i32
      %cond3A_135 = arith.cmpi ne, %convert_element_type3A, %cond3A : i32
      scf.if %cond3A_135 {
        %sub3A = arith.constant 2 : i32
        %sub3A_193 = arith.subi %add3A_116, %sub3A : i32
        %dma_wait3A_194 = arith.constant 0 : i32
        %dma_wait3A_195 = tpu.memref_slice %arg8[%sub3A_193, %dma_wait3A_194] : memref<158x128xi32, #tpu.memory_space<vmem>> -> memref<1x128xi32, #tpu.memory_space<vmem>>
        %dma_wait3A_196 = tpu.memref_squeeze %dma_wait3A_195 : memref<1x128xi32, #tpu.memory_space<vmem>> -> memref<128xi32, #tpu.memory_space<vmem>>
        %dma_wait3A_197 = arith.constant 0 : i32
        %dma_wait3A_198 = arith.constant 0 : i32
        %dma_wait3A_199 = tpu.memref_slice %arg15[%dma_wait3A_197, %dma_wait3A_198] : memref<10240x64xf32, #tpu.memory_space<vmem_shared>> -> memref<10240x64xf32, #tpu.memory_space<vmem_shared>>
        tpu.wait_indirect_dma semaphore(%arg20 : memref<!tpu.dma_semaphore, #tpu.memory_space<semaphore_mem>>) src(%arg13 : memref<128x64xf32, #tpu.memory_space<vmem>>) dst(%dma_wait3A_199 : memref<10240x64xf32, #tpu.memory_space<vmem_shared>>)
      } else {
      }
      %parallel_loop3A = arith.constant 0 : i32
      %parallel_loop3A_136 = arith.constant 128 : i32
      %parallel_loop3A_137 = arith.constant 1 : i32
      scf.for %parallel_loop3A_193 = %parallel_loop3A to %parallel_loop3A_136 step %parallel_loop3A_137  : i32 {
        %parallel_loop3A_194 = arith.index_cast %parallel_loop3A_193 : i32 to index
        %parallel_loop3A_195 = arith.constant 0 : index
        %parallel_loop3A_196 = tpu.vector_load %arg11[%parallel_loop3A_194, %parallel_loop3A_195] {strides = array<i32>} : memref<128x32xi32, #tpu.memory_space<vmem>>, vector<1x16xi32>,
        %parallel_loop3A_197 = vector.shape_cast %parallel_loop3A_196 : vector<1x16xi32> to vector<16xi32>
        %parallel_loop3A_198 = arith.constant 16 : i32
        %parallel_loop3A_199 = vector.broadcast %parallel_loop3A_198 : i32 to vector<16xi32>
        %parallel_loop3A_200 = arith.shli %parallel_loop3A_197, %parallel_loop3A_199 : vector<16xi32>
        %parallel_loop3A_201 = tpu.bitcast %parallel_loop3A_200 : vector<16xi32> -> vector<16xf32>
        %parallel_loop3A_202 = arith.constant -65536 : i32
        %parallel_loop3A_203 = vector.broadcast %parallel_loop3A_202 : i32 to vector<16xi32>
        %parallel_loop3A_204 = arith.andi %parallel_loop3A_197, %parallel_loop3A_203 : vector<16xi32>
        %parallel_loop3A_205 = tpu.bitcast %parallel_loop3A_204 : vector<16xi32> -> vector<16xf32>
        %parallel_loop3A_206 = arith.index_cast %parallel_loop3A_193 : i32 to index
        %parallel_loop3A_207 = arith.constant 0 : index
        %parallel_loop3A_208 = tpu.vector_load %arg9[%parallel_loop3A_206, %parallel_loop3A_207] {strides = array<i32>} : memref<128x64xf32, #tpu.memory_space<vmem>>, vector<1x16xf32>,
        %parallel_loop3A_209 = vector.shape_cast %parallel_loop3A_208 : vector<1x16xf32> to vector<16xf32>
        %parallel_loop3A_210 = arith.addf %parallel_loop3A_209, %parallel_loop3A_201 : vector<16xf32>
        %parallel_loop3A_211 = arith.constant 0.000000e+00 : f32
        %parallel_loop3A_212 = vector.broadcast %parallel_loop3A_211 : f32 to vector<16xf32>
        %parallel_loop3A_213 = arith.maximumf %parallel_loop3A_210, %parallel_loop3A_212 : vector<16xf32>
        %parallel_loop3A_214 = arith.index_cast %parallel_loop3A_193 : i32 to index
        %parallel_loop3A_215 = arith.constant 0 : index
        %parallel_loop3A_216 = tpu.vector_load %arg13[%parallel_loop3A_214, %parallel_loop3A_215] {strides = array<i32>} : memref<128x64xf32, #tpu.memory_space<vmem>>, vector<1x16xf32>,
        %parallel_loop3A_217 = vector.shape_cast %parallel_loop3A_216 : vector<1x16xf32> to vector<16xf32>
        %parallel_loop3A_218 = vector.shape_cast %parallel_loop3A_213 : vector<16xf32> to vector<1x16xf32>
        tpu.vector_store %arg13[%parallel_loop3A_214, %parallel_loop3A_215], %parallel_loop3A_218 {strides = array<i32>} : memref<128x64xf32, #tpu.memory_space<vmem>>, vector<1x16xf32>,
        %parallel_loop3A_219 = arith.index_cast %parallel_loop3A_193 : i32 to index
        %parallel_loop3A_220 = arith.constant 16 : index
        %parallel_loop3A_221 = tpu.vector_load %arg9[%parallel_loop3A_219, %parallel_loop3A_220] {strides = array<i32>} : memref<128x64xf32, #tpu.memory_space<vmem>>, vector<1x16xf32>,
        %parallel_loop3A_222 = vector.shape_cast %parallel_loop3A_221 : vector<1x16xf32> to vector<16xf32>
        %parallel_loop3A_223 = arith.addf %parallel_loop3A_222, %parallel_loop3A_205 : vector<16xf32>
        %parallel_loop3A_224 = arith.constant 0.000000e+00 : f32
        %parallel_loop3A_225 = vector.broadcast %parallel_loop3A_224 : f32 to vector<16xf32>
        %parallel_loop3A_226 = arith.maximumf %parallel_loop3A_223, %parallel_loop3A_225 : vector<16xf32>
        %parallel_loop3A_227 = arith.index_cast %parallel_loop3A_193 : i32 to index
        %parallel_loop3A_228 = arith.constant 16 : index
        %parallel_loop3A_229 = tpu.vector_load %arg13[%parallel_loop3A_227, %parallel_loop3A_228] {strides = array<i32>} : memref<128x64xf32, #tpu.memory_space<vmem>>, vector<1x16xf32>,
        %parallel_loop3A_230 = vector.shape_cast %parallel_loop3A_229 : vector<1x16xf32> to vector<16xf32>
        %parallel_loop3A_231 = vector.shape_cast %parallel_loop3A_226 : vector<16xf32> to vector<1x16xf32>
        tpu.vector_store %arg13[%parallel_loop3A_227, %parallel_loop3A_228], %parallel_loop3A_231 {strides = array<i32>} : memref<128x64xf32, #tpu.memory_space<vmem>>, vector<1x16xf32>,
        %parallel_loop3A_232 = arith.index_cast %parallel_loop3A_193 : i32 to index
        %parallel_loop3A_233 = arith.constant 16 : index
        %parallel_loop3A_234 = tpu.vector_load %arg11[%parallel_loop3A_232, %parallel_loop3A_233] {strides = array<i32>} : memref<128x32xi32, #tpu.memory_space<vmem>>, vector<1x16xi32>,
        %parallel_loop3A_235 = vector.shape_cast %parallel_loop3A_234 : vector<1x16xi32> to vector<16xi32>
        %parallel_loop3A_236 = arith.constant 16 : i32
        %parallel_loop3A_237 = vector.broadcast %parallel_loop3A_236 : i32 to vector<16xi32>
        %parallel_loop3A_238 = arith.shli %parallel_loop3A_235, %parallel_loop3A_237 : vector<16xi32>
        %parallel_loop3A_239 = tpu.bitcast %parallel_loop3A_238 : vector<16xi32> -> vector<16xf32>
        %parallel_loop3A_240 = arith.constant -65536 : i32
        %parallel_loop3A_241 = vector.broadcast %parallel_loop3A_240 : i32 to vector<16xi32>
        %parallel_loop3A_242 = arith.andi %parallel_loop3A_235, %parallel_loop3A_241 : vector<16xi32>
        %parallel_loop3A_243 = tpu.bitcast %parallel_loop3A_242 : vector<16xi32> -> vector<16xf32>
        %parallel_loop3A_244 = arith.index_cast %parallel_loop3A_193 : i32 to index
        %parallel_loop3A_245 = arith.constant 32 : index
        %parallel_loop3A_246 = tpu.vector_load %arg9[%parallel_loop3A_244, %parallel_loop3A_245] {strides = array<i32>} : memref<128x64xf32, #tpu.memory_space<vmem>>, vector<1x16xf32>,
        %parallel_loop3A_247 = vector.shape_cast %parallel_loop3A_246 : vector<1x16xf32> to vector<16xf32>
        %parallel_loop3A_248 = arith.addf %parallel_loop3A_247, %parallel_loop3A_239 : vector<16xf32>
        %parallel_loop3A_249 = arith.constant 0.000000e+00 : f32
        %parallel_loop3A_250 = vector.broadcast %parallel_loop3A_249 : f32 to vector<16xf32>
        %parallel_loop3A_251 = arith.maximumf %parallel_loop3A_248, %parallel_loop3A_250 : vector<16xf32>
        %parallel_loop3A_252 = arith.index_cast %parallel_loop3A_193 : i32 to index
        %parallel_loop3A_253 = arith.constant 32 : index
        %parallel_loop3A_254 = tpu.vector_load %arg13[%parallel_loop3A_252, %parallel_loop3A_253] {strides = array<i32>} : memref<128x64xf32, #tpu.memory_space<vmem>>, vector<1x16xf32>,
        %parallel_loop3A_255 = vector.shape_cast %parallel_loop3A_254 : vector<1x16xf32> to vector<16xf32>
        %parallel_loop3A_256 = vector.shape_cast %parallel_loop3A_251 : vector<16xf32> to vector<1x16xf32>
        tpu.vector_store %arg13[%parallel_loop3A_252, %parallel_loop3A_253], %parallel_loop3A_256 {strides = array<i32>} : memref<128x64xf32, #tpu.memory_space<vmem>>, vector<1x16xf32>,
        %parallel_loop3A_257 = arith.index_cast %parallel_loop3A_193 : i32 to index
        %parallel_loop3A_258 = arith.constant 48 : index
        %parallel_loop3A_259 = tpu.vector_load %arg9[%parallel_loop3A_257, %parallel_loop3A_258] {strides = array<i32>} : memref<128x64xf32, #tpu.memory_space<vmem>>, vector<1x16xf32>,
        %parallel_loop3A_260 = vector.shape_cast %parallel_loop3A_259 : vector<1x16xf32> to vector<16xf32>
        %parallel_loop3A_261 = arith.addf %parallel_loop3A_260, %parallel_loop3A_243 : vector<16xf32>
        %parallel_loop3A_262 = arith.constant 0.000000e+00 : f32
        %parallel_loop3A_263 = vector.broadcast %parallel_loop3A_262 : f32 to vector<16xf32>
        %parallel_loop3A_264 = arith.maximumf %parallel_loop3A_261, %parallel_loop3A_263 : vector<16xf32>
        %parallel_loop3A_265 = arith.index_cast %parallel_loop3A_193 : i32 to index
        %parallel_loop3A_266 = arith.constant 48 : index
        %parallel_loop3A_267 = tpu.vector_load %arg13[%parallel_loop3A_265, %parallel_loop3A_266] {strides = array<i32>} : memref<128x64xf32, #tpu.memory_space<vmem>>, vector<1x16xf32>,
        %parallel_loop3A_268 = vector.shape_cast %parallel_loop3A_267 : vector<1x16xf32> to vector<16xf32>
        %parallel_loop3A_269 = vector.shape_cast %parallel_loop3A_264 : vector<16xf32> to vector<1x16xf32>
        tpu.vector_store %arg13[%parallel_loop3A_265, %parallel_loop3A_266], %parallel_loop3A_269 {strides = array<i32>} : memref<128x64xf32, #tpu.memory_space<vmem>>, vector<1x16xf32>,
      } {sc.loop_unroll_factor = 8 : i64, sc.parallel_access}
      %dma_start3A_138 = arith.constant 0 : i32
      %dma_start3A_139 = tpu.memref_slice %arg8[%add3A_116, %dma_start3A_138] : memref<158x128xi32, #tpu.memory_space<vmem>> -> memref<1x128xi32, #tpu.memory_space<vmem>>
      %dma_start3A_140 = tpu.memref_squeeze %dma_start3A_139 : memref<1x128xi32, #tpu.memory_space<vmem>> -> memref<128xi32, #tpu.memory_space<vmem>>
      %dma_start3A_141 = arith.constant 0 : i32
      %dma_start3A_142 = arith.constant 0 : i32
      %dma_start3A_143 = tpu.memref_slice %arg15[%dma_start3A_141, %dma_start3A_142] : memref<10240x64xf32, #tpu.memory_space<vmem_shared>> -> memref<10240x64xf32, #tpu.memory_space<vmem_shared>>
      tpu.enqueue_indirect_dma source(%arg13 : memref<128x64xf32, #tpu.memory_space<vmem>>) target(%dma_start3A_143 : memref<10240x64xf32, #tpu.memory_space<vmem_shared>>) offsets(%dma_start3A_140 : memref<128xi32, #tpu.memory_space<vmem>>) semaphore(%arg20 : memref<!tpu.dma_semaphore, #tpu.memory_space<semaphore_mem>>) {add = true}
      %add3A_144 = arith.constant 2 : i32
      %add3A_145 = arith.addi %add3A_116, %add3A_144 : i32
      %lt3A = arith.constant 158 : i32
      %lt3A_146 = arith.cmpi slt, %add3A_145, %lt3A : i32
      %convert_element_type3A_147 = arith.extui %lt3A_146 : i1 to i32
      %cond3A_148 = arith.constant 0 : i32
      %cond3A_149 = arith.cmpi ne, %convert_element_type3A_147, %cond3A_148 : i32
      scf.if %cond3A_149 {
        %add3A_193 = arith.constant 2 : i32
        %add3A_194 = arith.addi %add3A_116, %add3A_193 : i32
        %mul3A_195 = arith.constant 158 : i32
        %mul3A_196 = arith.muli %arg1, %mul3A_195 : i32
        %add3A_197 = arith.addi %mul3A_196, %add3A_194 : i32
        %mul3A_198 = arith.constant 128 : i32
        %mul3A_199 = arith.muli %add3A_197, %mul3A_198 : i32
        %dma_start3A_200 = arith.constant 0 : i32
        %dma_start3A_201 = tpu.memref_slice %arg7[%add3A_194, %dma_start3A_200] : memref<158x128xi32, #tpu.memory_space<vmem>> -> memref<1x128xi32, #tpu.memory_space<vmem>>
        %dma_start3A_202 = tpu.memref_squeeze %dma_start3A_201 : memref<1x128xi32, #tpu.memory_space<vmem>> -> memref<128xi32, #tpu.memory_space<vmem>>
        %dma_start3A_203 = arith.constant 0 : i32
        %dma_start3A_204 = arith.constant 0 : i32
        %dma_start3A_205 = tpu.memref_slice %arg2[%dma_start3A_203, %dma_start3A_204] : memref<20000x64xf32, #tpu.memory_space<hbm>> -> memref<20000x64xf32, #tpu.memory_space<hbm>>
        tpu.enqueue_indirect_dma source(%dma_start3A_205 : memref<20000x64xf32, #tpu.memory_space<hbm>>) target(%arg9 : memref<128x64xf32, #tpu.memory_space<vmem>>) offsets(%dma_start3A_202 : memref<128xi32, #tpu.memory_space<vmem>>) semaphore(%arg16 : memref<!tpu.dma_semaphore, #tpu.memory_space<semaphore_mem>>)
        %dma_start3A_206 = arith.constant 0 : i32
        %dma_start3A_207 = tpu.memref_slice %arg3[%arg0, %mul3A_199, %dma_start3A_206] : memref<2x323584x32xi32, #tpu.memory_space<hbm>> -> memref<1x128x32xi32, #tpu.memory_space<hbm>>
        %dma_start3A_208 = tpu.memref_squeeze %dma_start3A_207 : memref<1x128x32xi32, #tpu.memory_space<hbm>> -> memref<128x32xi32, #tpu.memory_space<hbm>>
        %dma_start3A_209 = arith.constant 0 : i32
        %dma_start3A_210 = tpu.memref_slice %arg3[%arg0, %mul3A_199, %dma_start3A_209] : memref<2x323584x32xi32, #tpu.memory_space<hbm>> -> memref<1x128x32xi32, #tpu.memory_space<hbm>>
        %dma_start3A_211 = tpu.memref_squeeze %dma_start3A_210 : memref<1x128x32xi32, #tpu.memory_space<hbm>> -> memref<128x32xi32, #tpu.memory_space<hbm>>
        tpu.enqueue_dma source(%dma_start3A_211 : memref<128x32xi32, #tpu.memory_space<hbm>>) target(%arg11 : memref<128x32xi32, #tpu.memory_space<vmem>>) target_semaphore(%arg18 : memref<!tpu.dma_semaphore, #tpu.memory_space<semaphore_mem>>)
      } else {
      }
      %mul3A_150 = arith.constant 2 : i32
      %mul3A_151 = arith.muli %scan3A_111, %mul3A_150 : i32
      %add3A_152 = arith.constant 1 : i32
      %add3A_153 = arith.addi %mul3A_151, %add3A_152 : i32
      %mul3A_154 = arith.constant 158 : i32
      %mul3A_155 = arith.muli %arg1, %mul3A_154 : i32
      %add3A_156 = arith.addi %mul3A_155, %add3A_153 : i32
      %mul3A_157 = arith.constant 128 : i32
      %mul3A_158 = arith.muli %add3A_156, %mul3A_157 : i32
      %dma_wait3A_159 = arith.constant 0 : i32
      %dma_wait3A_160 = tpu.memref_slice %arg7[%add3A_153, %dma_wait3A_159] : memref<158x128xi32, #tpu.memory_space<vmem>> -> memref<1x128xi32, #tpu.memory_space<vmem>>
      %dma_wait3A_161 = tpu.memref_squeeze %dma_wait3A_160 : memref<1x128xi32, #tpu.memory_space<vmem>> -> memref<128xi32, #tpu.memory_space<vmem>>
      %dma_wait3A_162 = arith.constant 0 : i32
      %dma_wait3A_163 = arith.constant 0 : i32
      %dma_wait3A_164 = tpu.memref_slice %arg2[%dma_wait3A_162, %dma_wait3A_163] : memref<20000x64xf32, #tpu.memory_space<hbm>> -> memref<20000x64xf32, #tpu.memory_space<hbm>>
      tpu.wait_indirect_dma semaphore(%arg17 : memref<!tpu.dma_semaphore, #tpu.memory_space<semaphore_mem>>) src(%dma_wait3A_164 : memref<20000x64xf32, #tpu.memory_space<hbm>>) dst(%arg10 : memref<128x64xf32, #tpu.memory_space<vmem>>)
      %dma_wait3A_165 = arith.constant 0 : i32
      %dma_wait3A_166 = tpu.memref_slice %arg3[%arg0, %mul3A_158, %dma_wait3A_165] : memref<2x323584x32xi32, #tpu.memory_space<hbm>> -> memref<1x128x32xi32, #tpu.memory_space<hbm>>
      %dma_wait3A_167 = tpu.memref_squeeze %dma_wait3A_166 : memref<1x128x32xi32, #tpu.memory_space<hbm>> -> memref<128x32xi32, #tpu.memory_space<hbm>>
      %dma_wait3A_168 = arith.constant 0 : i32
      %dma_wait3A_169 = tpu.memref_slice %arg3[%arg0, %mul3A_158, %dma_wait3A_168] : memref<2x323584x32xi32, #tpu.memory_space<hbm>> -> memref<1x128x32xi32, #tpu.memory_space<hbm>>
      %dma_wait3A_170 = tpu.memref_squeeze %dma_wait3A_169 : memref<1x128x32xi32, #tpu.memory_space<hbm>> -> memref<128x32xi32, #tpu.memory_space<hbm>>
      tpu.wait_dma2 semaphore(%arg19 : memref<!tpu.dma_semaphore, #tpu.memory_space<semaphore_mem>>) src(%dma_wait3A_170 : memref<128x32xi32, #tpu.memory_space<hbm>>) dst(%arg12 : memref<128x32xi32, #tpu.memory_space<vmem>>)
      %ge3A_171 = arith.constant 2 : i32
      %ge3A_172 = arith.cmpi sge, %add3A_153, %ge3A_171 : i32
      %convert_element_type3A_173 = arith.extui %ge3A_172 : i1 to i32
      %cond3A_174 = arith.constant 0 : i32
      %cond3A_175 = arith.cmpi ne, %convert_element_type3A_173, %cond3A_174 : i32
      scf.if %cond3A_175 {
        %sub3A = arith.constant 2 : i32
        %sub3A_193 = arith.subi %add3A_153, %sub3A : i32
        %dma_wait3A_194 = arith.constant 0 : i32
        %dma_wait3A_195 = tpu.memref_slice %arg8[%sub3A_193, %dma_wait3A_194] : memref<158x128xi32, #tpu.memory_space<vmem>> -> memref<1x128xi32, #tpu.memory_space<vmem>>
        %dma_wait3A_196 = tpu.memref_squeeze %dma_wait3A_195 : memref<1x128xi32, #tpu.memory_space<vmem>> -> memref<128xi32, #tpu.memory_space<vmem>>
        %dma_wait3A_197 = arith.constant 0 : i32
        %dma_wait3A_198 = arith.constant 0 : i32
        %dma_wait3A_199 = tpu.memref_slice %arg15[%dma_wait3A_197, %dma_wait3A_198] : memref<10240x64xf32, #tpu.memory_space<vmem_shared>> -> memref<10240x64xf32, #tpu.memory_space<vmem_shared>>
        tpu.wait_indirect_dma semaphore(%arg21 : memref<!tpu.dma_semaphore, #tpu.memory_space<semaphore_mem>>) src(%arg14 : memref<128x64xf32, #tpu.memory_space<vmem>>) dst(%dma_wait3A_199 : memref<10240x64xf32, #tpu.memory_space<vmem_shared>>)
      } else {
      }
      %parallel_loop3A_176 = arith.constant 0 : i32
      %parallel_loop3A_177 = arith.constant 128 : i32
      %parallel_loop3A_178 = arith.constant 1 : i32
      scf.for %parallel_loop3A_193 = %parallel_loop3A_176 to %parallel_loop3A_177 step %parallel_loop3A_178  : i32 {
        %parallel_loop3A_194 = arith.index_cast %parallel_loop3A_193 : i32 to index
        %parallel_loop3A_195 = arith.constant 0 : index
        %parallel_loop3A_196 = tpu.vector_load %arg12[%parallel_loop3A_194, %parallel_loop3A_195] {strides = array<i32>} : memref<128x32xi32, #tpu.memory_space<vmem>>, vector<1x16xi32>,
        %parallel_loop3A_197 = vector.shape_cast %parallel_loop3A_196 : vector<1x16xi32> to vector<16xi32>
        %parallel_loop3A_198 = arith.constant 16 : i32
        %parallel_loop3A_199 = vector.broadcast %parallel_loop3A_198 : i32 to vector<16xi32>
        %parallel_loop3A_200 = arith.shli %parallel_loop3A_197, %parallel_loop3A_199 : vector<16xi32>
        %parallel_loop3A_201 = tpu.bitcast %parallel_loop3A_200 : vector<16xi32> -> vector<16xf32>
        %parallel_loop3A_202 = arith.constant -65536 : i32
        %parallel_loop3A_203 = vector.broadcast %parallel_loop3A_202 : i32 to vector<16xi32>
        %parallel_loop3A_204 = arith.andi %parallel_loop3A_197, %parallel_loop3A_203 : vector<16xi32>
        %parallel_loop3A_205 = tpu.bitcast %parallel_loop3A_204 : vector<16xi32> -> vector<16xf32>
        %parallel_loop3A_206 = arith.index_cast %parallel_loop3A_193 : i32 to index
        %parallel_loop3A_207 = arith.constant 0 : index
        %parallel_loop3A_208 = tpu.vector_load %arg10[%parallel_loop3A_206, %parallel_loop3A_207] {strides = array<i32>} : memref<128x64xf32, #tpu.memory_space<vmem>>, vector<1x16xf32>,
        %parallel_loop3A_209 = vector.shape_cast %parallel_loop3A_208 : vector<1x16xf32> to vector<16xf32>
        %parallel_loop3A_210 = arith.addf %parallel_loop3A_209, %parallel_loop3A_201 : vector<16xf32>
        %parallel_loop3A_211 = arith.constant 0.000000e+00 : f32
        %parallel_loop3A_212 = vector.broadcast %parallel_loop3A_211 : f32 to vector<16xf32>
        %parallel_loop3A_213 = arith.maximumf %parallel_loop3A_210, %parallel_loop3A_212 : vector<16xf32>
        %parallel_loop3A_214 = arith.index_cast %parallel_loop3A_193 : i32 to index
        %parallel_loop3A_215 = arith.constant 0 : index
        %parallel_loop3A_216 = tpu.vector_load %arg14[%parallel_loop3A_214, %parallel_loop3A_215] {strides = array<i32>} : memref<128x64xf32, #tpu.memory_space<vmem>>, vector<1x16xf32>,
        %parallel_loop3A_217 = vector.shape_cast %parallel_loop3A_216 : vector<1x16xf32> to vector<16xf32>
        %parallel_loop3A_218 = vector.shape_cast %parallel_loop3A_213 : vector<16xf32> to vector<1x16xf32>
        tpu.vector_store %arg14[%parallel_loop3A_214, %parallel_loop3A_215], %parallel_loop3A_218 {strides = array<i32>} : memref<128x64xf32, #tpu.memory_space<vmem>>, vector<1x16xf32>,
        %parallel_loop3A_219 = arith.index_cast %parallel_loop3A_193 : i32 to index
        %parallel_loop3A_220 = arith.constant 16 : index
        %parallel_loop3A_221 = tpu.vector_load %arg10[%parallel_loop3A_219, %parallel_loop3A_220] {strides = array<i32>} : memref<128x64xf32, #tpu.memory_space<vmem>>, vector<1x16xf32>,
        %parallel_loop3A_222 = vector.shape_cast %parallel_loop3A_221 : vector<1x16xf32> to vector<16xf32>
        %parallel_loop3A_223 = arith.addf %parallel_loop3A_222, %parallel_loop3A_205 : vector<16xf32>
        %parallel_loop3A_224 = arith.constant 0.000000e+00 : f32
        %parallel_loop3A_225 = vector.broadcast %parallel_loop3A_224 : f32 to vector<16xf32>
        %parallel_loop3A_226 = arith.maximumf %parallel_loop3A_223, %parallel_loop3A_225 : vector<16xf32>
        %parallel_loop3A_227 = arith.index_cast %parallel_loop3A_193 : i32 to index
        %parallel_loop3A_228 = arith.constant 16 : index
        %parallel_loop3A_229 = tpu.vector_load %arg14[%parallel_loop3A_227, %parallel_loop3A_228] {strides = array<i32>} : memref<128x64xf32, #tpu.memory_space<vmem>>, vector<1x16xf32>,
        %parallel_loop3A_230 = vector.shape_cast %parallel_loop3A_229 : vector<1x16xf32> to vector<16xf32>
        %parallel_loop3A_231 = vector.shape_cast %parallel_loop3A_226 : vector<16xf32> to vector<1x16xf32>
        tpu.vector_store %arg14[%parallel_loop3A_227, %parallel_loop3A_228], %parallel_loop3A_231 {strides = array<i32>} : memref<128x64xf32, #tpu.memory_space<vmem>>, vector<1x16xf32>,
        %parallel_loop3A_232 = arith.index_cast %parallel_loop3A_193 : i32 to index
        %parallel_loop3A_233 = arith.constant 16 : index
        %parallel_loop3A_234 = tpu.vector_load %arg12[%parallel_loop3A_232, %parallel_loop3A_233] {strides = array<i32>} : memref<128x32xi32, #tpu.memory_space<vmem>>, vector<1x16xi32>,
        %parallel_loop3A_235 = vector.shape_cast %parallel_loop3A_234 : vector<1x16xi32> to vector<16xi32>
        %parallel_loop3A_236 = arith.constant 16 : i32
        %parallel_loop3A_237 = vector.broadcast %parallel_loop3A_236 : i32 to vector<16xi32>
        %parallel_loop3A_238 = arith.shli %parallel_loop3A_235, %parallel_loop3A_237 : vector<16xi32>
        %parallel_loop3A_239 = tpu.bitcast %parallel_loop3A_238 : vector<16xi32> -> vector<16xf32>
        %parallel_loop3A_240 = arith.constant -65536 : i32
        %parallel_loop3A_241 = vector.broadcast %parallel_loop3A_240 : i32 to vector<16xi32>
        %parallel_loop3A_242 = arith.andi %parallel_loop3A_235, %parallel_loop3A_241 : vector<16xi32>
        %parallel_loop3A_243 = tpu.bitcast %parallel_loop3A_242 : vector<16xi32> -> vector<16xf32>
        %parallel_loop3A_244 = arith.index_cast %parallel_loop3A_193 : i32 to index
        %parallel_loop3A_245 = arith.constant 32 : index
        %parallel_loop3A_246 = tpu.vector_load %arg10[%parallel_loop3A_244, %parallel_loop3A_245] {strides = array<i32>} : memref<128x64xf32, #tpu.memory_space<vmem>>, vector<1x16xf32>,
        %parallel_loop3A_247 = vector.shape_cast %parallel_loop3A_246 : vector<1x16xf32> to vector<16xf32>
        %parallel_loop3A_248 = arith.addf %parallel_loop3A_247, %parallel_loop3A_239 : vector<16xf32>
        %parallel_loop3A_249 = arith.constant 0.000000e+00 : f32
        %parallel_loop3A_250 = vector.broadcast %parallel_loop3A_249 : f32 to vector<16xf32>
        %parallel_loop3A_251 = arith.maximumf %parallel_loop3A_248, %parallel_loop3A_250 : vector<16xf32>
        %parallel_loop3A_252 = arith.index_cast %parallel_loop3A_193 : i32 to index
        %parallel_loop3A_253 = arith.constant 32 : index
        %parallel_loop3A_254 = tpu.vector_load %arg14[%parallel_loop3A_252, %parallel_loop3A_253] {strides = array<i32>} : memref<128x64xf32, #tpu.memory_space<vmem>>, vector<1x16xf32>,
        %parallel_loop3A_255 = vector.shape_cast %parallel_loop3A_254 : vector<1x16xf32> to vector<16xf32>
        %parallel_loop3A_256 = vector.shape_cast %parallel_loop3A_251 : vector<16xf32> to vector<1x16xf32>
        tpu.vector_store %arg14[%parallel_loop3A_252, %parallel_loop3A_253], %parallel_loop3A_256 {strides = array<i32>} : memref<128x64xf32, #tpu.memory_space<vmem>>, vector<1x16xf32>,
        %parallel_loop3A_257 = arith.index_cast %parallel_loop3A_193 : i32 to index
        %parallel_loop3A_258 = arith.constant 48 : index
        %parallel_loop3A_259 = tpu.vector_load %arg10[%parallel_loop3A_257, %parallel_loop3A_258] {strides = array<i32>} : memref<128x64xf32, #tpu.memory_space<vmem>>, vector<1x16xf32>,
        %parallel_loop3A_260 = vector.shape_cast %parallel_loop3A_259 : vector<1x16xf32> to vector<16xf32>
        %parallel_loop3A_261 = arith.addf %parallel_loop3A_260, %parallel_loop3A_243 : vector<16xf32>
        %parallel_loop3A_262 = arith.constant 0.000000e+00 : f32
        %parallel_loop3A_263 = vector.broadcast %parallel_loop3A_262 : f32 to vector<16xf32>
        %parallel_loop3A_264 = arith.maximumf %parallel_loop3A_261, %parallel_loop3A_263 : vector<16xf32>
        %parallel_loop3A_265 = arith.index_cast %parallel_loop3A_193 : i32 to index
        %parallel_loop3A_266 = arith.constant 48 : index
        %parallel_loop3A_267 = tpu.vector_load %arg14[%parallel_loop3A_265, %parallel_loop3A_266] {strides = array<i32>} : memref<128x64xf32, #tpu.memory_space<vmem>>, vector<1x16xf32>,
        %parallel_loop3A_268 = vector.shape_cast %parallel_loop3A_267 : vector<1x16xf32> to vector<16xf32>
        %parallel_loop3A_269 = vector.shape_cast %parallel_loop3A_264 : vector<16xf32> to vector<1x16xf32>
        tpu.vector_store %arg14[%parallel_loop3A_265, %parallel_loop3A_266], %parallel_loop3A_269 {strides = array<i32>} : memref<128x64xf32, #tpu.memory_space<vmem>>, vector<1x16xf32>,
      } {sc.loop_unroll_factor = 8 : i64, sc.parallel_access}
      %dma_start3A_179 = arith.constant 0 : i32
      %dma_start3A_180 = tpu.memref_slice %arg8[%add3A_153, %dma_start3A_179] : memref<158x128xi32, #tpu.memory_space<vmem>> -> memref<1x128xi32, #tpu.memory_space<vmem>>
      %dma_start3A_181 = tpu.memref_squeeze %dma_start3A_180 : memref<1x128xi32, #tpu.memory_space<vmem>> -> memref<128xi32, #tpu.memory_space<vmem>>
      %dma_start3A_182 = arith.constant 0 : i32
      %dma_start3A_183 = arith.constant 0 : i32
      %dma_start3A_184 = tpu.memref_slice %arg15[%dma_start3A_182, %dma_start3A_183] : memref<10240x64xf32, #tpu.memory_space<vmem_shared>> -> memref<10240x64xf32, #tpu.memory_space<vmem_shared>>
      tpu.enqueue_indirect_dma source(%arg14 : memref<128x64xf32, #tpu.memory_space<vmem>>) target(%dma_start3A_184 : memref<10240x64xf32, #tpu.memory_space<vmem_shared>>) offsets(%dma_start3A_181 : memref<128xi32, #tpu.memory_space<vmem>>) semaphore(%arg21 : memref<!tpu.dma_semaphore, #tpu.memory_space<semaphore_mem>>) {add = true}
      %add3A_185 = arith.constant 2 : i32
      %add3A_186 = arith.addi %add3A_153, %add3A_185 : i32
      %lt3A_187 = arith.constant 158 : i32
      %lt3A_188 = arith.cmpi slt, %add3A_186, %lt3A_187 : i32
      %convert_element_type3A_189 = arith.extui %lt3A_188 : i1 to i32
      %cond3A_190 = arith.constant 0 : i32
      %cond3A_191 = arith.cmpi ne, %convert_element_type3A_189, %cond3A_190 : i32
      scf.if %cond3A_191 {
        %add3A_193 = arith.constant 2 : i32
        %add3A_194 = arith.addi %add3A_153, %add3A_193 : i32
        %mul3A_195 = arith.constant 158 : i32
        %mul3A_196 = arith.muli %arg1, %mul3A_195 : i32
        %add3A_197 = arith.addi %mul3A_196, %add3A_194 : i32
        %mul3A_198 = arith.constant 128 : i32
        %mul3A_199 = arith.muli %add3A_197, %mul3A_198 : i32
        %dma_start3A_200 = arith.constant 0 : i32
        %dma_start3A_201 = tpu.memref_slice %arg7[%add3A_194, %dma_start3A_200] : memref<158x128xi32, #tpu.memory_space<vmem>> -> memref<1x128xi32, #tpu.memory_space<vmem>>
        %dma_start3A_202 = tpu.memref_squeeze %dma_start3A_201 : memref<1x128xi32, #tpu.memory_space<vmem>> -> memref<128xi32, #tpu.memory_space<vmem>>
        %dma_start3A_203 = arith.constant 0 : i32
        %dma_start3A_204 = arith.constant 0 : i32
        %dma_start3A_205 = tpu.memref_slice %arg2[%dma_start3A_203, %dma_start3A_204] : memref<20000x64xf32, #tpu.memory_space<hbm>> -> memref<20000x64xf32, #tpu.memory_space<hbm>>
        tpu.enqueue_indirect_dma source(%dma_start3A_205 : memref<20000x64xf32, #tpu.memory_space<hbm>>) target(%arg10 : memref<128x64xf32, #tpu.memory_space<vmem>>) offsets(%dma_start3A_202 : memref<128xi32, #tpu.memory_space<vmem>>) semaphore(%arg17 : memref<!tpu.dma_semaphore, #tpu.memory_space<semaphore_mem>>)
        %dma_start3A_206 = arith.constant 0 : i32
        %dma_start3A_207 = tpu.memref_slice %arg3[%arg0, %mul3A_199, %dma_start3A_206] : memref<2x323584x32xi32, #tpu.memory_space<hbm>> -> memref<1x128x32xi32, #tpu.memory_space<hbm>>
        %dma_start3A_208 = tpu.memref_squeeze %dma_start3A_207 : memref<1x128x32xi32, #tpu.memory_space<hbm>> -> memref<128x32xi32, #tpu.memory_space<hbm>>
        %dma_start3A_209 = arith.constant 0 : i32
        %dma_start3A_210 = tpu.memref_slice %arg3[%arg0, %mul3A_199, %dma_start3A_209] : memref<2x323584x32xi32, #tpu.memory_space<hbm>> -> memref<1x128x32xi32, #tpu.memory_space<hbm>>
        %dma_start3A_211 = tpu.memref_squeeze %dma_start3A_210 : memref<1x128x32xi32, #tpu.memory_space<hbm>> -> memref<128x32xi32, #tpu.memory_space<hbm>>
        tpu.enqueue_dma source(%dma_start3A_211 : memref<128x32xi32, #tpu.memory_space<hbm>>) target(%arg12 : memref<128x32xi32, #tpu.memory_space<vmem>>) target_semaphore(%arg19 : memref<!tpu.dma_semaphore, #tpu.memory_space<semaphore_mem>>)
      } else {
      }
      %scan3A_192 = arith.constant 0 : i32
      scf.yield %scan3A_192 : i32
    }
    %scan3A_76 = arith.constant 79 : i32
    %dma_wait3A = arith.constant 156 : i32
    %dma_wait3A_77 = arith.constant 0 : i32
    %dma_wait3A_78 = tpu.memref_slice %arg8[%dma_wait3A, %dma_wait3A_77] : memref<158x128xi32, #tpu.memory_space<vmem>> -> memref<1x128xi32, #tpu.memory_space<vmem>>
    %dma_wait3A_79 = tpu.memref_squeeze %dma_wait3A_78 : memref<1x128xi32, #tpu.memory_space<vmem>> -> memref<128xi32, #tpu.memory_space<vmem>>
    %dma_wait3A_80 = arith.constant 0 : i32
    %dma_wait3A_81 = arith.constant 0 : i32
    %dma_wait3A_82 = tpu.memref_slice %arg15[%dma_wait3A_80, %dma_wait3A_81] : memref<10240x64xf32, #tpu.memory_space<vmem_shared>> -> memref<10240x64xf32, #tpu.memory_space<vmem_shared>>
    tpu.wait_indirect_dma semaphore(%arg20 : memref<!tpu.dma_semaphore, #tpu.memory_space<semaphore_mem>>) src(%arg13 : memref<128x64xf32, #tpu.memory_space<vmem>>) dst(%dma_wait3A_82 : memref<10240x64xf32, #tpu.memory_space<vmem_shared>>)
    %dma_wait3A_83 = arith.constant 157 : i32
    %dma_wait3A_84 = arith.constant 0 : i32
    %dma_wait3A_85 = tpu.memref_slice %arg8[%dma_wait3A_83, %dma_wait3A_84] : memref<158x128xi32, #tpu.memory_space<vmem>> -> memref<1x128xi32, #tpu.memory_space<vmem>>
    %dma_wait3A_86 = tpu.memref_squeeze %dma_wait3A_85 : memref<1x128xi32, #tpu.memory_space<vmem>> -> memref<128xi32, #tpu.memory_space<vmem>>
    %dma_wait3A_87 = arith.constant 0 : i32
    %dma_wait3A_88 = arith.constant 0 : i32
    %dma_wait3A_89 = tpu.memref_slice %arg15[%dma_wait3A_87, %dma_wait3A_88] : memref<10240x64xf32, #tpu.memory_space<vmem_shared>> -> memref<10240x64xf32, #tpu.memory_space<vmem_shared>>
    tpu.wait_indirect_dma semaphore(%arg21 : memref<!tpu.dma_semaphore, #tpu.memory_space<semaphore_mem>>) src(%arg14 : memref<128x64xf32, #tpu.memory_space<vmem>>) dst(%dma_wait3A_89 : memref<10240x64xf32, #tpu.memory_space<vmem_shared>>)
    %barrier3A_90 = arith.constant 0 : index
    tpu.barrier barrier_id(%barrier3A_90)
    %mul3A_91 = arith.constant 640 : i32
    %mul3A_92 = arith.muli %arg1, %mul3A_91 : i32
    %add3A_93 = arith.constant 0 : i32
    %add3A_94 = arith.addi %mul3A_92, %add3A_93 : i32
    "tpu.region"() ({
      %run_scoped3A = tpu.sem_alloc : memref<!tpu.dma_semaphore, #tpu.memory_space<semaphore_mem>>
      %dma_start3A_111 = arith.constant 0 : i32
      %dma_start3A_112 = tpu.memref_slice %arg15[%add3A_94, %dma_start3A_111] : memref<10240x64xf32, #tpu.memory_space<vmem_shared>> -> memref<128x64xf32, #tpu.memory_space<vmem_shared>>
      %dma_start3A_113 = arith.constant 0 : i32
      %dma_start3A_114 = tpu.memref_slice %arg15[%add3A_94, %dma_start3A_113] : memref<10240x64xf32, #tpu.memory_space<vmem_shared>> -> memref<128x64xf32, #tpu.memory_space<vmem_shared>>
      tpu.enqueue_dma source(%dma_start3A_114 : memref<128x64xf32, #tpu.memory_space<vmem_shared>>) target(%arg13 : memref<128x64xf32, #tpu.memory_space<vmem>>) target_semaphore(%run_scoped3A : memref<!tpu.dma_semaphore, #tpu.memory_space<semaphore_mem>>)
      %dma_wait3A_115 = arith.constant 0 : i32
      %dma_wait3A_116 = tpu.memref_slice %arg15[%add3A_94, %dma_wait3A_115] : memref<10240x64xf32, #tpu.memory_space<vmem_shared>> -> memref<128x64xf32, #tpu.memory_space<vmem_shared>>
      %dma_wait3A_117 = arith.constant 0 : i32
      %dma_wait3A_118 = tpu.memref_slice %arg15[%add3A_94, %dma_wait3A_117] : memref<10240x64xf32, #tpu.memory_space<vmem_shared>> -> memref<128x64xf32, #tpu.memory_space<vmem_shared>>
      tpu.wait_dma2 semaphore(%run_scoped3A : memref<!tpu.dma_semaphore, #tpu.memory_space<semaphore_mem>>) src(%dma_wait3A_118 : memref<128x64xf32, #tpu.memory_space<vmem_shared>>) dst(%arg13 : memref<128x64xf32, #tpu.memory_space<vmem>>)
      tpu.yield
    }) : () -> ()
    "tpu.region"() ({
      %run_scoped3A = tpu.sem_alloc : memref<!tpu.dma_semaphore, #tpu.memory_space<semaphore_mem>>
      %dma_start3A_111 = arith.constant 0 : i32
      %dma_start3A_112 = tpu.memref_slice %arg6[%arg0, %add3A_94, %dma_start3A_111] : memref<2x10240x64xf32, #tpu.memory_space<hbm>> -> memref<1x128x64xf32, #tpu.memory_space<hbm>>
      %dma_start3A_113 = tpu.memref_squeeze %dma_start3A_112 : memref<1x128x64xf32, #tpu.memory_space<hbm>> -> memref<128x64xf32, #tpu.memory_space<hbm>>
      %dma_start3A_114 = arith.constant 0 : i32
      %dma_start3A_115 = tpu.memref_slice %arg6[%arg0, %add3A_94, %dma_start3A_114] : memref<2x10240x64xf32, #tpu.memory_space<hbm>> -> memref<1x128x64xf32, #tpu.memory_space<hbm>>
      %dma_start3A_116 = tpu.memref_squeeze %dma_start3A_115 : memref<1x128x64xf32, #tpu.memory_space<hbm>> -> memref<128x64xf32, #tpu.memory_space<hbm>>
      tpu.enqueue_dma source(%arg13 : memref<128x64xf32, #tpu.memory_space<vmem>>) target(%dma_start3A_116 : memref<128x64xf32, #tpu.memory_space<hbm>>) target_semaphore(%run_scoped3A : memref<!tpu.dma_semaphore, #tpu.memory_space<semaphore_mem>>)
      %dma_wait3A_117 = arith.constant 0 : i32
      %dma_wait3A_118 = tpu.memref_slice %arg6[%arg0, %add3A_94, %dma_wait3A_117] : memref<2x10240x64xf32, #tpu.memory_space<hbm>> -> memref<1x128x64xf32, #tpu.memory_space<hbm>>
      %dma_wait3A_119 = tpu.memref_squeeze %dma_wait3A_118 : memref<1x128x64xf32, #tpu.memory_space<hbm>> -> memref<128x64xf32, #tpu.memory_space<hbm>>
      %dma_wait3A_120 = arith.constant 0 : i32
      %dma_wait3A_121 = tpu.memref_slice %arg6[%arg0, %add3A_94, %dma_wait3A_120] : memref<2x10240x64xf32, #tpu.memory_space<hbm>> -> memref<1x128x64xf32, #tpu.memory_space<hbm>>
      %dma_wait3A_122 = tpu.memref_squeeze %dma_wait3A_121 : memref<1x128x64xf32, #tpu.memory_space<hbm>> -> memref<128x64xf32, #tpu.memory_space<hbm>>
      tpu.wait_dma2 semaphore(%run_scoped3A : memref<!tpu.dma_semaphore, #tpu.memory_space<semaphore_mem>>) src(%arg13 : memref<128x64xf32, #tpu.memory_space<vmem>>) dst(%dma_wait3A_122 : memref<128x64xf32, #tpu.memory_space<hbm>>)
      tpu.yield
    }) : () -> ()
    %mul3A_95 = arith.constant 640 : i32
    %mul3A_96 = arith.muli %arg1, %mul3A_95 : i32
    %add3A_97 = arith.constant 128 : i32
    %add3A_98 = arith.addi %mul3A_96, %add3A_97 : i32
    "tpu.region"() ({
      %run_scoped3A = tpu.sem_alloc : memref<!tpu.dma_semaphore, #tpu.memory_space<semaphore_mem>>
      %dma_start3A_111 = arith.constant 0 : i32
      %dma_start3A_112 = tpu.memref_slice %arg15[%add3A_98, %dma_start3A_111] : memref<10240x64xf32, #tpu.memory_space<vmem_shared>> -> memref<128x64xf32, #tpu.memory_space<vmem_shared>>
      %dma_start3A_113 = arith.constant 0 : i32
      %dma_start3A_114 = tpu.memref_slice %arg15[%add3A_98, %dma_start3A_113] : memref<10240x64xf32, #tpu.memory_space<vmem_shared>> -> memref<128x64xf32, #tpu.memory_space<vmem_shared>>
      tpu.enqueue_dma source(%dma_start3A_114 : memref<128x64xf32, #tpu.memory_space<vmem_shared>>) target(%arg13 : memref<128x64xf32, #tpu.memory_space<vmem>>) target_semaphore(%run_scoped3A : memref<!tpu.dma_semaphore, #tpu.memory_space<semaphore_mem>>)
      %dma_wait3A_115 = arith.constant 0 : i32
      %dma_wait3A_116 = tpu.memref_slice %arg15[%add3A_98, %dma_wait3A_115] : memref<10240x64xf32, #tpu.memory_space<vmem_shared>> -> memref<128x64xf32, #tpu.memory_space<vmem_shared>>
      %dma_wait3A_117 = arith.constant 0 : i32
      %dma_wait3A_118 = tpu.memref_slice %arg15[%add3A_98, %dma_wait3A_117] : memref<10240x64xf32, #tpu.memory_space<vmem_shared>> -> memref<128x64xf32, #tpu.memory_space<vmem_shared>>
      tpu.wait_dma2 semaphore(%run_scoped3A : memref<!tpu.dma_semaphore, #tpu.memory_space<semaphore_mem>>) src(%dma_wait3A_118 : memref<128x64xf32, #tpu.memory_space<vmem_shared>>) dst(%arg13 : memref<128x64xf32, #tpu.memory_space<vmem>>)
      tpu.yield
    }) : () -> ()
    "tpu.region"() ({
      %run_scoped3A = tpu.sem_alloc : memref<!tpu.dma_semaphore, #tpu.memory_space<semaphore_mem>>
      %dma_start3A_111 = arith.constant 0 : i32
      %dma_start3A_112 = tpu.memref_slice %arg6[%arg0, %add3A_98, %dma_start3A_111] : memref<2x10240x64xf32, #tpu.memory_space<hbm>> -> memref<1x128x64xf32, #tpu.memory_space<hbm>>
      %dma_start3A_113 = tpu.memref_squeeze %dma_start3A_112 : memref<1x128x64xf32, #tpu.memory_space<hbm>> -> memref<128x64xf32, #tpu.memory_space<hbm>>
      %dma_start3A_114 = arith.constant 0 : i32
      %dma_start3A_115 = tpu.memref_slice %arg6[%arg0, %add3A_98, %dma_start3A_114] : memref<2x10240x64xf32, #tpu.memory_space<hbm>> -> memref<1x128x64xf32, #tpu.memory_space<hbm>>
      %dma_start3A_116 = tpu.memref_squeeze %dma_start3A_115 : memref<1x128x64xf32, #tpu.memory_space<hbm>> -> memref<128x64xf32, #tpu.memory_space<hbm>>
      tpu.enqueue_dma source(%arg13 : memref<128x64xf32, #tpu.memory_space<vmem>>) target(%dma_start3A_116 : memref<128x64xf32, #tpu.memory_space<hbm>>) target_semaphore(%run_scoped3A : memref<!tpu.dma_semaphore, #tpu.memory_space<semaphore_mem>>)
      %dma_wait3A_117 = arith.constant 0 : i32
      %dma_wait3A_118 = tpu.memref_slice %arg6[%arg0, %add3A_98, %dma_wait3A_117] : memref<2x10240x64xf32, #tpu.memory_space<hbm>> -> memref<1x128x64xf32, #tpu.memory_space<hbm>>
      %dma_wait3A_119 = tpu.memref_squeeze %dma_wait3A_118 : memref<1x128x64xf32, #tpu.memory_space<hbm>> -> memref<128x64xf32, #tpu.memory_space<hbm>>
      %dma_wait3A_120 = arith.constant 0 : i32
      %dma_wait3A_121 = tpu.memref_slice %arg6[%arg0, %add3A_98, %dma_wait3A_120] : memref<2x10240x64xf32, #tpu.memory_space<hbm>> -> memref<1x128x64xf32, #tpu.memory_space<hbm>>
      %dma_wait3A_122 = tpu.memref_squeeze %dma_wait3A_121 : memref<1x128x64xf32, #tpu.memory_space<hbm>> -> memref<128x64xf32, #tpu.memory_space<hbm>>
      tpu.wait_dma2 semaphore(%run_scoped3A : memref<!tpu.dma_semaphore, #tpu.memory_space<semaphore_mem>>) src(%arg13 : memref<128x64xf32, #tpu.memory_space<vmem>>) dst(%dma_wait3A_122 : memref<128x64xf32, #tpu.memory_space<hbm>>)
      tpu.yield
    }) : () -> ()
    %mul3A_99 = arith.constant 640 : i32
    %mul3A_100 = arith.muli %arg1, %mul3A_99 : i32
    %add3A_101 = arith.constant 256 : i32
    %add3A_102 = arith.addi %mul3A_100, %add3A_101 : i32
    "tpu.region"() ({
      %run_scoped3A = tpu.sem_alloc : memref<!tpu.dma_semaphore, #tpu.memory_space<semaphore_mem>>
      %dma_start3A_111 = arith.constant 0 : i32
      %dma_start3A_112 = tpu.memref_slice %arg15[%add3A_102, %dma_start3A_111] : memref<10240x64xf32, #tpu.memory_space<vmem_shared>> -> memref<128x64xf32, #tpu.memory_space<vmem_shared>>
      %dma_start3A_113 = arith.constant 0 : i32
      %dma_start3A_114 = tpu.memref_slice %arg15[%add3A_102, %dma_start3A_113] : memref<10240x64xf32, #tpu.memory_space<vmem_shared>> -> memref<128x64xf32, #tpu.memory_space<vmem_shared>>
      tpu.enqueue_dma source(%dma_start3A_114 : memref<128x64xf32, #tpu.memory_space<vmem_shared>>) target(%arg13 : memref<128x64xf32, #tpu.memory_space<vmem>>) target_semaphore(%run_scoped3A : memref<!tpu.dma_semaphore, #tpu.memory_space<semaphore_mem>>)
      %dma_wait3A_115 = arith.constant 0 : i32
      %dma_wait3A_116 = tpu.memref_slice %arg15[%add3A_102, %dma_wait3A_115] : memref<10240x64xf32, #tpu.memory_space<vmem_shared>> -> memref<128x64xf32, #tpu.memory_space<vmem_shared>>
      %dma_wait3A_117 = arith.constant 0 : i32
      %dma_wait3A_118 = tpu.memref_slice %arg15[%add3A_102, %dma_wait3A_117] : memref<10240x64xf32, #tpu.memory_space<vmem_shared>> -> memref<128x64xf32, #tpu.memory_space<vmem_shared>>
      tpu.wait_dma2 semaphore(%run_scoped3A : memref<!tpu.dma_semaphore, #tpu.memory_space<semaphore_mem>>) src(%dma_wait3A_118 : memref<128x64xf32, #tpu.memory_space<vmem_shared>>) dst(%arg13 : memref<128x64xf32, #tpu.memory_space<vmem>>)
      tpu.yield
    }) : () -> ()
    "tpu.region"() ({
      %run_scoped3A = tpu.sem_alloc : memref<!tpu.dma_semaphore, #tpu.memory_space<semaphore_mem>>
      %dma_start3A_111 = arith.constant 0 : i32
      %dma_start3A_112 = tpu.memref_slice %arg6[%arg0, %add3A_102, %dma_start3A_111] : memref<2x10240x64xf32, #tpu.memory_space<hbm>> -> memref<1x128x64xf32, #tpu.memory_space<hbm>>
      %dma_start3A_113 = tpu.memref_squeeze %dma_start3A_112 : memref<1x128x64xf32, #tpu.memory_space<hbm>> -> memref<128x64xf32, #tpu.memory_space<hbm>>
      %dma_start3A_114 = arith.constant 0 : i32
      %dma_start3A_115 = tpu.memref_slice %arg6[%arg0, %add3A_102, %dma_start3A_114] : memref<2x10240x64xf32, #tpu.memory_space<hbm>> -> memref<1x128x64xf32, #tpu.memory_space<hbm>>
      %dma_start3A_116 = tpu.memref_squeeze %dma_start3A_115 : memref<1x128x64xf32, #tpu.memory_space<hbm>> -> memref<128x64xf32, #tpu.memory_space<hbm>>
      tpu.enqueue_dma source(%arg13 : memref<128x64xf32, #tpu.memory_space<vmem>>) target(%dma_start3A_116 : memref<128x64xf32, #tpu.memory_space<hbm>>) target_semaphore(%run_scoped3A : memref<!tpu.dma_semaphore, #tpu.memory_space<semaphore_mem>>)
      %dma_wait3A_117 = arith.constant 0 : i32
      %dma_wait3A_118 = tpu.memref_slice %arg6[%arg0, %add3A_102, %dma_wait3A_117] : memref<2x10240x64xf32, #tpu.memory_space<hbm>> -> memref<1x128x64xf32, #tpu.memory_space<hbm>>
      %dma_wait3A_119 = tpu.memref_squeeze %dma_wait3A_118 : memref<1x128x64xf32, #tpu.memory_space<hbm>> -> memref<128x64xf32, #tpu.memory_space<hbm>>
      %dma_wait3A_120 = arith.constant 0 : i32
      %dma_wait3A_121 = tpu.memref_slice %arg6[%arg0, %add3A_102, %dma_wait3A_120] : memref<2x10240x64xf32, #tpu.memory_space<hbm>> -> memref<1x128x64xf32, #tpu.memory_space<hbm>>
      %dma_wait3A_122 = tpu.memref_squeeze %dma_wait3A_121 : memref<1x128x64xf32, #tpu.memory_space<hbm>> -> memref<128x64xf32, #tpu.memory_space<hbm>>
      tpu.wait_dma2 semaphore(%run_scoped3A : memref<!tpu.dma_semaphore, #tpu.memory_space<semaphore_mem>>) src(%arg13 : memref<128x64xf32, #tpu.memory_space<vmem>>) dst(%dma_wait3A_122 : memref<128x64xf32, #tpu.memory_space<hbm>>)
      tpu.yield
    }) : () -> ()
    %mul3A_103 = arith.constant 640 : i32
    %mul3A_104 = arith.muli %arg1, %mul3A_103 : i32
    %add3A_105 = arith.constant 384 : i32
    %add3A_106 = arith.addi %mul3A_104, %add3A_105 : i32
    "tpu.region"() ({
      %run_scoped3A = tpu.sem_alloc : memref<!tpu.dma_semaphore, #tpu.memory_space<semaphore_mem>>
      %dma_start3A_111 = arith.constant 0 : i32
      %dma_start3A_112 = tpu.memref_slice %arg15[%add3A_106, %dma_start3A_111] : memref<10240x64xf32, #tpu.memory_space<vmem_shared>> -> memref<128x64xf32, #tpu.memory_space<vmem_shared>>
      %dma_start3A_113 = arith.constant 0 : i32
      %dma_start3A_114 = tpu.memref_slice %arg15[%add3A_106, %dma_start3A_113] : memref<10240x64xf32, #tpu.memory_space<vmem_shared>> -> memref<128x64xf32, #tpu.memory_space<vmem_shared>>
      tpu.enqueue_dma source(%dma_start3A_114 : memref<128x64xf32, #tpu.memory_space<vmem_shared>>) target(%arg13 : memref<128x64xf32, #tpu.memory_space<vmem>>) target_semaphore(%run_scoped3A : memref<!tpu.dma_semaphore, #tpu.memory_space<semaphore_mem>>)
      %dma_wait3A_115 = arith.constant 0 : i32
      %dma_wait3A_116 = tpu.memref_slice %arg15[%add3A_106, %dma_wait3A_115] : memref<10240x64xf32, #tpu.memory_space<vmem_shared>> -> memref<128x64xf32, #tpu.memory_space<vmem_shared>>
      %dma_wait3A_117 = arith.constant 0 : i32
      %dma_wait3A_118 = tpu.memref_slice %arg15[%add3A_106, %dma_wait3A_117] : memref<10240x64xf32, #tpu.memory_space<vmem_shared>> -> memref<128x64xf32, #tpu.memory_space<vmem_shared>>
      tpu.wait_dma2 semaphore(%run_scoped3A : memref<!tpu.dma_semaphore, #tpu.memory_space<semaphore_mem>>) src(%dma_wait3A_118 : memref<128x64xf32, #tpu.memory_space<vmem_shared>>) dst(%arg13 : memref<128x64xf32, #tpu.memory_space<vmem>>)
      tpu.yield
    }) : () -> ()
    "tpu.region"() ({
      %run_scoped3A = tpu.sem_alloc : memref<!tpu.dma_semaphore, #tpu.memory_space<semaphore_mem>>
      %dma_start3A_111 = arith.constant 0 : i32
      %dma_start3A_112 = tpu.memref_slice %arg6[%arg0, %add3A_106, %dma_start3A_111] : memref<2x10240x64xf32, #tpu.memory_space<hbm>> -> memref<1x128x64xf32, #tpu.memory_space<hbm>>
      %dma_start3A_113 = tpu.memref_squeeze %dma_start3A_112 : memref<1x128x64xf32, #tpu.memory_space<hbm>> -> memref<128x64xf32, #tpu.memory_space<hbm>>
      %dma_start3A_114 = arith.constant 0 : i32
      %dma_start3A_115 = tpu.memref_slice %arg6[%arg0, %add3A_106, %dma_start3A_114] : memref<2x10240x64xf32, #tpu.memory_space<hbm>> -> memref<1x128x64xf32, #tpu.memory_space<hbm>>
      %dma_start3A_116 = tpu.memref_squeeze %dma_start3A_115 : memref<1x128x64xf32, #tpu.memory_space<hbm>> -> memref<128x64xf32, #tpu.memory_space<hbm>>
      tpu.enqueue_dma source(%arg13 : memref<128x64xf32, #tpu.memory_space<vmem>>) target(%dma_start3A_116 : memref<128x64xf32, #tpu.memory_space<hbm>>) target_semaphore(%run_scoped3A : memref<!tpu.dma_semaphore, #tpu.memory_space<semaphore_mem>>)
      %dma_wait3A_117 = arith.constant 0 : i32
      %dma_wait3A_118 = tpu.memref_slice %arg6[%arg0, %add3A_106, %dma_wait3A_117] : memref<2x10240x64xf32, #tpu.memory_space<hbm>> -> memref<1x128x64xf32, #tpu.memory_space<hbm>>
      %dma_wait3A_119 = tpu.memref_squeeze %dma_wait3A_118 : memref<1x128x64xf32, #tpu.memory_space<hbm>> -> memref<128x64xf32, #tpu.memory_space<hbm>>
      %dma_wait3A_120 = arith.constant 0 : i32
      %dma_wait3A_121 = tpu.memref_slice %arg6[%arg0, %add3A_106, %dma_wait3A_120] : memref<2x10240x64xf32, #tpu.memory_space<hbm>> -> memref<1x128x64xf32, #tpu.memory_space<hbm>>
      %dma_wait3A_122 = tpu.memref_squeeze %dma_wait3A_121 : memref<1x128x64xf32, #tpu.memory_space<hbm>> -> memref<128x64xf32, #tpu.memory_space<hbm>>
      tpu.wait_dma2 semaphore(%run_scoped3A : memref<!tpu.dma_semaphore, #tpu.memory_space<semaphore_mem>>) src(%arg13 : memref<128x64xf32, #tpu.memory_space<vmem>>) dst(%dma_wait3A_122 : memref<128x64xf32, #tpu.memory_space<hbm>>)
      tpu.yield
    }) : () -> ()
    %mul3A_107 = arith.constant 640 : i32
    %mul3A_108 = arith.muli %arg1, %mul3A_107 : i32
    %add3A_109 = arith.constant 512 : i32
    %add3A_110 = arith.addi %mul3A_108, %add3A_109 : i32
    "tpu.region"() ({
      %run_scoped3A = tpu.sem_alloc : memref<!tpu.dma_semaphore, #tpu.memory_space<semaphore_mem>>
      %dma_start3A_111 = arith.constant 0 : i32
      %dma_start3A_112 = tpu.memref_slice %arg15[%add3A_110, %dma_start3A_111] : memref<10240x64xf32, #tpu.memory_space<vmem_shared>> -> memref<128x64xf32, #tpu.memory_space<vmem_shared>>
      %dma_start3A_113 = arith.constant 0 : i32
      %dma_start3A_114 = tpu.memref_slice %arg15[%add3A_110, %dma_start3A_113] : memref<10240x64xf32, #tpu.memory_space<vmem_shared>> -> memref<128x64xf32, #tpu.memory_space<vmem_shared>>
      tpu.enqueue_dma source(%dma_start3A_114 : memref<128x64xf32, #tpu.memory_space<vmem_shared>>) target(%arg13 : memref<128x64xf32, #tpu.memory_space<vmem>>) target_semaphore(%run_scoped3A : memref<!tpu.dma_semaphore, #tpu.memory_space<semaphore_mem>>)
      %dma_wait3A_115 = arith.constant 0 : i32
      %dma_wait3A_116 = tpu.memref_slice %arg15[%add3A_110, %dma_wait3A_115] : memref<10240x64xf32, #tpu.memory_space<vmem_shared>> -> memref<128x64xf32, #tpu.memory_space<vmem_shared>>
      %dma_wait3A_117 = arith.constant 0 : i32
      %dma_wait3A_118 = tpu.memref_slice %arg15[%add3A_110, %dma_wait3A_117] : memref<10240x64xf32, #tpu.memory_space<vmem_shared>> -> memref<128x64xf32, #tpu.memory_space<vmem_shared>>
      tpu.wait_dma2 semaphore(%run_scoped3A : memref<!tpu.dma_semaphore, #tpu.memory_space<semaphore_mem>>) src(%dma_wait3A_118 : memref<128x64xf32, #tpu.memory_space<vmem_shared>>) dst(%arg13 : memref<128x64xf32, #tpu.memory_space<vmem>>)
      tpu.yield
    }) : () -> ()
    "tpu.region"() ({
      %run_scoped3A = tpu.sem_alloc : memref<!tpu.dma_semaphore, #tpu.memory_space<semaphore_mem>>
      %dma_start3A_111 = arith.constant 0 : i32
      %dma_start3A_112 = tpu.memref_slice %arg6[%arg0, %add3A_110, %dma_start3A_111] : memref<2x10240x64xf32, #tpu.memory_space<hbm>> -> memref<1x128x64xf32, #tpu.memory_space<hbm>>
      %dma_start3A_113 = tpu.memref_squeeze %dma_start3A_112 : memref<1x128x64xf32, #tpu.memory_space<hbm>> -> memref<128x64xf32, #tpu.memory_space<hbm>>
      %dma_start3A_114 = arith.constant 0 : i32
      %dma_start3A_115 = tpu.memref_slice %arg6[%arg0, %add3A_110, %dma_start3A_114] : memref<2x10240x64xf32, #tpu.memory_space<hbm>> -> memref<1x128x64xf32, #tpu.memory_space<hbm>>
      %dma_start3A_116 = tpu.memref_squeeze %dma_start3A_115 : memref<1x128x64xf32, #tpu.memory_space<hbm>> -> memref<128x64xf32, #tpu.memory_space<hbm>>
      tpu.enqueue_dma source(%arg13 : memref<128x64xf32, #tpu.memory_space<vmem>>) target(%dma_start3A_116 : memref<128x64xf32, #tpu.memory_space<hbm>>) target_semaphore(%run_scoped3A : memref<!tpu.dma_semaphore, #tpu.memory_space<semaphore_mem>>)
      %dma_wait3A_117 = arith.constant 0 : i32
      %dma_wait3A_118 = tpu.memref_slice %arg6[%arg0, %add3A_110, %dma_wait3A_117] : memref<2x10240x64xf32, #tpu.memory_space<hbm>> -> memref<1x128x64xf32, #tpu.memory_space<hbm>>
      %dma_wait3A_119 = tpu.memref_squeeze %dma_wait3A_118 : memref<1x128x64xf32, #tpu.memory_space<hbm>> -> memref<128x64xf32, #tpu.memory_space<hbm>>
      %dma_wait3A_120 = arith.constant 0 : i32
      %dma_wait3A_121 = tpu.memref_slice %arg6[%arg0, %add3A_110, %dma_wait3A_120] : memref<2x10240x64xf32, #tpu.memory_space<hbm>> -> memref<1x128x64xf32, #tpu.memory_space<hbm>>
      %dma_wait3A_122 = tpu.memref_squeeze %dma_wait3A_121 : memref<1x128x64xf32, #tpu.memory_space<hbm>> -> memref<128x64xf32, #tpu.memory_space<hbm>>
      tpu.wait_dma2 semaphore(%run_scoped3A : memref<!tpu.dma_semaphore, #tpu.memory_space<semaphore_mem>>) src(%arg13 : memref<128x64xf32, #tpu.memory_space<vmem>>) dst(%dma_wait3A_122 : memref<128x64xf32, #tpu.memory_space<hbm>>)
      tpu.yield
    }) : () -> ()
    return
  }
}

#map = affine_map<(d0, d1) -> (0, 0)>
#map1 = affine_map<(d0, d1) -> (0, 0, 0)>
module attributes {stable_mosaic.version = 14 : i64} {
  func.func @_edge_pass_body(%arg0: i32, %arg1: i32, %arg2: memref<20000x64xf32, #tpu.memory_space<hbm>>, %arg3: memref<2x323584x32xi32, #tpu.memory_space<hbm>>, %arg4: memref<16x158x128xi32, #tpu.memory_space<hbm>>, %arg5: memref<16x158x128xi32, #tpu.memory_space<hbm>>, %arg6: memref<2x10240x64xf32, #tpu.memory_space<hbm>>, %arg7: memref<158x128xi32, #tpu.memory_space<vmem>>, %arg8: memref<158x128xi32, #tpu.memory_space<vmem>>, %arg9: memref<128x64xf32, #tpu.memory_space<vmem>>, %arg10: memref<128x64xf32, #tpu.memory_space<vmem>>, %arg11: memref<128x32xi32, #tpu.memory_space<vmem>>, %arg12: memref<128x32xi32, #tpu.memory_space<vmem>>, %arg13: memref<128x64xf32, #tpu.memory_space<vmem>>, %arg14: memref<128x64xf32, #tpu.memory_space<vmem>>, %arg15: memref<10240x64xf32, #tpu.memory_space<vmem_shared>>, %arg16: memref<!tpu.dma_semaphore, #tpu.memory_space<semaphore_mem>>, %arg17: memref<!tpu.dma_semaphore, #tpu.memory_space<semaphore_mem>>, %arg18: memref<!tpu.dma_semaphore, #tpu.memory_space<semaphore_mem>>, %arg19: memref<!tpu.dma_semaphore, #tpu.memory_space<semaphore_mem>>, %arg20: memref<!tpu.dma_semaphore, #tpu.memory_space<semaphore_mem>>, %arg21: memref<!tpu.dma_semaphore, #tpu.memory_space<semaphore_mem>>) attributes {dimension_semantics = [#tpu.dimension_semantics<core_parallel>, #tpu.dimension_semantics<subcore_parallel>], iteration_bounds = array<i64: 2, 16>, scalar_prefetch = 0 : i64, scratch_operands = 15 : i64, tpu.core_type = #tpu.core_type<sc_vector_subcore>, window_params = [{transform_indices = #map}, {transform_indices = #map1}, {transform_indices = #map1}, {transform_indices = #map1}, {transform_indices = #map1}]} {
    %scan3A = arith.constant 0 : i32
    %scan3A_0 = arith.constant 0 : i32
    %scan3A_1 = arith.constant 128 : i32
    %scan3A_2 = arith.addi %scan3A_0, %scan3A_1 : i32
    %scan3A_3 = arith.constant 1 : i32
    %scan3A_4 = scf.for %scan3A_111 = %scan3A_0 to %scan3A_2 step %scan3A_3 iter_args(%scan3A_112 = %scan3A) -> (i32)  : i32 {
      %broadcast_in_dim3A = arith.constant 0.000000e+00 : f32
      %broadcast_in_dim3A_113 = vector.broadcast %broadcast_in_dim3A : f32 to vector<16xf32>
      %swap3A = arith.index_cast %scan3A_111 : i32 to index
      %swap3A_114 = arith.constant 0 : index
      %swap3A_115 = tpu.vector_load %arg13[%swap3A, %swap3A_114] {strides = array<i32>} : memref<128x64xf32, #tpu.memory_space<vmem>>, vector<1x16xf32>,
      %swap3A_116 = vector.shape_cast %swap3A_115 : vector<1x16xf32> to vector<16xf32>
      %swap3A_117 = vector.shape_cast %broadcast_in_dim3A_113 : vector<16xf32> to vector<1x16xf32>
      tpu.vector_store %arg13[%swap3A, %swap3A_114], %swap3A_117 {strides = array<i32>} : memref<128x64xf32, #tpu.memory_space<vmem>>, vector<1x16xf32>,
      %broadcast_in_dim3A_118 = arith.constant 0.000000e+00 : f32
      %broadcast_in_dim3A_119 = vector.broadcast %broadcast_in_dim3A_118 : f32 to vector<16xf32>
      %swap3A_120 = arith.index_cast %scan3A_111 : i32 to index
      %swap3A_121 = arith.constant 16 : index
      %swap3A_122 = tpu.vector_load %arg13[%swap3A_120, %swap3A_121] {strides = array<i32>} : memref<128x64xf32, #tpu.memory_space<vmem>>, vector<1x16xf32>,
      %swap3A_123 = vector.shape_cast %swap3A_122 : vector<1x16xf32> to vector<16xf32>
      %swap3A_124 = vector.shape_cast %broadcast_in_dim3A_119 : vector<16xf32> to vector<1x16xf32>
      tpu.vector_store %arg13[%swap3A_120, %swap3A_121], %swap3A_124 {strides = array<i32>} : memref<128x64xf32, #tpu.memory_space<vmem>>, vector<1x16xf32>,
      %broadcast_in_dim3A_125 = arith.constant 0.000000e+00 : f32
      %broadcast_in_dim3A_126 = vector.broadcast %broadcast_in_dim3A_125 : f32 to vector<16xf32>
      %swap3A_127 = arith.index_cast %scan3A_111 : i32 to index
      %swap3A_128 = arith.constant 32 : index
      %swap3A_129 = tpu.vector_load %arg13[%swap3A_127, %swap3A_128] {strides = array<i32>} : memref<128x64xf32, #tpu.memory_space<vmem>>, vector<1x16xf32>,
      %swap3A_130 = vector.shape_cast %swap3A_129 : vector<1x16xf32> to vector<16xf32>
      %swap3A_131 = vector.shape_cast %broadcast_in_dim3A_126 : vector<16xf32> to vector<1x16xf32>
      tpu.vector_store %arg13[%swap3A_127, %swap3A_128], %swap3A_131 {strides = array<i32>} : memref<128x64xf32, #tpu.memory_space<vmem>>, vector<1x16xf32>,
      %broadcast_in_dim3A_132 = arith.constant 0.000000e+00 : f32
      %broadcast_in_dim3A_133 = vector.broadcast %broadcast_in_dim3A_132 : f32 to vector<16xf32>
      %swap3A_134 = arith.index_cast %scan3A_111 : i32 to index
      %swap3A_135 = arith.constant 48 : index
      %swap3A_136 = tpu.vector_load %arg13[%swap3A_134, %swap3A_135] {strides = array<i32>} : memref<128x64xf32, #tpu.memory_space<vmem>>, vector<1x16xf32>,
      %swap3A_137 = vector.shape_cast %swap3A_136 : vector<1x16xf32> to vector<16xf32>
      %swap3A_138 = vector.shape_cast %broadcast_in_dim3A_133 : vector<16xf32> to vector<1x16xf32>
      tpu.vector_store %arg13[%swap3A_134, %swap3A_135], %swap3A_138 {strides = array<i32>} : memref<128x64xf32, #tpu.memory_space<vmem>>, vector<1x16xf32>,
      %scan3A_139 = arith.constant 0 : i32
      scf.yield %scan3A_139 : i32
    }
    %scan3A_5 = arith.constant 128 : i32
    %mul3A = arith.constant 640 : i32
    %mul3A_6 = arith.muli %arg1, %mul3A : i32
    %add3A = arith.constant 0 : i32
    %add3A_7 = arith.addi %mul3A_6, %add3A : i32
    "tpu.region"() ({
      %run_scoped3A = tpu.sem_alloc : memref<!tpu.dma_semaphore, #tpu.memory_space<semaphore_mem>>
      %dma_start3A_111 = arith.constant 0 : i32
      %dma_start3A_112 = tpu.memref_slice %arg15[%add3A_7, %dma_start3A_111] : memref<10240x64xf32, #tpu.memory_space<vmem_shared>> -> memref<128x64xf32, #tpu.memory_space<vmem_shared>>
      %dma_start3A_113 = arith.constant 0 : i32
      %dma_start3A_114 = tpu.memref_slice %arg15[%add3A_7, %dma_start3A_113] : memref<10240x64xf32, #tpu.memory_space<vmem_shared>> -> memref<128x64xf32, #tpu.memory_space<vmem_shared>>
      tpu.enqueue_dma source(%arg13 : memref<128x64xf32, #tpu.memory_space<vmem>>) target(%dma_start3A_114 : memref<128x64xf32, #tpu.memory_space<vmem_shared>>) target_semaphore(%run_scoped3A : memref<!tpu.dma_semaphore, #tpu.memory_space<semaphore_mem>>)
      %dma_wait3A_115 = arith.constant 0 : i32
      %dma_wait3A_116 = tpu.memref_slice %arg15[%add3A_7, %dma_wait3A_115] : memref<10240x64xf32, #tpu.memory_space<vmem_shared>> -> memref<128x64xf32, #tpu.memory_space<vmem_shared>>
      %dma_wait3A_117 = arith.constant 0 : i32
      %dma_wait3A_118 = tpu.memref_slice %arg15[%add3A_7, %dma_wait3A_117] : memref<10240x64xf32, #tpu.memory_space<vmem_shared>> -> memref<128x64xf32, #tpu.memory_space<vmem_shared>>
      tpu.wait_dma2 semaphore(%run_scoped3A : memref<!tpu.dma_semaphore, #tpu.memory_space<semaphore_mem>>) src(%arg13 : memref<128x64xf32, #tpu.memory_space<vmem>>) dst(%dma_wait3A_118 : memref<128x64xf32, #tpu.memory_space<vmem_shared>>)
      tpu.yield
    }) : () -> ()
    %mul3A_8 = arith.constant 640 : i32
    %mul3A_9 = arith.muli %arg1, %mul3A_8 : i32
    %add3A_10 = arith.constant 128 : i32
    %add3A_11 = arith.addi %mul3A_9, %add3A_10 : i32
    "tpu.region"() ({
      %run_scoped3A = tpu.sem_alloc : memref<!tpu.dma_semaphore, #tpu.memory_space<semaphore_mem>>
      %dma_start3A_111 = arith.constant 0 : i32
      %dma_start3A_112 = tpu.memref_slice %arg15[%add3A_11, %dma_start3A_111] : memref<10240x64xf32, #tpu.memory_space<vmem_shared>> -> memref<128x64xf32, #tpu.memory_space<vmem_shared>>
      %dma_start3A_113 = arith.constant 0 : i32
      %dma_start3A_114 = tpu.memref_slice %arg15[%add3A_11, %dma_start3A_113] : memref<10240x64xf32, #tpu.memory_space<vmem_shared>> -> memref<128x64xf32, #tpu.memory_space<vmem_shared>>
      tpu.enqueue_dma source(%arg13 : memref<128x64xf32, #tpu.memory_space<vmem>>) target(%dma_start3A_114 : memref<128x64xf32, #tpu.memory_space<vmem_shared>>) target_semaphore(%run_scoped3A : memref<!tpu.dma_semaphore, #tpu.memory_space<semaphore_mem>>)
      %dma_wait3A_115 = arith.constant 0 : i32
      %dma_wait3A_116 = tpu.memref_slice %arg15[%add3A_11, %dma_wait3A_115] : memref<10240x64xf32, #tpu.memory_space<vmem_shared>> -> memref<128x64xf32, #tpu.memory_space<vmem_shared>>
      %dma_wait3A_117 = arith.constant 0 : i32
      %dma_wait3A_118 = tpu.memref_slice %arg15[%add3A_11, %dma_wait3A_117] : memref<10240x64xf32, #tpu.memory_space<vmem_shared>> -> memref<128x64xf32, #tpu.memory_space<vmem_shared>>
      tpu.wait_dma2 semaphore(%run_scoped3A : memref<!tpu.dma_semaphore, #tpu.memory_space<semaphore_mem>>) src(%arg13 : memref<128x64xf32, #tpu.memory_space<vmem>>) dst(%dma_wait3A_118 : memref<128x64xf32, #tpu.memory_space<vmem_shared>>)
      tpu.yield
    }) : () -> ()
    %mul3A_12 = arith.constant 640 : i32
    %mul3A_13 = arith.muli %arg1, %mul3A_12 : i32
    %add3A_14 = arith.constant 256 : i32
    %add3A_15 = arith.addi %mul3A_13, %add3A_14 : i32
    "tpu.region"() ({
      %run_scoped3A = tpu.sem_alloc : memref<!tpu.dma_semaphore, #tpu.memory_space<semaphore_mem>>
      %dma_start3A_111 = arith.constant 0 : i32
      %dma_start3A_112 = tpu.memref_slice %arg15[%add3A_15, %dma_start3A_111] : memref<10240x64xf32, #tpu.memory_space<vmem_shared>> -> memref<128x64xf32, #tpu.memory_space<vmem_shared>>
      %dma_start3A_113 = arith.constant 0 : i32
      %dma_start3A_114 = tpu.memref_slice %arg15[%add3A_15, %dma_start3A_113] : memref<10240x64xf32, #tpu.memory_space<vmem_shared>> -> memref<128x64xf32, #tpu.memory_space<vmem_shared>>
      tpu.enqueue_dma source(%arg13 : memref<128x64xf32, #tpu.memory_space<vmem>>) target(%dma_start3A_114 : memref<128x64xf32, #tpu.memory_space<vmem_shared>>) target_semaphore(%run_scoped3A : memref<!tpu.dma_semaphore, #tpu.memory_space<semaphore_mem>>)
      %dma_wait3A_115 = arith.constant 0 : i32
      %dma_wait3A_116 = tpu.memref_slice %arg15[%add3A_15, %dma_wait3A_115] : memref<10240x64xf32, #tpu.memory_space<vmem_shared>> -> memref<128x64xf32, #tpu.memory_space<vmem_shared>>
      %dma_wait3A_117 = arith.constant 0 : i32
      %dma_wait3A_118 = tpu.memref_slice %arg15[%add3A_15, %dma_wait3A_117] : memref<10240x64xf32, #tpu.memory_space<vmem_shared>> -> memref<128x64xf32, #tpu.memory_space<vmem_shared>>
      tpu.wait_dma2 semaphore(%run_scoped3A : memref<!tpu.dma_semaphore, #tpu.memory_space<semaphore_mem>>) src(%arg13 : memref<128x64xf32, #tpu.memory_space<vmem>>) dst(%dma_wait3A_118 : memref<128x64xf32, #tpu.memory_space<vmem_shared>>)
      tpu.yield
    }) : () -> ()
    %mul3A_16 = arith.constant 640 : i32
    %mul3A_17 = arith.muli %arg1, %mul3A_16 : i32
    %add3A_18 = arith.constant 384 : i32
    %add3A_19 = arith.addi %mul3A_17, %add3A_18 : i32
    "tpu.region"() ({
      %run_scoped3A = tpu.sem_alloc : memref<!tpu.dma_semaphore, #tpu.memory_space<semaphore_mem>>
      %dma_start3A_111 = arith.constant 0 : i32
      %dma_start3A_112 = tpu.memref_slice %arg15[%add3A_19, %dma_start3A_111] : memref<10240x64xf32, #tpu.memory_space<vmem_shared>> -> memref<128x64xf32, #tpu.memory_space<vmem_shared>>
      %dma_start3A_113 = arith.constant 0 : i32
      %dma_start3A_114 = tpu.memref_slice %arg15[%add3A_19, %dma_start3A_113] : memref<10240x64xf32, #tpu.memory_space<vmem_shared>> -> memref<128x64xf32, #tpu.memory_space<vmem_shared>>
      tpu.enqueue_dma source(%arg13 : memref<128x64xf32, #tpu.memory_space<vmem>>) target(%dma_start3A_114 : memref<128x64xf32, #tpu.memory_space<vmem_shared>>) target_semaphore(%run_scoped3A : memref<!tpu.dma_semaphore, #tpu.memory_space<semaphore_mem>>)
      %dma_wait3A_115 = arith.constant 0 : i32
      %dma_wait3A_116 = tpu.memref_slice %arg15[%add3A_19, %dma_wait3A_115] : memref<10240x64xf32, #tpu.memory_space<vmem_shared>> -> memref<128x64xf32, #tpu.memory_space<vmem_shared>>
      %dma_wait3A_117 = arith.constant 0 : i32
      %dma_wait3A_118 = tpu.memref_slice %arg15[%add3A_19, %dma_wait3A_117] : memref<10240x64xf32, #tpu.memory_space<vmem_shared>> -> memref<128x64xf32, #tpu.memory_space<vmem_shared>>
      tpu.wait_dma2 semaphore(%run_scoped3A : memref<!tpu.dma_semaphore, #tpu.memory_space<semaphore_mem>>) src(%arg13 : memref<128x64xf32, #tpu.memory_space<vmem>>) dst(%dma_wait3A_118 : memref<128x64xf32, #tpu.memory_space<vmem_shared>>)
      tpu.yield
    }) : () -> ()
    %mul3A_20 = arith.constant 640 : i32
    %mul3A_21 = arith.muli %arg1, %mul3A_20 : i32
    %add3A_22 = arith.constant 512 : i32
    %add3A_23 = arith.addi %mul3A_21, %add3A_22 : i32
    "tpu.region"() ({
      %run_scoped3A = tpu.sem_alloc : memref<!tpu.dma_semaphore, #tpu.memory_space<semaphore_mem>>
      %dma_start3A_111 = arith.constant 0 : i32
      %dma_start3A_112 = tpu.memref_slice %arg15[%add3A_23, %dma_start3A_111] : memref<10240x64xf32, #tpu.memory_space<vmem_shared>> -> memref<128x64xf32, #tpu.memory_space<vmem_shared>>
      %dma_start3A_113 = arith.constant 0 : i32
      %dma_start3A_114 = tpu.memref_slice %arg15[%add3A_23, %dma_start3A_113] : memref<10240x64xf32, #tpu.memory_space<vmem_shared>> -> memref<128x64xf32, #tpu.memory_space<vmem_shared>>
      tpu.enqueue_dma source(%arg13 : memref<128x64xf32, #tpu.memory_space<vmem>>) target(%dma_start3A_114 : memref<128x64xf32, #tpu.memory_space<vmem_shared>>) target_semaphore(%run_scoped3A : memref<!tpu.dma_semaphore, #tpu.memory_space<semaphore_mem>>)
      %dma_wait3A_115 = arith.constant 0 : i32
      %dma_wait3A_116 = tpu.memref_slice %arg15[%add3A_23, %dma_wait3A_115] : memref<10240x64xf32, #tpu.memory_space<vmem_shared>> -> memref<128x64xf32, #tpu.memory_space<vmem_shared>>
      %dma_wait3A_117 = arith.constant 0 : i32
      %dma_wait3A_118 = tpu.memref_slice %arg15[%add3A_23, %dma_wait3A_117] : memref<10240x64xf32, #tpu.memory_space<vmem_shared>> -> memref<128x64xf32, #tpu.memory_space<vmem_shared>>
      tpu.wait_dma2 semaphore(%run_scoped3A : memref<!tpu.dma_semaphore, #tpu.memory_space<semaphore_mem>>) src(%arg13 : memref<128x64xf32, #tpu.memory_space<vmem>>) dst(%dma_wait3A_118 : memref<128x64xf32, #tpu.memory_space<vmem_shared>>)
      tpu.yield
    }) : () -> ()
    %barrier3A = arith.constant 0 : index
    tpu.barrier barrier_id(%barrier3A)
    "tpu.region"() ({
      %run_scoped3A = tpu.sem_alloc : memref<!tpu.dma_semaphore, #tpu.memory_space<semaphore_mem>>
      %dma_start3A_111 = arith.constant 0 : i32
      %dma_start3A_112 = arith.constant 0 : i32
      %dma_start3A_113 = tpu.memref_slice %arg4[%arg1, %dma_start3A_111, %dma_start3A_112] : memref<16x158x128xi32, #tpu.memory_space<hbm>> -> memref<1x158x128xi32, #tpu.memory_space<hbm>>
      %dma_start3A_114 = tpu.memref_squeeze %dma_start3A_113 : memref<1x158x128xi32, #tpu.memory_space<hbm>> -> memref<158x128xi32, #tpu.memory_space<hbm>>
      %dma_start3A_115 = arith.constant 0 : i32
      %dma_start3A_116 = arith.constant 0 : i32
      %dma_start3A_117 = tpu.memref_slice %arg4[%arg1, %dma_start3A_115, %dma_start3A_116] : memref<16x158x128xi32, #tpu.memory_space<hbm>> -> memref<1x158x128xi32, #tpu.memory_space<hbm>>
      %dma_start3A_118 = tpu.memref_squeeze %dma_start3A_117 : memref<1x158x128xi32, #tpu.memory_space<hbm>> -> memref<158x128xi32, #tpu.memory_space<hbm>>
      tpu.enqueue_dma source(%dma_start3A_118 : memref<158x128xi32, #tpu.memory_space<hbm>>) target(%arg7 : memref<158x128xi32, #tpu.memory_space<vmem>>) target_semaphore(%run_scoped3A : memref<!tpu.dma_semaphore, #tpu.memory_space<semaphore_mem>>)
      %dma_wait3A_119 = arith.constant 0 : i32
      %dma_wait3A_120 = arith.constant 0 : i32
      %dma_wait3A_121 = tpu.memref_slice %arg4[%arg1, %dma_wait3A_119, %dma_wait3A_120] : memref<16x158x128xi32, #tpu.memory_space<hbm>> -> memref<1x158x128xi32, #tpu.memory_space<hbm>>
      %dma_wait3A_122 = tpu.memref_squeeze %dma_wait3A_121 : memref<1x158x128xi32, #tpu.memory_space<hbm>> -> memref<158x128xi32, #tpu.memory_space<hbm>>
      %dma_wait3A_123 = arith.constant 0 : i32
      %dma_wait3A_124 = arith.constant 0 : i32
      %dma_wait3A_125 = tpu.memref_slice %arg4[%arg1, %dma_wait3A_123, %dma_wait3A_124] : memref<16x158x128xi32, #tpu.memory_space<hbm>> -> memref<1x158x128xi32, #tpu.memory_space<hbm>>
      %dma_wait3A_126 = tpu.memref_squeeze %dma_wait3A_125 : memref<1x158x128xi32, #tpu.memory_space<hbm>> -> memref<158x128xi32, #tpu.memory_space<hbm>>
      tpu.wait_dma2 semaphore(%run_scoped3A : memref<!tpu.dma_semaphore, #tpu.memory_space<semaphore_mem>>) src(%dma_wait3A_126 : memref<158x128xi32, #tpu.memory_space<hbm>>) dst(%arg7 : memref<158x128xi32, #tpu.memory_space<vmem>>)
      tpu.yield
    }) : () -> ()
    "tpu.region"() ({
      %run_scoped3A = tpu.sem_alloc : memref<!tpu.dma_semaphore, #tpu.memory_space<semaphore_mem>>
      %dma_start3A_111 = arith.constant 0 : i32
      %dma_start3A_112 = arith.constant 0 : i32
      %dma_start3A_113 = tpu.memref_slice %arg5[%arg1, %dma_start3A_111, %dma_start3A_112] : memref<16x158x128xi32, #tpu.memory_space<hbm>> -> memref<1x158x128xi32, #tpu.memory_space<hbm>>
      %dma_start3A_114 = tpu.memref_squeeze %dma_start3A_113 : memref<1x158x128xi32, #tpu.memory_space<hbm>> -> memref<158x128xi32, #tpu.memory_space<hbm>>
      %dma_start3A_115 = arith.constant 0 : i32
      %dma_start3A_116 = arith.constant 0 : i32
      %dma_start3A_117 = tpu.memref_slice %arg5[%arg1, %dma_start3A_115, %dma_start3A_116] : memref<16x158x128xi32, #tpu.memory_space<hbm>> -> memref<1x158x128xi32, #tpu.memory_space<hbm>>
      %dma_start3A_118 = tpu.memref_squeeze %dma_start3A_117 : memref<1x158x128xi32, #tpu.memory_space<hbm>> -> memref<158x128xi32, #tpu.memory_space<hbm>>
      tpu.enqueue_dma source(%dma_start3A_118 : memref<158x128xi32, #tpu.memory_space<hbm>>) target(%arg8 : memref<158x128xi32, #tpu.memory_space<vmem>>) target_semaphore(%run_scoped3A : memref<!tpu.dma_semaphore, #tpu.memory_space<semaphore_mem>>)
      %dma_wait3A_119 = arith.constant 0 : i32
      %dma_wait3A_120 = arith.constant 0 : i32
      %dma_wait3A_121 = tpu.memref_slice %arg5[%arg1, %dma_wait3A_119, %dma_wait3A_120] : memref<16x158x128xi32, #tpu.memory_space<hbm>> -> memref<1x158x128xi32, #tpu.memory_space<hbm>>
      %dma_wait3A_122 = tpu.memref_squeeze %dma_wait3A_121 : memref<1x158x128xi32, #tpu.memory_space<hbm>> -> memref<158x128xi32, #tpu.memory_space<hbm>>
      %dma_wait3A_123 = arith.constant 0 : i32
      %dma_wait3A_124 = arith.constant 0 : i32
      %dma_wait3A_125 = tpu.memref_slice %arg5[%arg1, %dma_wait3A_123, %dma_wait3A_124] : memref<16x158x128xi32, #tpu.memory_space<hbm>> -> memref<1x158x128xi32, #tpu.memory_space<hbm>>
      %dma_wait3A_126 = tpu.memref_squeeze %dma_wait3A_125 : memref<1x158x128xi32, #tpu.memory_space<hbm>> -> memref<158x128xi32, #tpu.memory_space<hbm>>
      tpu.wait_dma2 semaphore(%run_scoped3A : memref<!tpu.dma_semaphore, #tpu.memory_space<semaphore_mem>>) src(%dma_wait3A_126 : memref<158x128xi32, #tpu.memory_space<hbm>>) dst(%arg8 : memref<158x128xi32, #tpu.memory_space<vmem>>)
      tpu.yield
    }) : () -> ()
    %mul3A_24 = arith.constant 10000 : i32
    %mul3A_25 = arith.muli %arg0, %mul3A_24 : i32
    %scan3A_26 = arith.constant 0 : i32
    %scan3A_27 = arith.constant 0 : i32
    %scan3A_28 = arith.constant 158 : i32
    %scan3A_29 = arith.addi %scan3A_27, %scan3A_28 : i32
    %scan3A_30 = arith.constant 1 : i32
    %scan3A_31 = scf.for %scan3A_111 = %scan3A_27 to %scan3A_29 step %scan3A_30 iter_args(%scan3A_112 = %scan3A_26) -> (i32)  : i32 {
      %get3A = arith.index_cast %scan3A_111 : i32 to index
      %get3A_113 = arith.constant 0 : index
      %get3A_114 = tpu.vector_load %arg7[%get3A, %get3A_113] {strides = array<i32>} : memref<158x128xi32, #tpu.memory_space<vmem>>, vector<1x16xi32>,
      %get3A_115 = vector.shape_cast %get3A_114 : vector<1x16xi32> to vector<16xi32>
      %add3A_116 = vector.broadcast %mul3A_25 : i32 to vector<16xi32>
      %add3A_117 = arith.addi %get3A_115, %add3A_116 : vector<16xi32>
      %swap3A = arith.index_cast %scan3A_111 : i32 to index
      %swap3A_118 = arith.constant 0 : index
      %swap3A_119 = tpu.vector_load %arg7[%swap3A, %swap3A_118] {strides = array<i32>} : memref<158x128xi32, #tpu.memory_space<vmem>>, vector<1x16xi32>,
      %swap3A_120 = vector.shape_cast %swap3A_119 : vector<1x16xi32> to vector<16xi32>
      %swap3A_121 = vector.shape_cast %add3A_117 : vector<16xi32> to vector<1x16xi32>
      tpu.vector_store %arg7[%swap3A, %swap3A_118], %swap3A_121 {strides = array<i32>} : memref<158x128xi32, #tpu.memory_space<vmem>>, vector<1x16xi32>,
      %get3A_122 = arith.index_cast %scan3A_111 : i32 to index
      %get3A_123 = arith.constant 16 : index
      %get3A_124 = tpu.vector_load %arg7[%get3A_122, %get3A_123] {strides = array<i32>} : memref<158x128xi32, #tpu.memory_space<vmem>>, vector<1x16xi32>,
      %get3A_125 = vector.shape_cast %get3A_124 : vector<1x16xi32> to vector<16xi32>
      %add3A_126 = vector.broadcast %mul3A_25 : i32 to vector<16xi32>
      %add3A_127 = arith.addi %get3A_125, %add3A_126 : vector<16xi32>
      %swap3A_128 = arith.index_cast %scan3A_111 : i32 to index
      %swap3A_129 = arith.constant 16 : index
      %swap3A_130 = tpu.vector_load %arg7[%swap3A_128, %swap3A_129] {strides = array<i32>} : memref<158x128xi32, #tpu.memory_space<vmem>>, vector<1x16xi32>,
      %swap3A_131 = vector.shape_cast %swap3A_130 : vector<1x16xi32> to vector<16xi32>
      %swap3A_132 = vector.shape_cast %add3A_127 : vector<16xi32> to vector<1x16xi32>
      tpu.vector_store %arg7[%swap3A_128, %swap3A_129], %swap3A_132 {strides = array<i32>} : memref<158x128xi32, #tpu.memory_space<vmem>>, vector<1x16xi32>,
      %get3A_133 = arith.index_cast %scan3A_111 : i32 to index
      %get3A_134 = arith.constant 32 : index
      %get3A_135 = tpu.vector_load %arg7[%get3A_133, %get3A_134] {strides = array<i32>} : memref<158x128xi32, #tpu.memory_space<vmem>>, vector<1x16xi32>,
      %get3A_136 = vector.shape_cast %get3A_135 : vector<1x16xi32> to vector<16xi32>
      %add3A_137 = vector.broadcast %mul3A_25 : i32 to vector<16xi32>
      %add3A_138 = arith.addi %get3A_136, %add3A_137 : vector<16xi32>
      %swap3A_139 = arith.index_cast %scan3A_111 : i32 to index
      %swap3A_140 = arith.constant 32 : index
      %swap3A_141 = tpu.vector_load %arg7[%swap3A_139, %swap3A_140] {strides = array<i32>} : memref<158x128xi32, #tpu.memory_space<vmem>>, vector<1x16xi32>,
      %swap3A_142 = vector.shape_cast %swap3A_141 : vector<1x16xi32> to vector<16xi32>
      %swap3A_143 = vector.shape_cast %add3A_138 : vector<16xi32> to vector<1x16xi32>
      tpu.vector_store %arg7[%swap3A_139, %swap3A_140], %swap3A_143 {strides = array<i32>} : memref<158x128xi32, #tpu.memory_space<vmem>>, vector<1x16xi32>,
      %get3A_144 = arith.index_cast %scan3A_111 : i32 to index
      %get3A_145 = arith.constant 48 : index
      %get3A_146 = tpu.vector_load %arg7[%get3A_144, %get3A_145] {strides = array<i32>} : memref<158x128xi32, #tpu.memory_space<vmem>>, vector<1x16xi32>,
      %get3A_147 = vector.shape_cast %get3A_146 : vector<1x16xi32> to vector<16xi32>
      %add3A_148 = vector.broadcast %mul3A_25 : i32 to vector<16xi32>
      %add3A_149 = arith.addi %get3A_147, %add3A_148 : vector<16xi32>
      %swap3A_150 = arith.index_cast %scan3A_111 : i32 to index
      %swap3A_151 = arith.constant 48 : index
      %swap3A_152 = tpu.vector_load %arg7[%swap3A_150, %swap3A_151] {strides = array<i32>} : memref<158x128xi32, #tpu.memory_space<vmem>>, vector<1x16xi32>,
      %swap3A_153 = vector.shape_cast %swap3A_152 : vector<1x16xi32> to vector<16xi32>
      %swap3A_154 = vector.shape_cast %add3A_149 : vector<16xi32> to vector<1x16xi32>
      tpu.vector_store %arg7[%swap3A_150, %swap3A_151], %swap3A_154 {strides = array<i32>} : memref<158x128xi32, #tpu.memory_space<vmem>>, vector<1x16xi32>,
      %get3A_155 = arith.index_cast %scan3A_111 : i32 to index
      %get3A_156 = arith.constant 64 : index
      %get3A_157 = tpu.vector_load %arg7[%get3A_155, %get3A_156] {strides = array<i32>} : memref<158x128xi32, #tpu.memory_space<vmem>>, vector<1x16xi32>,
      %get3A_158 = vector.shape_cast %get3A_157 : vector<1x16xi32> to vector<16xi32>
      %add3A_159 = vector.broadcast %mul3A_25 : i32 to vector<16xi32>
      %add3A_160 = arith.addi %get3A_158, %add3A_159 : vector<16xi32>
      %swap3A_161 = arith.index_cast %scan3A_111 : i32 to index
      %swap3A_162 = arith.constant 64 : index
      %swap3A_163 = tpu.vector_load %arg7[%swap3A_161, %swap3A_162] {strides = array<i32>} : memref<158x128xi32, #tpu.memory_space<vmem>>, vector<1x16xi32>,
      %swap3A_164 = vector.shape_cast %swap3A_163 : vector<1x16xi32> to vector<16xi32>
      %swap3A_165 = vector.shape_cast %add3A_160 : vector<16xi32> to vector<1x16xi32>
      tpu.vector_store %arg7[%swap3A_161, %swap3A_162], %swap3A_165 {strides = array<i32>} : memref<158x128xi32, #tpu.memory_space<vmem>>, vector<1x16xi32>,
      %get3A_166 = arith.index_cast %scan3A_111 : i32 to index
      %get3A_167 = arith.constant 80 : index
      %get3A_168 = tpu.vector_load %arg7[%get3A_166, %get3A_167] {strides = array<i32>} : memref<158x128xi32, #tpu.memory_space<vmem>>, vector<1x16xi32>,
      %get3A_169 = vector.shape_cast %get3A_168 : vector<1x16xi32> to vector<16xi32>
      %add3A_170 = vector.broadcast %mul3A_25 : i32 to vector<16xi32>
      %add3A_171 = arith.addi %get3A_169, %add3A_170 : vector<16xi32>
      %swap3A_172 = arith.index_cast %scan3A_111 : i32 to index
      %swap3A_173 = arith.constant 80 : index
      %swap3A_174 = tpu.vector_load %arg7[%swap3A_172, %swap3A_173] {strides = array<i32>} : memref<158x128xi32, #tpu.memory_space<vmem>>, vector<1x16xi32>,
      %swap3A_175 = vector.shape_cast %swap3A_174 : vector<1x16xi32> to vector<16xi32>
      %swap3A_176 = vector.shape_cast %add3A_171 : vector<16xi32> to vector<1x16xi32>
      tpu.vector_store %arg7[%swap3A_172, %swap3A_173], %swap3A_176 {strides = array<i32>} : memref<158x128xi32, #tpu.memory_space<vmem>>, vector<1x16xi32>,
      %get3A_177 = arith.index_cast %scan3A_111 : i32 to index
      %get3A_178 = arith.constant 96 : index
      %get3A_179 = tpu.vector_load %arg7[%get3A_177, %get3A_178] {strides = array<i32>} : memref<158x128xi32, #tpu.memory_space<vmem>>, vector<1x16xi32>,
      %get3A_180 = vector.shape_cast %get3A_179 : vector<1x16xi32> to vector<16xi32>
      %add3A_181 = vector.broadcast %mul3A_25 : i32 to vector<16xi32>
      %add3A_182 = arith.addi %get3A_180, %add3A_181 : vector<16xi32>
      %swap3A_183 = arith.index_cast %scan3A_111 : i32 to index
      %swap3A_184 = arith.constant 96 : index
      %swap3A_185 = tpu.vector_load %arg7[%swap3A_183, %swap3A_184] {strides = array<i32>} : memref<158x128xi32, #tpu.memory_space<vmem>>, vector<1x16xi32>,
      %swap3A_186 = vector.shape_cast %swap3A_185 : vector<1x16xi32> to vector<16xi32>
      %swap3A_187 = vector.shape_cast %add3A_182 : vector<16xi32> to vector<1x16xi32>
      tpu.vector_store %arg7[%swap3A_183, %swap3A_184], %swap3A_187 {strides = array<i32>} : memref<158x128xi32, #tpu.memory_space<vmem>>, vector<1x16xi32>,
      %get3A_188 = arith.index_cast %scan3A_111 : i32 to index
      %get3A_189 = arith.constant 112 : index
      %get3A_190 = tpu.vector_load %arg7[%get3A_188, %get3A_189] {strides = array<i32>} : memref<158x128xi32, #tpu.memory_space<vmem>>, vector<1x16xi32>,
      %get3A_191 = vector.shape_cast %get3A_190 : vector<1x16xi32> to vector<16xi32>
      %add3A_192 = vector.broadcast %mul3A_25 : i32 to vector<16xi32>
      %add3A_193 = arith.addi %get3A_191, %add3A_192 : vector<16xi32>
      %swap3A_194 = arith.index_cast %scan3A_111 : i32 to index
      %swap3A_195 = arith.constant 112 : index
      %swap3A_196 = tpu.vector_load %arg7[%swap3A_194, %swap3A_195] {strides = array<i32>} : memref<158x128xi32, #tpu.memory_space<vmem>>, vector<1x16xi32>,
      %swap3A_197 = vector.shape_cast %swap3A_196 : vector<1x16xi32> to vector<16xi32>
      %swap3A_198 = vector.shape_cast %add3A_193 : vector<16xi32> to vector<1x16xi32>
      tpu.vector_store %arg7[%swap3A_194, %swap3A_195], %swap3A_198 {strides = array<i32>} : memref<158x128xi32, #tpu.memory_space<vmem>>, vector<1x16xi32>,
      %scan3A_199 = arith.constant 0 : i32
      scf.yield %scan3A_199 : i32
    }
    %scan3A_32 = arith.constant 158 : i32
    %mul3A_33 = arith.constant 158 : i32
    %mul3A_34 = arith.muli %arg1, %mul3A_33 : i32
    %add3A_35 = arith.constant 0 : i32
    %add3A_36 = arith.addi %mul3A_34, %add3A_35 : i32
    %mul3A_37 = arith.constant 128 : i32
    %mul3A_38 = arith.muli %add3A_36, %mul3A_37 : i32
    %dma_start3A = arith.constant 0 : i32
    %dma_start3A_39 = arith.constant 0 : i32
    %dma_start3A_40 = tpu.memref_slice %arg7[%dma_start3A, %dma_start3A_39] : memref<158x128xi32, #tpu.memory_space<vmem>> -> memref<1x128xi32, #tpu.memory_space<vmem>>
    %dma_start3A_41 = tpu.memref_squeeze %dma_start3A_40 : memref<1x128xi32, #tpu.memory_space<vmem>> -> memref<128xi32, #tpu.memory_space<vmem>>
    %dma_start3A_42 = arith.constant 0 : i32
    %dma_start3A_43 = arith.constant 0 : i32
    %dma_start3A_44 = tpu.memref_slice %arg2[%dma_start3A_42, %dma_start3A_43] : memref<20000x64xf32, #tpu.memory_space<hbm>> -> memref<20000x64xf32, #tpu.memory_space<hbm>>
    tpu.enqueue_indirect_dma source(%dma_start3A_44 : memref<20000x64xf32, #tpu.memory_space<hbm>>) target(%arg9 : memref<128x64xf32, #tpu.memory_space<vmem>>) offsets(%dma_start3A_41 : memref<128xi32, #tpu.memory_space<vmem>>) semaphore(%arg16 : memref<!tpu.dma_semaphore, #tpu.memory_space<semaphore_mem>>)
    %dma_start3A_45 = arith.constant 0 : i32
    %dma_start3A_46 = tpu.memref_slice %arg3[%arg0, %mul3A_38, %dma_start3A_45] : memref<2x323584x32xi32, #tpu.memory_space<hbm>> -> memref<1x128x32xi32, #tpu.memory_space<hbm>>
    %dma_start3A_47 = tpu.memref_squeeze %dma_start3A_46 : memref<1x128x32xi32, #tpu.memory_space<hbm>> -> memref<128x32xi32, #tpu.memory_space<hbm>>
    %dma_start3A_48 = arith.constant 0 : i32
    %dma_start3A_49 = tpu.memref_slice %arg3[%arg0, %mul3A_38, %dma_start3A_48] : memref<2x323584x32xi32, #tpu.memory_space<hbm>> -> memref<1x128x32xi32, #tpu.memory_space<hbm>>
    %dma_start3A_50 = tpu.memref_squeeze %dma_start3A_49 : memref<1x128x32xi32, #tpu.memory_space<hbm>> -> memref<128x32xi32, #tpu.memory_space<hbm>>
    tpu.enqueue_dma source(%dma_start3A_50 : memref<128x32xi32, #tpu.memory_space<hbm>>) target(%arg11 : memref<128x32xi32, #tpu.memory_space<vmem>>) target_semaphore(%arg18 : memref<!tpu.dma_semaphore, #tpu.memory_space<semaphore_mem>>)
    %mul3A_51 = arith.constant 158 : i32
    %mul3A_52 = arith.muli %arg1, %mul3A_51 : i32
    %add3A_53 = arith.constant 1 : i32
    %add3A_54 = arith.addi %mul3A_52, %add3A_53 : i32
    %mul3A_55 = arith.constant 128 : i32
    %mul3A_56 = arith.muli %add3A_54, %mul3A_55 : i32
    %dma_start3A_57 = arith.constant 1 : i32
    %dma_start3A_58 = arith.constant 0 : i32
    %dma_start3A_59 = tpu.memref_slice %arg7[%dma_start3A_57, %dma_start3A_58] : memref<158x128xi32, #tpu.memory_space<vmem>> -> memref<1x128xi32, #tpu.memory_space<vmem>>
    %dma_start3A_60 = tpu.memref_squeeze %dma_start3A_59 : memref<1x128xi32, #tpu.memory_space<vmem>> -> memref<128xi32, #tpu.memory_space<vmem>>
    %dma_start3A_61 = arith.constant 0 : i32
    %dma_start3A_62 = arith.constant 0 : i32
    %dma_start3A_63 = tpu.memref_slice %arg2[%dma_start3A_61, %dma_start3A_62] : memref<20000x64xf32, #tpu.memory_space<hbm>> -> memref<20000x64xf32, #tpu.memory_space<hbm>>
    tpu.enqueue_indirect_dma source(%dma_start3A_63 : memref<20000x64xf32, #tpu.memory_space<hbm>>) target(%arg10 : memref<128x64xf32, #tpu.memory_space<vmem>>) offsets(%dma_start3A_60 : memref<128xi32, #tpu.memory_space<vmem>>) semaphore(%arg17 : memref<!tpu.dma_semaphore, #tpu.memory_space<semaphore_mem>>)
    %dma_start3A_64 = arith.constant 0 : i32
    %dma_start3A_65 = tpu.memref_slice %arg3[%arg0, %mul3A_56, %dma_start3A_64] : memref<2x323584x32xi32, #tpu.memory_space<hbm>> -> memref<1x128x32xi32, #tpu.memory_space<hbm>>
    %dma_start3A_66 = tpu.memref_squeeze %dma_start3A_65 : memref<1x128x32xi32, #tpu.memory_space<hbm>> -> memref<128x32xi32, #tpu.memory_space<hbm>>
    %dma_start3A_67 = arith.constant 0 : i32
    %dma_start3A_68 = tpu.memref_slice %arg3[%arg0, %mul3A_56, %dma_start3A_67] : memref<2x323584x32xi32, #tpu.memory_space<hbm>> -> memref<1x128x32xi32, #tpu.memory_space<hbm>>
    %dma_start3A_69 = tpu.memref_squeeze %dma_start3A_68 : memref<1x128x32xi32, #tpu.memory_space<hbm>> -> memref<128x32xi32, #tpu.memory_space<hbm>>
    tpu.enqueue_dma source(%dma_start3A_69 : memref<128x32xi32, #tpu.memory_space<hbm>>) target(%arg12 : memref<128x32xi32, #tpu.memory_space<vmem>>) target_semaphore(%arg19 : memref<!tpu.dma_semaphore, #tpu.memory_space<semaphore_mem>>)
    %scan3A_70 = arith.constant 0 : i32
    %scan3A_71 = arith.constant 0 : i32
    %scan3A_72 = arith.constant 79 : i32
    %scan3A_73 = arith.addi %scan3A_71, %scan3A_72 : i32
    %scan3A_74 = arith.constant 1 : i32
    %scan3A_75 = scf.for %scan3A_111 = %scan3A_71 to %scan3A_73 step %scan3A_74 iter_args(%scan3A_112 = %scan3A_70) -> (i32)  : i32 {
      %mul3A_113 = arith.constant 2 : i32
      %mul3A_114 = arith.muli %scan3A_111, %mul3A_113 : i32
      %add3A_115 = arith.constant 0 : i32
      %add3A_116 = arith.addi %mul3A_114, %add3A_115 : i32
      %mul3A_117 = arith.constant 158 : i32
      %mul3A_118 = arith.muli %arg1, %mul3A_117 : i32
      %add3A_119 = arith.addi %mul3A_118, %add3A_116 : i32
      %mul3A_120 = arith.constant 128 : i32
      %mul3A_121 = arith.muli %add3A_119, %mul3A_120 : i32
      %dma_wait3A_122 = arith.constant 0 : i32
      %dma_wait3A_123 = tpu.memref_slice %arg7[%add3A_116, %dma_wait3A_122] : memref<158x128xi32, #tpu.memory_space<vmem>> -> memref<1x128xi32, #tpu.memory_space<vmem>>
      %dma_wait3A_124 = tpu.memref_squeeze %dma_wait3A_123 : memref<1x128xi32, #tpu.memory_space<vmem>> -> memref<128xi32, #tpu.memory_space<vmem>>
      %dma_wait3A_125 = arith.constant 0 : i32
      %dma_wait3A_126 = arith.constant 0 : i32
      %dma_wait3A_127 = tpu.memref_slice %arg2[%dma_wait3A_125, %dma_wait3A_126] : memref<20000x64xf32, #tpu.memory_space<hbm>> -> memref<20000x64xf32, #tpu.memory_space<hbm>>
      tpu.wait_indirect_dma semaphore(%arg16 : memref<!tpu.dma_semaphore, #tpu.memory_space<semaphore_mem>>) src(%dma_wait3A_127 : memref<20000x64xf32, #tpu.memory_space<hbm>>) dst(%arg9 : memref<128x64xf32, #tpu.memory_space<vmem>>)
      %dma_wait3A_128 = arith.constant 0 : i32
      %dma_wait3A_129 = tpu.memref_slice %arg3[%arg0, %mul3A_121, %dma_wait3A_128] : memref<2x323584x32xi32, #tpu.memory_space<hbm>> -> memref<1x128x32xi32, #tpu.memory_space<hbm>>
      %dma_wait3A_130 = tpu.memref_squeeze %dma_wait3A_129 : memref<1x128x32xi32, #tpu.memory_space<hbm>> -> memref<128x32xi32, #tpu.memory_space<hbm>>
      %dma_wait3A_131 = arith.constant 0 : i32
      %dma_wait3A_132 = tpu.memref_slice %arg3[%arg0, %mul3A_121, %dma_wait3A_131] : memref<2x323584x32xi32, #tpu.memory_space<hbm>> -> memref<1x128x32xi32, #tpu.memory_space<hbm>>
      %dma_wait3A_133 = tpu.memref_squeeze %dma_wait3A_132 : memref<1x128x32xi32, #tpu.memory_space<hbm>> -> memref<128x32xi32, #tpu.memory_space<hbm>>
      tpu.wait_dma2 semaphore(%arg18 : memref<!tpu.dma_semaphore, #tpu.memory_space<semaphore_mem>>) src(%dma_wait3A_133 : memref<128x32xi32, #tpu.memory_space<hbm>>) dst(%arg11 : memref<128x32xi32, #tpu.memory_space<vmem>>)
      %ge3A = arith.constant 2 : i32
      %ge3A_134 = arith.cmpi sge, %add3A_116, %ge3A : i32
      %convert_element_type3A = arith.extui %ge3A_134 : i1 to i32
      %cond3A = arith.constant 0 : i32
      %cond3A_135 = arith.cmpi ne, %convert_element_type3A, %cond3A : i32
      scf.if %cond3A_135 {
        %sub3A = arith.constant 2 : i32
        %sub3A_193 = arith.subi %add3A_116, %sub3A : i32
        %dma_wait3A_194 = arith.constant 0 : i32
        %dma_wait3A_195 = tpu.memref_slice %arg8[%sub3A_193, %dma_wait3A_194] : memref<158x128xi32, #tpu.memory_space<vmem>> -> memref<1x128xi32, #tpu.memory_space<vmem>>
        %dma_wait3A_196 = tpu.memref_squeeze %dma_wait3A_195 : memref<1x128xi32, #tpu.memory_space<vmem>> -> memref<128xi32, #tpu.memory_space<vmem>>
        %dma_wait3A_197 = arith.constant 0 : i32
        %dma_wait3A_198 = arith.constant 0 : i32
        %dma_wait3A_199 = tpu.memref_slice %arg15[%dma_wait3A_197, %dma_wait3A_198] : memref<10240x64xf32, #tpu.memory_space<vmem_shared>> -> memref<10240x64xf32, #tpu.memory_space<vmem_shared>>
        tpu.wait_indirect_dma semaphore(%arg20 : memref<!tpu.dma_semaphore, #tpu.memory_space<semaphore_mem>>) src(%arg13 : memref<128x64xf32, #tpu.memory_space<vmem>>) dst(%dma_wait3A_199 : memref<10240x64xf32, #tpu.memory_space<vmem_shared>>)
      } else {
      }
      %parallel_loop3A = arith.constant 0 : i32
      %parallel_loop3A_136 = arith.constant 128 : i32
      %parallel_loop3A_137 = arith.constant 1 : i32
      scf.for %parallel_loop3A_193 = %parallel_loop3A to %parallel_loop3A_136 step %parallel_loop3A_137  : i32 {
        %parallel_loop3A_194 = arith.index_cast %parallel_loop3A_193 : i32 to index
        %parallel_loop3A_195 = arith.constant 0 : index
        %parallel_loop3A_196 = tpu.vector_load %arg11[%parallel_loop3A_194, %parallel_loop3A_195] {strides = array<i32>} : memref<128x32xi32, #tpu.memory_space<vmem>>, vector<1x16xi32>,
        %parallel_loop3A_197 = vector.shape_cast %parallel_loop3A_196 : vector<1x16xi32> to vector<16xi32>
        %parallel_loop3A_198 = arith.constant 16 : i32
        %parallel_loop3A_199 = vector.broadcast %parallel_loop3A_198 : i32 to vector<16xi32>
        %parallel_loop3A_200 = arith.shli %parallel_loop3A_197, %parallel_loop3A_199 : vector<16xi32>
        %parallel_loop3A_201 = tpu.bitcast %parallel_loop3A_200 : vector<16xi32> -> vector<16xf32>
        %parallel_loop3A_202 = arith.constant -65536 : i32
        %parallel_loop3A_203 = vector.broadcast %parallel_loop3A_202 : i32 to vector<16xi32>
        %parallel_loop3A_204 = arith.andi %parallel_loop3A_197, %parallel_loop3A_203 : vector<16xi32>
        %parallel_loop3A_205 = tpu.bitcast %parallel_loop3A_204 : vector<16xi32> -> vector<16xf32>
        %parallel_loop3A_206 = arith.index_cast %parallel_loop3A_193 : i32 to index
        %parallel_loop3A_207 = arith.constant 0 : index
        %parallel_loop3A_208 = tpu.vector_load %arg9[%parallel_loop3A_206, %parallel_loop3A_207] {strides = array<i32>} : memref<128x64xf32, #tpu.memory_space<vmem>>, vector<1x16xf32>,
        %parallel_loop3A_209 = vector.shape_cast %parallel_loop3A_208 : vector<1x16xf32> to vector<16xf32>
        %parallel_loop3A_210 = arith.addf %parallel_loop3A_209, %parallel_loop3A_201 : vector<16xf32>
        %parallel_loop3A_211 = arith.constant 0.000000e+00 : f32
        %parallel_loop3A_212 = vector.broadcast %parallel_loop3A_211 : f32 to vector<16xf32>
        %parallel_loop3A_213 = arith.maximumf %parallel_loop3A_210, %parallel_loop3A_212 : vector<16xf32>
        %parallel_loop3A_214 = arith.index_cast %parallel_loop3A_193 : i32 to index
        %parallel_loop3A_215 = arith.constant 0 : index
        %parallel_loop3A_216 = tpu.vector_load %arg13[%parallel_loop3A_214, %parallel_loop3A_215] {strides = array<i32>} : memref<128x64xf32, #tpu.memory_space<vmem>>, vector<1x16xf32>,
        %parallel_loop3A_217 = vector.shape_cast %parallel_loop3A_216 : vector<1x16xf32> to vector<16xf32>
        %parallel_loop3A_218 = vector.shape_cast %parallel_loop3A_213 : vector<16xf32> to vector<1x16xf32>
        tpu.vector_store %arg13[%parallel_loop3A_214, %parallel_loop3A_215], %parallel_loop3A_218 {strides = array<i32>} : memref<128x64xf32, #tpu.memory_space<vmem>>, vector<1x16xf32>,
        %parallel_loop3A_219 = arith.index_cast %parallel_loop3A_193 : i32 to index
        %parallel_loop3A_220 = arith.constant 16 : index
        %parallel_loop3A_221 = tpu.vector_load %arg9[%parallel_loop3A_219, %parallel_loop3A_220] {strides = array<i32>} : memref<128x64xf32, #tpu.memory_space<vmem>>, vector<1x16xf32>,
        %parallel_loop3A_222 = vector.shape_cast %parallel_loop3A_221 : vector<1x16xf32> to vector<16xf32>
        %parallel_loop3A_223 = arith.addf %parallel_loop3A_222, %parallel_loop3A_205 : vector<16xf32>
        %parallel_loop3A_224 = arith.constant 0.000000e+00 : f32
        %parallel_loop3A_225 = vector.broadcast %parallel_loop3A_224 : f32 to vector<16xf32>
        %parallel_loop3A_226 = arith.maximumf %parallel_loop3A_223, %parallel_loop3A_225 : vector<16xf32>
        %parallel_loop3A_227 = arith.index_cast %parallel_loop3A_193 : i32 to index
        %parallel_loop3A_228 = arith.constant 16 : index
        %parallel_loop3A_229 = tpu.vector_load %arg13[%parallel_loop3A_227, %parallel_loop3A_228] {strides = array<i32>} : memref<128x64xf32, #tpu.memory_space<vmem>>, vector<1x16xf32>,
        %parallel_loop3A_230 = vector.shape_cast %parallel_loop3A_229 : vector<1x16xf32> to vector<16xf32>
        %parallel_loop3A_231 = vector.shape_cast %parallel_loop3A_226 : vector<16xf32> to vector<1x16xf32>
        tpu.vector_store %arg13[%parallel_loop3A_227, %parallel_loop3A_228], %parallel_loop3A_231 {strides = array<i32>} : memref<128x64xf32, #tpu.memory_space<vmem>>, vector<1x16xf32>,
        %parallel_loop3A_232 = arith.index_cast %parallel_loop3A_193 : i32 to index
        %parallel_loop3A_233 = arith.constant 16 : index
        %parallel_loop3A_234 = tpu.vector_load %arg11[%parallel_loop3A_232, %parallel_loop3A_233] {strides = array<i32>} : memref<128x32xi32, #tpu.memory_space<vmem>>, vector<1x16xi32>,
        %parallel_loop3A_235 = vector.shape_cast %parallel_loop3A_234 : vector<1x16xi32> to vector<16xi32>
        %parallel_loop3A_236 = arith.constant 16 : i32
        %parallel_loop3A_237 = vector.broadcast %parallel_loop3A_236 : i32 to vector<16xi32>
        %parallel_loop3A_238 = arith.shli %parallel_loop3A_235, %parallel_loop3A_237 : vector<16xi32>
        %parallel_loop3A_239 = tpu.bitcast %parallel_loop3A_238 : vector<16xi32> -> vector<16xf32>
        %parallel_loop3A_240 = arith.constant -65536 : i32
        %parallel_loop3A_241 = vector.broadcast %parallel_loop3A_240 : i32 to vector<16xi32>
        %parallel_loop3A_242 = arith.andi %parallel_loop3A_235, %parallel_loop3A_241 : vector<16xi32>
        %parallel_loop3A_243 = tpu.bitcast %parallel_loop3A_242 : vector<16xi32> -> vector<16xf32>
        %parallel_loop3A_244 = arith.index_cast %parallel_loop3A_193 : i32 to index
        %parallel_loop3A_245 = arith.constant 32 : index
        %parallel_loop3A_246 = tpu.vector_load %arg9[%parallel_loop3A_244, %parallel_loop3A_245] {strides = array<i32>} : memref<128x64xf32, #tpu.memory_space<vmem>>, vector<1x16xf32>,
        %parallel_loop3A_247 = vector.shape_cast %parallel_loop3A_246 : vector<1x16xf32> to vector<16xf32>
        %parallel_loop3A_248 = arith.addf %parallel_loop3A_247, %parallel_loop3A_239 : vector<16xf32>
        %parallel_loop3A_249 = arith.constant 0.000000e+00 : f32
        %parallel_loop3A_250 = vector.broadcast %parallel_loop3A_249 : f32 to vector<16xf32>
        %parallel_loop3A_251 = arith.maximumf %parallel_loop3A_248, %parallel_loop3A_250 : vector<16xf32>
        %parallel_loop3A_252 = arith.index_cast %parallel_loop3A_193 : i32 to index
        %parallel_loop3A_253 = arith.constant 32 : index
        %parallel_loop3A_254 = tpu.vector_load %arg13[%parallel_loop3A_252, %parallel_loop3A_253] {strides = array<i32>} : memref<128x64xf32, #tpu.memory_space<vmem>>, vector<1x16xf32>,
        %parallel_loop3A_255 = vector.shape_cast %parallel_loop3A_254 : vector<1x16xf32> to vector<16xf32>
        %parallel_loop3A_256 = vector.shape_cast %parallel_loop3A_251 : vector<16xf32> to vector<1x16xf32>
        tpu.vector_store %arg13[%parallel_loop3A_252, %parallel_loop3A_253], %parallel_loop3A_256 {strides = array<i32>} : memref<128x64xf32, #tpu.memory_space<vmem>>, vector<1x16xf32>,
        %parallel_loop3A_257 = arith.index_cast %parallel_loop3A_193 : i32 to index
        %parallel_loop3A_258 = arith.constant 48 : index
        %parallel_loop3A_259 = tpu.vector_load %arg9[%parallel_loop3A_257, %parallel_loop3A_258] {strides = array<i32>} : memref<128x64xf32, #tpu.memory_space<vmem>>, vector<1x16xf32>,
        %parallel_loop3A_260 = vector.shape_cast %parallel_loop3A_259 : vector<1x16xf32> to vector<16xf32>
        %parallel_loop3A_261 = arith.addf %parallel_loop3A_260, %parallel_loop3A_243 : vector<16xf32>
        %parallel_loop3A_262 = arith.constant 0.000000e+00 : f32
        %parallel_loop3A_263 = vector.broadcast %parallel_loop3A_262 : f32 to vector<16xf32>
        %parallel_loop3A_264 = arith.maximumf %parallel_loop3A_261, %parallel_loop3A_263 : vector<16xf32>
        %parallel_loop3A_265 = arith.index_cast %parallel_loop3A_193 : i32 to index
        %parallel_loop3A_266 = arith.constant 48 : index
        %parallel_loop3A_267 = tpu.vector_load %arg13[%parallel_loop3A_265, %parallel_loop3A_266] {strides = array<i32>} : memref<128x64xf32, #tpu.memory_space<vmem>>, vector<1x16xf32>,
        %parallel_loop3A_268 = vector.shape_cast %parallel_loop3A_267 : vector<1x16xf32> to vector<16xf32>
        %parallel_loop3A_269 = vector.shape_cast %parallel_loop3A_264 : vector<16xf32> to vector<1x16xf32>
        tpu.vector_store %arg13[%parallel_loop3A_265, %parallel_loop3A_266], %parallel_loop3A_269 {strides = array<i32>} : memref<128x64xf32, #tpu.memory_space<vmem>>, vector<1x16xf32>,
      } {sc.loop_unroll_factor = 8 : i64, sc.parallel_access}
      %dma_start3A_138 = arith.constant 0 : i32
      %dma_start3A_139 = tpu.memref_slice %arg8[%add3A_116, %dma_start3A_138] : memref<158x128xi32, #tpu.memory_space<vmem>> -> memref<1x128xi32, #tpu.memory_space<vmem>>
      %dma_start3A_140 = tpu.memref_squeeze %dma_start3A_139 : memref<1x128xi32, #tpu.memory_space<vmem>> -> memref<128xi32, #tpu.memory_space<vmem>>
      %dma_start3A_141 = arith.constant 0 : i32
      %dma_start3A_142 = arith.constant 0 : i32
      %dma_start3A_143 = tpu.memref_slice %arg15[%dma_start3A_141, %dma_start3A_142] : memref<10240x64xf32, #tpu.memory_space<vmem_shared>> -> memref<10240x64xf32, #tpu.memory_space<vmem_shared>>
      tpu.enqueue_indirect_dma source(%arg13 : memref<128x64xf32, #tpu.memory_space<vmem>>) target(%dma_start3A_143 : memref<10240x64xf32, #tpu.memory_space<vmem_shared>>) offsets(%dma_start3A_140 : memref<128xi32, #tpu.memory_space<vmem>>) semaphore(%arg20 : memref<!tpu.dma_semaphore, #tpu.memory_space<semaphore_mem>>) {add = true}
      %add3A_144 = arith.constant 2 : i32
      %add3A_145 = arith.addi %add3A_116, %add3A_144 : i32
      %lt3A = arith.constant 158 : i32
      %lt3A_146 = arith.cmpi slt, %add3A_145, %lt3A : i32
      %convert_element_type3A_147 = arith.extui %lt3A_146 : i1 to i32
      %cond3A_148 = arith.constant 0 : i32
      %cond3A_149 = arith.cmpi ne, %convert_element_type3A_147, %cond3A_148 : i32
      scf.if %cond3A_149 {
        %add3A_193 = arith.constant 2 : i32
        %add3A_194 = arith.addi %add3A_116, %add3A_193 : i32
        %mul3A_195 = arith.constant 158 : i32
        %mul3A_196 = arith.muli %arg1, %mul3A_195 : i32
        %add3A_197 = arith.addi %mul3A_196, %add3A_194 : i32
        %mul3A_198 = arith.constant 128 : i32
        %mul3A_199 = arith.muli %add3A_197, %mul3A_198 : i32
        %dma_start3A_200 = arith.constant 0 : i32
        %dma_start3A_201 = tpu.memref_slice %arg7[%add3A_194, %dma_start3A_200] : memref<158x128xi32, #tpu.memory_space<vmem>> -> memref<1x128xi32, #tpu.memory_space<vmem>>
        %dma_start3A_202 = tpu.memref_squeeze %dma_start3A_201 : memref<1x128xi32, #tpu.memory_space<vmem>> -> memref<128xi32, #tpu.memory_space<vmem>>
        %dma_start3A_203 = arith.constant 0 : i32
        %dma_start3A_204 = arith.constant 0 : i32
        %dma_start3A_205 = tpu.memref_slice %arg2[%dma_start3A_203, %dma_start3A_204] : memref<20000x64xf32, #tpu.memory_space<hbm>> -> memref<20000x64xf32, #tpu.memory_space<hbm>>
        tpu.enqueue_indirect_dma source(%dma_start3A_205 : memref<20000x64xf32, #tpu.memory_space<hbm>>) target(%arg9 : memref<128x64xf32, #tpu.memory_space<vmem>>) offsets(%dma_start3A_202 : memref<128xi32, #tpu.memory_space<vmem>>) semaphore(%arg16 : memref<!tpu.dma_semaphore, #tpu.memory_space<semaphore_mem>>)
        %dma_start3A_206 = arith.constant 0 : i32
        %dma_start3A_207 = tpu.memref_slice %arg3[%arg0, %mul3A_199, %dma_start3A_206] : memref<2x323584x32xi32, #tpu.memory_space<hbm>> -> memref<1x128x32xi32, #tpu.memory_space<hbm>>
        %dma_start3A_208 = tpu.memref_squeeze %dma_start3A_207 : memref<1x128x32xi32, #tpu.memory_space<hbm>> -> memref<128x32xi32, #tpu.memory_space<hbm>>
        %dma_start3A_209 = arith.constant 0 : i32
        %dma_start3A_210 = tpu.memref_slice %arg3[%arg0, %mul3A_199, %dma_start3A_209] : memref<2x323584x32xi32, #tpu.memory_space<hbm>> -> memref<1x128x32xi32, #tpu.memory_space<hbm>>
        %dma_start3A_211 = tpu.memref_squeeze %dma_start3A_210 : memref<1x128x32xi32, #tpu.memory_space<hbm>> -> memref<128x32xi32, #tpu.memory_space<hbm>>
        tpu.enqueue_dma source(%dma_start3A_211 : memref<128x32xi32, #tpu.memory_space<hbm>>) target(%arg11 : memref<128x32xi32, #tpu.memory_space<vmem>>) target_semaphore(%arg18 : memref<!tpu.dma_semaphore, #tpu.memory_space<semaphore_mem>>)
      } else {
      }
      %mul3A_150 = arith.constant 2 : i32
      %mul3A_151 = arith.muli %scan3A_111, %mul3A_150 : i32
      %add3A_152 = arith.constant 1 : i32
      %add3A_153 = arith.addi %mul3A_151, %add3A_152 : i32
      %mul3A_154 = arith.constant 158 : i32
      %mul3A_155 = arith.muli %arg1, %mul3A_154 : i32
      %add3A_156 = arith.addi %mul3A_155, %add3A_153 : i32
      %mul3A_157 = arith.constant 128 : i32
      %mul3A_158 = arith.muli %add3A_156, %mul3A_157 : i32
      %dma_wait3A_159 = arith.constant 0 : i32
      %dma_wait3A_160 = tpu.memref_slice %arg7[%add3A_153, %dma_wait3A_159] : memref<158x128xi32, #tpu.memory_space<vmem>> -> memref<1x128xi32, #tpu.memory_space<vmem>>
      %dma_wait3A_161 = tpu.memref_squeeze %dma_wait3A_160 : memref<1x128xi32, #tpu.memory_space<vmem>> -> memref<128xi32, #tpu.memory_space<vmem>>
      %dma_wait3A_162 = arith.constant 0 : i32
      %dma_wait3A_163 = arith.constant 0 : i32
      %dma_wait3A_164 = tpu.memref_slice %arg2[%dma_wait3A_162, %dma_wait3A_163] : memref<20000x64xf32, #tpu.memory_space<hbm>> -> memref<20000x64xf32, #tpu.memory_space<hbm>>
      tpu.wait_indirect_dma semaphore(%arg17 : memref<!tpu.dma_semaphore, #tpu.memory_space<semaphore_mem>>) src(%dma_wait3A_164 : memref<20000x64xf32, #tpu.memory_space<hbm>>) dst(%arg10 : memref<128x64xf32, #tpu.memory_space<vmem>>)
      %dma_wait3A_165 = arith.constant 0 : i32
      %dma_wait3A_166 = tpu.memref_slice %arg3[%arg0, %mul3A_158, %dma_wait3A_165] : memref<2x323584x32xi32, #tpu.memory_space<hbm>> -> memref<1x128x32xi32, #tpu.memory_space<hbm>>
      %dma_wait3A_167 = tpu.memref_squeeze %dma_wait3A_166 : memref<1x128x32xi32, #tpu.memory_space<hbm>> -> memref<128x32xi32, #tpu.memory_space<hbm>>
      %dma_wait3A_168 = arith.constant 0 : i32
      %dma_wait3A_169 = tpu.memref_slice %arg3[%arg0, %mul3A_158, %dma_wait3A_168] : memref<2x323584x32xi32, #tpu.memory_space<hbm>> -> memref<1x128x32xi32, #tpu.memory_space<hbm>>
      %dma_wait3A_170 = tpu.memref_squeeze %dma_wait3A_169 : memref<1x128x32xi32, #tpu.memory_space<hbm>> -> memref<128x32xi32, #tpu.memory_space<hbm>>
      tpu.wait_dma2 semaphore(%arg19 : memref<!tpu.dma_semaphore, #tpu.memory_space<semaphore_mem>>) src(%dma_wait3A_170 : memref<128x32xi32, #tpu.memory_space<hbm>>) dst(%arg12 : memref<128x32xi32, #tpu.memory_space<vmem>>)
      %ge3A_171 = arith.constant 2 : i32
      %ge3A_172 = arith.cmpi sge, %add3A_153, %ge3A_171 : i32
      %convert_element_type3A_173 = arith.extui %ge3A_172 : i1 to i32
      %cond3A_174 = arith.constant 0 : i32
      %cond3A_175 = arith.cmpi ne, %convert_element_type3A_173, %cond3A_174 : i32
      scf.if %cond3A_175 {
        %sub3A = arith.constant 2 : i32
        %sub3A_193 = arith.subi %add3A_153, %sub3A : i32
        %dma_wait3A_194 = arith.constant 0 : i32
        %dma_wait3A_195 = tpu.memref_slice %arg8[%sub3A_193, %dma_wait3A_194] : memref<158x128xi32, #tpu.memory_space<vmem>> -> memref<1x128xi32, #tpu.memory_space<vmem>>
        %dma_wait3A_196 = tpu.memref_squeeze %dma_wait3A_195 : memref<1x128xi32, #tpu.memory_space<vmem>> -> memref<128xi32, #tpu.memory_space<vmem>>
        %dma_wait3A_197 = arith.constant 0 : i32
        %dma_wait3A_198 = arith.constant 0 : i32
        %dma_wait3A_199 = tpu.memref_slice %arg15[%dma_wait3A_197, %dma_wait3A_198] : memref<10240x64xf32, #tpu.memory_space<vmem_shared>> -> memref<10240x64xf32, #tpu.memory_space<vmem_shared>>
        tpu.wait_indirect_dma semaphore(%arg21 : memref<!tpu.dma_semaphore, #tpu.memory_space<semaphore_mem>>) src(%arg14 : memref<128x64xf32, #tpu.memory_space<vmem>>) dst(%dma_wait3A_199 : memref<10240x64xf32, #tpu.memory_space<vmem_shared>>)
      } else {
      }
      %parallel_loop3A_176 = arith.constant 0 : i32
      %parallel_loop3A_177 = arith.constant 128 : i32
      %parallel_loop3A_178 = arith.constant 1 : i32
      scf.for %parallel_loop3A_193 = %parallel_loop3A_176 to %parallel_loop3A_177 step %parallel_loop3A_178  : i32 {
        %parallel_loop3A_194 = arith.index_cast %parallel_loop3A_193 : i32 to index
        %parallel_loop3A_195 = arith.constant 0 : index
        %parallel_loop3A_196 = tpu.vector_load %arg12[%parallel_loop3A_194, %parallel_loop3A_195] {strides = array<i32>} : memref<128x32xi32, #tpu.memory_space<vmem>>, vector<1x16xi32>,
        %parallel_loop3A_197 = vector.shape_cast %parallel_loop3A_196 : vector<1x16xi32> to vector<16xi32>
        %parallel_loop3A_198 = arith.constant 16 : i32
        %parallel_loop3A_199 = vector.broadcast %parallel_loop3A_198 : i32 to vector<16xi32>
        %parallel_loop3A_200 = arith.shli %parallel_loop3A_197, %parallel_loop3A_199 : vector<16xi32>
        %parallel_loop3A_201 = tpu.bitcast %parallel_loop3A_200 : vector<16xi32> -> vector<16xf32>
        %parallel_loop3A_202 = arith.constant -65536 : i32
        %parallel_loop3A_203 = vector.broadcast %parallel_loop3A_202 : i32 to vector<16xi32>
        %parallel_loop3A_204 = arith.andi %parallel_loop3A_197, %parallel_loop3A_203 : vector<16xi32>
        %parallel_loop3A_205 = tpu.bitcast %parallel_loop3A_204 : vector<16xi32> -> vector<16xf32>
        %parallel_loop3A_206 = arith.index_cast %parallel_loop3A_193 : i32 to index
        %parallel_loop3A_207 = arith.constant 0 : index
        %parallel_loop3A_208 = tpu.vector_load %arg10[%parallel_loop3A_206, %parallel_loop3A_207] {strides = array<i32>} : memref<128x64xf32, #tpu.memory_space<vmem>>, vector<1x16xf32>,
        %parallel_loop3A_209 = vector.shape_cast %parallel_loop3A_208 : vector<1x16xf32> to vector<16xf32>
        %parallel_loop3A_210 = arith.addf %parallel_loop3A_209, %parallel_loop3A_201 : vector<16xf32>
        %parallel_loop3A_211 = arith.constant 0.000000e+00 : f32
        %parallel_loop3A_212 = vector.broadcast %parallel_loop3A_211 : f32 to vector<16xf32>
        %parallel_loop3A_213 = arith.maximumf %parallel_loop3A_210, %parallel_loop3A_212 : vector<16xf32>
        %parallel_loop3A_214 = arith.index_cast %parallel_loop3A_193 : i32 to index
        %parallel_loop3A_215 = arith.constant 0 : index
        %parallel_loop3A_216 = tpu.vector_load %arg14[%parallel_loop3A_214, %parallel_loop3A_215] {strides = array<i32>} : memref<128x64xf32, #tpu.memory_space<vmem>>, vector<1x16xf32>,
        %parallel_loop3A_217 = vector.shape_cast %parallel_loop3A_216 : vector<1x16xf32> to vector<16xf32>
        %parallel_loop3A_218 = vector.shape_cast %parallel_loop3A_213 : vector<16xf32> to vector<1x16xf32>
        tpu.vector_store %arg14[%parallel_loop3A_214, %parallel_loop3A_215], %parallel_loop3A_218 {strides = array<i32>} : memref<128x64xf32, #tpu.memory_space<vmem>>, vector<1x16xf32>,
        %parallel_loop3A_219 = arith.index_cast %parallel_loop3A_193 : i32 to index
        %parallel_loop3A_220 = arith.constant 16 : index
        %parallel_loop3A_221 = tpu.vector_load %arg10[%parallel_loop3A_219, %parallel_loop3A_220] {strides = array<i32>} : memref<128x64xf32, #tpu.memory_space<vmem>>, vector<1x16xf32>,
        %parallel_loop3A_222 = vector.shape_cast %parallel_loop3A_221 : vector<1x16xf32> to vector<16xf32>
        %parallel_loop3A_223 = arith.addf %parallel_loop3A_222, %parallel_loop3A_205 : vector<16xf32>
        %parallel_loop3A_224 = arith.constant 0.000000e+00 : f32
        %parallel_loop3A_225 = vector.broadcast %parallel_loop3A_224 : f32 to vector<16xf32>
        %parallel_loop3A_226 = arith.maximumf %parallel_loop3A_223, %parallel_loop3A_225 : vector<16xf32>
        %parallel_loop3A_227 = arith.index_cast %parallel_loop3A_193 : i32 to index
        %parallel_loop3A_228 = arith.constant 16 : index
        %parallel_loop3A_229 = tpu.vector_load %arg14[%parallel_loop3A_227, %parallel_loop3A_228] {strides = array<i32>} : memref<128x64xf32, #tpu.memory_space<vmem>>, vector<1x16xf32>,
        %parallel_loop3A_230 = vector.shape_cast %parallel_loop3A_229 : vector<1x16xf32> to vector<16xf32>
        %parallel_loop3A_231 = vector.shape_cast %parallel_loop3A_226 : vector<16xf32> to vector<1x16xf32>
        tpu.vector_store %arg14[%parallel_loop3A_227, %parallel_loop3A_228], %parallel_loop3A_231 {strides = array<i32>} : memref<128x64xf32, #tpu.memory_space<vmem>>, vector<1x16xf32>,
        %parallel_loop3A_232 = arith.index_cast %parallel_loop3A_193 : i32 to index
        %parallel_loop3A_233 = arith.constant 16 : index
        %parallel_loop3A_234 = tpu.vector_load %arg12[%parallel_loop3A_232, %parallel_loop3A_233] {strides = array<i32>} : memref<128x32xi32, #tpu.memory_space<vmem>>, vector<1x16xi32>,
        %parallel_loop3A_235 = vector.shape_cast %parallel_loop3A_234 : vector<1x16xi32> to vector<16xi32>
        %parallel_loop3A_236 = arith.constant 16 : i32
        %parallel_loop3A_237 = vector.broadcast %parallel_loop3A_236 : i32 to vector<16xi32>
        %parallel_loop3A_238 = arith.shli %parallel_loop3A_235, %parallel_loop3A_237 : vector<16xi32>
        %parallel_loop3A_239 = tpu.bitcast %parallel_loop3A_238 : vector<16xi32> -> vector<16xf32>
        %parallel_loop3A_240 = arith.constant -65536 : i32
        %parallel_loop3A_241 = vector.broadcast %parallel_loop3A_240 : i32 to vector<16xi32>
        %parallel_loop3A_242 = arith.andi %parallel_loop3A_235, %parallel_loop3A_241 : vector<16xi32>
        %parallel_loop3A_243 = tpu.bitcast %parallel_loop3A_242 : vector<16xi32> -> vector<16xf32>
        %parallel_loop3A_244 = arith.index_cast %parallel_loop3A_193 : i32 to index
        %parallel_loop3A_245 = arith.constant 32 : index
        %parallel_loop3A_246 = tpu.vector_load %arg10[%parallel_loop3A_244, %parallel_loop3A_245] {strides = array<i32>} : memref<128x64xf32, #tpu.memory_space<vmem>>, vector<1x16xf32>,
        %parallel_loop3A_247 = vector.shape_cast %parallel_loop3A_246 : vector<1x16xf32> to vector<16xf32>
        %parallel_loop3A_248 = arith.addf %parallel_loop3A_247, %parallel_loop3A_239 : vector<16xf32>
        %parallel_loop3A_249 = arith.constant 0.000000e+00 : f32
        %parallel_loop3A_250 = vector.broadcast %parallel_loop3A_249 : f32 to vector<16xf32>
        %parallel_loop3A_251 = arith.maximumf %parallel_loop3A_248, %parallel_loop3A_250 : vector<16xf32>
        %parallel_loop3A_252 = arith.index_cast %parallel_loop3A_193 : i32 to index
        %parallel_loop3A_253 = arith.constant 32 : index
        %parallel_loop3A_254 = tpu.vector_load %arg14[%parallel_loop3A_252, %parallel_loop3A_253] {strides = array<i32>} : memref<128x64xf32, #tpu.memory_space<vmem>>, vector<1x16xf32>,
        %parallel_loop3A_255 = vector.shape_cast %parallel_loop3A_254 : vector<1x16xf32> to vector<16xf32>
        %parallel_loop3A_256 = vector.shape_cast %parallel_loop3A_251 : vector<16xf32> to vector<1x16xf32>
        tpu.vector_store %arg14[%parallel_loop3A_252, %parallel_loop3A_253], %parallel_loop3A_256 {strides = array<i32>} : memref<128x64xf32, #tpu.memory_space<vmem>>, vector<1x16xf32>,
        %parallel_loop3A_257 = arith.index_cast %parallel_loop3A_193 : i32 to index
        %parallel_loop3A_258 = arith.constant 48 : index
        %parallel_loop3A_259 = tpu.vector_load %arg10[%parallel_loop3A_257, %parallel_loop3A_258] {strides = array<i32>} : memref<128x64xf32, #tpu.memory_space<vmem>>, vector<1x16xf32>,
        %parallel_loop3A_260 = vector.shape_cast %parallel_loop3A_259 : vector<1x16xf32> to vector<16xf32>
        %parallel_loop3A_261 = arith.addf %parallel_loop3A_260, %parallel_loop3A_243 : vector<16xf32>
        %parallel_loop3A_262 = arith.constant 0.000000e+00 : f32
        %parallel_loop3A_263 = vector.broadcast %parallel_loop3A_262 : f32 to vector<16xf32>
        %parallel_loop3A_264 = arith.maximumf %parallel_loop3A_261, %parallel_loop3A_263 : vector<16xf32>
        %parallel_loop3A_265 = arith.index_cast %parallel_loop3A_193 : i32 to index
        %parallel_loop3A_266 = arith.constant 48 : index
        %parallel_loop3A_267 = tpu.vector_load %arg14[%parallel_loop3A_265, %parallel_loop3A_266] {strides = array<i32>} : memref<128x64xf32, #tpu.memory_space<vmem>>, vector<1x16xf32>,
        %parallel_loop3A_268 = vector.shape_cast %parallel_loop3A_267 : vector<1x16xf32> to vector<16xf32>
        %parallel_loop3A_269 = vector.shape_cast %parallel_loop3A_264 : vector<16xf32> to vector<1x16xf32>
        tpu.vector_store %arg14[%parallel_loop3A_265, %parallel_loop3A_266], %parallel_loop3A_269 {strides = array<i32>} : memref<128x64xf32, #tpu.memory_space<vmem>>, vector<1x16xf32>,
      } {sc.loop_unroll_factor = 8 : i64, sc.parallel_access}
      %dma_start3A_179 = arith.constant 0 : i32
      %dma_start3A_180 = tpu.memref_slice %arg8[%add3A_153, %dma_start3A_179] : memref<158x128xi32, #tpu.memory_space<vmem>> -> memref<1x128xi32, #tpu.memory_space<vmem>>
      %dma_start3A_181 = tpu.memref_squeeze %dma_start3A_180 : memref<1x128xi32, #tpu.memory_space<vmem>> -> memref<128xi32, #tpu.memory_space<vmem>>
      %dma_start3A_182 = arith.constant 0 : i32
      %dma_start3A_183 = arith.constant 0 : i32
      %dma_start3A_184 = tpu.memref_slice %arg15[%dma_start3A_182, %dma_start3A_183] : memref<10240x64xf32, #tpu.memory_space<vmem_shared>> -> memref<10240x64xf32, #tpu.memory_space<vmem_shared>>
      tpu.enqueue_indirect_dma source(%arg14 : memref<128x64xf32, #tpu.memory_space<vmem>>) target(%dma_start3A_184 : memref<10240x64xf32, #tpu.memory_space<vmem_shared>>) offsets(%dma_start3A_181 : memref<128xi32, #tpu.memory_space<vmem>>) semaphore(%arg21 : memref<!tpu.dma_semaphore, #tpu.memory_space<semaphore_mem>>) {add = true}
      %add3A_185 = arith.constant 2 : i32
      %add3A_186 = arith.addi %add3A_153, %add3A_185 : i32
      %lt3A_187 = arith.constant 158 : i32
      %lt3A_188 = arith.cmpi slt, %add3A_186, %lt3A_187 : i32
      %convert_element_type3A_189 = arith.extui %lt3A_188 : i1 to i32
      %cond3A_190 = arith.constant 0 : i32
      %cond3A_191 = arith.cmpi ne, %convert_element_type3A_189, %cond3A_190 : i32
      scf.if %cond3A_191 {
        %add3A_193 = arith.constant 2 : i32
        %add3A_194 = arith.addi %add3A_153, %add3A_193 : i32
        %mul3A_195 = arith.constant 158 : i32
        %mul3A_196 = arith.muli %arg1, %mul3A_195 : i32
        %add3A_197 = arith.addi %mul3A_196, %add3A_194 : i32
        %mul3A_198 = arith.constant 128 : i32
        %mul3A_199 = arith.muli %add3A_197, %mul3A_198 : i32
        %dma_start3A_200 = arith.constant 0 : i32
        %dma_start3A_201 = tpu.memref_slice %arg7[%add3A_194, %dma_start3A_200] : memref<158x128xi32, #tpu.memory_space<vmem>> -> memref<1x128xi32, #tpu.memory_space<vmem>>
        %dma_start3A_202 = tpu.memref_squeeze %dma_start3A_201 : memref<1x128xi32, #tpu.memory_space<vmem>> -> memref<128xi32, #tpu.memory_space<vmem>>
        %dma_start3A_203 = arith.constant 0 : i32
        %dma_start3A_204 = arith.constant 0 : i32
        %dma_start3A_205 = tpu.memref_slice %arg2[%dma_start3A_203, %dma_start3A_204] : memref<20000x64xf32, #tpu.memory_space<hbm>> -> memref<20000x64xf32, #tpu.memory_space<hbm>>
        tpu.enqueue_indirect_dma source(%dma_start3A_205 : memref<20000x64xf32, #tpu.memory_space<hbm>>) target(%arg10 : memref<128x64xf32, #tpu.memory_space<vmem>>) offsets(%dma_start3A_202 : memref<128xi32, #tpu.memory_space<vmem>>) semaphore(%arg17 : memref<!tpu.dma_semaphore, #tpu.memory_space<semaphore_mem>>)
        %dma_start3A_206 = arith.constant 0 : i32
        %dma_start3A_207 = tpu.memref_slice %arg3[%arg0, %mul3A_199, %dma_start3A_206] : memref<2x323584x32xi32, #tpu.memory_space<hbm>> -> memref<1x128x32xi32, #tpu.memory_space<hbm>>
        %dma_start3A_208 = tpu.memref_squeeze %dma_start3A_207 : memref<1x128x32xi32, #tpu.memory_space<hbm>> -> memref<128x32xi32, #tpu.memory_space<hbm>>
        %dma_start3A_209 = arith.constant 0 : i32
        %dma_start3A_210 = tpu.memref_slice %arg3[%arg0, %mul3A_199, %dma_start3A_209] : memref<2x323584x32xi32, #tpu.memory_space<hbm>> -> memref<1x128x32xi32, #tpu.memory_space<hbm>>
        %dma_start3A_211 = tpu.memref_squeeze %dma_start3A_210 : memref<1x128x32xi32, #tpu.memory_space<hbm>> -> memref<128x32xi32, #tpu.memory_space<hbm>>
        tpu.enqueue_dma source(%dma_start3A_211 : memref<128x32xi32, #tpu.memory_space<hbm>>) target(%arg12 : memref<128x32xi32, #tpu.memory_space<vmem>>) target_semaphore(%arg19 : memref<!tpu.dma_semaphore, #tpu.memory_space<semaphore_mem>>)
      } else {
      }
      %scan3A_192 = arith.constant 0 : i32
      scf.yield %scan3A_192 : i32
    }
    %scan3A_76 = arith.constant 79 : i32
    %dma_wait3A = arith.constant 156 : i32
    %dma_wait3A_77 = arith.constant 0 : i32
    %dma_wait3A_78 = tpu.memref_slice %arg8[%dma_wait3A, %dma_wait3A_77] : memref<158x128xi32, #tpu.memory_space<vmem>> -> memref<1x128xi32, #tpu.memory_space<vmem>>
    %dma_wait3A_79 = tpu.memref_squeeze %dma_wait3A_78 : memref<1x128xi32, #tpu.memory_space<vmem>> -> memref<128xi32, #tpu.memory_space<vmem>>
    %dma_wait3A_80 = arith.constant 0 : i32
    %dma_wait3A_81 = arith.constant 0 : i32
    %dma_wait3A_82 = tpu.memref_slice %arg15[%dma_wait3A_80, %dma_wait3A_81] : memref<10240x64xf32, #tpu.memory_space<vmem_shared>> -> memref<10240x64xf32, #tpu.memory_space<vmem_shared>>
    tpu.wait_indirect_dma semaphore(%arg20 : memref<!tpu.dma_semaphore, #tpu.memory_space<semaphore_mem>>) src(%arg13 : memref<128x64xf32, #tpu.memory_space<vmem>>) dst(%dma_wait3A_82 : memref<10240x64xf32, #tpu.memory_space<vmem_shared>>)
    %dma_wait3A_83 = arith.constant 157 : i32
    %dma_wait3A_84 = arith.constant 0 : i32
    %dma_wait3A_85 = tpu.memref_slice %arg8[%dma_wait3A_83, %dma_wait3A_84] : memref<158x128xi32, #tpu.memory_space<vmem>> -> memref<1x128xi32, #tpu.memory_space<vmem>>
    %dma_wait3A_86 = tpu.memref_squeeze %dma_wait3A_85 : memref<1x128xi32, #tpu.memory_space<vmem>> -> memref<128xi32, #tpu.memory_space<vmem>>
    %dma_wait3A_87 = arith.constant 0 : i32
    %dma_wait3A_88 = arith.constant 0 : i32
    %dma_wait3A_89 = tpu.memref_slice %arg15[%dma_wait3A_87, %dma_wait3A_88] : memref<10240x64xf32, #tpu.memory_space<vmem_shared>> -> memref<10240x64xf32, #tpu.memory_space<vmem_shared>>
    tpu.wait_indirect_dma semaphore(%arg21 : memref<!tpu.dma_semaphore, #tpu.memory_space<semaphore_mem>>) src(%arg14 : memref<128x64xf32, #tpu.memory_space<vmem>>) dst(%dma_wait3A_89 : memref<10240x64xf32, #tpu.memory_space<vmem_shared>>)
    %barrier3A_90 = arith.constant 0 : index
    tpu.barrier barrier_id(%barrier3A_90)
    %mul3A_91 = arith.constant 640 : i32
    %mul3A_92 = arith.muli %arg1, %mul3A_91 : i32
    %add3A_93 = arith.constant 0 : i32
    %add3A_94 = arith.addi %mul3A_92, %add3A_93 : i32
    "tpu.region"() ({
      %run_scoped3A = tpu.sem_alloc : memref<!tpu.dma_semaphore, #tpu.memory_space<semaphore_mem>>
      %dma_start3A_111 = arith.constant 0 : i32
      %dma_start3A_112 = tpu.memref_slice %arg15[%add3A_94, %dma_start3A_111] : memref<10240x64xf32, #tpu.memory_space<vmem_shared>> -> memref<128x64xf32, #tpu.memory_space<vmem_shared>>
      %dma_start3A_113 = arith.constant 0 : i32
      %dma_start3A_114 = tpu.memref_slice %arg15[%add3A_94, %dma_start3A_113] : memref<10240x64xf32, #tpu.memory_space<vmem_shared>> -> memref<128x64xf32, #tpu.memory_space<vmem_shared>>
      tpu.enqueue_dma source(%dma_start3A_114 : memref<128x64xf32, #tpu.memory_space<vmem_shared>>) target(%arg13 : memref<128x64xf32, #tpu.memory_space<vmem>>) target_semaphore(%run_scoped3A : memref<!tpu.dma_semaphore, #tpu.memory_space<semaphore_mem>>)
      %dma_wait3A_115 = arith.constant 0 : i32
      %dma_wait3A_116 = tpu.memref_slice %arg15[%add3A_94, %dma_wait3A_115] : memref<10240x64xf32, #tpu.memory_space<vmem_shared>> -> memref<128x64xf32, #tpu.memory_space<vmem_shared>>
      %dma_wait3A_117 = arith.constant 0 : i32
      %dma_wait3A_118 = tpu.memref_slice %arg15[%add3A_94, %dma_wait3A_117] : memref<10240x64xf32, #tpu.memory_space<vmem_shared>> -> memref<128x64xf32, #tpu.memory_space<vmem_shared>>
      tpu.wait_dma2 semaphore(%run_scoped3A : memref<!tpu.dma_semaphore, #tpu.memory_space<semaphore_mem>>) src(%dma_wait3A_118 : memref<128x64xf32, #tpu.memory_space<vmem_shared>>) dst(%arg13 : memref<128x64xf32, #tpu.memory_space<vmem>>)
      tpu.yield
    }) : () -> ()
    "tpu.region"() ({
      %run_scoped3A = tpu.sem_alloc : memref<!tpu.dma_semaphore, #tpu.memory_space<semaphore_mem>>
      %dma_start3A_111 = arith.constant 0 : i32
      %dma_start3A_112 = tpu.memref_slice %arg6[%arg0, %add3A_94, %dma_start3A_111] : memref<2x10240x64xf32, #tpu.memory_space<hbm>> -> memref<1x128x64xf32, #tpu.memory_space<hbm>>
      %dma_start3A_113 = tpu.memref_squeeze %dma_start3A_112 : memref<1x128x64xf32, #tpu.memory_space<hbm>> -> memref<128x64xf32, #tpu.memory_space<hbm>>
      %dma_start3A_114 = arith.constant 0 : i32
      %dma_start3A_115 = tpu.memref_slice %arg6[%arg0, %add3A_94, %dma_start3A_114] : memref<2x10240x64xf32, #tpu.memory_space<hbm>> -> memref<1x128x64xf32, #tpu.memory_space<hbm>>
      %dma_start3A_116 = tpu.memref_squeeze %dma_start3A_115 : memref<1x128x64xf32, #tpu.memory_space<hbm>> -> memref<128x64xf32, #tpu.memory_space<hbm>>
      tpu.enqueue_dma source(%arg13 : memref<128x64xf32, #tpu.memory_space<vmem>>) target(%dma_start3A_116 : memref<128x64xf32, #tpu.memory_space<hbm>>) target_semaphore(%run_scoped3A : memref<!tpu.dma_semaphore, #tpu.memory_space<semaphore_mem>>)
      %dma_wait3A_117 = arith.constant 0 : i32
      %dma_wait3A_118 = tpu.memref_slice %arg6[%arg0, %add3A_94, %dma_wait3A_117] : memref<2x10240x64xf32, #tpu.memory_space<hbm>> -> memref<1x128x64xf32, #tpu.memory_space<hbm>>
      %dma_wait3A_119 = tpu.memref_squeeze %dma_wait3A_118 : memref<1x128x64xf32, #tpu.memory_space<hbm>> -> memref<128x64xf32, #tpu.memory_space<hbm>>
      %dma_wait3A_120 = arith.constant 0 : i32
      %dma_wait3A_121 = tpu.memref_slice %arg6[%arg0, %add3A_94, %dma_wait3A_120] : memref<2x10240x64xf32, #tpu.memory_space<hbm>> -> memref<1x128x64xf32, #tpu.memory_space<hbm>>
      %dma_wait3A_122 = tpu.memref_squeeze %dma_wait3A_121 : memref<1x128x64xf32, #tpu.memory_space<hbm>> -> memref<128x64xf32, #tpu.memory_space<hbm>>
      tpu.wait_dma2 semaphore(%run_scoped3A : memref<!tpu.dma_semaphore, #tpu.memory_space<semaphore_mem>>) src(%arg13 : memref<128x64xf32, #tpu.memory_space<vmem>>) dst(%dma_wait3A_122 : memref<128x64xf32, #tpu.memory_space<hbm>>)
      tpu.yield
    }) : () -> ()
    %mul3A_95 = arith.constant 640 : i32
    %mul3A_96 = arith.muli %arg1, %mul3A_95 : i32
    %add3A_97 = arith.constant 128 : i32
    %add3A_98 = arith.addi %mul3A_96, %add3A_97 : i32
    "tpu.region"() ({
      %run_scoped3A = tpu.sem_alloc : memref<!tpu.dma_semaphore, #tpu.memory_space<semaphore_mem>>
      %dma_start3A_111 = arith.constant 0 : i32
      %dma_start3A_112 = tpu.memref_slice %arg15[%add3A_98, %dma_start3A_111] : memref<10240x64xf32, #tpu.memory_space<vmem_shared>> -> memref<128x64xf32, #tpu.memory_space<vmem_shared>>
      %dma_start3A_113 = arith.constant 0 : i32
      %dma_start3A_114 = tpu.memref_slice %arg15[%add3A_98, %dma_start3A_113] : memref<10240x64xf32, #tpu.memory_space<vmem_shared>> -> memref<128x64xf32, #tpu.memory_space<vmem_shared>>
      tpu.enqueue_dma source(%dma_start3A_114 : memref<128x64xf32, #tpu.memory_space<vmem_shared>>) target(%arg13 : memref<128x64xf32, #tpu.memory_space<vmem>>) target_semaphore(%run_scoped3A : memref<!tpu.dma_semaphore, #tpu.memory_space<semaphore_mem>>)
      %dma_wait3A_115 = arith.constant 0 : i32
      %dma_wait3A_116 = tpu.memref_slice %arg15[%add3A_98, %dma_wait3A_115] : memref<10240x64xf32, #tpu.memory_space<vmem_shared>> -> memref<128x64xf32, #tpu.memory_space<vmem_shared>>
      %dma_wait3A_117 = arith.constant 0 : i32
      %dma_wait3A_118 = tpu.memref_slice %arg15[%add3A_98, %dma_wait3A_117] : memref<10240x64xf32, #tpu.memory_space<vmem_shared>> -> memref<128x64xf32, #tpu.memory_space<vmem_shared>>
      tpu.wait_dma2 semaphore(%run_scoped3A : memref<!tpu.dma_semaphore, #tpu.memory_space<semaphore_mem>>) src(%dma_wait3A_118 : memref<128x64xf32, #tpu.memory_space<vmem_shared>>) dst(%arg13 : memref<128x64xf32, #tpu.memory_space<vmem>>)
      tpu.yield
    }) : () -> ()
    "tpu.region"() ({
      %run_scoped3A = tpu.sem_alloc : memref<!tpu.dma_semaphore, #tpu.memory_space<semaphore_mem>>
      %dma_start3A_111 = arith.constant 0 : i32
      %dma_start3A_112 = tpu.memref_slice %arg6[%arg0, %add3A_98, %dma_start3A_111] : memref<2x10240x64xf32, #tpu.memory_space<hbm>> -> memref<1x128x64xf32, #tpu.memory_space<hbm>>
      %dma_start3A_113 = tpu.memref_squeeze %dma_start3A_112 : memref<1x128x64xf32, #tpu.memory_space<hbm>> -> memref<128x64xf32, #tpu.memory_space<hbm>>
      %dma_start3A_114 = arith.constant 0 : i32
      %dma_start3A_115 = tpu.memref_slice %arg6[%arg0, %add3A_98, %dma_start3A_114] : memref<2x10240x64xf32, #tpu.memory_space<hbm>> -> memref<1x128x64xf32, #tpu.memory_space<hbm>>
      %dma_start3A_116 = tpu.memref_squeeze %dma_start3A_115 : memref<1x128x64xf32, #tpu.memory_space<hbm>> -> memref<128x64xf32, #tpu.memory_space<hbm>>
      tpu.enqueue_dma source(%arg13 : memref<128x64xf32, #tpu.memory_space<vmem>>) target(%dma_start3A_116 : memref<128x64xf32, #tpu.memory_space<hbm>>) target_semaphore(%run_scoped3A : memref<!tpu.dma_semaphore, #tpu.memory_space<semaphore_mem>>)
      %dma_wait3A_117 = arith.constant 0 : i32
      %dma_wait3A_118 = tpu.memref_slice %arg6[%arg0, %add3A_98, %dma_wait3A_117] : memref<2x10240x64xf32, #tpu.memory_space<hbm>> -> memref<1x128x64xf32, #tpu.memory_space<hbm>>
      %dma_wait3A_119 = tpu.memref_squeeze %dma_wait3A_118 : memref<1x128x64xf32, #tpu.memory_space<hbm>> -> memref<128x64xf32, #tpu.memory_space<hbm>>
      %dma_wait3A_120 = arith.constant 0 : i32
      %dma_wait3A_121 = tpu.memref_slice %arg6[%arg0, %add3A_98, %dma_wait3A_120] : memref<2x10240x64xf32, #tpu.memory_space<hbm>> -> memref<1x128x64xf32, #tpu.memory_space<hbm>>
      %dma_wait3A_122 = tpu.memref_squeeze %dma_wait3A_121 : memref<1x128x64xf32, #tpu.memory_space<hbm>> -> memref<128x64xf32, #tpu.memory_space<hbm>>
      tpu.wait_dma2 semaphore(%run_scoped3A : memref<!tpu.dma_semaphore, #tpu.memory_space<semaphore_mem>>) src(%arg13 : memref<128x64xf32, #tpu.memory_space<vmem>>) dst(%dma_wait3A_122 : memref<128x64xf32, #tpu.memory_space<hbm>>)
      tpu.yield
    }) : () -> ()
    %mul3A_99 = arith.constant 640 : i32
    %mul3A_100 = arith.muli %arg1, %mul3A_99 : i32
    %add3A_101 = arith.constant 256 : i32
    %add3A_102 = arith.addi %mul3A_100, %add3A_101 : i32
    "tpu.region"() ({
      %run_scoped3A = tpu.sem_alloc : memref<!tpu.dma_semaphore, #tpu.memory_space<semaphore_mem>>
      %dma_start3A_111 = arith.constant 0 : i32
      %dma_start3A_112 = tpu.memref_slice %arg15[%add3A_102, %dma_start3A_111] : memref<10240x64xf32, #tpu.memory_space<vmem_shared>> -> memref<128x64xf32, #tpu.memory_space<vmem_shared>>
      %dma_start3A_113 = arith.constant 0 : i32
      %dma_start3A_114 = tpu.memref_slice %arg15[%add3A_102, %dma_start3A_113] : memref<10240x64xf32, #tpu.memory_space<vmem_shared>> -> memref<128x64xf32, #tpu.memory_space<vmem_shared>>
      tpu.enqueue_dma source(%dma_start3A_114 : memref<128x64xf32, #tpu.memory_space<vmem_shared>>) target(%arg13 : memref<128x64xf32, #tpu.memory_space<vmem>>) target_semaphore(%run_scoped3A : memref<!tpu.dma_semaphore, #tpu.memory_space<semaphore_mem>>)
      %dma_wait3A_115 = arith.constant 0 : i32
      %dma_wait3A_116 = tpu.memref_slice %arg15[%add3A_102, %dma_wait3A_115] : memref<10240x64xf32, #tpu.memory_space<vmem_shared>> -> memref<128x64xf32, #tpu.memory_space<vmem_shared>>
      %dma_wait3A_117 = arith.constant 0 : i32
      %dma_wait3A_118 = tpu.memref_slice %arg15[%add3A_102, %dma_wait3A_117] : memref<10240x64xf32, #tpu.memory_space<vmem_shared>> -> memref<128x64xf32, #tpu.memory_space<vmem_shared>>
      tpu.wait_dma2 semaphore(%run_scoped3A : memref<!tpu.dma_semaphore, #tpu.memory_space<semaphore_mem>>) src(%dma_wait3A_118 : memref<128x64xf32, #tpu.memory_space<vmem_shared>>) dst(%arg13 : memref<128x64xf32, #tpu.memory_space<vmem>>)
      tpu.yield
    }) : () -> ()
    "tpu.region"() ({
      %run_scoped3A = tpu.sem_alloc : memref<!tpu.dma_semaphore, #tpu.memory_space<semaphore_mem>>
      %dma_start3A_111 = arith.constant 0 : i32
      %dma_start3A_112 = tpu.memref_slice %arg6[%arg0, %add3A_102, %dma_start3A_111] : memref<2x10240x64xf32, #tpu.memory_space<hbm>> -> memref<1x128x64xf32, #tpu.memory_space<hbm>>
      %dma_start3A_113 = tpu.memref_squeeze %dma_start3A_112 : memref<1x128x64xf32, #tpu.memory_space<hbm>> -> memref<128x64xf32, #tpu.memory_space<hbm>>
      %dma_start3A_114 = arith.constant 0 : i32
      %dma_start3A_115 = tpu.memref_slice %arg6[%arg0, %add3A_102, %dma_start3A_114] : memref<2x10240x64xf32, #tpu.memory_space<hbm>> -> memref<1x128x64xf32, #tpu.memory_space<hbm>>
      %dma_start3A_116 = tpu.memref_squeeze %dma_start3A_115 : memref<1x128x64xf32, #tpu.memory_space<hbm>> -> memref<128x64xf32, #tpu.memory_space<hbm>>
      tpu.enqueue_dma source(%arg13 : memref<128x64xf32, #tpu.memory_space<vmem>>) target(%dma_start3A_116 : memref<128x64xf32, #tpu.memory_space<hbm>>) target_semaphore(%run_scoped3A : memref<!tpu.dma_semaphore, #tpu.memory_space<semaphore_mem>>)
      %dma_wait3A_117 = arith.constant 0 : i32
      %dma_wait3A_118 = tpu.memref_slice %arg6[%arg0, %add3A_102, %dma_wait3A_117] : memref<2x10240x64xf32, #tpu.memory_space<hbm>> -> memref<1x128x64xf32, #tpu.memory_space<hbm>>
      %dma_wait3A_119 = tpu.memref_squeeze %dma_wait3A_118 : memref<1x128x64xf32, #tpu.memory_space<hbm>> -> memref<128x64xf32, #tpu.memory_space<hbm>>
      %dma_wait3A_120 = arith.constant 0 : i32
      %dma_wait3A_121 = tpu.memref_slice %arg6[%arg0, %add3A_102, %dma_wait3A_120] : memref<2x10240x64xf32, #tpu.memory_space<hbm>> -> memref<1x128x64xf32, #tpu.memory_space<hbm>>
      %dma_wait3A_122 = tpu.memref_squeeze %dma_wait3A_121 : memref<1x128x64xf32, #tpu.memory_space<hbm>> -> memref<128x64xf32, #tpu.memory_space<hbm>>
      tpu.wait_dma2 semaphore(%run_scoped3A : memref<!tpu.dma_semaphore, #tpu.memory_space<semaphore_mem>>) src(%arg13 : memref<128x64xf32, #tpu.memory_space<vmem>>) dst(%dma_wait3A_122 : memref<128x64xf32, #tpu.memory_space<hbm>>)
      tpu.yield
    }) : () -> ()
    %mul3A_103 = arith.constant 640 : i32
    %mul3A_104 = arith.muli %arg1, %mul3A_103 : i32
    %add3A_105 = arith.constant 384 : i32
    %add3A_106 = arith.addi %mul3A_104, %add3A_105 : i32
    "tpu.region"() ({
      %run_scoped3A = tpu.sem_alloc : memref<!tpu.dma_semaphore, #tpu.memory_space<semaphore_mem>>
      %dma_start3A_111 = arith.constant 0 : i32
      %dma_start3A_112 = tpu.memref_slice %arg15[%add3A_106, %dma_start3A_111] : memref<10240x64xf32, #tpu.memory_space<vmem_shared>> -> memref<128x64xf32, #tpu.memory_space<vmem_shared>>
      %dma_start3A_113 = arith.constant 0 : i32
      %dma_start3A_114 = tpu.memref_slice %arg15[%add3A_106, %dma_start3A_113] : memref<10240x64xf32, #tpu.memory_space<vmem_shared>> -> memref<128x64xf32, #tpu.memory_space<vmem_shared>>
      tpu.enqueue_dma source(%dma_start3A_114 : memref<128x64xf32, #tpu.memory_space<vmem_shared>>) target(%arg13 : memref<128x64xf32, #tpu.memory_space<vmem>>) target_semaphore(%run_scoped3A : memref<!tpu.dma_semaphore, #tpu.memory_space<semaphore_mem>>)
      %dma_wait3A_115 = arith.constant 0 : i32
      %dma_wait3A_116 = tpu.memref_slice %arg15[%add3A_106, %dma_wait3A_115] : memref<10240x64xf32, #tpu.memory_space<vmem_shared>> -> memref<128x64xf32, #tpu.memory_space<vmem_shared>>
      %dma_wait3A_117 = arith.constant 0 : i32
      %dma_wait3A_118 = tpu.memref_slice %arg15[%add3A_106, %dma_wait3A_117] : memref<10240x64xf32, #tpu.memory_space<vmem_shared>> -> memref<128x64xf32, #tpu.memory_space<vmem_shared>>
      tpu.wait_dma2 semaphore(%run_scoped3A : memref<!tpu.dma_semaphore, #tpu.memory_space<semaphore_mem>>) src(%dma_wait3A_118 : memref<128x64xf32, #tpu.memory_space<vmem_shared>>) dst(%arg13 : memref<128x64xf32, #tpu.memory_space<vmem>>)
      tpu.yield
    }) : () -> ()
    "tpu.region"() ({
      %run_scoped3A = tpu.sem_alloc : memref<!tpu.dma_semaphore, #tpu.memory_space<semaphore_mem>>
      %dma_start3A_111 = arith.constant 0 : i32
      %dma_start3A_112 = tpu.memref_slice %arg6[%arg0, %add3A_106, %dma_start3A_111] : memref<2x10240x64xf32, #tpu.memory_space<hbm>> -> memref<1x128x64xf32, #tpu.memory_space<hbm>>
      %dma_start3A_113 = tpu.memref_squeeze %dma_start3A_112 : memref<1x128x64xf32, #tpu.memory_space<hbm>> -> memref<128x64xf32, #tpu.memory_space<hbm>>
      %dma_start3A_114 = arith.constant 0 : i32
      %dma_start3A_115 = tpu.memref_slice %arg6[%arg0, %add3A_106, %dma_start3A_114] : memref<2x10240x64xf32, #tpu.memory_space<hbm>> -> memref<1x128x64xf32, #tpu.memory_space<hbm>>
      %dma_start3A_116 = tpu.memref_squeeze %dma_start3A_115 : memref<1x128x64xf32, #tpu.memory_space<hbm>> -> memref<128x64xf32, #tpu.memory_space<hbm>>
      tpu.enqueue_dma source(%arg13 : memref<128x64xf32, #tpu.memory_space<vmem>>) target(%dma_start3A_116 : memref<128x64xf32, #tpu.memory_space<hbm>>) target_semaphore(%run_scoped3A : memref<!tpu.dma_semaphore, #tpu.memory_space<semaphore_mem>>)
      %dma_wait3A_117 = arith.constant 0 : i32
      %dma_wait3A_118 = tpu.memref_slice %arg6[%arg0, %add3A_106, %dma_wait3A_117] : memref<2x10240x64xf32, #tpu.memory_space<hbm>> -> memref<1x128x64xf32, #tpu.memory_space<hbm>>
      %dma_wait3A_119 = tpu.memref_squeeze %dma_wait3A_118 : memref<1x128x64xf32, #tpu.memory_space<hbm>> -> memref<128x64xf32, #tpu.memory_space<hbm>>
      %dma_wait3A_120 = arith.constant 0 : i32
      %dma_wait3A_121 = tpu.memref_slice %arg6[%arg0, %add3A_106, %dma_wait3A_120] : memref<2x10240x64xf32, #tpu.memory_space<hbm>> -> memref<1x128x64xf32, #tpu.memory_space<hbm>>
      %dma_wait3A_122 = tpu.memref_squeeze %dma_wait3A_121 : memref<1x128x64xf32, #tpu.memory_space<hbm>> -> memref<128x64xf32, #tpu.memory_space<hbm>>
      tpu.wait_dma2 semaphore(%run_scoped3A : memref<!tpu.dma_semaphore, #tpu.memory_space<semaphore_mem>>) src(%arg13 : memref<128x64xf32, #tpu.memory_space<vmem>>) dst(%dma_wait3A_122 : memref<128x64xf32, #tpu.memory_space<hbm>>)
      tpu.yield
    }) : () -> ()
    %mul3A_107 = arith.constant 640 : i32
    %mul3A_108 = arith.muli %arg1, %mul3A_107 : i32
    %add3A_109 = arith.constant 512 : i32
    %add3A_110 = arith.addi %mul3A_108, %add3A_109 : i32
    "tpu.region"() ({
      %run_scoped3A = tpu.sem_alloc : memref<!tpu.dma_semaphore, #tpu.memory_space<semaphore_mem>>
      %dma_start3A_111 = arith.constant 0 : i32
      %dma_start3A_112 = tpu.memref_slice %arg15[%add3A_110, %dma_start3A_111] : memref<10240x64xf32, #tpu.memory_space<vmem_shared>> -> memref<128x64xf32, #tpu.memory_space<vmem_shared>>
      %dma_start3A_113 = arith.constant 0 : i32
      %dma_start3A_114 = tpu.memref_slice %arg15[%add3A_110, %dma_start3A_113] : memref<10240x64xf32, #tpu.memory_space<vmem_shared>> -> memref<128x64xf32, #tpu.memory_space<vmem_shared>>
      tpu.enqueue_dma source(%dma_start3A_114 : memref<128x64xf32, #tpu.memory_space<vmem_shared>>) target(%arg13 : memref<128x64xf32, #tpu.memory_space<vmem>>) target_semaphore(%run_scoped3A : memref<!tpu.dma_semaphore, #tpu.memory_space<semaphore_mem>>)
      %dma_wait3A_115 = arith.constant 0 : i32
      %dma_wait3A_116 = tpu.memref_slice %arg15[%add3A_110, %dma_wait3A_115] : memref<10240x64xf32, #tpu.memory_space<vmem_shared>> -> memref<128x64xf32, #tpu.memory_space<vmem_shared>>
      %dma_wait3A_117 = arith.constant 0 : i32
      %dma_wait3A_118 = tpu.memref_slice %arg15[%add3A_110, %dma_wait3A_117] : memref<10240x64xf32, #tpu.memory_space<vmem_shared>> -> memref<128x64xf32, #tpu.memory_space<vmem_shared>>
      tpu.wait_dma2 semaphore(%run_scoped3A : memref<!tpu.dma_semaphore, #tpu.memory_space<semaphore_mem>>) src(%dma_wait3A_118 : memref<128x64xf32, #tpu.memory_space<vmem_shared>>) dst(%arg13 : memref<128x64xf32, #tpu.memory_space<vmem>>)
      tpu.yield
    }) : () -> ()
    "tpu.region"() ({
      %run_scoped3A = tpu.sem_alloc : memref<!tpu.dma_semaphore, #tpu.memory_space<semaphore_mem>>
      %dma_start3A_111 = arith.constant 0 : i32
      %dma_start3A_112 = tpu.memref_slice %arg6[%arg0, %add3A_110, %dma_start3A_111] : memref<2x10240x64xf32, #tpu.memory_space<hbm>> -> memref<1x128x64xf32, #tpu.memory_space<hbm>>
      %dma_start3A_113 = tpu.memref_squeeze %dma_start3A_112 : memref<1x128x64xf32, #tpu.memory_space<hbm>> -> memref<128x64xf32, #tpu.memory_space<hbm>>
      %dma_start3A_114 = arith.constant 0 : i32
      %dma_start3A_115 = tpu.memref_slice %arg6[%arg0, %add3A_110, %dma_start3A_114] : memref<2x10240x64xf32, #tpu.memory_space<hbm>> -> memref<1x128x64xf32, #tpu.memory_space<hbm>>
      %dma_start3A_116 = tpu.memref_squeeze %dma_start3A_115 : memref<1x128x64xf32, #tpu.memory_space<hbm>> -> memref<128x64xf32, #tpu.memory_space<hbm>>
      tpu.enqueue_dma source(%arg13 : memref<128x64xf32, #tpu.memory_space<vmem>>) target(%dma_start3A_116 : memref<128x64xf32, #tpu.memory_space<hbm>>) target_semaphore(%run_scoped3A : memref<!tpu.dma_semaphore, #tpu.memory_space<semaphore_mem>>)
      %dma_wait3A_117 = arith.constant 0 : i32
      %dma_wait3A_118 = tpu.memref_slice %arg6[%arg0, %add3A_110, %dma_wait3A_117] : memref<2x10240x64xf32, #tpu.memory_space<hbm>> -> memref<1x128x64xf32, #tpu.memory_space<hbm>>
      %dma_wait3A_119 = tpu.memref_squeeze %dma_wait3A_118 : memref<1x128x64xf32, #tpu.memory_space<hbm>> -> memref<128x64xf32, #tpu.memory_space<hbm>>
      %dma_wait3A_120 = arith.constant 0 : i32
      %dma_wait3A_121 = tpu.memref_slice %arg6[%arg0, %add3A_110, %dma_wait3A_120] : memref<2x10240x64xf32, #tpu.memory_space<hbm>> -> memref<1x128x64xf32, #tpu.memory_space<hbm>>
      %dma_wait3A_122 = tpu.memref_squeeze %dma_wait3A_121 : memref<1x128x64xf32, #tpu.memory_space<hbm>> -> memref<128x64xf32, #tpu.memory_space<hbm>>
      tpu.wait_dma2 semaphore(%run_scoped3A : memref<!tpu.dma_semaphore, #tpu.memory_space<semaphore_mem>>) src(%arg13 : memref<128x64xf32, #tpu.memory_space<vmem>>) dst(%dma_wait3A_122 : memref<128x64xf32, #tpu.memory_space<hbm>>)
      tpu.yield
    }) : () -> ()
    return
  }
}

module attributes {stable_mosaic.version = 14 : i64} {
  func.func @_edge_proj_body(%arg0: i32, %arg1: memref<4096x3xf32, #tpu.memory_space<vmem>>, %arg2: memref<3x128xf32, #tpu.memory_space<vmem>>, %arg3: memref<1x128xf32, #tpu.memory_space<vmem>>, %arg4: memref<3x128xf32, #tpu.memory_space<vmem>>, %arg5: memref<1x128xf32, #tpu.memory_space<vmem>>, %arg6: memref<2x4096x32xi32, #tpu.memory_space<vmem>>, %arg7: memref<2x4096x32xi32, #tpu.memory_space<vmem>>) attributes {dimension_semantics = [#tpu.dimension_semantics<arbitrary>], iteration_bounds = array<i64: 79>, scalar_prefetch = 0 : i64, scratch_operands = 0 : i64, tpu.core_type = #tpu.core_type<tc>, window_params = [{transform_indices = @transform_0, window_bounds = array<i64: 4096, 3>}, {pipeline_mode = #tpu.pipeline_mode<synchronous>, transform_indices = @transform_1, window_bounds = array<i64: 3, 128>}, {pipeline_mode = #tpu.pipeline_mode<synchronous>, transform_indices = @transform_2, window_bounds = array<i64: 1, 128>}, {pipeline_mode = #tpu.pipeline_mode<synchronous>, transform_indices = @transform_3, window_bounds = array<i64: 3, 128>}, {pipeline_mode = #tpu.pipeline_mode<synchronous>, transform_indices = @transform_4, window_bounds = array<i64: 1, 128>}, {transform_indices = @transform_5, window_bounds = array<i64: 2, 4096, 32>}, {transform_indices = @transform_6, window_bounds = array<i64: 2, 4096, 32>}]} {
    %get3A = arith.constant 0 : index
    %get3A_0 = arith.constant 0 : index
    %get3A_1 = vector.load %arg1[%get3A, %get3A_0] : memref<4096x3xf32, #tpu.memory_space<vmem>>, vector<4096x3xf32>
    %get3A_2 = arith.constant 0 : index
    %get3A_3 = arith.constant 0 : index
    %get3A_4 = vector.load %arg2[%get3A_2, %get3A_3] : memref<3x128xf32, #tpu.memory_space<vmem>>, vector<3x128xf32>
    %dot_general3A = arith.constant dense<0.000000e+00> : vector<4096x128xf32>
    %dot_general3A_5 = tpu.matmul %get3A_1, %get3A_4, %dot_general3A {dimension_numbers = #tpu.dot_dimension_numbers<[1], [0], [0], [1], [0, 0, 1, 1], [], []>, transpose_lhs_hint = false} : vector<4096x3xf32>, vector<3x128xf32>, vector<4096x128xf32> -> vector<4096x128xf32>
    %get3A_6 = arith.constant 0 : index
    %get3A_7 = arith.constant 0 : index
    %get3A_8 = vector.load %arg3[%get3A_6, %get3A_7] : memref<1x128xf32, #tpu.memory_space<vmem>>, vector<1x128xf32>
    %add3A = vector.broadcast %get3A_8 : vector<1x128xf32> to vector<4096x128xf32>
    %add3A_9 = arith.addf %dot_general3A_5, %add3A : vector<4096x128xf32>
    %get3A_10 = arith.constant 0 : index
    %get3A_11 = arith.constant 0 : index
    %get3A_12 = vector.load %arg4[%get3A_10, %get3A_11] : memref<3x128xf32, #tpu.memory_space<vmem>>, vector<3x128xf32>
    %dot_general3A_13 = arith.constant dense<0.000000e+00> : vector<4096x128xf32>
    %dot_general3A_14 = tpu.matmul %get3A_1, %get3A_12, %dot_general3A_13 {dimension_numbers = #tpu.dot_dimension_numbers<[1], [0], [0], [1], [0, 0, 1, 1], [], []>, transpose_lhs_hint = false} : vector<4096x3xf32>, vector<3x128xf32>, vector<4096x128xf32> -> vector<4096x128xf32>
    %get3A_15 = arith.constant 0 : index
    %get3A_16 = arith.constant 0 : index
    %get3A_17 = vector.load %arg5[%get3A_15, %get3A_16] : memref<1x128xf32, #tpu.memory_space<vmem>>, vector<1x128xf32>
    %add3A_18 = vector.broadcast %get3A_17 : vector<1x128xf32> to vector<4096x128xf32>
    %add3A_19 = arith.addf %dot_general3A_14, %add3A_18 : vector<4096x128xf32>
    %bitcast_convert_type3A = tpu.bitcast %add3A_9 : vector<4096x128xf32> -> vector<4096x128xi32>
    %add3A_20 = arith.constant 32768 : i32
    %add3A_21 = vector.broadcast %add3A_20 : i32 to vector<4096x128xi32>
    %add3A_22 = arith.addi %bitcast_convert_type3A, %add3A_21 : vector<4096x128xi32>
    %shift_right_logical3A = arith.constant 16 : i32
    %shift_right_logical3A_23 = vector.broadcast %shift_right_logical3A : i32 to vector<4096x128xi32>
    %shift_right_logical3A_24 = arith.shrui %add3A_22, %shift_right_logical3A_23 : vector<4096x128xi32>
    %slice3A = vector.extract_strided_slice %shift_right_logical3A_24 {offsets = [0, 0], sizes = [4096, 16], strides = [1, 1]} : vector<4096x128xi32> to vector<4096x16xi32>
    %slice3A_25 = vector.extract_strided_slice %shift_right_logical3A_24 {offsets = [0, 16], sizes = [4096, 16], strides = [1, 1]} : vector<4096x128xi32> to vector<4096x16xi32>
    %shift_left3A = arith.constant 16 : i32
    %shift_left3A_26 = vector.broadcast %shift_left3A : i32 to vector<4096x16xi32>
    %shift_left3A_27 = arith.shli %slice3A_25, %shift_left3A_26 : vector<4096x16xi32>
    %or3A = arith.ori %slice3A, %shift_left3A_27 : vector<4096x16xi32>
    %slice3A_28 = vector.extract_strided_slice %shift_right_logical3A_24 {offsets = [0, 32], sizes = [4096, 16], strides = [1, 1]} : vector<4096x128xi32> to vector<4096x16xi32>
    %slice3A_29 = vector.extract_strided_slice %shift_right_logical3A_24 {offsets = [0, 48], sizes = [4096, 16], strides = [1, 1]} : vector<4096x128xi32> to vector<4096x16xi32>
    %shift_left3A_30 = arith.constant 16 : i32
    %shift_left3A_31 = vector.broadcast %shift_left3A_30 : i32 to vector<4096x16xi32>
    %shift_left3A_32 = arith.shli %slice3A_29, %shift_left3A_31 : vector<4096x16xi32>
    %or3A_33 = arith.ori %slice3A_28, %shift_left3A_32 : vector<4096x16xi32>
    %slice3A_34 = vector.extract_strided_slice %shift_right_logical3A_24 {offsets = [0, 64], sizes = [4096, 16], strides = [1, 1]} : vector<4096x128xi32> to vector<4096x16xi32>
    %slice3A_35 = vector.extract_strided_slice %shift_right_logical3A_24 {offsets = [0, 80], sizes = [4096, 16], strides = [1, 1]} : vector<4096x128xi32> to vector<4096x16xi32>
    %shift_left3A_36 = arith.constant 16 : i32
    %shift_left3A_37 = vector.broadcast %shift_left3A_36 : i32 to vector<4096x16xi32>
    %shift_left3A_38 = arith.shli %slice3A_35, %shift_left3A_37 : vector<4096x16xi32>
    %or3A_39 = arith.ori %slice3A_34, %shift_left3A_38 : vector<4096x16xi32>
    %slice3A_40 = vector.extract_strided_slice %shift_right_logical3A_24 {offsets = [0, 96], sizes = [4096, 16], strides = [1, 1]} : vector<4096x128xi32> to vector<4096x16xi32>
    %slice3A_41 = vector.extract_strided_slice %shift_right_logical3A_24 {offsets = [0, 112], sizes = [4096, 16], strides = [1, 1]} : vector<4096x128xi32> to vector<4096x16xi32>
    %shift_left3A_42 = arith.constant 16 : i32
    %shift_left3A_43 = vector.broadcast %shift_left3A_42 : i32 to vector<4096x16xi32>
    %shift_left3A_44 = arith.shli %slice3A_41, %shift_left3A_43 : vector<4096x16xi32>
    %or3A_45 = arith.ori %slice3A_40, %shift_left3A_44 : vector<4096x16xi32>
    %concatenate3A = tpu.concatenate %or3A, %or3A_33 in 1 : vector<4096x16xi32>, vector<4096x16xi32> -> vector<4096x32xi32>
    %bitcast_convert_type3A_46 = tpu.bitcast %concatenate3A : vector<4096x32xi32> -> vector<4096x32xi32>
    %concatenate3A_47 = tpu.concatenate %or3A_39, %or3A_45 in 1 : vector<4096x16xi32>, vector<4096x16xi32> -> vector<4096x32xi32>
    %bitcast_convert_type3A_48 = tpu.bitcast %concatenate3A_47 : vector<4096x32xi32> -> vector<4096x32xi32>
    %swap3A = arith.constant 0 : index
    %swap3A_49 = arith.constant 0 : index
    %swap3A_50 = arith.constant 0 : index
    %swap3A_51 = vector.load %arg6[%swap3A, %swap3A_49, %swap3A_50] : memref<2x4096x32xi32, #tpu.memory_space<vmem>>, vector<1x4096x32xi32>
    %swap3A_52 = vector.shape_cast %swap3A_51 : vector<1x4096x32xi32> to vector<4096x32xi32>
    %swap3A_53 = vector.shape_cast %bitcast_convert_type3A_46 : vector<4096x32xi32> to vector<1x4096x32xi32>
    tpu.vector_store %arg6[%swap3A, %swap3A_49, %swap3A_50], %swap3A_53 {strides = array<i32>} : memref<2x4096x32xi32, #tpu.memory_space<vmem>>, vector<1x4096x32xi32>,
    %swap3A_54 = arith.constant 1 : index
    %swap3A_55 = arith.constant 0 : index
    %swap3A_56 = arith.constant 0 : index
    %swap3A_57 = vector.load %arg6[%swap3A_54, %swap3A_55, %swap3A_56] : memref<2x4096x32xi32, #tpu.memory_space<vmem>>, vector<1x4096x32xi32>
    %swap3A_58 = vector.shape_cast %swap3A_57 : vector<1x4096x32xi32> to vector<4096x32xi32>
    %swap3A_59 = vector.shape_cast %bitcast_convert_type3A_48 : vector<4096x32xi32> to vector<1x4096x32xi32>
    tpu.vector_store %arg6[%swap3A_54, %swap3A_55, %swap3A_56], %swap3A_59 {strides = array<i32>} : memref<2x4096x32xi32, #tpu.memory_space<vmem>>, vector<1x4096x32xi32>,
    %bitcast_convert_type3A_60 = tpu.bitcast %add3A_19 : vector<4096x128xf32> -> vector<4096x128xi32>
    %add3A_61 = arith.constant 32768 : i32
    %add3A_62 = vector.broadcast %add3A_61 : i32 to vector<4096x128xi32>
    %add3A_63 = arith.addi %bitcast_convert_type3A_60, %add3A_62 : vector<4096x128xi32>
    %shift_right_logical3A_64 = arith.constant 16 : i32
    %shift_right_logical3A_65 = vector.broadcast %shift_right_logical3A_64 : i32 to vector<4096x128xi32>
    %shift_right_logical3A_66 = arith.shrui %add3A_63, %shift_right_logical3A_65 : vector<4096x128xi32>
    %slice3A_67 = vector.extract_strided_slice %shift_right_logical3A_66 {offsets = [0, 0], sizes = [4096, 16], strides = [1, 1]} : vector<4096x128xi32> to vector<4096x16xi32>
    %slice3A_68 = vector.extract_strided_slice %shift_right_logical3A_66 {offsets = [0, 16], sizes = [4096, 16], strides = [1, 1]} : vector<4096x128xi32> to vector<4096x16xi32>
    %shift_left3A_69 = arith.constant 16 : i32
    %shift_left3A_70 = vector.broadcast %shift_left3A_69 : i32 to vector<4096x16xi32>
    %shift_left3A_71 = arith.shli %slice3A_68, %shift_left3A_70 : vector<4096x16xi32>
    %or3A_72 = arith.ori %slice3A_67, %shift_left3A_71 : vector<4096x16xi32>
    %slice3A_73 = vector.extract_strided_slice %shift_right_logical3A_66 {offsets = [0, 32], sizes = [4096, 16], strides = [1, 1]} : vector<4096x128xi32> to vector<4096x16xi32>
    %slice3A_74 = vector.extract_strided_slice %shift_right_logical3A_66 {offsets = [0, 48], sizes = [4096, 16], strides = [1, 1]} : vector<4096x128xi32> to vector<4096x16xi32>
    %shift_left3A_75 = arith.constant 16 : i32
    %shift_left3A_76 = vector.broadcast %shift_left3A_75 : i32 to vector<4096x16xi32>
    %shift_left3A_77 = arith.shli %slice3A_74, %shift_left3A_76 : vector<4096x16xi32>
    %or3A_78 = arith.ori %slice3A_73, %shift_left3A_77 : vector<4096x16xi32>
    %slice3A_79 = vector.extract_strided_slice %shift_right_logical3A_66 {offsets = [0, 64], sizes = [4096, 16], strides = [1, 1]} : vector<4096x128xi32> to vector<4096x16xi32>
    %slice3A_80 = vector.extract_strided_slice %shift_right_logical3A_66 {offsets = [0, 80], sizes = [4096, 16], strides = [1, 1]} : vector<4096x128xi32> to vector<4096x16xi32>
    %shift_left3A_81 = arith.constant 16 : i32
    %shift_left3A_82 = vector.broadcast %shift_left3A_81 : i32 to vector<4096x16xi32>
    %shift_left3A_83 = arith.shli %slice3A_80, %shift_left3A_82 : vector<4096x16xi32>
    %or3A_84 = arith.ori %slice3A_79, %shift_left3A_83 : vector<4096x16xi32>
    %slice3A_85 = vector.extract_strided_slice %shift_right_logical3A_66 {offsets = [0, 96], sizes = [4096, 16], strides = [1, 1]} : vector<4096x128xi32> to vector<4096x16xi32>
    %slice3A_86 = vector.extract_strided_slice %shift_right_logical3A_66 {offsets = [0, 112], sizes = [4096, 16], strides = [1, 1]} : vector<4096x128xi32> to vector<4096x16xi32>
    %shift_left3A_87 = arith.constant 16 : i32
    %shift_left3A_88 = vector.broadcast %shift_left3A_87 : i32 to vector<4096x16xi32>
    %shift_left3A_89 = arith.shli %slice3A_86, %shift_left3A_88 : vector<4096x16xi32>
    %or3A_90 = arith.ori %slice3A_85, %shift_left3A_89 : vector<4096x16xi32>
    %concatenate3A_91 = tpu.concatenate %or3A_72, %or3A_78 in 1 : vector<4096x16xi32>, vector<4096x16xi32> -> vector<4096x32xi32>
    %bitcast_convert_type3A_92 = tpu.bitcast %concatenate3A_91 : vector<4096x32xi32> -> vector<4096x32xi32>
    %concatenate3A_93 = tpu.concatenate %or3A_84, %or3A_90 in 1 : vector<4096x16xi32>, vector<4096x16xi32> -> vector<4096x32xi32>
    %bitcast_convert_type3A_94 = tpu.bitcast %concatenate3A_93 : vector<4096x32xi32> -> vector<4096x32xi32>
    %swap3A_95 = arith.constant 0 : index
    %swap3A_96 = arith.constant 0 : index
    %swap3A_97 = arith.constant 0 : index
    %swap3A_98 = vector.load %arg7[%swap3A_95, %swap3A_96, %swap3A_97] : memref<2x4096x32xi32, #tpu.memory_space<vmem>>, vector<1x4096x32xi32>
    %swap3A_99 = vector.shape_cast %swap3A_98 : vector<1x4096x32xi32> to vector<4096x32xi32>
    %swap3A_100 = vector.shape_cast %bitcast_convert_type3A_92 : vector<4096x32xi32> to vector<1x4096x32xi32>
    tpu.vector_store %arg7[%swap3A_95, %swap3A_96, %swap3A_97], %swap3A_100 {strides = array<i32>} : memref<2x4096x32xi32, #tpu.memory_space<vmem>>, vector<1x4096x32xi32>,
    %swap3A_101 = arith.constant 1 : index
    %swap3A_102 = arith.constant 0 : index
    %swap3A_103 = arith.constant 0 : index
    %swap3A_104 = vector.load %arg7[%swap3A_101, %swap3A_102, %swap3A_103] : memref<2x4096x32xi32, #tpu.memory_space<vmem>>, vector<1x4096x32xi32>
    %swap3A_105 = vector.shape_cast %swap3A_104 : vector<1x4096x32xi32> to vector<4096x32xi32>
    %swap3A_106 = vector.shape_cast %bitcast_convert_type3A_94 : vector<4096x32xi32> to vector<1x4096x32xi32>
    tpu.vector_store %arg7[%swap3A_101, %swap3A_102, %swap3A_103], %swap3A_106 {strides = array<i32>} : memref<2x4096x32xi32, #tpu.memory_space<vmem>>, vector<1x4096x32xi32>,
    return
  }
  func.func @transform_0(%arg0: i32) -> (i32, i32) {
    %c0_i32 = arith.constant 0 : i32
    %c0_i32_0 = arith.constant 0 : i32
    return %arg0, %c0_i32 : i32, i32
  }
  func.func @transform_1(%arg0: i32) -> (i32, i32) {
    %c0_i32 = arith.constant 0 : i32
    %c0_i32_0 = arith.constant 0 : i32
    %c0_i32_1 = arith.constant 0 : i32
    return %c0_i32, %c0_i32_0 : i32, i32
  }
  func.func @transform_2(%arg0: i32) -> (i32, i32) {
    %c0_i32 = arith.constant 0 : i32
    %c0_i32_0 = arith.constant 0 : i32
    %c0_i32_1 = arith.constant 0 : i32
    return %c0_i32, %c0_i32_0 : i32, i32
  }
  func.func @transform_3(%arg0: i32) -> (i32, i32) {
    %c0_i32 = arith.constant 0 : i32
    %c0_i32_0 = arith.constant 0 : i32
    %c0_i32_1 = arith.constant 0 : i32
    return %c0_i32, %c0_i32_0 : i32, i32
  }
  func.func @transform_4(%arg0: i32) -> (i32, i32) {
    %c0_i32 = arith.constant 0 : i32
    %c0_i32_0 = arith.constant 0 : i32
    %c0_i32_1 = arith.constant 0 : i32
    return %c0_i32, %c0_i32_0 : i32, i32
  }
  func.func @transform_5(%arg0: i32) -> (i32, i32, i32) {
    %c0_i32 = arith.constant 0 : i32
    %c0_i32_0 = arith.constant 0 : i32
    %c0_i32_1 = arith.constant 0 : i32
    return %c0_i32, %arg0, %c0_i32_0 : i32, i32, i32
  }
  func.func @transform_6(%arg0: i32) -> (i32, i32, i32) {
    %c0_i32 = arith.constant 0 : i32
    %c0_i32_0 = arith.constant 0 : i32
    %c0_i32_1 = arith.constant 0 : i32
    return %c0_i32, %arg0, %c0_i32_0 : i32, i32, i32
  }
}

module attributes {stable_mosaic.version = 14 : i64} {
  func.func @_split_body(%arg0: i32, %arg1: i32, %arg2: memref<1000x128xf32, #tpu.memory_space<vmem>>, %arg3: memref<1000x64xf32, #tpu.memory_space<vmem>>) attributes {dimension_semantics = [#tpu.dimension_semantics<arbitrary>, #tpu.dimension_semantics<arbitrary>], iteration_bounds = array<i64: 2, 10>, scalar_prefetch = 0 : i64, scratch_operands = 0 : i64, tpu.core_type = #tpu.core_type<tc>, window_params = [{transform_indices = @transform_0, window_bounds = array<i64: 1000, 128>}, {transform_indices = @transform_1, window_bounds = array<i64: 1000, 64>}]} {
    %eq3A = arith.constant 0 : i32
    %eq3A_0 = arith.cmpi eq, %arg0, %eq3A : i32
    %convert_element_type3A = arith.extui %eq3A_0 : i1 to i32
    %cond3A = arith.constant 0 : i32
    %cond3A_1 = arith.cmpi ne, %convert_element_type3A, %cond3A : i32
    scf.if %cond3A_1 {
      %get3A = arith.constant 0 : index
      %get3A_7 = arith.constant 0 : index
      %get3A_8 = vector.load %arg2[%get3A, %get3A_7] : memref<1000x128xf32, #tpu.memory_space<vmem>>, vector<1000x128xf32>
      %slice3A = vector.extract_strided_slice %get3A_8 {offsets = [0, 0], sizes = [1000, 64], strides = [1, 1]} : vector<1000x128xf32> to vector<1000x64xf32>
      %swap3A = arith.constant 0 : index
      %swap3A_9 = arith.constant 0 : index
      %swap3A_10 = vector.load %arg3[%swap3A, %swap3A_9] : memref<1000x64xf32, #tpu.memory_space<vmem>>, vector<1000x64xf32>
      tpu.vector_store %arg3[%swap3A, %swap3A_9], %slice3A {strides = array<i32>} : memref<1000x64xf32, #tpu.memory_space<vmem>>, vector<1000x64xf32>,
    } else {
    }
    %eq3A_2 = arith.constant 1 : i32
    %eq3A_3 = arith.cmpi eq, %arg0, %eq3A_2 : i32
    %convert_element_type3A_4 = arith.extui %eq3A_3 : i1 to i32
    %cond3A_5 = arith.constant 0 : i32
    %cond3A_6 = arith.cmpi ne, %convert_element_type3A_4, %cond3A_5 : i32
    scf.if %cond3A_6 {
      %get3A = arith.constant 0 : index
      %get3A_7 = arith.constant 0 : index
      %get3A_8 = vector.load %arg2[%get3A, %get3A_7] : memref<1000x128xf32, #tpu.memory_space<vmem>>, vector<1000x128xf32>
      %slice3A = vector.extract_strided_slice %get3A_8 {offsets = [0, 64], sizes = [1000, 64], strides = [1, 1]} : vector<1000x128xf32> to vector<1000x64xf32>
      %swap3A = arith.constant 0 : index
      %swap3A_9 = arith.constant 0 : index
      %swap3A_10 = vector.load %arg3[%swap3A, %swap3A_9] : memref<1000x64xf32, #tpu.memory_space<vmem>>, vector<1000x64xf32>
      tpu.vector_store %arg3[%swap3A, %swap3A_9], %slice3A {strides = array<i32>} : memref<1000x64xf32, #tpu.memory_space<vmem>>, vector<1000x64xf32>,
    } else {
    }
    return
  }
  func.func @transform_0(%arg0: i32, %arg1: i32) -> (i32, i32) {
    %c0_i32 = arith.constant 0 : i32
    %c0_i32_0 = arith.constant 0 : i32
    return %arg1, %c0_i32 : i32, i32
  }
  func.func @transform_1(%arg0: i32, %arg1: i32) -> (i32, i32) {
    %mul3A = arith.constant 10 : i32
    %mul3A_0 = arith.muli %arg0, %mul3A : i32
    %add3A = arith.addi %mul3A_0, %arg1 : i32
    %c0_i32 = arith.constant 0 : i32
    %c0_i32_1 = arith.constant 0 : i32
    return %add3A, %c0_i32 : i32, i32
  }
}

module attributes {stable_mosaic.version = 14 : i64} {
  func.func @_node_mlp_body(%arg0: i32, %arg1: memref<1000x64xf32, #tpu.memory_space<vmem>>, %arg2: memref<1000x64xf32, #tpu.memory_space<vmem>>, %arg3: memref<2x1000x64xf32, #tpu.memory_space<vmem>>, %arg4: memref<128x128xf32, #tpu.memory_space<vmem>>, %arg5: memref<1x128xf32, #tpu.memory_space<vmem>>, %arg6: memref<128x128xf32, #tpu.memory_space<vmem>>, %arg7: memref<1x128xf32, #tpu.memory_space<vmem>>, %arg8: memref<2x1000x64xf32, #tpu.memory_space<vmem>>) attributes {dimension_semantics = [#tpu.dimension_semantics<arbitrary>], iteration_bounds = array<i64: 10>, scalar_prefetch = 0 : i64, scratch_operands = 0 : i64, tpu.core_type = #tpu.core_type<tc>, window_params = [{transform_indices = @transform_0, window_bounds = array<i64: 1000, 64>}, {transform_indices = @transform_1, window_bounds = array<i64: 1000, 64>}, {transform_indices = @transform_2, window_bounds = array<i64: 2, 1000, 64>}, {pipeline_mode = #tpu.pipeline_mode<synchronous>, transform_indices = @transform_3, window_bounds = array<i64: 128, 128>}, {pipeline_mode = #tpu.pipeline_mode<synchronous>, transform_indices = @transform_4, window_bounds = array<i64: 1, 128>}, {pipeline_mode = #tpu.pipeline_mode<synchronous>, transform_indices = @transform_5, window_bounds = array<i64: 128, 128>}, {pipeline_mode = #tpu.pipeline_mode<synchronous>, transform_indices = @transform_6, window_bounds = array<i64: 1, 128>}, {transform_indices = @transform_7, window_bounds = array<i64: 2, 1000, 64>}]} {
    %get3A = arith.constant 0 : index
    %get3A_0 = arith.constant 0 : index
    %get3A_1 = vector.load %arg1[%get3A, %get3A_0] : memref<1000x64xf32, #tpu.memory_space<vmem>>, vector<1000x64xf32>
    %get3A_2 = arith.constant 0 : index
    %get3A_3 = arith.constant 0 : index
    %get3A_4 = vector.load %arg2[%get3A_2, %get3A_3] : memref<1000x64xf32, #tpu.memory_space<vmem>>, vector<1000x64xf32>
    %concatenate3A = tpu.concatenate %get3A_1, %get3A_4 in 1 : vector<1000x64xf32>, vector<1000x64xf32> -> vector<1000x128xf32>
    %get3A_5 = arith.constant 0 : index
    %get3A_6 = arith.constant 0 : index
    %get3A_7 = arith.constant 0 : index
    %get3A_8 = vector.load %arg3[%get3A_5, %get3A_6, %get3A_7] : memref<2x1000x64xf32, #tpu.memory_space<vmem>>, vector<1x1000x64xf32>
    %get3A_9 = vector.shape_cast %get3A_8 : vector<1x1000x64xf32> to vector<1000x64xf32>
    %get3A_10 = arith.constant 1 : index
    %get3A_11 = arith.constant 0 : index
    %get3A_12 = arith.constant 0 : index
    %get3A_13 = vector.load %arg3[%get3A_10, %get3A_11, %get3A_12] : memref<2x1000x64xf32, #tpu.memory_space<vmem>>, vector<1x1000x64xf32>
    %get3A_14 = vector.shape_cast %get3A_13 : vector<1x1000x64xf32> to vector<1000x64xf32>
    %concatenate3A_15 = tpu.concatenate %get3A_9, %get3A_14 in 1 : vector<1000x64xf32>, vector<1000x64xf32> -> vector<1000x128xf32>
    %add3A = arith.addf %concatenate3A, %concatenate3A_15 : vector<1000x128xf32>
    %get3A_16 = arith.constant 0 : index
    %get3A_17 = arith.constant 0 : index
    %get3A_18 = vector.load %arg4[%get3A_16, %get3A_17] : memref<128x128xf32, #tpu.memory_space<vmem>>, vector<128x128xf32>
    %dot_general3A = arith.constant dense<0.000000e+00> : vector<1000x128xf32>
    %dot_general3A_19 = tpu.matmul %add3A, %get3A_18, %dot_general3A {dimension_numbers = #tpu.dot_dimension_numbers<[1], [0], [0], [1], [0, 0, 1, 1], [], []>, transpose_lhs_hint = false} : vector<1000x128xf32>, vector<128x128xf32>, vector<1000x128xf32> -> vector<1000x128xf32>
    %get3A_20 = arith.constant 0 : index
    %get3A_21 = arith.constant 0 : index
    %get3A_22 = vector.load %arg5[%get3A_20, %get3A_21] : memref<1x128xf32, #tpu.memory_space<vmem>>, vector<1x128xf32>
    %add3A_23 = vector.broadcast %get3A_22 : vector<1x128xf32> to vector<1000x128xf32>
    %add3A_24 = arith.addf %dot_general3A_19, %add3A_23 : vector<1000x128xf32>
    %max3A = arith.constant 0.000000e+00 : f32
    %max3A_25 = vector.broadcast %max3A : f32 to vector<1000x128xf32>
    %max3A_26 = arith.maximumf %add3A_24, %max3A_25 : vector<1000x128xf32>
    %get3A_27 = arith.constant 0 : index
    %get3A_28 = arith.constant 0 : index
    %get3A_29 = vector.load %arg6[%get3A_27, %get3A_28] : memref<128x128xf32, #tpu.memory_space<vmem>>, vector<128x128xf32>
    %dot_general3A_30 = arith.constant dense<0.000000e+00> : vector<1000x128xf32>
    %dot_general3A_31 = tpu.matmul %max3A_26, %get3A_29, %dot_general3A_30 {dimension_numbers = #tpu.dot_dimension_numbers<[1], [0], [0], [1], [0, 0, 1, 1], [], []>, transpose_lhs_hint = false} : vector<1000x128xf32>, vector<128x128xf32>, vector<1000x128xf32> -> vector<1000x128xf32>
    %get3A_32 = arith.constant 0 : index
    %get3A_33 = arith.constant 0 : index
    %get3A_34 = vector.load %arg7[%get3A_32, %get3A_33] : memref<1x128xf32, #tpu.memory_space<vmem>>, vector<1x128xf32>
    %add3A_35 = vector.broadcast %get3A_34 : vector<1x128xf32> to vector<1000x128xf32>
    %add3A_36 = arith.addf %dot_general3A_31, %add3A_35 : vector<1000x128xf32>
    %max3A_37 = arith.constant 0.000000e+00 : f32
    %max3A_38 = vector.broadcast %max3A_37 : f32 to vector<1000x128xf32>
    %max3A_39 = arith.maximumf %add3A_36, %max3A_38 : vector<1000x128xf32>
    %slice3A = vector.extract_strided_slice %max3A_39 {offsets = [0, 0], sizes = [1000, 64], strides = [1, 1]} : vector<1000x128xf32> to vector<1000x64xf32>
    %swap3A = arith.constant 0 : index
    %swap3A_40 = arith.constant 0 : index
    %swap3A_41 = arith.constant 0 : index
    %swap3A_42 = vector.load %arg8[%swap3A, %swap3A_40, %swap3A_41] : memref<2x1000x64xf32, #tpu.memory_space<vmem>>, vector<1x1000x64xf32>
    %swap3A_43 = vector.shape_cast %swap3A_42 : vector<1x1000x64xf32> to vector<1000x64xf32>
    %swap3A_44 = vector.shape_cast %slice3A : vector<1000x64xf32> to vector<1x1000x64xf32>
    tpu.vector_store %arg8[%swap3A, %swap3A_40, %swap3A_41], %swap3A_44 {strides = array<i32>} : memref<2x1000x64xf32, #tpu.memory_space<vmem>>, vector<1x1000x64xf32>,
    %slice3A_45 = vector.extract_strided_slice %max3A_39 {offsets = [0, 64], sizes = [1000, 64], strides = [1, 1]} : vector<1000x128xf32> to vector<1000x64xf32>
    %swap3A_46 = arith.constant 1 : index
    %swap3A_47 = arith.constant 0 : index
    %swap3A_48 = arith.constant 0 : index
    %swap3A_49 = vector.load %arg8[%swap3A_46, %swap3A_47, %swap3A_48] : memref<2x1000x64xf32, #tpu.memory_space<vmem>>, vector<1x1000x64xf32>
    %swap3A_50 = vector.shape_cast %swap3A_49 : vector<1x1000x64xf32> to vector<1000x64xf32>
    %swap3A_51 = vector.shape_cast %slice3A_45 : vector<1000x64xf32> to vector<1x1000x64xf32>
    tpu.vector_store %arg8[%swap3A_46, %swap3A_47, %swap3A_48], %swap3A_51 {strides = array<i32>} : memref<2x1000x64xf32, #tpu.memory_space<vmem>>, vector<1x1000x64xf32>,
    return
  }
  func.func @transform_0(%arg0: i32) -> (i32, i32) {
    %c0_i32 = arith.constant 0 : i32
    %c0_i32_0 = arith.constant 0 : i32
    return %arg0, %c0_i32 : i32, i32
  }
  func.func @transform_1(%arg0: i32) -> (i32, i32) {
    %add3A = arith.constant 10 : i32
    %add3A_0 = arith.addi %add3A, %arg0 : i32
    %c0_i32 = arith.constant 0 : i32
    %c0_i32_1 = arith.constant 0 : i32
    return %add3A_0, %c0_i32 : i32, i32
  }
  func.func @transform_2(%arg0: i32) -> (i32, i32, i32) {
    %c0_i32 = arith.constant 0 : i32
    %c0_i32_0 = arith.constant 0 : i32
    %c0_i32_1 = arith.constant 0 : i32
    return %c0_i32, %arg0, %c0_i32_0 : i32, i32, i32
  }
  func.func @transform_3(%arg0: i32) -> (i32, i32) {
    %c0_i32 = arith.constant 0 : i32
    %c0_i32_0 = arith.constant 0 : i32
    %c0_i32_1 = arith.constant 0 : i32
    return %c0_i32, %c0_i32_0 : i32, i32
  }
  func.func @transform_4(%arg0: i32) -> (i32, i32) {
    %c0_i32 = arith.constant 0 : i32
    %c0_i32_0 = arith.constant 0 : i32
    %c0_i32_1 = arith.constant 0 : i32
    return %c0_i32, %c0_i32_0 : i32, i32
  }
  func.func @transform_5(%arg0: i32) -> (i32, i32) {
    %c0_i32 = arith.constant 0 : i32
    %c0_i32_0 = arith.constant 0 : i32
    %c0_i32_1 = arith.constant 0 : i32
    return %c0_i32, %c0_i32_0 : i32, i32
  }
  func.func @transform_6(%arg0: i32) -> (i32, i32) {
    %c0_i32 = arith.constant 0 : i32
    %c0_i32_0 = arith.constant 0 : i32
    %c0_i32_1 = arith.constant 0 : i32
    return %c0_i32, %c0_i32_0 : i32, i32
  }
  func.func @transform_7(%arg0: i32) -> (i32, i32, i32) {
    %c0_i32 = arith.constant 0 : i32
    %c0_i32_0 = arith.constant 0 : i32
    %c0_i32_1 = arith.constant 0 : i32
    return %c0_i32, %arg0, %c0_i32_0 : i32, i32, i32
  }
}

module attributes {stable_mosaic.version = 14 : i64} {
  func.func @_pool_mlp_body(%arg0: i32, %arg1: memref<2x1000x64xf32, #tpu.memory_space<vmem>>, %arg2: memref<2x1000x64xf32, #tpu.memory_space<vmem>>, %arg3: memref<1x1x1000xi32, #tpu.memory_space<vmem>>, %arg4: memref<128x128xf32, #tpu.memory_space<vmem>>, %arg5: memref<1x128xf32, #tpu.memory_space<vmem>>, %arg6: memref<128x128xf32, #tpu.memory_space<vmem>>, %arg7: memref<1x128xf32, #tpu.memory_space<vmem>>, %arg8: memref<128x128xf32, #tpu.memory_space<vmem>>, %arg9: memref<1x128xf32, #tpu.memory_space<vmem>>, %arg10: memref<128x128xf32, #tpu.memory_space<vmem>>, %arg11: memref<1x128xf32, #tpu.memory_space<vmem>>, %arg12: memref<64x128xf32, #tpu.memory_space<vmem>>, %arg13: memref<64x128xf32, #tpu.memory_space<vmem>>) attributes {dimension_semantics = [#tpu.dimension_semantics<arbitrary>], iteration_bounds = array<i64: 10>, scalar_prefetch = 0 : i64, scratch_operands = 1 : i64, tpu.core_type = #tpu.core_type<tc>, window_params = [{transform_indices = @transform_0, window_bounds = array<i64: 2, 1000, 64>}, {transform_indices = @transform_1, window_bounds = array<i64: 2, 1000, 64>}, {transform_indices = @transform_2, window_bounds = array<i64: 1, 1, 1000>}, {pipeline_mode = #tpu.pipeline_mode<synchronous>, transform_indices = @transform_3, window_bounds = array<i64: 128, 128>}, {pipeline_mode = #tpu.pipeline_mode<synchronous>, transform_indices = @transform_4, window_bounds = array<i64: 1, 128>}, {pipeline_mode = #tpu.pipeline_mode<synchronous>, transform_indices = @transform_5, window_bounds = array<i64: 128, 128>}, {pipeline_mode = #tpu.pipeline_mode<synchronous>, transform_indices = @transform_6, window_bounds = array<i64: 1, 128>}, {pipeline_mode = #tpu.pipeline_mode<synchronous>, transform_indices = @transform_7, window_bounds = array<i64: 128, 128>}, {pipeline_mode = #tpu.pipeline_mode<synchronous>, transform_indices = @transform_8, window_bounds = array<i64: 1, 128>}, {pipeline_mode = #tpu.pipeline_mode<synchronous>, transform_indices = @transform_9, window_bounds = array<i64: 128, 128>}, {pipeline_mode = #tpu.pipeline_mode<synchronous>, transform_indices = @transform_10, window_bounds = array<i64: 1, 128>}, {pipeline_mode = #tpu.pipeline_mode<synchronous>, transform_indices = @transform_11, window_bounds = array<i64: 64, 128>}]} {
    %get3A = arith.constant 0 : index
    %get3A_0 = arith.constant 0 : index
    %get3A_1 = arith.constant 0 : index
    %get3A_2 = vector.load %arg1[%get3A, %get3A_0, %get3A_1] : memref<2x1000x64xf32, #tpu.memory_space<vmem>>, vector<1x1000x64xf32>
    %get3A_3 = vector.shape_cast %get3A_2 : vector<1x1000x64xf32> to vector<1000x64xf32>
    %get3A_4 = arith.constant 1 : index
    %get3A_5 = arith.constant 0 : index
    %get3A_6 = arith.constant 0 : index
    %get3A_7 = vector.load %arg1[%get3A_4, %get3A_5, %get3A_6] : memref<2x1000x64xf32, #tpu.memory_space<vmem>>, vector<1x1000x64xf32>
    %get3A_8 = vector.shape_cast %get3A_7 : vector<1x1000x64xf32> to vector<1000x64xf32>
    %concatenate3A = tpu.concatenate %get3A_3, %get3A_8 in 1 : vector<1000x64xf32>, vector<1000x64xf32> -> vector<1000x128xf32>
    %get3A_9 = arith.constant 0 : index
    %get3A_10 = arith.constant 0 : index
    %get3A_11 = arith.constant 0 : index
    %get3A_12 = vector.load %arg2[%get3A_9, %get3A_10, %get3A_11] : memref<2x1000x64xf32, #tpu.memory_space<vmem>>, vector<1x1000x64xf32>
    %get3A_13 = vector.shape_cast %get3A_12 : vector<1x1000x64xf32> to vector<1000x64xf32>
    %get3A_14 = arith.constant 1 : index
    %get3A_15 = arith.constant 0 : index
    %get3A_16 = arith.constant 0 : index
    %get3A_17 = vector.load %arg2[%get3A_14, %get3A_15, %get3A_16] : memref<2x1000x64xf32, #tpu.memory_space<vmem>>, vector<1x1000x64xf32>
    %get3A_18 = vector.shape_cast %get3A_17 : vector<1x1000x64xf32> to vector<1000x64xf32>
    %concatenate3A_19 = tpu.concatenate %get3A_13, %get3A_18 in 1 : vector<1000x64xf32>, vector<1000x64xf32> -> vector<1000x128xf32>
    %add3A = arith.addf %concatenate3A, %concatenate3A_19 : vector<1000x128xf32>
    %get3A_20 = arith.constant 0 : index
    %get3A_21 = arith.constant 0 : index
    %get3A_22 = vector.load %arg4[%get3A_20, %get3A_21] : memref<128x128xf32, #tpu.memory_space<vmem>>, vector<128x128xf32>
    %dot_general3A = arith.constant dense<0.000000e+00> : vector<1000x128xf32>
    %dot_general3A_23 = tpu.matmul %add3A, %get3A_22, %dot_general3A {dimension_numbers = #tpu.dot_dimension_numbers<[1], [0], [0], [1], [0, 0, 1, 1], [], []>, transpose_lhs_hint = false} : vector<1000x128xf32>, vector<128x128xf32>, vector<1000x128xf32> -> vector<1000x128xf32>
    %get3A_24 = arith.constant 0 : index
    %get3A_25 = arith.constant 0 : index
    %get3A_26 = vector.load %arg5[%get3A_24, %get3A_25] : memref<1x128xf32, #tpu.memory_space<vmem>>, vector<1x128xf32>
    %add3A_27 = vector.broadcast %get3A_26 : vector<1x128xf32> to vector<1000x128xf32>
    %add3A_28 = arith.addf %dot_general3A_23, %add3A_27 : vector<1000x128xf32>
    %max3A = arith.constant 0.000000e+00 : f32
    %max3A_29 = vector.broadcast %max3A : f32 to vector<1000x128xf32>
    %max3A_30 = arith.maximumf %add3A_28, %max3A_29 : vector<1000x128xf32>
    %get3A_31 = arith.constant 0 : index
    %get3A_32 = arith.constant 0 : index
    %get3A_33 = vector.load %arg6[%get3A_31, %get3A_32] : memref<128x128xf32, #tpu.memory_space<vmem>>, vector<128x128xf32>
    %dot_general3A_34 = arith.constant dense<0.000000e+00> : vector<1000x128xf32>
    %dot_general3A_35 = tpu.matmul %max3A_30, %get3A_33, %dot_general3A_34 {dimension_numbers = #tpu.dot_dimension_numbers<[1], [0], [0], [1], [0, 0, 1, 1], [], []>, transpose_lhs_hint = false} : vector<1000x128xf32>, vector<128x128xf32>, vector<1000x128xf32> -> vector<1000x128xf32>
    %get3A_36 = arith.constant 0 : index
    %get3A_37 = arith.constant 0 : index
    %get3A_38 = vector.load %arg7[%get3A_36, %get3A_37] : memref<1x128xf32, #tpu.memory_space<vmem>>, vector<1x128xf32>
    %add3A_39 = vector.broadcast %get3A_38 : vector<1x128xf32> to vector<1000x128xf32>
    %add3A_40 = arith.addf %dot_general3A_35, %add3A_39 : vector<1000x128xf32>
    %max3A_41 = arith.constant 0.000000e+00 : f32
    %max3A_42 = vector.broadcast %max3A_41 : f32 to vector<1000x128xf32>
    %max3A_43 = arith.maximumf %add3A_40, %max3A_42 : vector<1000x128xf32>
    %get3A_44 = arith.constant 0 : index
    %get3A_45 = arith.constant 0 : index
    %get3A_46 = arith.constant 0 : index
    %get3A_47 = vector.load %arg3[%get3A_44, %get3A_45, %get3A_46] : memref<1x1x1000xi32, #tpu.memory_space<vmem>>, vector<1x1x1000xi32>
    %get3A_48 = vector.shape_cast %get3A_47 : vector<1x1x1000xi32> to vector<1000xi32>
    %iota3A = tpu.iota {dimensions = array<i32: 0>} : vector<64x1000xi32>
    %broadcast_in_dim3A = vector.shape_cast %get3A_48 : vector<1000xi32> to vector<1x1000xi32>
    %eq3A = vector.broadcast %broadcast_in_dim3A : vector<1x1000xi32> to vector<64x1000xi32>
    %eq3A_49 = arith.cmpi eq, %iota3A, %eq3A : vector<64x1000xi32>
    %convert_element_type3A = arith.extui %eq3A_49 : vector<64x1000xi1> to vector<64x1000xi32>
    %convert_element_type3A_50 = arith.sitofp %convert_element_type3A : vector<64x1000xi32> to vector<64x1000xf32>
    %dot_general3A_51 = arith.constant dense<0.000000e+00> : vector<64x128xf32>
    %dot_general3A_52 = tpu.matmul %convert_element_type3A_50, %max3A_43, %dot_general3A_51 {dimension_numbers = #tpu.dot_dimension_numbers<[1], [0], [0], [1], [0, 0, 1, 1], [], []>, transpose_lhs_hint = false} : vector<64x1000xf32>, vector<1000x128xf32>, vector<64x128xf32> -> vector<64x128xf32>
    %eq3A_53 = arith.constant 0 : i32
    %eq3A_54 = arith.cmpi eq, %arg0, %eq3A_53 : i32
    %convert_element_type3A_55 = arith.extui %eq3A_54 : i1 to i32
    %cond3A = arith.constant 0 : i32
    %cond3A_56 = arith.cmpi ne, %convert_element_type3A_55, %cond3A : i32
    scf.if %cond3A_56 {
      %broadcast_in_dim3A_68 = arith.constant 0.000000e+00 : f32
      %broadcast_in_dim3A_69 = vector.broadcast %broadcast_in_dim3A_68 : f32 to vector<64x128xf32>
      %swap3A_70 = arith.constant 0 : index
      %swap3A_71 = arith.constant 0 : index
      %swap3A_72 = vector.load %arg13[%swap3A_70, %swap3A_71] : memref<64x128xf32, #tpu.memory_space<vmem>>, vector<64x128xf32>
      tpu.vector_store %arg13[%swap3A_70, %swap3A_71], %broadcast_in_dim3A_69 {strides = array<i32>} : memref<64x128xf32, #tpu.memory_space<vmem>>, vector<64x128xf32>,
    } else {
    }
    %get3A_57 = arith.constant 0 : index
    %get3A_58 = arith.constant 0 : index
    %get3A_59 = vector.load %arg13[%get3A_57, %get3A_58] : memref<64x128xf32, #tpu.memory_space<vmem>>, vector<64x128xf32>
    %add3A_60 = arith.addf %get3A_59, %dot_general3A_52 : vector<64x128xf32>
    %swap3A = arith.constant 0 : index
    %swap3A_61 = arith.constant 0 : index
    %swap3A_62 = vector.load %arg13[%swap3A, %swap3A_61] : memref<64x128xf32, #tpu.memory_space<vmem>>, vector<64x128xf32>
    tpu.vector_store %arg13[%swap3A, %swap3A_61], %add3A_60 {strides = array<i32>} : memref<64x128xf32, #tpu.memory_space<vmem>>, vector<64x128xf32>,
    %eq3A_63 = arith.constant 9 : i32
    %eq3A_64 = arith.cmpi eq, %arg0, %eq3A_63 : i32
    %convert_element_type3A_65 = arith.extui %eq3A_64 : i1 to i32
    %cond3A_66 = arith.constant 0 : i32
    %cond3A_67 = arith.cmpi ne, %convert_element_type3A_65, %cond3A_66 : i32
    scf.if %cond3A_67 {
      %get3A_68 = arith.constant 0 : index
      %get3A_69 = arith.constant 0 : index
      %get3A_70 = vector.load %arg13[%get3A_68, %get3A_69] : memref<64x128xf32, #tpu.memory_space<vmem>>, vector<64x128xf32>
      %get3A_71 = arith.constant 0 : index
      %get3A_72 = arith.constant 0 : index
      %get3A_73 = vector.load %arg8[%get3A_71, %get3A_72] : memref<128x128xf32, #tpu.memory_space<vmem>>, vector<128x128xf32>
      %dot_general3A_74 = arith.constant dense<0.000000e+00> : vector<64x128xf32>
      %dot_general3A_75 = tpu.matmul %get3A_70, %get3A_73, %dot_general3A_74 {dimension_numbers = #tpu.dot_dimension_numbers<[1], [0], [0], [1], [0, 0, 1, 1], [], []>, transpose_lhs_hint = false} : vector<64x128xf32>, vector<128x128xf32>, vector<64x128xf32> -> vector<64x128xf32>
      %get3A_76 = arith.constant 0 : index
      %get3A_77 = arith.constant 0 : index
      %get3A_78 = vector.load %arg9[%get3A_76, %get3A_77] : memref<1x128xf32, #tpu.memory_space<vmem>>, vector<1x128xf32>
      %add3A_79 = vector.broadcast %get3A_78 : vector<1x128xf32> to vector<64x128xf32>
      %add3A_80 = arith.addf %dot_general3A_75, %add3A_79 : vector<64x128xf32>
      %max3A_81 = arith.constant 0.000000e+00 : f32
      %max3A_82 = vector.broadcast %max3A_81 : f32 to vector<64x128xf32>
      %max3A_83 = arith.maximumf %add3A_80, %max3A_82 : vector<64x128xf32>
      %get3A_84 = arith.constant 0 : index
      %get3A_85 = arith.constant 0 : index
      %get3A_86 = vector.load %arg10[%get3A_84, %get3A_85] : memref<128x128xf32, #tpu.memory_space<vmem>>, vector<128x128xf32>
      %dot_general3A_87 = arith.constant dense<0.000000e+00> : vector<64x128xf32>
      %dot_general3A_88 = tpu.matmul %max3A_83, %get3A_86, %dot_general3A_87 {dimension_numbers = #tpu.dot_dimension_numbers<[1], [0], [0], [1], [0, 0, 1, 1], [], []>, transpose_lhs_hint = false} : vector<64x128xf32>, vector<128x128xf32>, vector<64x128xf32> -> vector<64x128xf32>
      %get3A_89 = arith.constant 0 : index
      %get3A_90 = arith.constant 0 : index
      %get3A_91 = vector.load %arg11[%get3A_89, %get3A_90] : memref<1x128xf32, #tpu.memory_space<vmem>>, vector<1x128xf32>
      %add3A_92 = vector.broadcast %get3A_91 : vector<1x128xf32> to vector<64x128xf32>
      %add3A_93 = arith.addf %dot_general3A_88, %add3A_92 : vector<64x128xf32>
      %swap3A_94 = arith.constant 0 : index
      %swap3A_95 = arith.constant 0 : index
      %swap3A_96 = vector.load %arg12[%swap3A_94, %swap3A_95] : memref<64x128xf32, #tpu.memory_space<vmem>>, vector<64x128xf32>
      tpu.vector_store %arg12[%swap3A_94, %swap3A_95], %add3A_93 {strides = array<i32>} : memref<64x128xf32, #tpu.memory_space<vmem>>, vector<64x128xf32>,
    } else {
    }
    return
  }
  func.func @transform_0(%arg0: i32) -> (i32, i32, i32) {
    %c0_i32 = arith.constant 0 : i32
    %c0_i32_0 = arith.constant 0 : i32
    %c0_i32_1 = arith.constant 0 : i32
    return %c0_i32, %arg0, %c0_i32_0 : i32, i32, i32
  }
  func.func @transform_1(%arg0: i32) -> (i32, i32, i32) {
    %c0_i32 = arith.constant 0 : i32
    %c0_i32_0 = arith.constant 0 : i32
    %c0_i32_1 = arith.constant 0 : i32
    return %c0_i32, %arg0, %c0_i32_0 : i32, i32, i32
  }
  func.func @transform_2(%arg0: i32) -> (i32, i32, i32) {
    %c0_i32 = arith.constant 0 : i32
    %c0_i32_0 = arith.constant 0 : i32
    %c0_i32_1 = arith.constant 0 : i32
    return %arg0, %c0_i32, %c0_i32_0 : i32, i32, i32
  }
  func.func @transform_3(%arg0: i32) -> (i32, i32) {
    %c0_i32 = arith.constant 0 : i32
    %c0_i32_0 = arith.constant 0 : i32
    %c0_i32_1 = arith.constant 0 : i32
    return %c0_i32, %c0_i32_0 : i32, i32
  }
  func.func @transform_4(%arg0: i32) -> (i32, i32) {
    %c0_i32 = arith.constant 0 : i32
    %c0_i32_0 = arith.constant 0 : i32
    %c0_i32_1 = arith.constant 0 : i32
    return %c0_i32, %c0_i32_0 : i32, i32
  }
  func.func @transform_5(%arg0: i32) -> (i32, i32) {
    %c0_i32 = arith.constant 0 : i32
    %c0_i32_0 = arith.constant 0 : i32
    %c0_i32_1 = arith.constant 0 : i32
    return %c0_i32, %c0_i32_0 : i32, i32
  }
  func.func @transform_6(%arg0: i32) -> (i32, i32) {
    %c0_i32 = arith.constant 0 : i32
    %c0_i32_0 = arith.constant 0 : i32
    %c0_i32_1 = arith.constant 0 : i32
    return %c0_i32, %c0_i32_0 : i32, i32
  }
  func.func @transform_7(%arg0: i32) -> (i32, i32) {
    %c0_i32 = arith.constant 0 : i32
    %c0_i32_0 = arith.constant 0 : i32
    %c0_i32_1 = arith.constant 0 : i32
    return %c0_i32, %c0_i32_0 : i32, i32
  }
  func.func @transform_8(%arg0: i32) -> (i32, i32) {
    %c0_i32 = arith.constant 0 : i32
    %c0_i32_0 = arith.constant 0 : i32
    %c0_i32_1 = arith.constant 0 : i32
    return %c0_i32, %c0_i32_0 : i32, i32
  }
  func.func @transform_9(%arg0: i32) -> (i32, i32) {
    %c0_i32 = arith.constant 0 : i32
    %c0_i32_0 = arith.constant 0 : i32
    %c0_i32_1 = arith.constant 0 : i32
    return %c0_i32, %c0_i32_0 : i32, i32
  }
  func.func @transform_10(%arg0: i32) -> (i32, i32) {
    %c0_i32 = arith.constant 0 : i32
    %c0_i32_0 = arith.constant 0 : i32
    %c0_i32_1 = arith.constant 0 : i32
    return %c0_i32, %c0_i32_0 : i32, i32
  }
  func.func @transform_11(%arg0: i32) -> (i32, i32) {
    %c0_i32 = arith.constant 0 : i32
    %c0_i32_0 = arith.constant 0 : i32
    %c0_i32_1 = arith.constant 0 : i32
    return %c0_i32, %c0_i32_0 : i32, i32
  }
}

</mosaic_0001>

<sc_bundles>
// kernel: kernel.11.cloned.1.call-start
scs
__scs_entry_jumppad:
0x0: {  	(pc) =	sbr.rel $0x88, $3  }
0x1: {  	(tag) =	ssettag $0x0;
	lr =	simm.s32 $0x1  }
0x2: {  	[smem:$0x3F8D] =	sst lr;
	_ =	strace $0xD0000000  }
0x3: {  	_ = 	snop  }
0x4: {  	_ = 	snop  }
0x5: {  	_ = 	snop  }
0x6: {  	_ = 	snop  }
0x7: {  	_ = 	snop  }
__scs_overlays_trampoline_lowered:
0x8: {  	[smem:$0x3F9C] =	sst s0  }
0x9: {  	[smem:$0x3F9D] =	sst s1  }
0xa: {  	[smem:$0x3F9E] =	sst s2  }
0xb: {  	[smem:$0x3F9F] =	sst s3  }
0xc: {  	[smem:$0x3FA0] =	sst s4  }
0xd: {  	[smem:$0x3FA1] =	sst s5  }
0xe: {  	[smem:$0x3FA2] =	sst s6  }
0xf: {  	[smem:$0x3FA3] =	sst s7  }
0x10: {  	[smem:$0x3FA4] =	sst s8  }
0x11: {  	[smem:$0x3FA5] =	sst s9;
	s0 =	simm.s32 @!p0 $0x0  }
0x12: {  	s1 =	sld [smem:$0x3F8B];
	s0 =	simm.s32 @p0 $0x1  }
0x13: {  	[smem:$0x3FA6] =	sst s0;
	s0 =	simm.s32 @!p1 $0x0  }
0x14: {  	s2 =	sld [smem:$0x3F8A];
	s0 =	simm.s32 @p1 $0x1  }
0x15: {  	[smem:$0x3FA7] =	sst s0;
	s0 =	simm.s32 @!p2 $0x0  }
0x16: {  	s3 =	sld [smem:$0x3FDB];
	s0 =	simm.s32 @p2 $0x1  }
0x17: {  	s4 =	simm.s32 $0x1BF5;
	[smem:$0x3FA9] =	sst s0  }
0x18: {  	s0 =	sld [smem:$0x3F8C];
	_ =	swait.ge [sflag:s4], $0x0  }
0x19: {  	s7 =	sld [smem:$0x3F8D]  }
0x1a: {  	s8 =	sadd.s32 $0xFFFFE003, lr  }
0x1b: {  	s9 =	sadd.s32 $0xFFFFFEF7, lr;
	s5 =	simm.s32 $0xFFFFFFFF;
	p2 =	slt.u32 s8, $0xFFFFF086  }
0x1c: {  	p1 =	slt.u32 s9, $0xF7A;
	s5 =	simm.s32 @!p2 $0x0  }
0x1d: {  	s5 =	simm.s32 @p1 $0x1;
	p0 =	seq.s32 s7, s2  }
0x1e: {  	s7 =	smul.u32 @!p0 $0xF7A, s2;
	p2 =	seq.s32 @!p0 s5, $0x0  }
0x1f: {  	s9 =	smul.u32 $0xF7A, s1;
	s8 =	simm.s32 @!p0 $0x1BF5;
	p2 =	por !p2, p0  }
0x20: {  	[sflag:s8] =	ssyncset.s32 @!p0 $0xFFFFF086;
	s6 =	sadd.s32 @!p0 s3, s7;
	s7 =	simm.s32 @!p0 $0x108  }
0x21: {  	s3 =	sadd.s32 s3, s9;
	s6 =	sadd.s32 @!p0 $0x88, s6;
	s7 =	simm.s32 @p2 $0x1082  }
0x22: {  	[simem:s7], [sflag:s8] =	dma.local @!p0 [hbm:s6], $0xF7A  }
0x23: {  	s9 =	sor.u32 $0xD0000000, s2;
	s6 =	simm.s32 $0x108;
	_ =	swait.ge @!p0 [sflag:s8], $0x0  }
0x24: {  	s3 =	sadd.s32 $0x88, s3;
	s6 =	simm.s32 @!p1 $0x1082;
	[sflag:s4] =	ssyncset.s32 $0xFFFFF086  }
0x25: {  	[simem:s6], [sflag:s4] =	dma.local [hbm:s3], $0xF7A  }
0x26: {  	[smem:$0x3F8D] =	sst s1;
	(tag) =	ssettag s2;
	_ =	strace s9  }
0x27: {  	s1 =	sld [smem:$0x3F9D]  }
0x28: {  	s2 =	sld [smem:$0x3F9E]  }
0x29: {  	s4 =	sld [smem:$0x3FA0]  }
0x2a: {  	p0 =	seq.s32 s5, $0x0;
	s5 =	sld [smem:$0x3FA1]  }
0x2b: {  	s6 =	sld [smem:$0x3FA2]  }
0x2c: {  	s7 =	sld [smem:$0x3FA3]  }
0x2d: {  	s3 =	simm.s32 $0x108;
	s8 =	sld [smem:$0x3FA4]  }
0x2e: {  	s3 =	simm.s32 @!p0 $0x1082;
	s9 =	sld [smem:$0x3FA5]  }
0x2f: {  	lr =	sadd.s32 s0, s3;
	s0 =	sld [smem:$0x3F9C]  }
0x30: {  	s3 =	sld [smem:$0x3F9F]  }
0x31: {  	[smem:$0x3FA8] =	sst s10  }
0x32: {  	s10 =	sld [smem:$0x3FA6];
	_ =	sdelay $0x3  }
0x33: {  	p0 =	seq.s32 s10, $0x1;
	s10 =	sld [smem:$0x3FA8];
	_ =	sdelay $0x3  }
0x34: {  	[smem:$0x3FA8] =	sst s10  }
0x35: {  	s10 =	sld [smem:$0x3FA7];
	_ =	sdelay $0x3  }
0x36: {  	p1 =	seq.s32 s10, $0x1;
	s10 =	sld [smem:$0x3FA8];
	_ =	sdelay $0x3  }
0x37: {  	[smem:$0x3FA8] =	sst s10  }
0x38: {  	s10 =	sld [smem:$0x3FA9]  }
0x39: {  	_ = 	snop;
	(pc) =	sbr.ind lr, $3  }
0x3a: {  	_ = 	snop  }
0x3b: {  	_ = 	snop  }
0x3c: {  	p2 =	seq.s32 s10, $0x1;
	s10 =	sld [smem:$0x3FA8]  }
0x3d: {  	_ =	shalt  }
0x3e: {  	_ =	shalt  }
0x3f: {  	_ =	shalt  }
0x40: {  	_ =	shalt  }
0x41: {  	_ =	shalt  }
0x42: {  	_ =	shalt  }
0x43: {  	_ =	shalt  }
0x44: {  	_ =	shalt  }
0x45: {  	_ =	shalt  }
0x46: {  	_ =	shalt  }
0x47: {  	_ =	shalt  }
0x48: {  	_ =	shalt  }
0x49: {  	_ =	shalt  }
0x4a: {  	_ =	shalt  }
0x4b: {  	_ =	shalt  }
0x4c: {  	_ =	shalt  }
0x4d: {  	_ =	shalt  }
0x4e: {  	_ =	shalt  }
0x4f: {  	_ =	shalt  }
0x50: {  	_ =	shalt  }
0x51: {  	_ =	shalt  }
0x52: {  	_ =	shalt  }
0x53: {  	_ =	shalt  }
0x54: {  	_ =	shalt  }
0x55: {  	_ =	shalt  }
0x56: {  	_ =	shalt  }
0x57: {  	_ =	shalt  }
0x58: {  	_ =	shalt  }
0x59: {  	_ =	shalt  }
0x5a: {  	_ =	shalt  }
0x5b: {  	_ =	shalt  }
0x5c: {  	_ =	shalt  }
0x5d: {  	_ =	shalt  }
0x5e: {  	_ =	shalt  }
0x5f: {  	_ =	shalt  }
0x60: {  	_ =	shalt  }
0x61: {  	_ =	shalt  }
0x62: {  	_ =	shalt  }
0x63: {  	_ =	shalt  }
0x64: {  	_ =	shalt  }
0x65: {  	_ =	shalt  }
0x66: {  	_ =	shalt  }
0x67: {  	_ =	shalt  }
0x68: {  	_ =	shalt  }
0x69: {  	_ =	shalt  }
0x6a: {  	_ =	shalt  }
0x6b: {  	_ =	shalt  }
0x6c: {  	_ =	shalt  }
0x6d: {  	_ =	shalt  }
0x6e: {  	_ =	shalt  }
0x6f: {  	_ =	shalt  }
0x70: {  	_ =	shalt  }
0x71: {  	_ =	shalt  }
0x72: {  	_ =	shalt  }
0x73: {  	_ =	shalt  }
0x74: {  	_ =	shalt  }
0x75: {  	_ =	shalt  }
0x76: {  	_ =	shalt  }
0x77: {  	_ =	shalt  }
0x78: {  	_ =	shalt  }
0x79: {  	_ =	shalt  }
0x7a: {  	_ =	shalt  }
0x7b: {  	_ =	shalt  }
0x7c: {  	_ =	shalt  }
0x7d: {  	_ =	shalt  }
0x7e: {  	_ =	shalt  }
0x7f: {  	_ =	shalt  }
0x80: {  	_ =	shalt  }
0x81: {  	_ =	shalt  }
0x82: {  	_ =	shalt  }
0x83: {  	_ =	shalt  }
0x84: {  	_ =	shalt  }
0x85: {  	_ =	shalt  }
0x86: {  	_ =	shalt  }
0x87: {  	_ =	shalt  }
.Lfunc_end0:
.L_simem_size_0:
called_computation.1_lowered:
.L_overlay_start_0:
0x88: {  	s2 =	sld [smem:$0x3FD9]  }
0x89: {  	s3 =	sld [smem:$0x3FFE];
	_ =	sdelay $0x1  }
0x8a: {  	s1 =	srdreg.scid  }
0x8b: {  	s0 =	sand.u32 $0x1, s1  }
0x8c: {  	s16 =	sshll.u32 s0, $0xA;
	s2 =	sadd.s32 s3, s2  }
0x8d: {  	s2 =	sadd.s32 s2, s16  }
0x8e: {  	[smem:$0x3FB4] =	sst s2  }
0x8f: {  	_ = 	snop  }
0x90: {  	(tm) =	ssettm $0x1  }
0x91: {  	s17 =	sld [smem:$0x3FFB];
	_ =	sdelay $0x3  }
0x92: {  	_ =	strace s17  }
0x93: {  	s2 =	sld [smem:$0x3FFC];
	_ =	sdelay $0x3  }
0x94: {  	_ =	strace s2  }
0x95: {  	s2 =	sld [smem:$0x3FFD];
	_ =	sdelay $0x3  }
0x96: {  	_ =	strace s2  }
0x97: {  	_ =	strace $0x8FFFFFFF  }
0x98: {  	s18 =	sld [smem:$0x3FDB];
	_ =	sdelay $0x1  }
0x99: {  	s19 =	simm.s32 $_scs_section_size  }
0x9a: {  	s4 =	simm.s32 $_size__tile_overlayer_lowered;
	s5 =	simm.s32 $_tile_overlayer_lowered  }
0x9b: {  	s22 =	simm.s32 $0x1BFF;
	s21 =	sshll.u32 s5, $0x1;
	s2 =	sadd.s32 s19, s18  }
0x9c: {  	s6 =	simm.s32 $0x0;
	s20 =	sshll.u32 s4, $0x1;
	s4 =	sadd.s32 s21, s2  }
0x9d: {  	[timem:s6], [sflag:s22] =	dma.local [hbm:s4], s20  }
0x9e: {  	_ =	swait.ge [sflag:s22], s20  }
0x9f: {  	s3 =	ssub.s32 $0x0, s20;
	[sflag:s22] =	ssyncset.done $0x0  }
0xa0: {  	[sflag:s22] =	ssyncadd.s32 s3;
	_ =	sdelay $0x1  }
0xa1: {  	s23 =	simm.s32 $0x1B8B  }
0xa2: {  	_ =	swait.ge [sflag:s23], $0x1  }
0xa3: {  	[sflag:s23] =	ssyncset.done $0x0  }
0xa4: {  	s25 =	simm.s32 $0x1B8E;
	s24 =	sld [smem:$0x3FFE];
	[sflag:s23] =	ssyncadd.s32 $0xFFFFFFFF  }
0xa5: {  	s26 =	simm.s32 $execute0_lowered;
	[smem:$0x3FD2] =	sst s25  }
0xa6: {  	s4 =	sshll.u32 s26, $0x1;
	_ =	strace $0x80000049;
	[dreg:$0x1] =	wrdreg $0xFFFFFFFF  }
0xa7: {  	s28 =	simm.s32 $_size_execute0_lowered;
	s2 =	sadd.s32 s2, s4;
	[dreg:$0x0] =	wrdreg $0x0  }
0xa8: {  	s4 =	sshll.u32 s28, $0x1;
	[dreg:$0x2] =	wrdreg s2  }
0xa9: {  	[dreg:$0x3] =	wrdreg s4  }
0xaa: {  	[dreg:$0x4] =	wrdreg $0xC0  }
0xab: {  	_ =	task [dreg:s6], $0x5FFFF  }
0xac: {  	[dreg:$0x1] =	wrdreg $0xFFFFFFFF  }
0xad: {  	[dreg:$0x0] =	wrdreg $0x60  }
0xae: {  	[dreg:$0x2] =	wrdreg s24  }
0xaf: {  	[dreg:$0x3] =	wrdreg $0x13E000  }
0xb0: {  	[dreg:$0x4] =	wrdreg $0x9  }
0xb1: {  	_ =	task.clear_ibuf [dreg:s6], $0x5FFFF;
	_ =	strace $0x90000049  }
0xb2: {  	s29 =	simm.s32 $0x9;
	_ =	strace $0x8000004B  }
0xb3: {  	_ =	swait.ge [sflag:s29], $0x1  }
0xb4: {  	[sflag:s29] =	ssyncadd.s32 $0xFFFFFFFF  }
0xb5: {  	_ =	strace $0x9000004B  }
0xb6: {  	_ =	sfence  }
0xb7: {  	s30 =	sld [smem:$0x0];
	_ =	sdelay $0x2  }
0xb8: {  	s31 =	sshll.u32 s1, $0xD;
	s1 =	sshrl.u32 s1, $0x2  }
0xb9: {  	s3 =	sand.u32 $0x4000, s31;
	s1 =	sadd.s32 s1, s30  }
0xba: {  	s0 =	sor.u32 s3, s0;
	s1 =	sshll.u32 s1, $0x11  }
0xbb: {  	s0 =	sor.u32 s1, s0  }
0xbc: {  	s0 =	sadd.s32 $0x8F2B, s0  }
0xbd: {  	[sflag:s0] =	ssyncadd.remote.s32 $0x1  }
0xbe: {  	_ =	sfence.sel $0xFFFF  }
0xbf: {  	[dreg:$0x0] =	wrdreg $0xFFFFFFFF;
	(pc) =	sbr.abs _section_cstart, $3  }
0xc0: {  	[dreg:$0x1] =	wrdreg $0xFFFFFFFF  }
0xc1: {  	_ =	task.clear_ibuf [dreg:s6], $0x2FFFF;
	_ =	strace $0x9FFFFFFF  }
0xc2: {  	(tm) =	ssettm $0x7FFFFFFF  }
0xc3: {  	_ =	shalt  }
tec
execute0_lowered:
.L_overlay_start_1:
0x0: {  	(tag) =	ssettag $0x1  }
0x1: {  	s0 =	rddreg [dreg:$0x0]  }
0x2: {  	s1 =	rddreg [dreg:$0x1]  }
0x3: {  	s3 =	simm.s32 $0x0;
	s2 =	srdreg.scid;
	s22 =	stileid.u32  }
0x4: {  	s30 =	simm.s32 $0xBE00;
	s31 =	simm.s32 $0xEE00;
	s28 =	simm.s32 $0x4  }
0x5: {  	s29 =	simm.s32 $0x11E00;
	[smem:$0x7FF] =	sst s3;
	s6 =	smul.u32 $0x9E0, s22  }
0x6: {  	s2 =	sand.u32 $0x1, s2;
	s4 =	sadd.s32 $0x30DE00, s0;
	s12 =	smul.u32 $0xA000, s22  }
0x7: {  	s5 =	sadd.s32 $0x335E00, s0;
	s15 =	smul.u32 $0x9E000, s22;
	s7 =	ssub.s32 $0x2, s2  }
0x8: {  	_ =	strace $0x8000004A;
	s21 =	smul.u32 $0xA0000, s2;
	s8 =	sshrl.u32 s7, $0x1  }
0x9: {  	s13 =	sadd.s32 s6, s0;
	s0 =	sadd.s32 $0xCE00, s0;
	s6 =	sadd.s32 s12, s1  }
0xa: {  	s16 =	sadd.s32 $0x2000, s12;
	s17 =	sadd.s32 $0x4000, s12;
	s18 =	sadd.s32 $0x6000, s12  }
0xb: {  	s19 =	sadd.s32 $0x8000, s12;
	s14 =	ssub.s32 s7, s8;
	s7 =	sadd.s32 s16, s1  }
0xc: {  	s8 =	smul.u32 $0x9E0000, s2;
	s9 =	sadd.s32 s17, s1;
	s10 =	sadd.s32 s18, s1  }
0xd: {  	s11 =	sadd.s32 s19, s1;
	s23 =	sadd.s32 $0x3000, s13;
	s13 =	sadd.s32 $0x304000, s13  }
0xe: {  	s12 =	sadd.s32 s12, s21;
	s16 =	sadd.s32 s21, s16;
	[dreg:$0x3] =	wrdreg s23  }
0xf: {  	[dreg:$0x4] =	wrdreg s13;
	s13 =	smul.u32 $0x2710, s2;
	s12 =	sshrl.u32 s12, $0x3  }
0x10: {  	s16 =	sshrl.u32 s16, $0x3;
	s23 =	sadd.s32 s21, s19;
	s20 =	sadd.s32 s15, s8  }
0x11: {  	s15 =	smul.u32 $0x9E, s22;
	s12 =	sadd.s32 s0, s12;
	s22 =	sadd.s32 s21, s18  }
0x12: {  	s24 =	sshrl.u32 s20, $0x3;
	s26 =	sor.u32 $0x1000, s20;
	[dreg:$0x7] =	wrdreg s12  }
0x13: {  	s20 =	sadd.s32 s21, s17;
	s12 =	sshrl.u32 s22, $0x3;
	s25 =	sadd.s32 s5, s24  }
0x14: {  	s2 =	sshrl.u32 s26, $0x3;
	s24 =	sadd.s32 s0, s12;
	[dreg:$0x5] =	wrdreg s25  }
0x15: {  	s26 =	smax.u32 s14, $0x1;
	s14 =	simm.s32 $0x0;
	[dreg:$0xa] =	wrdreg s24  }
0x16: {  	s2 =	sadd.s32 s5, s2;
	s25 =	sshrl.u32 s23, $0x3;
	[dreg:$0xc] =	wrdreg s26  }
.Ltmp0:
0x17: {  	[dreg:$0x6] =	wrdreg s2;
	s2 =	sadd.s32 s0, s16;
	(pc) =	sbr.rel .LBB2_1-.Ltmp0, $4  }
0x18: {  	s23 =	simm.s32 $0xFE00;
	[dreg:$0x8] =	wrdreg s2;
	s2 =	sshrl.u32 s20, $0x3  }
0x19: {  	s24 =	simm.s32 $0x7;
	s26 =	simm.s32 $0x80;
	s2 =	sadd.s32 s0, s2  }
0x1a: {  	s0 =	sadd.s32 s0, s25;
	s25 =	simm.s32 $0x2;
	[dreg:$0x9] =	wrdreg s2  }
0x1b: {  	v1 =	vimm.f32 $0.0e+00;
	v0 =	vmov s13;
	[dreg:$0xb] =	wrdreg s0;
	s0 =	simm.s32 $0x1;
	s2 =	simm.s32 $0x3  }
.LBB2_12:
0x1c: {  	s12 =	simm.s32 $0x5  }
0x1d: {  	_ =	swait.ge [sflag:s12], $0x2000  }
0x1e: {  	[sflag:s12] =	ssyncset.done $0x0  }
0x1f: {  	s16 =	simm.s32 $0x6;
	[sflag:s12] =	ssyncadd.s32 $0xFFFFE000  }
0x20: {  	_ =	swait.ge [sflag:s16], $0x2000  }
0x21: {  	[sflag:s16] =	ssyncset.done $0x0  }
0x22: {  	[sflag:s16] =	ssyncadd.s32 $0xFFFFE000  }
0x23: {  	[bflag:$0x0] =	sbarrier.arrive $0xFFFF  }
0x24: {  	[tilespmem:s23], [sflag:$0x7] =	stream.linear.gather [spmem:s6], $0x2000, $0x38;
	[tilespmem:$0x1DE00] =	vst v63  }
0x25: {  	_ =	swait.ge [sflag:s24], $0x2000  }
0x26: {  	[sflag:s24] =	ssyncset.done $0x0  }
0x27: {  	s17 =	rddreg [dreg:$0x7];
	[sflag:s24] =	ssyncadd.s32 $0xFFFFE000  }
0x28: {  	[hbm4b:s17+s3] =	stream.linear.scatter [tilespmem:s23], [sflag:$0x7], $0x2000, $0x38;
	[tilespmem:$0x1DE00] =	vst v63  }
0x29: {  	_ =	swait.ge [sflag:s24], $0x2000  }
0x2a: {  	[sflag:s24] =	ssyncset.done $0x0  }
0x2b: {  	[sflag:s24] =	ssyncadd.s32 $0xFFFFE000  }
0x2c: {  	[tilespmem:s23], [sflag:$0x7] =	stream.linear.gather [spmem:s7], $0x2000, $0x38;
	[tilespmem:$0x1DE00] =	vst v63  }
0x2d: {  	_ =	swait.ge [sflag:s24], $0x2000  }
0x2e: {  	[sflag:s24] =	ssyncset.done $0x0  }
0x2f: {  	s18 =	rddreg [dreg:$0x8];
	[sflag:s24] =	ssyncadd.s32 $0xFFFFE000  }
0x30: {  	[hbm4b:s18+s3] =	stream.linear.scatter [tilespmem:s23], [sflag:$0x7], $0x2000, $0x38;
	[tilespmem:$0x1DE00] =	vst v63  }
0x31: {  	_ =	swait.ge [sflag:s24], $0x2000  }
0x32: {  	[sflag:s24] =	ssyncset.done $0x0  }
0x33: {  	[sflag:s24] =	ssyncadd.s32 $0xFFFFE000  }
0x34: {  	[tilespmem:s23], [sflag:$0x7] =	stream.linear.gather [spmem:s9], $0x2000, $0x38;
	[tilespmem:$0x1DE00] =	vst v63  }
0x35: {  	_ =	swait.ge [sflag:s24], $0x2000  }
0x36: {  	[sflag:s24] =	ssyncset.done $0x0  }
0x37: {  	s19 =	rddreg [dreg:$0x9];
	[sflag:s24] =	ssyncadd.s32 $0xFFFFE000  }
0x38: {  	[hbm4b:s19+s3] =	stream.linear.scatter [tilespmem:s23], [sflag:$0x7], $0x2000, $0x38;
	[tilespmem:$0x1DE00] =	vst v63  }
0x39: {  	_ =	swait.ge [sflag:s24], $0x2000  }
0x3a: {  	[sflag:s24] =	ssyncset.done $0x0  }
0x3b: {  	[sflag:s24] =	ssyncadd.s32 $0xFFFFE000  }
0x3c: {  	[tilespmem:s23], [sflag:$0x7] =	stream.linear.gather [spmem:s10], $0x2000, $0x38;
	[tilespmem:$0x1DE00] =	vst v63  }
0x3d: {  	_ =	swait.ge [sflag:s24], $0x2000  }
0x3e: {  	[sflag:s24] =	ssyncset.done $0x0  }
0x3f: {  	s20 =	rddreg [dreg:$0xa];
	[sflag:s24] =	ssyncadd.s32 $0xFFFFE000  }
0x40: {  	[hbm4b:s20+s3] =	stream.linear.scatter [tilespmem:s23], [sflag:$0x7], $0x2000, $0x38;
	[tilespmem:$0x1DE00] =	vst v63  }
0x41: {  	_ =	swait.ge [sflag:s24], $0x2000  }
0x42: {  	[sflag:s24] =	ssyncset.done $0x0  }
0x43: {  	[sflag:s24] =	ssyncadd.s32 $0xFFFFE000  }
0x44: {  	[tilespmem:s23], [sflag:$0x7] =	stream.linear.gather [spmem:s11], $0x2000, $0x38;
	[tilespmem:$0x1DE00] =	vst v63  }
0x45: {  	_ =	swait.ge [sflag:s24], $0x2000  }
0x46: {  	[sflag:s24] =	ssyncset.done $0x0  }
0x47: {  	s21 =	rddreg [dreg:$0xb];
	[sflag:s24] =	ssyncadd.s32 $0xFFFFE000  }
0x48: {  	[hbm4b:s21+s3] =	stream.linear.scatter [tilespmem:s23], [sflag:$0x7], $0x2000, $0x38;
	[tilespmem:$0x1DE00] =	vst v63  }
0x49: {  	_ =	swait.ge [sflag:s24], $0x2000  }
0x4a: {  	s14 =	sadd.s32 $0x1, s14;
	s22 =	rddreg [dreg:$0xc]  }
0x4b: {  	p0 =	sne.s32 s14, s22  }
.Ltmp1:
0x4c: {  	_ = 	snop;
	(pc) =	sbr.rel @!p0 .LBB2_13-.Ltmp1, $3  }
0x4d: {  	_ =	sdelay $0x1  }
0x4e: {  	[sflag:s24] =	ssyncset.done $0x0  }
0x4f: {  	[sflag:s24] =	ssyncadd.s32 $0xFFFFE000  }
.LBB2_1:
0x50: {  	s13 =	simm.s32 $0x100;
	s12 =	simm.s32 $0x0  }
.LBB2_2:
0x51: {  	p0 =	sne.s32 s13, $0x7F00;
	[tilespmem:s12+$0xFE30] =	vst v1;
	s16 =	smov.u32 s13;
	s13 =	sadd.s32 $0x100, s13  }
.Ltmp2:
0x52: {  	[tilespmem:s12+$0xFE20] =	vst v1;
	(pc) =	sbr.rel @p0 .LBB2_2-.Ltmp2, $3  }
0x53: {  	[tilespmem:s12+$0xFE00] =	vst v1  }
0x54: {  	[tilespmem:s12+$0xFE10] =	vst v1;
	_ =	sdelay $0x1  }
0x55: {  	s12 =	sshra.s32 s16, $0x2  }
0x56: {  	[tilespmem:s12+$0xFE30] =	vst v1  }
0x57: {  	[tilespmem:s12+$0xFE20] =	vst v1  }
0x58: {  	[tilespmem:s12+$0xFE00] =	vst v1  }
0x59: {  	[tilespmem:s12+$0xFE10] =	vst v1  }
0x5a: {  	[spmem:s6] =	stream.linear.scatter [tilespmem:s23], [sflag:$0x7], $0x2000, $0x38;
	[tilespmem:$0x1DE00] =	vst v63  }
0x5b: {  	_ =	swait.ge [sflag:s24], $0x2000  }
0x5c: {  	[sflag:s24] =	ssyncset.done $0x0  }
0x5d: {  	[sflag:s24] =	ssyncadd.s32 $0xFFFFE000  }
0x5e: {  	[spmem:s7] =	stream.linear.scatter [tilespmem:s23], [sflag:$0x7], $0x2000, $0x38;
	[tilespmem:$0x1DE00] =	vst v63  }
0x5f: {  	_ =	swait.ge [sflag:s24], $0x2000  }
0x60: {  	[sflag:s24] =	ssyncset.done $0x0  }
0x61: {  	[sflag:s24] =	ssyncadd.s32 $0xFFFFE000  }
0x62: {  	[spmem:s9] =	stream.linear.scatter [tilespmem:s23], [sflag:$0x7], $0x2000, $0x38;
	[tilespmem:$0x1DE00] =	vst v63  }
0x63: {  	_ =	swait.ge [sflag:s24], $0x2000  }
0x64: {  	[sflag:s24] =	ssyncset.done $0x0  }
0x65: {  	[sflag:s24] =	ssyncadd.s32 $0xFFFFE000  }
0x66: {  	[spmem:s10] =	stream.linear.scatter [tilespmem:s23], [sflag:$0x7], $0x2000, $0x38;
	[tilespmem:$0x1DE00] =	vst v63  }
0x67: {  	_ =	swait.ge [sflag:s24], $0x2000  }
0x68: {  	[sflag:s24] =	ssyncset.done $0x0  }
0x69: {  	[sflag:s24] =	ssyncadd.s32 $0xFFFFE000  }
0x6a: {  	[spmem:s11] =	stream.linear.scatter [tilespmem:s23], [sflag:$0x7], $0x2000, $0x38;
	[tilespmem:$0x1DE00] =	vst v63  }
0x6b: {  	_ =	swait.ge [sflag:s24], $0x2000  }
0x6c: {  	[sflag:s24] =	ssyncset.done $0x0  }
0x6d: {  	[sflag:s24] =	ssyncadd.s32 $0xFFFFE000  }
0x6e: {  	[bflag:$0x0] =	sbarrier.arrive $0xFFFF  }
0x6f: {  	s21 =	simm.s32 $0x0;
	s13 =	rddreg [dreg:$0x3]  }
0x70: {  	[tilespmem:s21], [sflag:$0x7] =	stream.linear.gather [hbm4b:s13+s21], $0x4F00, $0x38;
	[tilespmem:$0x1DE00] =	vst v63  }
0x71: {  	_ =	swait.ge [sflag:s24], $0x4F00  }
0x72: {  	[sflag:s24] =	ssyncset.done $0x0  }
0x73: {  	s16 =	simm.s32 $0x4F00;
	s22 =	rddreg [dreg:$0x4];
	[sflag:s24] =	ssyncadd.s32 $0xFFFFB100  }
0x74: {  	[tilespmem:s16], [sflag:$0x7] =	stream.linear.gather [hbm4b:s22+s21], $0x4F00, $0x38;
	[tilespmem:$0x1DE00] =	vst v63  }
0x75: {  	_ =	swait.ge [sflag:s24], $0x4F00  }
0x76: {  	[sflag:s24] =	ssyncset.done $0x0  }
0x77: {  	s12 =	simm.s32 $0x0;
	[sflag:s24] =	ssyncadd.s32 $0xFFFFB100  }
0x78: {  	v4 =	vld [tilespmem:s12+$0x0]  }
0x79: {  	v6 =	vld [tilespmem:s12+$0x10]  }
0x7a: {  	v5 =	vld [tilespmem:s12+$0x20]  }
0x7b: {  	v3 =	vld [tilespmem:s12+$0x30]  }
0x7c: {  	v2 =	vld [tilespmem:s12+$0x40]  }
0x7d: {  	v7 =	vadd.s32 v0, v4;
	v4 =	vld [tilespmem:s12+$0x50]  }
0x7e: {  	s13 =	simm.s32 $0x200;
	[tilespmem:s12+$0x0] =	vst v7;
	v7 =	vadd.s32 v0, v6;
	v6 =	vld [tilespmem:s12+$0x60]  }
.LBB2_4:
0x7f: {  	s16 =	sshra.s32 s13, $0x2;
	p0 =	sne.s32 s13, $0x13A00;
	[tilespmem:s12+$0x10] =	vst v7;
	v5 =	vadd.s32 v0, v5;
	v7 =	vld [tilespmem:s12+$0x70]  }
0x80: {  	v8 =	vld [tilespmem:s16+$0x0];
	[tilespmem:s12+$0x20] =	vst v5;
	v3 =	vadd.s32 v0, v3  }
0x81: {  	v9 =	vld [tilespmem:s16+$0x10];
	[tilespmem:s12+$0x30] =	vst v3;
	v2 =	vadd.s32 v0, v2  }
.Ltmp3:
0x82: {  	v5 =	vld [tilespmem:s16+$0x20];
	[tilespmem:s12+$0x40] =	vst v2;
	v2 =	vadd.s32 v0, v4;
	(pc) =	sbr.rel @p0 .LBB2_4-.Ltmp3, $4  }
0x83: {  	v3 =	vld [tilespmem:s16+$0x30];
	[tilespmem:s12+$0x50] =	vst v2;
	v4 =	vadd.s32 v0, v6  }
0x84: {  	v2 =	vld [tilespmem:s16+$0x40];
	[tilespmem:s12+$0x60] =	vst v4;
	v6 =	vadd.s32 v0, v7  }
0x85: {  	v7 =	vadd.s32 v0, v8;
	v4 =	vld [tilespmem:s16+$0x50];
	[tilespmem:s12+$0x70] =	vst v6;
	s12 =	smov.u32 s16  }
0x86: {  	s13 =	sadd.s32 $0x200, s13;
	[tilespmem:s12+$0x0] =	vst v7;
	v7 =	vadd.s32 v0, v9;
	v6 =	vld [tilespmem:s12+$0x60]  }
0x87: {  	[tilespmem:s12+$0x10] =	vst v7;
	v5 =	vadd.s32 v0, v5;
	v63 =	vld [tilespmem:s12+$0x70]  }
0x88: {  	[tilespmem:s12+$0x20] =	vst v5;
	v3 =	vadd.s32 v0, v3  }
0x89: {  	[tilespmem:s12+$0x30] =	vst v3;
	v2 =	vadd.s32 v0, v2  }
0x8a: {  	[tilespmem:s12+$0x40] =	vst v2;
	v2 =	vadd.s32 v0, v4  }
0x8b: {  	[tilespmem:s12+$0x50] =	vst v2;
	v2 =	vadd.s32 v0, v6  }
0x8c: {  	[tilespmem:s12+$0x60] =	vst v2;
	v2 =	vadd.s32 v0, v63  }
0x8d: {  	s16 =	simm.s32 $0x0;
	s20 =	simm.s32 $0x9E00;
	[tilespmem:s12+$0x70] =	vst v2  }
0x8e: {  	[tilespmem:s20], [sflag:$0x1] =	stream.indirect.gather [hbm4b:s4+s26], $0x40, s16, s26, $0xb8;
	[tilespmem:$0x1DE00] =	vst v63  }
0x8f: {  	s21 =	rddreg [dreg:$0x5];
	s13 =	simm.s32 $0xDE00  }
0x90: {  	[tilespmem:s13], [sflag:$0x3] =	stream.linear.gather [hbm4b:s21+s16], $0x1000, $0x38;
	[tilespmem:$0x1DE00] =	vst v63  }
0x91: {  	_ = 	snop  }
0x92: {  	[tilespmem:s30], [sflag:$0x2] =	stream.indirect.gather [hbm4b:s4+s26], $0x40, s26, s26, $0xb8;
	[tilespmem:$0x1DE00] =	vst v63  }
0x93: {  	s22 =	rddreg [dreg:$0x6]  }
0x94: {  	[tilespmem:s31], [sflag:$0x4] =	stream.linear.gather [hbm4b:s22+s16], $0x1000, $0x38;
	[tilespmem:$0x1DE00] =	vst v63  }
.LBB2_6:
0x95: {  	_ =	swait.ge [sflag:s0], $0x2000  }
0x96: {  	[sflag:s0] =	ssyncset.done $0x0  }
0x97: {  	[sflag:s0] =	ssyncadd.s32 $0xFFFFE000  }
0x98: {  	_ =	swait.ge [sflag:s2], $0x1000  }
0x99: {  	p0 =	seq.s32 s16, $0x0;
	[sflag:s2] =	ssyncset.done $0x0  }
0x9a: {  	s12 =	simm.s32 @!p0 $0x5;
	[sflag:s2] =	ssyncadd.s32 $0xFFFFF000  }
0x9b: {  	_ =	swait.ge @!p0 [sflag:s12], $0x2000  }
0x9c: {  	[sflag:s12] =	ssyncset.done @!p0 $0x0  }
0x9d: {  	s21 =	simm.s32 $0xDE80;
	[sflag:s12] =	ssyncadd.s32 @!p0 $0xFFFFE000  }
0x9e: {  	s17 =	simm.s32 $0x9F00;
	v2 =	vld [tilespmem:s21+$0x60]  }
0x9f: {  	v3 =	vld [tilespmem:s17+$0xC0]  }
0xa0: {  	v4 =	vld [tilespmem:s21+$0xFFFFFFA0]  }
0xa1: {  	v5 =	vld [tilespmem:s21+$0xFFFFFFC0]  }
0xa2: {  	v6 =	vld [tilespmem:s21+$0xFFFFFFE0]  }
0xa3: {  	v8 =	vld [tilespmem:s21+$0x0]  }
0xa4: {  	v9 =	vld [tilespmem:s21+$0xFFFFFF80]  }
0xa5: {  	v10 =	vld [tilespmem:s17+$0xFFFFFF00]  }
0xa6: {  	v11 =	vld [tilespmem:s21+$0x40]  }
0xa7: {  	v12 =	vld [tilespmem:s17+$0xFFFFFF40]  }
0xa8: {  	v13 =	vld [tilespmem:s17+$0xFFFFFF80]  }
0xa9: {  	v15 =	vld [tilespmem:s17+$0xFFFFFFC0]  }
0xaa: {  	s20 =	simm.s32 $0xA100;
	v16 =	vld [tilespmem:s17+$0x40]  }
0xab: {  	s22 =	simm.s32 $0xDF80;
	v19 =	vld [tilespmem:s20+$0xC0]  }
0xac: {  	v20 =	vld [tilespmem:s22+$0xFFFFFFA0];
	v7 =	vshll.u32 v2, $0x10  }
0xad: {  	v21 =	vld [tilespmem:s22+$0xFFFFFFC0];
	v3 =	vadd.f32 v7, v3  }
0xae: {  	v22 =	vld [tilespmem:s22+$0xFFFFFFE0]  }
0xaf: {  	s18 =	simm.s32 $0xFF00;
	v24 =	vld [tilespmem:s22+$0x0];
	v3 =	vmax.f32 v3, $0.0e+00  }
0xb0: {  	v39 =	vld [tilespmem:s22+$0x20];
	[tilespmem:s18+$0xC0] =	vst v3  }
0xb1: {  	v3 =	vld [tilespmem:s17+$0xD0]  }
0xb2: {  	v28 =	vld [tilespmem:s20+$0xFFFFFF40]  }
0xb3: {  	v25 =	vld [tilespmem:s22+$0xFFFFFF80]  }
0xb4: {  	v26 =	vld [tilespmem:s20+$0xFFFFFF00];
	v14 =	vshll.u32 v9, $0x10  }
0xb5: {  	v2 =	vand.u32 $0xFFFF0000, v2;
	v7 =	vld [tilespmem:s21+$0x20];
	v10 =	vadd.f32 v14, v10  }
0xb6: {  	v17 =	vshll.u32 v5, $0x10;
	v31 =	vshll.u32 v20, $0x10;
	v14 =	vld [tilespmem:s17+$0x0];
	v2 =	vadd.f32 v2, v3  }
0xb7: {  	v32 =	vld [tilespmem:s20+$0x40];
	v28 =	vadd.f32 v31, v28;
	v10 =	vmax.f32 v10, $0.0e+00;
	v3 =	vshll.u32 v4, $0x10  }
0xb8: {  	v9 =	vand.u32 $0xFFFF0000, v9;
	[tilespmem:s18+$0xFFFFFF00] =	vst v10;
	v3 =	vadd.f32 v3, v12;
	v12 =	vld [tilespmem:s17+$0x80];
	v2 =	vmax.f32 v2, $0.0e+00  }
0xb9: {  	s19 =	simm.s32 $0x10100;
	v13 =	vadd.f32 v17, v13;
	v28 =	vmax.f32 v28, $0.0e+00;
	v10 =	vshll.u32 v6, $0x10;
	v17 =	vld [tilespmem:s17+$0xFFFFFF10];
	[tilespmem:s18+$0xD0] =	vst v2  }
0xba: {  	[tilespmem:s19+$0xFFFFFF40] =	vst v28;
	v10 =	vadd.f32 v10, v15;
	v2 =	vshll.u32 v8, $0x10;
	v3 =	vmax.f32 v3, $0.0e+00;
	v15 =	vld [tilespmem:s21+$0x70]  }
0xbb: {  	v18 =	vshll.u32 v7, $0x10;
	[tilespmem:s18+$0xFFFFFF40] =	vst v3;
	v3 =	vmax.f32 v13, $0.0e+00;
	v2 =	vadd.f32 v2, v14;
	v13 =	vld [tilespmem:s17+$0xE0]  }
0xbc: {  	v14 =	vshll.u32 v11, $0x10;
	[tilespmem:s18+$0xFFFFFF80] =	vst v3;
	v3 =	vmax.f32 v10, $0.0e+00;
	v10 =	vadd.f32 v18, v16;
	v16 =	vld [tilespmem:s17+$0xFFFFFF50]  }
0xbd: {  	v30 =	vshll.u32 v25, $0x10;
	[tilespmem:s18+$0xFFFFFFC0] =	vst v3;
	v2 =	vmax.f32 v2, $0.0e+00;
	v3 =	vadd.f32 v14, v12;
	v12 =	vld [tilespmem:s17+$0xFFFFFF90]  }
0xbe: {  	v46 =	vshll.u32 v39, $0x10;
	v9 =	vadd.f32 v9, v17;
	[tilespmem:s18+$0x0] =	vst v2;
	v2 =	vmax.f32 v10, $0.0e+00;
	v10 =	vld [tilespmem:s17+$0xFFFFFFD0]  }
0xbf: {  	v26 =	vadd.f32 v30, v26;
	v30 =	vadd.f32 v46, v32;
	v47 =	vld [tilespmem:s20+$0xFFFFFF50];
	[tilespmem:s18+$0x40] =	vst v2;
	v2 =	vmax.f32 v3, $0.0e+00  }
0xc0: {  	v5 =	vand.u32 $0xFFFF0000, v5;
	v4 =	vand.u32 $0xFFFF0000, v4;
	v3 =	vld [tilespmem:s17+$0x10];
	[tilespmem:s18+$0x80] =	vst v2;
	v2 =	vmax.f32 v9, $0.0e+00  }
0xc1: {  	v30 =	vmax.f32 v30, $0.0e+00;
	v14 =	vshll.u32 v15, $0x10;
	v9 =	vld [tilespmem:s17+$0x50];
	[tilespmem:s18+$0xFFFFFF10] =	vst v2;
	v2 =	vadd.f32 v4, v16  }
0xc2: {  	v6 =	vand.u32 $0xFFFF0000, v6;
	v13 =	vadd.f32 v14, v13;
	v4 =	vld [tilespmem:s17+$0x90];
	v5 =	vadd.f32 v5, v12  }
0xc3: {  	[tilespmem:s19+$0x40] =	vst v30;
	v14 =	vld [tilespmem:s21+$0xFFFFFF90];
	v2 =	vmax.f32 v2, $0.0e+00;
	v6 =	vadd.f32 v6, v10  }
0xc4: {  	v8 =	vand.u32 $0xFFFF0000, v8;
	v12 =	vmax.f32 v13, $0.0e+00;
	v13 =	vld [tilespmem:s17+$0xFFFFFF20];
	[tilespmem:s18+$0xFFFFFF50] =	vst v2;
	v2 =	vmax.f32 v5, $0.0e+00  }
0xc5: {  	v53 =	vld [tilespmem:s20+$0x50];
	v3 =	vadd.f32 v8, v3;
	[tilespmem:s18+$0xFFFFFF90] =	vst v2;
	v2 =	vmax.f32 v6, $0.0e+00  }
0xc6: {  	v5 =	vand.u32 $0xFFFF0000, v7;
	v10 =	vld [tilespmem:s21+$0xFFFFFFB0];
	[tilespmem:s18+$0xFFFFFFD0] =	vst v2  }
0xc7: {  	v5 =	vadd.f32 v5, v9;
	v2 =	vmax.f32 v3, $0.0e+00;
	v3 =	vand.u32 $0xFFFF0000, v11;
	v9 =	vld [tilespmem:s21+$0xFFFFFFF0]  }
0xc8: {  	[tilespmem:s18+$0x10] =	vst v2;
	v2 =	vadd.f32 v3, v4;
	v4 =	vld [tilespmem:s17+$0xFFFFFF60];
	v6 =	vshll.u32 v14, $0x10  }
0xc9: {  	v20 =	vand.u32 $0xFFFF0000, v20;
	v6 =	vadd.f32 v6, v13;
	v13 =	vld [tilespmem:s17+$0xFFFFFFE0]  }
0xca: {  	v27 =	vld [tilespmem:s22+$0x40];
	v20 =	vadd.f32 v20, v47  }
0xcb: {  	v29 =	vld [tilespmem:s20+$0xFFFFFF80];
	v57 =	vand.u32 $0xFFFF0000, v39  }
0xcc: {  	v40 =	vld [tilespmem:s20+$0x0];
	v26 =	vmax.f32 v26, $0.0e+00;
	v20 =	vmax.f32 v20, $0.0e+00;
	v7 =	vshll.u32 v10, $0x10  }
0xcd: {  	v42 =	vld [tilespmem:s20+$0x80];
	[tilespmem:s19+$0xFFFFFF50] =	vst v20;
	v20 =	vadd.f32 v57, v53;
	v4 =	vadd.f32 v7, v4;
	v7 =	vshll.u32 v9, $0x10  }
0xce: {  	[tilespmem:s19+$0xFFFFFF00] =	vst v26;
	v7 =	vadd.f32 v7, v13;
	v13 =	vld [tilespmem:s22+$0x60]  }
0xcf: {  	v43 =	vld [tilespmem:s20+$0xFFFFFF10];
	v20 =	vmax.f32 v20, $0.0e+00  }
0xd0: {  	v60 =	vld [tilespmem:s22+$0xFFFFFFB0];
	[tilespmem:s19+$0x50] =	vst v20  }
0xd1: {  	v20 =	vld [tilespmem:s20+$0x60];
	[tilespmem:s18+$0xE0] =	vst v12  }
0xd2: {  	v8 =	vld [tilespmem:s17+$0xF0]  }
0xd3: {  	v12 =	vld [tilespmem:s21+$0xFFFFFFD0];
	v23 =	vshll.u32 v13, $0x10  }
0xd4: {  	v3 =	vmax.f32 v5, $0.0e+00;
	v5 =	vld [tilespmem:s17+$0xFFFFFFA0];
	v19 =	vadd.f32 v23, v19  }
0xd5: {  	v11 =	vld [tilespmem:s21+$0x10]  }
0xd6: {  	[tilespmem:s18+$0x50] =	vst v3;
	v17 =	vld [tilespmem:s17+$0x20];
	v19 =	vmax.f32 v19, $0.0e+00  }
0xd7: {  	v3 =	vmax.f32 v2, $0.0e+00;
	v2 =	vld [tilespmem:s21+$0x30];
	[tilespmem:s19+$0xC0] =	vst v19  }
0xd8: {  	v19 =	vld [tilespmem:s20+$0xD0]  }
0xd9: {  	v15 =	vand.u32 $0xFFFF0000, v15;
	v18 =	vld [tilespmem:s17+$0x60]  }
0xda: {  	[tilespmem:s18+$0x90] =	vst v3;
	v8 =	vadd.f32 v15, v8;
	v15 =	vld [tilespmem:s20+$0xFFFFFFC0];
	v16 =	vshll.u32 v12, $0x10  }
0xdb: {  	v41 =	vshll.u32 v21, $0x10;
	v6 =	vmax.f32 v6, $0.0e+00;
	v3 =	vld [tilespmem:s21+$0x50];
	v5 =	vadd.f32 v16, v5  }
0xdc: {  	v29 =	vadd.f32 v41, v29;
	[tilespmem:s18+$0xFFFFFF20] =	vst v6;
	v16 =	vld [tilespmem:s17+$0xA0];
	v4 =	vmax.f32 v4, $0.0e+00;
	v13 =	vand.u32 $0xFFFF0000, v13  }
0xdd: {  	v6 =	vld [tilespmem:s17+$0xFFFFFF30];
	[tilespmem:s18+$0xFFFFFF60] =	vst v4;
	v4 =	vmax.f32 v5, $0.0e+00;
	v13 =	vadd.f32 v13, v19;
	v19 =	vshll.u32 v11, $0x10  }
0xde: {  	v7 =	vmax.f32 v7, $0.0e+00;
	v5 =	vld [tilespmem:s17+$0xFFFFFF70];
	[tilespmem:s18+$0xFFFFFFA0] =	vst v4;
	v17 =	vadd.f32 v19, v17;
	v19 =	vshll.u32 v22, $0x10  }
0xdf: {  	v48 =	vshll.u32 v27, $0x10;
	[tilespmem:s18+$0xFFFFFFE0] =	vst v7;
	v4 =	vld [tilespmem:s17+$0xFFFFFFB0];
	v13 =	vmax.f32 v13, $0.0e+00;
	v15 =	vadd.f32 v19, v15  }
0xe0: {  	v21 =	vand.u32 $0xFFFF0000, v21;
	v49 =	vadd.f32 v48, v42;
	v44 =	vmax.f32 v29, $0.0e+00;
	v7 =	vld [tilespmem:s17+$0xFFFFFFF0];
	[tilespmem:s19+$0xD0] =	vst v13  }
0xe1: {  	[tilespmem:s19+$0xFFFFFF80] =	vst v44;
	v14 =	vand.u32 $0xFFFF0000, v14;
	v13 =	vshll.u32 v2, $0x10;
	v19 =	vld [tilespmem:s22+$0x70];
	v15 =	vmax.f32 v15, $0.0e+00  }
0xe2: {  	v17 =	vmax.f32 v17, $0.0e+00;
	v13 =	vadd.f32 v13, v18;
	v18 =	vshll.u32 v24, $0x10;
	v45 =	vld [tilespmem:s20+$0xE0];
	[tilespmem:s19+$0xFFFFFFC0] =	vst v15  }
0xe3: {  	v8 =	vmax.f32 v8, $0.0e+00;
	[tilespmem:s18+$0x20] =	vst v17;
	v17 =	vand.u32 $0xFFFF0000, v25;
	v18 =	vadd.f32 v18, v40;
	v50 =	vld [tilespmem:s20+$0xFFFFFFD0]  }
0xe4: {  	v10 =	vand.u32 $0xFFFF0000, v10;
	[tilespmem:s18+$0xF0] =	vst v8;
	v25 =	vmax.f32 v49, $0.0e+00;
	v15 =	vld [tilespmem:s20+$0xFFFFFF90];
	v17 =	vadd.f32 v17, v43  }
0xe5: {  	v12 =	vand.u32 $0xFFFF0000, v12;
	v5 =	vadd.f32 v10, v5;
	v10 =	vld [tilespmem:s22+$0x30];
	[tilespmem:s19+$0x80] =	vst v25;
	v18 =	vmax.f32 v18, $0.0e+00  }
0xe6: {  	v6 =	vadd.f32 v14, v6;
	v17 =	vmax.f32 v17, $0.0e+00;
	[tilespmem:s19+$0x0] =	vst v18;
	v18 =	vld [tilespmem:s17+$0x30];
	v51 =	vshll.u32 v19, $0x10  }
0xe7: {  	v8 =	vand.u32 $0xFFFF0000, v9;
	v54 =	vld [tilespmem:s20+$0x90];
	[tilespmem:s19+$0xFFFFFF10] =	vst v17;
	v17 =	vand.u32 $0xFFFF0000, v22;
	v29 =	vadd.f32 v51, v45  }
0xe8: {  	v6 =	vmax.f32 v6, $0.0e+00;
	v4 =	vadd.f32 v12, v4;
	v52 =	vld [tilespmem:s20+$0x10];
	v9 =	vadd.f32 v17, v50  }
0xe9: {  	[tilespmem:s18+$0xFFFFFF30] =	vst v6;
	v7 =	vadd.f32 v8, v7;
	v56 =	vld [tilespmem:s20+$0xFFFFFF20];
	v15 =	vadd.f32 v21, v15;
	v55 =	vmax.f32 v29, $0.0e+00  }
0xea: {  	v5 =	vmax.f32 v5, $0.0e+00;
	v11 =	vand.u32 $0xFFFF0000, v11;
	v17 =	vld [tilespmem:s22+$0xFFFFFF90];
	[tilespmem:s19+$0xE0] =	vst v55;
	v9 =	vmax.f32 v9, $0.0e+00  }
0xeb: {  	v15 =	vmax.f32 v15, $0.0e+00;
	v8 =	vadd.f32 v11, v18;
	v11 =	vld [tilespmem:s20+$0xFFFFFF60];
	[tilespmem:s19+$0xFFFFFFD0] =	vst v9;
	v9 =	vshll.u32 v3, $0x10  }
0xec: {  	v4 =	vmax.f32 v4, $0.0e+00;
	v24 =	vand.u32 $0xFFFF0000, v24;
	[tilespmem:s19+$0xFFFFFF90] =	vst v15;
	v59 =	vld [tilespmem:s20+$0xF0];
	v9 =	vadd.f32 v9, v16  }
0xed: {  	v6 =	vmax.f32 v7, $0.0e+00;
	[tilespmem:s18+$0xFFFFFF70] =	vst v5;
	v15 =	vand.u32 $0xFFFF0000, v27;
	v58 =	vadd.f32 v24, v52;
	v61 =	vld [tilespmem:s22+$0xFFFFFFD0]  }
0xee: {  	[tilespmem:s18+$0xFFFFFFB0] =	vst v4;
	v2 =	vand.u32 $0xFFFF0000, v2;
	v15 =	vadd.f32 v15, v54;
	v16 =	vld [tilespmem:s22+$0xFFFFFFF0];
	v9 =	vmax.f32 v9, $0.0e+00  }
0xef: {  	v13 =	vmax.f32 v13, $0.0e+00;
	v12 =	vld [tilespmem:s20+$0xFFFFFFE0];
	v23 =	vmax.f32 v58, $0.0e+00;
	[tilespmem:s18+$0xA0] =	vst v9;
	v9 =	vshll.u32 v17, $0x10  }
0xf0: {  	v5 =	vand.u32 $0xFFFF0000, v19;
	v15 =	vmax.f32 v15, $0.0e+00;
	[tilespmem:s19+$0x10] =	vst v23;
	v7 =	vadd.f32 v9, v56;
	v9 =	vld [tilespmem:s20+$0xFFFFFFA0]  }
0xf1: {  	v3 =	vand.u32 $0xFFFF0000, v3;
	[tilespmem:s19+$0x90] =	vst v15;
	v15 =	vand.u32 $0xFFFF0000, v17;
	v14 =	vld [tilespmem:s22+$0x10];
	v17 =	vshll.u32 v60, $0x10  }
0xf2: {  	[tilespmem:s18+$0xFFFFFFF0] =	vst v6;
	v8 =	vmax.f32 v8, $0.0e+00;
	v18 =	vld [tilespmem:s20+$0x20];
	v4 =	vadd.f32 v5, v59;
	v11 =	vadd.f32 v17, v11  }
0xf3: {  	[tilespmem:s18+$0x60] =	vst v13;
	v13 =	vld [tilespmem:s22+$0x50];
	v5 =	vand.u32 $0xFFFF0000, v60;
	v19 =	vshll.u32 v61, $0x10;
	v7 =	vmax.f32 v7, $0.0e+00  }
0xf4: {  	v17 =	vld [tilespmem:s20+$0xA0];
	v62 =	vshll.u32 v16, $0x10;
	v4 =	vmax.f32 v4, $0.0e+00;
	v11 =	vmax.f32 v11, $0.0e+00;
	[tilespmem:s19+$0xFFFFFF20] =	vst v7  }
0xf5: {  	[tilespmem:s18+$0x30] =	vst v8;
	v7 =	vand.u32 $0xFFFF0000, v16;
	v16 =	vshll.u32 v10, $0x10;
	v63 =	vld [tilespmem:s20+$0xFFFFFF30];
	v9 =	vadd.f32 v19, v9  }
0xf6: {  	[tilespmem:s19+$0xF0] =	vst v4;
	v8 =	vshll.u32 v14, $0x10;
	v4 =	vand.u32 $0xFFFF0000, v14;
	v14 =	vadd.f32 v62, v12;
	v12 =	vld [tilespmem:s17+$0x70]  }
0xf7: {  	[tilespmem:s19+$0xFFFFFF60] =	vst v11;
	v11 =	vld [tilespmem:s17+$0xB0];
	v18 =	vadd.f32 v8, v18;
	v8 =	vand.u32 $0xFFFF0000, v10;
	v9 =	vmax.f32 v9, $0.0e+00  }
0xf8: {  	v10 =	vld [tilespmem:s20+$0xFFFFFF70];
	v19 =	vadd.f32 v16, v20;
	v16 =	vshll.u32 v13, $0x10;
	v14 =	vmax.f32 v14, $0.0e+00;
	[tilespmem:s19+$0xFFFFFFA0] =	vst v9  }
0xf9: {  	s12 =	simm.s32 $0xE080;
	v16 =	vadd.f32 v16, v17;
	[tilespmem:s19+$0xFFFFFFE0] =	vst v14;
	v18 =	vmax.f32 v18, $0.0e+00;
	v9 =	vand.u32 $0xFFFF0000, v13;
	v13 =	vld [tilespmem:s20+$0xFFFFFFB0]  }
0xfa: {  	s21 =	simm.s32 $0xA100;
	s22 =	simm.s32 $0x8;
	v6 =	vand.u32 $0xFFFF0000, v61;
	s17 =	sshll.u32 s16, $0x1;
	v17 =	vmax.f32 v19, $0.0e+00;
	v14 =	vld [tilespmem:s20+$0xFFFFFFF0];
	[tilespmem:s19+$0x20] =	vst v18;
	v15 =	vadd.f32 v15, v63  }
.LBB2_7:
0xfb: {  	v18 =	vld [tilespmem:s12+$0x60];
	s22 =	sadd.s32 $0x8, s22;
	[tilespmem:s19+$0x60] =	vst v17;
	v16 =	vmax.f32 v16, $0.0e+00;
	s20 =	sadd.s32 $0x200, s20;
	v12 =	vadd.f32 v2, v12;
	v2 =	vmov v8  }
0xfc: {  	v8 =	vld [tilespmem:s20+$0xC0];
	p1 =	slt.u32 s22, $0x78;
	v15 =	vmax.f32 v15, $0.0e+00;
	[tilespmem:s19+$0xA0] =	vst v16;
	v11 =	vadd.f32 v3, v11;
	v3 =	vmov v9  }
0xfd: {  	v9 =	vld [tilespmem:s12+$0xFFFFFFA0];
	[tilespmem:s19+$0xFFFFFF30] =	vst v15;
	v5 =	vadd.f32 v5, v10;
	v10 =	vmax.f32 v12, $0.0e+00  }
0xfe: {  	v12 =	vld [tilespmem:s12+$0xFFFFFFC0];
	v6 =	vadd.f32 v6, v13;
	[tilespmem:s18+$0x70] =	vst v10;
	v10 =	vmax.f32 v11, $0.0e+00  }
0xff: {  	v11 =	vld [tilespmem:s12+$0xFFFFFFE0];
	v5 =	vmax.f32 v5, $0.0e+00;
	v7 =	vadd.f32 v7, v14;
	[tilespmem:s18+$0xB0] =	vst v10;
	s18 =	smov.u32 s19  }
0x100: {  	v10 =	vld [tilespmem:s12+$0x0];
	v13 =	vshll.u32 v18, $0x10;
	[tilespmem:s19+$0xFFFFFF70] =	vst v5;
	v5 =	vmax.f32 v6, $0.0e+00  }
0x101: {  	v6 =	vld [tilespmem:s12+$0x20];
	v8 =	vadd.f32 v13, v8;
	[tilespmem:s19+$0xFFFFFFB0] =	vst v5;
	v5 =	vmax.f32 v7, $0.0e+00  }
0x102: {  	v7 =	vshll.u32 v9, $0x10;
	v9 =	vand.u32 $0xFFFF0000, v9;
	v13 =	vld [tilespmem:s12+$0x40];
	[tilespmem:s19+$0xFFFFFFF0] =	vst v5  }
0x103: {  	s19 =	sadd.s32 $0x200, s19;
	v5 =	vld [tilespmem:s12+$0xFFFFFF80];
	v14 =	vshll.u32 v12, $0x10;
	v12 =	vand.u32 $0xFFFF0000, v12;
	v8 =	vmax.f32 v8, $0.0e+00  }
0x104: {  	v15 =	vld [tilespmem:s20+$0xFFFFFF00];
	v16 =	vshll.u32 v11, $0x10;
	v11 =	vand.u32 $0xFFFF0000, v11;
	[tilespmem:s19+$0xC0] =	vst v8  }
0x105: {  	v8 =	vshll.u32 v10, $0x10;
	v10 =	vand.u32 $0xFFFF0000, v10;
	v17 =	vld [tilespmem:s20+$0xD0]  }
0x106: {  	v19 =	vld [tilespmem:s20+$0xFFFFFF40];
	v20 =	vshll.u32 v6, $0x10;
	v6 =	vand.u32 $0xFFFF0000, v6  }
0x107: {  	v21 =	vld [tilespmem:s20+$0xFFFFFF80];
	v22 =	vshll.u32 v13, $0x10;
	v13 =	vand.u32 $0xFFFF0000, v13  }
0x108: {  	v23 =	vshll.u32 v5, $0x10;
	v5 =	vand.u32 $0xFFFF0000, v5;
	v24 =	vld [tilespmem:s20+$0xFFFFFFC0]  }
0x109: {  	v18 =	vand.u32 $0xFFFF0000, v18;
	v15 =	vadd.f32 v23, v15;
	v23 =	vld [tilespmem:s20+$0x0]  }
0x10a: {  	v25 =	vld [tilespmem:s20+$0x40];
	v17 =	vadd.f32 v18, v17  }
0x10b: {  	v15 =	vmax.f32 v15, $0.0e+00;
	v7 =	vadd.f32 v7, v19;
	v18 =	vld [tilespmem:s20+$0x80]  }
0x10c: {  	[tilespmem:s19+$0xFFFFFF00] =	vst v15;
	v14 =	vadd.f32 v14, v21;
	v15 =	vmax.f32 v17, $0.0e+00;
	v17 =	vld [tilespmem:s21+$0x30]  }
0x10d: {  	v19 =	vld [tilespmem:s20+$0xFFFFFF10];
	v7 =	vmax.f32 v7, $0.0e+00;
	v16 =	vadd.f32 v16, v24;
	[tilespmem:s19+$0xD0] =	vst v15  }
0x10e: {  	[tilespmem:s19+$0xFFFFFF40] =	vst v7;
	v7 =	vmax.f32 v14, $0.0e+00;
	v8 =	vadd.f32 v8, v23;
	v14 =	vld [tilespmem:s12+$0x70]  }
0x10f: {  	[tilespmem:s19+$0xFFFFFF80] =	vst v7;
	v7 =	vmax.f32 v16, $0.0e+00;
	v15 =	vadd.f32 v20, v25;
	v16 =	vld [tilespmem:s20+$0xE0]  }
0x110: {  	v20 =	vld [tilespmem:s20+$0xFFFFFF50];
	[tilespmem:s19+$0xFFFFFFC0] =	vst v7;
	v7 =	vmax.f32 v8, $0.0e+00;
	v8 =	vadd.f32 v22, v18  }
0x111: {  	v18 =	vld [tilespmem:s20+$0xFFFFFF90];
	[tilespmem:s19+$0x0] =	vst v7;
	v7 =	vmax.f32 v15, $0.0e+00;
	v4 =	vadd.f32 v4, v17  }
0x112: {  	v5 =	vadd.f32 v5, v19;
	v15 =	vld [tilespmem:s20+$0xFFFFFFD0];
	[tilespmem:s19+$0x40] =	vst v7;
	v7 =	vmax.f32 v8, $0.0e+00  }
0x113: {  	v8 =	vld [tilespmem:s20+$0x10];
	[tilespmem:s19+$0x80] =	vst v7;
	v7 =	vshll.u32 v14, $0x10;
	v4 =	vmax.f32 v4, $0.0e+00  }
0x114: {  	v5 =	vmax.f32 v5, $0.0e+00;
	v17 =	vld [tilespmem:s20+$0x50];
	v7 =	vadd.f32 v7, v16;
	[tilespmem:s18+$0x30] =	vst v4  }
0x115: {  	[tilespmem:s19+$0xFFFFFF10] =	vst v5;
	v4 =	vadd.f32 v9, v20;
	v5 =	vld [tilespmem:s20+$0x90]  }
0x116: {  	v9 =	vld [tilespmem:s12+$0xFFFFFF90];
	v12 =	vadd.f32 v12, v18;
	v7 =	vmax.f32 v7, $0.0e+00  }
0x117: {  	v16 =	vld [tilespmem:s20+$0xFFFFFF20];
	v4 =	vmax.f32 v4, $0.0e+00;
	v11 =	vadd.f32 v11, v15;
	[tilespmem:s19+$0xE0] =	vst v7  }
0x118: {  	[tilespmem:s19+$0xFFFFFF50] =	vst v4;
	v4 =	vmax.f32 v12, $0.0e+00;
	v7 =	vadd.f32 v10, v8;
	v8 =	vld [tilespmem:s20+$0xF0]  }
0x119: {  	v10 =	vld [tilespmem:s12+$0xFFFFFFB0];
	[tilespmem:s19+$0xFFFFFF90] =	vst v4;
	v4 =	vmax.f32 v11, $0.0e+00;
	v6 =	vadd.f32 v6, v17  }
0x11a: {  	v11 =	vld [tilespmem:s12+$0xFFFFFFD0];
	[tilespmem:s19+$0xFFFFFFD0] =	vst v4;
	v4 =	vmax.f32 v7, $0.0e+00;
	v5 =	vadd.f32 v13, v5  }
0x11b: {  	v7 =	vshll.u32 v9, $0x10;
	v15 =	vand.u32 $0xFFFF0000, v9;
	v9 =	vld [tilespmem:s12+$0xFFFFFFF0];
	[tilespmem:s19+$0x10] =	vst v4;
	v4 =	vmax.f32 v6, $0.0e+00  }
0x11c: {  	v6 =	vadd.f32 v7, v16;
	v12 =	vld [tilespmem:s12+$0x10];
	[tilespmem:s19+$0x50] =	vst v4;
	v4 =	vmax.f32 v5, $0.0e+00;
	v5 =	vand.u32 $0xFFFF0000, v14  }
0x11d: {  	v13 =	vld [tilespmem:s12+$0x30];
	[tilespmem:s19+$0x90] =	vst v4;
	v4 =	vadd.f32 v5, v8  }
0x11e: {  	v6 =	vmax.f32 v6, $0.0e+00;
	v14 =	vshll.u32 v10, $0x10;
	v5 =	vand.u32 $0xFFFF0000, v10;
	v10 =	vld [tilespmem:s12+$0x50]  }
0x11f: {  	[tilespmem:s19+$0xFFFFFF20] =	vst v6;
	v16 =	vld [tilespmem:s20+$0xFFFFFF60];
	v17 =	vshll.u32 v11, $0x10;
	v6 =	vand.u32 $0xFFFF0000, v11;
	v4 =	vmax.f32 v4, $0.0e+00  }
0x120: {  	v11 =	vld [tilespmem:s20+$0xFFFFFFA0];
	v18 =	vshll.u32 v9, $0x10;
	v7 =	vand.u32 $0xFFFF0000, v9;
	[tilespmem:s19+$0xF0] =	vst v4  }
0x121: {  	v19 =	vld [tilespmem:s20+$0xFFFFFFE0];
	v20 =	vshll.u32 v12, $0x10;
	v4 =	vand.u32 $0xFFFF0000, v12  }
0x122: {  	v21 =	vld [tilespmem:s20+$0x20];
	v22 =	vshll.u32 v13, $0x10;
	v8 =	vand.u32 $0xFFFF0000, v13  }
0x123: {  	v13 =	vld [tilespmem:s20+$0x60];
	v23 =	vshll.u32 v10, $0x10;
	v9 =	vand.u32 $0xFFFF0000, v10  }
0x124: {  	v10 =	vadd.f32 v14, v16;
	v14 =	vld [tilespmem:s20+$0xA0]  }
0x125: {  	v24 =	vld [tilespmem:s20+$0xFFFFFF30];
	v11 =	vadd.f32 v17, v11  }
.Ltmp4:
0x126: {  	v10 =	vmax.f32 v10, $0.0e+00;
	v16 =	vadd.f32 v18, v19;
	v12 =	vld [tilespmem:s21+$0x70];
	(pc) =	sbr.rel @p1 .LBB2_7-.Ltmp4, $4  }
0x127: {  	[tilespmem:s19+$0xFFFFFF60] =	vst v10;
	v17 =	vmax.f32 v11, $0.0e+00;
	v18 =	vadd.f32 v20, v21;
	v11 =	vld [tilespmem:s21+$0xB0];
	s21 =	smov.u32 s20  }
0x128: {  	v10 =	vld [tilespmem:s20+$0xFFFFFF70];
	[tilespmem:s19+$0xFFFFFFA0] =	vst v17;
	v16 =	vmax.f32 v16, $0.0e+00;
	v17 =	vadd.f32 v22, v13  }
0x129: {  	v13 =	vld [tilespmem:s20+$0xFFFFFFB0];
	[tilespmem:s19+$0xFFFFFFE0] =	vst v16;
	v18 =	vmax.f32 v18, $0.0e+00;
	v16 =	vadd.f32 v23, v14  }
0x12a: {  	s12 =	sadd.s32 $0x100, s12;
	v15 =	vadd.f32 v15, v24;
	v14 =	vld [tilespmem:s20+$0xFFFFFFF0];
	[tilespmem:s19+$0x20] =	vst v18;
	v17 =	vmax.f32 v17, $0.0e+00  }
0x12b: {  	[tilespmem:s19+$0x60] =	vst v17;
	v16 =	vmax.f32 v16, $0.0e+00;
	v2 =	vadd.f32 v2, v12;
	v12 =	vld [tilespmem:s21+$0x30]  }
0x12c: {  	v15 =	vmax.f32 v15, $0.0e+00;
	[tilespmem:s19+$0xA0] =	vst v16;
	v3 =	vadd.f32 v3, v11;
	v11 =	vld [tilespmem:s21+$0x70]  }
0x12d: {  	[tilespmem:s19+$0xFFFFFF30] =	vst v15;
	v5 =	vadd.f32 v5, v10;
	v2 =	vmax.f32 v2, $0.0e+00;
	v10 =	vld [tilespmem:s21+$0xB0]  }
0x12e: {  	v6 =	vadd.f32 v6, v13;
	[tilespmem:s18+$0x70] =	vst v2;
	v2 =	vmax.f32 v3, $0.0e+00  }
0x12f: {  	v3 =	vmax.f32 v5, $0.0e+00;
	v5 =	vadd.f32 v7, v14;
	[tilespmem:s18+$0xB0] =	vst v2  }
0x130: {  	[tilespmem:s19+$0xFFFFFF70] =	vst v3;
	v2 =	vmax.f32 v6, $0.0e+00;
	v3 =	vadd.f32 v4, v12  }
0x131: {  	[tilespmem:s19+$0xFFFFFFB0] =	vst v2;
	v2 =	vmax.f32 v5, $0.0e+00;
	v4 =	vadd.f32 v8, v11  }
0x132: {  	[tilespmem:s19+$0xFFFFFFF0] =	vst v2;
	v2 =	vmax.f32 v3, $0.0e+00;
	v3 =	vadd.f32 v9, v10  }
0x133: {  	s12 =	sshll.u32 s16, $0x8;
	[tilespmem:s19+$0x30] =	vst v2;
	v2 =	vmax.f32 v4, $0.0e+00  }
0x134: {  	s18 =	sand.u32 $0x3FFFFF00, s12;
	[tilespmem:s19+$0x70] =	vst v2;
	v2 =	vmax.f32 v3, $0.0e+00  }
0x135: {  	p1 =	seq.s32 s16, $0x4E;
	s12 =	sadd.s32 $0x4F00, s18;
	[tilespmem:s19+$0xB0] =	vst v2  }
0x136: {  	[spmem:s1] =	stream.indirect.scatter.add.f32 [tilespmem:s23], [sflag:$0x5], $0x40, s12, s26, $0xb8;
	[tilespmem:$0x1DE00] =	vst v63  }
0x137: {  	s12 =	sadd.s32 @!p1 $0x2, s17  }
0x138: {  	s20 =	simm.s32 @!p1 $0x9E00;
	s13 =	sshll.u32 @!p1 s12, $0x7;
	s12 =	sadd.s32 @!p1 s15, s12  }
0x139: {  	s19 =	simm.s32 @!p1 $0x80;
	s13 =	sand.u32 @!p1 $0x3FFFFF80, s13;
	s12 =	sshll.u32 @!p1 s12, $0xC  }
0x13a: {  	[tilespmem:s20], [sflag:$0x1] =	stream.indirect.gather @!p1 [hbm4b:s4+s19], $0x40, s13, s19, $0xb8;
	[tilespmem:$0x1DE00] =	vst v63  }
0x13b: {  	s12 =	sadd.s32 @!p1 s8, s12  }
0x13c: {  	s12 =	sshrl.u32 @!p1 s12, $0x3  }
0x13d: {  	s13 =	simm.s32 @!p1 $0x0;
	s19 =	simm.s32 @!p1 $0xDE00;
	s12 =	sadd.s32 @!p1 s5, s12  }
0x13e: {  	[tilespmem:s19], [sflag:$0x3] =	stream.linear.gather @!p1 [hbm4b:s12+s13], $0x1000, $0x38;
	[tilespmem:$0x1DE00] =	vst v63  }
0x13f: {  	_ =	swait.ge [sflag:s25], $0x2000  }
0x140: {  	[sflag:s25] =	ssyncset.done $0x0  }
0x141: {  	[sflag:s25] =	ssyncadd.s32 $0xFFFFE000  }
0x142: {  	_ =	swait.ge [sflag:s28], $0x1000  }
0x143: {  	[sflag:s28] =	ssyncset.done $0x0  }
0x144: {  	s12 =	simm.s32 @!p0 $0x6;
	[sflag:s28] =	ssyncadd.s32 $0xFFFFF000  }
0x145: {  	_ =	swait.ge @!p0 [sflag:s12], $0x2000  }
0x146: {  	[sflag:s12] =	ssyncset.done @!p0 $0x0  }
0x147: {  	s21 =	simm.s32 $0xEE80;
	[sflag:s12] =	ssyncadd.s32 @!p0 $0xFFFFE000  }
0x148: {  	s22 =	simm.s32 $0xBF00;
	v2 =	vld [tilespmem:s21+$0x60]  }
0x149: {  	v3 =	vld [tilespmem:s22+$0xC0]  }
0x14a: {  	v4 =	vld [tilespmem:s21+$0xFFFFFFA0]  }
0x14b: {  	v5 =	vld [tilespmem:s21+$0xFFFFFFC0]  }
0x14c: {  	v6 =	vld [tilespmem:s21+$0xFFFFFFE0]  }
0x14d: {  	v8 =	vld [tilespmem:s21+$0x0]  }
0x14e: {  	v9 =	vld [tilespmem:s21+$0xFFFFFF80]  }
0x14f: {  	v10 =	vld [tilespmem:s22+$0xFFFFFF00]  }
0x150: {  	v11 =	vld [tilespmem:s21+$0x40]  }
0x151: {  	v12 =	vld [tilespmem:s22+$0xFFFFFF40]  }
0x152: {  	v13 =	vld [tilespmem:s22+$0xFFFFFF80]  }
0x153: {  	v15 =	vld [tilespmem:s22+$0xFFFFFFC0];
	v7 =	vshll.u32 v2, $0x10  }
0x154: {  	s13 =	simm.s32 $0xEF80;
	v16 =	vld [tilespmem:s22+$0x40];
	v3 =	vadd.f32 v7, v3  }
0x155: {  	v20 =	vld [tilespmem:s13+$0xFFFFFFA0]  }
0x156: {  	s19 =	simm.s32 $0x11F00;
	v21 =	vld [tilespmem:s13+$0xFFFFFFC0];
	v3 =	vmax.f32 v3, $0.0e+00  }
0x157: {  	v22 =	vld [tilespmem:s13+$0xFFFFFFE0];
	[tilespmem:s19+$0xC0] =	vst v3  }
0x158: {  	v3 =	vld [tilespmem:s22+$0xD0]  }
0x159: {  	v24 =	vld [tilespmem:s13+$0x0]  }
0x15a: {  	v39 =	vld [tilespmem:s13+$0x20]  }
0x15b: {  	v25 =	vld [tilespmem:s13+$0xFFFFFF80];
	v14 =	vshll.u32 v9, $0x10  }
0x15c: {  	v2 =	vand.u32 $0xFFFF0000, v2;
	v7 =	vld [tilespmem:s21+$0x20];
	v10 =	vadd.f32 v14, v10  }
0x15d: {  	v14 =	vld [tilespmem:s22+$0x0];
	v2 =	vadd.f32 v2, v3  }
0x15e: {  	v27 =	vld [tilespmem:s13+$0x40];
	v10 =	vmax.f32 v10, $0.0e+00;
	v3 =	vshll.u32 v4, $0x10  }
0x15f: {  	v17 =	vshll.u32 v5, $0x10;
	[tilespmem:s19+$0xFFFFFF00] =	vst v10;
	v3 =	vadd.f32 v3, v12;
	v12 =	vld [tilespmem:s22+$0x80];
	v2 =	vmax.f32 v2, $0.0e+00  }
0x160: {  	v13 =	vadd.f32 v17, v13;
	v10 =	vshll.u32 v6, $0x10;
	v17 =	vld [tilespmem:s22+$0xFFFFFF10];
	[tilespmem:s19+$0xD0] =	vst v2  }
0x161: {  	v10 =	vadd.f32 v10, v15;
	v2 =	vshll.u32 v8, $0x10;
	v3 =	vmax.f32 v3, $0.0e+00;
	v15 =	vld [tilespmem:s21+$0x70]  }
0x162: {  	v18 =	vshll.u32 v7, $0x10;
	[tilespmem:s19+$0xFFFFFF40] =	vst v3;
	v3 =	vmax.f32 v13, $0.0e+00;
	v2 =	vadd.f32 v2, v14;
	v13 =	vld [tilespmem:s22+$0xE0]  }
0x163: {  	v14 =	vshll.u32 v11, $0x10;
	[tilespmem:s19+$0xFFFFFF80] =	vst v3;
	v3 =	vmax.f32 v10, $0.0e+00;
	v10 =	vadd.f32 v18, v16;
	v16 =	vld [tilespmem:s22+$0xFFFFFF50]  }
0x164: {  	v9 =	vand.u32 $0xFFFF0000, v9;
	[tilespmem:s19+$0xFFFFFFC0] =	vst v3;
	v2 =	vmax.f32 v2, $0.0e+00;
	v3 =	vadd.f32 v14, v12;
	v12 =	vld [tilespmem:s22+$0xFFFFFF90]  }
0x165: {  	v9 =	vadd.f32 v9, v17;
	[tilespmem:s19+$0x0] =	vst v2;
	v2 =	vmax.f32 v10, $0.0e+00;
	v10 =	vld [tilespmem:s22+$0xFFFFFFD0]  }
0x166: {  	[tilespmem:s19+$0x40] =	vst v2;
	v2 =	vmax.f32 v3, $0.0e+00;
	v3 =	vld [tilespmem:s22+$0x10];
	v14 =	vshll.u32 v15, $0x10  }
0x167: {  	v4 =	vand.u32 $0xFFFF0000, v4;
	[tilespmem:s19+$0x80] =	vst v2;
	v2 =	vmax.f32 v9, $0.0e+00;
	v9 =	vld [tilespmem:s22+$0x50];
	v13 =	vadd.f32 v14, v13  }
0x168: {  	v5 =	vand.u32 $0xFFFF0000, v5;
	[tilespmem:s19+$0xFFFFFF10] =	vst v2;
	v2 =	vadd.f32 v4, v16;
	v4 =	vld [tilespmem:s22+$0x90]  }
0x169: {  	v6 =	vand.u32 $0xFFFF0000, v6;
	v14 =	vld [tilespmem:s21+$0xFFFFFF90];
	v5 =	vadd.f32 v5, v12;
	v12 =	vmax.f32 v13, $0.0e+00  }
0x16a: {  	v8 =	vand.u32 $0xFFFF0000, v8;
	v13 =	vld [tilespmem:s22+$0xFFFFFF20];
	v2 =	vmax.f32 v2, $0.0e+00;
	v6 =	vadd.f32 v6, v10;
	[tilespmem:s19+$0xE0] =	vst v12  }
0x16b: {  	[tilespmem:s19+$0xFFFFFF50] =	vst v2;
	v2 =	vmax.f32 v5, $0.0e+00;
	v3 =	vadd.f32 v8, v3;
	v8 =	vld [tilespmem:s22+$0xF0]  }
0x16c: {  	v10 =	vld [tilespmem:s21+$0xFFFFFFB0];
	[tilespmem:s19+$0xFFFFFF90] =	vst v2;
	v2 =	vmax.f32 v6, $0.0e+00  }
0x16d: {  	v5 =	vand.u32 $0xFFFF0000, v7;
	v12 =	vld [tilespmem:s21+$0xFFFFFFD0];
	[tilespmem:s19+$0xFFFFFFD0] =	vst v2  }
0x16e: {  	v5 =	vadd.f32 v5, v9;
	v2 =	vmax.f32 v3, $0.0e+00;
	v3 =	vand.u32 $0xFFFF0000, v11;
	v9 =	vld [tilespmem:s21+$0xFFFFFFF0]  }
0x16f: {  	[tilespmem:s19+$0x10] =	vst v2;
	v2 =	vadd.f32 v3, v4;
	v4 =	vld [tilespmem:s22+$0xFFFFFF60]  }
0x170: {  	v3 =	vmax.f32 v5, $0.0e+00;
	v5 =	vld [tilespmem:s22+$0xFFFFFFA0]  }
0x171: {  	v6 =	vshll.u32 v14, $0x10;
	v11 =	vld [tilespmem:s21+$0x10]  }
0x172: {  	v6 =	vadd.f32 v6, v13;
	v13 =	vld [tilespmem:s22+$0xFFFFFFE0]  }
0x173: {  	[tilespmem:s19+$0x50] =	vst v3;
	v17 =	vld [tilespmem:s22+$0x20];
	v3 =	vmax.f32 v2, $0.0e+00  }
0x174: {  	v2 =	vld [tilespmem:s21+$0x30];
	[tilespmem:s19+$0x90] =	vst v3  }
0x175: {  	v7 =	vshll.u32 v10, $0x10;
	v3 =	vld [tilespmem:s21+$0x50];
	s21 =	simm.s32 $0xC100  }
0x176: {  	v4 =	vadd.f32 v7, v4;
	v7 =	vshll.u32 v9, $0x10;
	v28 =	vld [tilespmem:s21+$0xFFFFFF40]  }
0x177: {  	v7 =	vadd.f32 v7, v13;
	v13 =	vld [tilespmem:s13+$0x60]  }
0x178: {  	v19 =	vld [tilespmem:s21+$0xC0]  }
0x179: {  	v18 =	vld [tilespmem:s22+$0x60];
	v16 =	vshll.u32 v12, $0x10  }
0x17a: {  	v5 =	vadd.f32 v16, v5;
	v16 =	vld [tilespmem:s22+$0xA0]  }
0x17b: {  	v31 =	vshll.u32 v20, $0x10;
	v6 =	vmax.f32 v6, $0.0e+00;
	v26 =	vld [tilespmem:s21+$0xFFFFFF00]  }
0x17c: {  	[tilespmem:s19+$0xFFFFFF20] =	vst v6;
	v32 =	vld [tilespmem:s21+$0x40];
	v28 =	vadd.f32 v31, v28;
	v23 =	vshll.u32 v13, $0x10  }
0x17d: {  	v6 =	vld [tilespmem:s22+$0xFFFFFF30];
	v19 =	vadd.f32 v23, v19  }
0x17e: {  	s20 =	simm.s32 $0x12100;
	v15 =	vand.u32 $0xFFFF0000, v15;
	v29 =	vld [tilespmem:s21+$0xFFFFFF80];
	v28 =	vmax.f32 v28, $0.0e+00  }
0x17f: {  	v8 =	vadd.f32 v15, v8;
	v15 =	vld [tilespmem:s21+$0xFFFFFFC0];
	[tilespmem:s20+$0xFFFFFF40] =	vst v28;
	v19 =	vmax.f32 v19, $0.0e+00  }
0x180: {  	v30 =	vshll.u32 v25, $0x10;
	v46 =	vshll.u32 v39, $0x10;
	v47 =	vld [tilespmem:s21+$0xFFFFFF50];
	[tilespmem:s20+$0xC0] =	vst v19  }
0x181: {  	v26 =	vadd.f32 v30, v26;
	v30 =	vadd.f32 v46, v32;
	v19 =	vld [tilespmem:s21+$0xD0]  }
0x182: {  	v40 =	vld [tilespmem:s21+$0x0];
	v4 =	vmax.f32 v4, $0.0e+00  }
0x183: {  	v41 =	vshll.u32 v21, $0x10;
	v42 =	vld [tilespmem:s21+$0x80];
	[tilespmem:s19+$0xFFFFFF60] =	vst v4;
	v30 =	vmax.f32 v30, $0.0e+00  }
0x184: {  	v48 =	vshll.u32 v27, $0x10;
	v20 =	vand.u32 $0xFFFF0000, v20;
	v4 =	vmax.f32 v5, $0.0e+00;
	v5 =	vld [tilespmem:s22+$0xFFFFFF70];
	[tilespmem:s20+$0x40] =	vst v30  }
0x185: {  	v7 =	vmax.f32 v7, $0.0e+00;
	[tilespmem:s19+$0xFFFFFFA0] =	vst v4;
	v13 =	vand.u32 $0xFFFF0000, v13;
	v53 =	vld [tilespmem:s21+$0x50];
	v20 =	vadd.f32 v20, v47  }
0x186: {  	v21 =	vand.u32 $0xFFFF0000, v21;
	[tilespmem:s19+$0xFFFFFFE0] =	vst v7;
	v4 =	vld [tilespmem:s22+$0xFFFFFFB0];
	v26 =	vmax.f32 v26, $0.0e+00;
	v13 =	vadd.f32 v13, v19  }
0x187: {  	v7 =	vld [tilespmem:s22+$0xFFFFFFF0];
	v29 =	vadd.f32 v41, v29;
	[tilespmem:s20+$0xFFFFFF00] =	vst v26;
	v19 =	vshll.u32 v11, $0x10;
	v20 =	vmax.f32 v20, $0.0e+00  }
0x188: {  	v43 =	vld [tilespmem:s21+$0xFFFFFF10];
	v17 =	vadd.f32 v19, v17;
	v19 =	vshll.u32 v22, $0x10;
	[tilespmem:s20+$0xFFFFFF50] =	vst v20;
	v13 =	vmax.f32 v13, $0.0e+00  }
0x189: {  	v57 =	vand.u32 $0xFFFF0000, v39;
	v44 =	vmax.f32 v29, $0.0e+00;
	v15 =	vadd.f32 v19, v15;
	v60 =	vld [tilespmem:s13+$0xFFFFFFB0];
	[tilespmem:s20+$0xD0] =	vst v13  }
0x18a: {  	v10 =	vand.u32 $0xFFFF0000, v10;
	[tilespmem:s20+$0xFFFFFF80] =	vst v44;
	v20 =	vadd.f32 v57, v53;
	v17 =	vmax.f32 v17, $0.0e+00;
	v19 =	vld [tilespmem:s13+$0x70]  }
0x18b: {  	v49 =	vadd.f32 v48, v42;
	v13 =	vshll.u32 v2, $0x10;
	v45 =	vld [tilespmem:s21+$0xE0];
	v15 =	vmax.f32 v15, $0.0e+00;
	[tilespmem:s19+$0x20] =	vst v17  }
0x18c: {  	v20 =	vmax.f32 v20, $0.0e+00;
	v13 =	vadd.f32 v13, v18;
	v18 =	vshll.u32 v24, $0x10;
	[tilespmem:s20+$0xFFFFFFC0] =	vst v15;
	v15 =	vld [tilespmem:s21+$0xFFFFFF90]  }
0x18d: {  	v8 =	vmax.f32 v8, $0.0e+00;
	v17 =	vand.u32 $0xFFFF0000, v25;
	[tilespmem:s20+$0x50] =	vst v20;
	v18 =	vadd.f32 v18, v40;
	v50 =	vld [tilespmem:s21+$0xFFFFFFD0]  }
0x18e: {  	[tilespmem:s19+$0xF0] =	vst v8;
	v5 =	vadd.f32 v10, v5;
	v25 =	vmax.f32 v49, $0.0e+00;
	v17 =	vadd.f32 v17, v43;
	v10 =	vld [tilespmem:s13+$0x30]  }
0x18f: {  	v14 =	vand.u32 $0xFFFF0000, v14;
	v12 =	vand.u32 $0xFFFF0000, v12;
	[tilespmem:s20+$0x80] =	vst v25;
	v20 =	vld [tilespmem:s21+$0x60];
	v18 =	vmax.f32 v18, $0.0e+00  }
0x190: {  	v6 =	vadd.f32 v14, v6;
	v17 =	vmax.f32 v17, $0.0e+00;
	[tilespmem:s20+$0x0] =	vst v18;
	v18 =	vld [tilespmem:s22+$0x30];
	v51 =	vshll.u32 v19, $0x10  }
0x191: {  	v8 =	vand.u32 $0xFFFF0000, v9;
	v54 =	vld [tilespmem:s21+$0x90];
	[tilespmem:s20+$0xFFFFFF10] =	vst v17;
	v17 =	vand.u32 $0xFFFF0000, v22;
	v29 =	vadd.f32 v51, v45  }
0x192: {  	v6 =	vmax.f32 v6, $0.0e+00;
	v4 =	vadd.f32 v12, v4;
	v52 =	vld [tilespmem:s21+$0x10];
	v9 =	vadd.f32 v17, v50  }
0x193: {  	[tilespmem:s19+$0xFFFFFF30] =	vst v6;
	v7 =	vadd.f32 v8, v7;
	v56 =	vld [tilespmem:s21+$0xFFFFFF20];
	v15 =	vadd.f32 v21, v15;
	v55 =	vmax.f32 v29, $0.0e+00  }
0x194: {  	v5 =	vmax.f32 v5, $0.0e+00;
	v11 =	vand.u32 $0xFFFF0000, v11;
	v17 =	vld [tilespmem:s13+$0xFFFFFF90];
	[tilespmem:s20+$0xE0] =	vst v55;
	v9 =	vmax.f32 v9, $0.0e+00  }
0x195: {  	v15 =	vmax.f32 v15, $0.0e+00;
	v8 =	vadd.f32 v11, v18;
	v11 =	vld [tilespmem:s21+$0xFFFFFF60];
	[tilespmem:s20+$0xFFFFFFD0] =	vst v9;
	v9 =	vshll.u32 v3, $0x10  }
0x196: {  	v4 =	vmax.f32 v4, $0.0e+00;
	v24 =	vand.u32 $0xFFFF0000, v24;
	[tilespmem:s20+$0xFFFFFF90] =	vst v15;
	v59 =	vld [tilespmem:s21+$0xF0];
	v9 =	vadd.f32 v9, v16  }
0x197: {  	v6 =	vmax.f32 v7, $0.0e+00;
	[tilespmem:s19+$0xFFFFFF70] =	vst v5;
	v15 =	vand.u32 $0xFFFF0000, v27;
	v58 =	vadd.f32 v24, v52;
	v61 =	vld [tilespmem:s13+$0xFFFFFFD0]  }
0x198: {  	[tilespmem:s19+$0xFFFFFFB0] =	vst v4;
	v2 =	vand.u32 $0xFFFF0000, v2;
	v15 =	vadd.f32 v15, v54;
	v16 =	vld [tilespmem:s13+$0xFFFFFFF0];
	v9 =	vmax.f32 v9, $0.0e+00  }
0x199: {  	v13 =	vmax.f32 v13, $0.0e+00;
	v12 =	vld [tilespmem:s21+$0xFFFFFFE0];
	v23 =	vmax.f32 v58, $0.0e+00;
	[tilespmem:s19+$0xA0] =	vst v9;
	v9 =	vshll.u32 v17, $0x10  }
0x19a: {  	v5 =	vand.u32 $0xFFFF0000, v19;
	v15 =	vmax.f32 v15, $0.0e+00;
	[tilespmem:s20+$0x10] =	vst v23;
	v7 =	vadd.f32 v9, v56;
	v9 =	vld [tilespmem:s21+$0xFFFFFFA0]  }
0x19b: {  	v3 =	vand.u32 $0xFFFF0000, v3;
	[tilespmem:s20+$0x90] =	vst v15;
	v15 =	vand.u32 $0xFFFF0000, v17;
	v14 =	vld [tilespmem:s13+$0x10];
	v17 =	vshll.u32 v60, $0x10  }
0x19c: {  	[tilespmem:s19+$0xFFFFFFF0] =	vst v6;
	v8 =	vmax.f32 v8, $0.0e+00;
	v18 =	vld [tilespmem:s21+$0x20];
	v4 =	vadd.f32 v5, v59;
	v11 =	vadd.f32 v17, v11  }
0x19d: {  	[tilespmem:s19+$0x60] =	vst v13;
	v13 =	vld [tilespmem:s13+$0x50];
	v5 =	vand.u32 $0xFFFF0000, v60;
	v19 =	vshll.u32 v61, $0x10;
	v7 =	vmax.f32 v7, $0.0e+00  }
0x19e: {  	v17 =	vld [tilespmem:s21+$0xA0];
	v62 =	vshll.u32 v16, $0x10;
	v4 =	vmax.f32 v4, $0.0e+00;
	v11 =	vmax.f32 v11, $0.0e+00;
	[tilespmem:s20+$0xFFFFFF20] =	vst v7  }
0x19f: {  	[tilespmem:s19+$0x30] =	vst v8;
	v7 =	vand.u32 $0xFFFF0000, v16;
	v16 =	vshll.u32 v10, $0x10;
	v63 =	vld [tilespmem:s21+$0xFFFFFF30];
	v9 =	vadd.f32 v19, v9  }
0x1a0: {  	[tilespmem:s20+$0xF0] =	vst v4;
	v8 =	vshll.u32 v14, $0x10;
	v4 =	vand.u32 $0xFFFF0000, v14;
	v14 =	vadd.f32 v62, v12;
	v12 =	vld [tilespmem:s22+$0x70]  }
0x1a1: {  	[tilespmem:s20+$0xFFFFFF60] =	vst v11;
	v11 =	vld [tilespmem:s22+$0xB0];
	v18 =	vadd.f32 v8, v18;
	v8 =	vand.u32 $0xFFFF0000, v10;
	v9 =	vmax.f32 v9, $0.0e+00  }
0x1a2: {  	v10 =	vld [tilespmem:s21+$0xFFFFFF70];
	v19 =	vadd.f32 v16, v20;
	v16 =	vshll.u32 v13, $0x10;
	v14 =	vmax.f32 v14, $0.0e+00;
	[tilespmem:s20+$0xFFFFFFA0] =	vst v9  }
0x1a3: {  	v16 =	vadd.f32 v16, v17;
	[tilespmem:s20+$0xFFFFFFE0] =	vst v14;
	v18 =	vmax.f32 v18, $0.0e+00;
	v9 =	vand.u32 $0xFFFF0000, v13;
	v13 =	vld [tilespmem:s21+$0xFFFFFFB0]  }
0x1a4: {  	s12 =	simm.s32 $0x8;
	s13 =	simm.s32 $0xF080;
	v6 =	vand.u32 $0xFFFF0000, v61;
	s22 =	simm.s32 $0xC100;
	v17 =	vmax.f32 v19, $0.0e+00;
	v14 =	vld [tilespmem:s21+$0xFFFFFFF0];
	[tilespmem:s20+$0x20] =	vst v18;
	v15 =	vadd.f32 v15, v63  }
.LBB2_9:
0x1a5: {  	v18 =	vld [tilespmem:s13+$0x60];
	s12 =	sadd.s32 $0x8, s12;
	[tilespmem:s20+$0x60] =	vst v17;
	v16 =	vmax.f32 v16, $0.0e+00;
	s21 =	sadd.s32 $0x200, s21;
	v12 =	vadd.f32 v2, v12;
	v2 =	vmov v8  }
0x1a6: {  	v8 =	vld [tilespmem:s21+$0xC0];
	p0 =	slt.u32 s12, $0x78;
	v15 =	vmax.f32 v15, $0.0e+00;
	[tilespmem:s20+$0xA0] =	vst v16;
	v11 =	vadd.f32 v3, v11;
	v3 =	vmov v9  }
0x1a7: {  	v9 =	vld [tilespmem:s13+$0xFFFFFFA0];
	[tilespmem:s20+$0xFFFFFF30] =	vst v15;
	v5 =	vadd.f32 v5, v10;
	v10 =	vmax.f32 v12, $0.0e+00  }
0x1a8: {  	v12 =	vld [tilespmem:s13+$0xFFFFFFC0];
	v6 =	vadd.f32 v6, v13;
	[tilespmem:s19+$0x70] =	vst v10;
	v10 =	vmax.f32 v11, $0.0e+00  }
0x1a9: {  	v11 =	vld [tilespmem:s13+$0xFFFFFFE0];
	v5 =	vmax.f32 v5, $0.0e+00;
	v7 =	vadd.f32 v7, v14;
	[tilespmem:s19+$0xB0] =	vst v10;
	s19 =	smov.u32 s20  }
0x1aa: {  	v10 =	vld [tilespmem:s13+$0x0];
	v13 =	vshll.u32 v18, $0x10;
	[tilespmem:s20+$0xFFFFFF70] =	vst v5;
	v5 =	vmax.f32 v6, $0.0e+00  }
0x1ab: {  	v6 =	vld [tilespmem:s13+$0x20];
	v8 =	vadd.f32 v13, v8;
	[tilespmem:s20+$0xFFFFFFB0] =	vst v5;
	v5 =	vmax.f32 v7, $0.0e+00  }
0x1ac: {  	v7 =	vshll.u32 v9, $0x10;
	v9 =	vand.u32 $0xFFFF0000, v9;
	v13 =	vld [tilespmem:s13+$0x40];
	[tilespmem:s20+$0xFFFFFFF0] =	vst v5  }
0x1ad: {  	s20 =	sadd.s32 $0x200, s20;
	v5 =	vld [tilespmem:s13+$0xFFFFFF80];
	v14 =	vshll.u32 v12, $0x10;
	v12 =	vand.u32 $0xFFFF0000, v12;
	v8 =	vmax.f32 v8, $0.0e+00  }
0x1ae: {  	v15 =	vld [tilespmem:s21+$0xFFFFFF00];
	v16 =	vshll.u32 v11, $0x10;
	v11 =	vand.u32 $0xFFFF0000, v11;
	[tilespmem:s20+$0xC0] =	vst v8  }
0x1af: {  	v8 =	vshll.u32 v10, $0x10;
	v10 =	vand.u32 $0xFFFF0000, v10;
	v17 =	vld [tilespmem:s21+$0xD0]  }
0x1b0: {  	v19 =	vld [tilespmem:s21+$0xFFFFFF40];
	v20 =	vshll.u32 v6, $0x10;
	v6 =	vand.u32 $0xFFFF0000, v6  }
0x1b1: {  	v21 =	vld [tilespmem:s21+$0xFFFFFF80];
	v22 =	vshll.u32 v13, $0x10;
	v13 =	vand.u32 $0xFFFF0000, v13  }
0x1b2: {  	v23 =	vshll.u32 v5, $0x10;
	v5 =	vand.u32 $0xFFFF0000, v5;
	v24 =	vld [tilespmem:s21+$0xFFFFFFC0]  }
0x1b3: {  	v18 =	vand.u32 $0xFFFF0000, v18;
	v15 =	vadd.f32 v23, v15;
	v23 =	vld [tilespmem:s21+$0x0]  }
0x1b4: {  	v25 =	vld [tilespmem:s21+$0x40];
	v17 =	vadd.f32 v18, v17  }
0x1b5: {  	v15 =	vmax.f32 v15, $0.0e+00;
	v7 =	vadd.f32 v7, v19;
	v18 =	vld [tilespmem:s21+$0x80]  }
0x1b6: {  	[tilespmem:s20+$0xFFFFFF00] =	vst v15;
	v14 =	vadd.f32 v14, v21;
	v15 =	vmax.f32 v17, $0.0e+00;
	v17 =	vld [tilespmem:s22+$0x30]  }
0x1b7: {  	v19 =	vld [tilespmem:s21+$0xFFFFFF10];
	v7 =	vmax.f32 v7, $0.0e+00;
	v16 =	vadd.f32 v16, v24;
	[tilespmem:s20+$0xD0] =	vst v15  }
0x1b8: {  	[tilespmem:s20+$0xFFFFFF40] =	vst v7;
	v7 =	vmax.f32 v14, $0.0e+00;
	v8 =	vadd.f32 v8, v23;
	v14 =	vld [tilespmem:s13+$0x70]  }
0x1b9: {  	[tilespmem:s20+$0xFFFFFF80] =	vst v7;
	v7 =	vmax.f32 v16, $0.0e+00;
	v15 =	vadd.f32 v20, v25;
	v16 =	vld [tilespmem:s21+$0xE0]  }
0x1ba: {  	v20 =	vld [tilespmem:s21+$0xFFFFFF50];
	[tilespmem:s20+$0xFFFFFFC0] =	vst v7;
	v7 =	vmax.f32 v8, $0.0e+00;
	v8 =	vadd.f32 v22, v18  }
0x1bb: {  	v18 =	vld [tilespmem:s21+$0xFFFFFF90];
	[tilespmem:s20+$0x0] =	vst v7;
	v7 =	vmax.f32 v15, $0.0e+00;
	v4 =	vadd.f32 v4, v17  }
0x1bc: {  	v5 =	vadd.f32 v5, v19;
	v15 =	vld [tilespmem:s21+$0xFFFFFFD0];
	[tilespmem:s20+$0x40] =	vst v7;
	v7 =	vmax.f32 v8, $0.0e+00  }
0x1bd: {  	v8 =	vld [tilespmem:s21+$0x10];
	[tilespmem:s20+$0x80] =	vst v7;
	v7 =	vshll.u32 v14, $0x10;
	v4 =	vmax.f32 v4, $0.0e+00  }
0x1be: {  	v5 =	vmax.f32 v5, $0.0e+00;
	v17 =	vld [tilespmem:s21+$0x50];
	v7 =	vadd.f32 v7, v16;
	[tilespmem:s19+$0x30] =	vst v4  }
0x1bf: {  	[tilespmem:s20+$0xFFFFFF10] =	vst v5;
	v4 =	vadd.f32 v9, v20;
	v5 =	vld [tilespmem:s21+$0x90]  }
0x1c0: {  	v9 =	vld [tilespmem:s13+$0xFFFFFF90];
	v12 =	vadd.f32 v12, v18;
	v7 =	vmax.f32 v7, $0.0e+00  }
0x1c1: {  	v16 =	vld [tilespmem:s21+$0xFFFFFF20];
	v4 =	vmax.f32 v4, $0.0e+00;
	v11 =	vadd.f32 v11, v15;
	[tilespmem:s20+$0xE0] =	vst v7  }
0x1c2: {  	[tilespmem:s20+$0xFFFFFF50] =	vst v4;
	v4 =	vmax.f32 v12, $0.0e+00;
	v7 =	vadd.f32 v10, v8;
	v8 =	vld [tilespmem:s21+$0xF0]  }
0x1c3: {  	v10 =	vld [tilespmem:s13+$0xFFFFFFB0];
	[tilespmem:s20+$0xFFFFFF90] =	vst v4;
	v4 =	vmax.f32 v11, $0.0e+00;
	v6 =	vadd.f32 v6, v17  }
0x1c4: {  	v11 =	vld [tilespmem:s13+$0xFFFFFFD0];
	[tilespmem:s20+$0xFFFFFFD0] =	vst v4;
	v4 =	vmax.f32 v7, $0.0e+00;
	v5 =	vadd.f32 v13, v5  }
0x1c5: {  	v7 =	vshll.u32 v9, $0x10;
	v15 =	vand.u32 $0xFFFF0000, v9;
	v9 =	vld [tilespmem:s13+$0xFFFFFFF0];
	[tilespmem:s20+$0x10] =	vst v4;
	v4 =	vmax.f32 v6, $0.0e+00  }
0x1c6: {  	v6 =	vadd.f32 v7, v16;
	v12 =	vld [tilespmem:s13+$0x10];
	[tilespmem:s20+$0x50] =	vst v4;
	v4 =	vmax.f32 v5, $0.0e+00;
	v5 =	vand.u32 $0xFFFF0000, v14  }
0x1c7: {  	v13 =	vld [tilespmem:s13+$0x30];
	[tilespmem:s20+$0x90] =	vst v4;
	v4 =	vadd.f32 v5, v8  }
0x1c8: {  	v6 =	vmax.f32 v6, $0.0e+00;
	v14 =	vshll.u32 v10, $0x10;
	v5 =	vand.u32 $0xFFFF0000, v10;
	v10 =	vld [tilespmem:s13+$0x50]  }
0x1c9: {  	[tilespmem:s20+$0xFFFFFF20] =	vst v6;
	v16 =	vld [tilespmem:s21+$0xFFFFFF60];
	v17 =	vshll.u32 v11, $0x10;
	v6 =	vand.u32 $0xFFFF0000, v11;
	v4 =	vmax.f32 v4, $0.0e+00  }
0x1ca: {  	v11 =	vld [tilespmem:s21+$0xFFFFFFA0];
	v18 =	vshll.u32 v9, $0x10;
	v7 =	vand.u32 $0xFFFF0000, v9;
	[tilespmem:s20+$0xF0] =	vst v4  }
0x1cb: {  	v19 =	vld [tilespmem:s21+$0xFFFFFFE0];
	v20 =	vshll.u32 v12, $0x10;
	v4 =	vand.u32 $0xFFFF0000, v12  }
0x1cc: {  	v21 =	vld [tilespmem:s21+$0x20];
	v22 =	vshll.u32 v13, $0x10;
	v8 =	vand.u32 $0xFFFF0000, v13  }
0x1cd: {  	v13 =	vld [tilespmem:s21+$0x60];
	v23 =	vshll.u32 v10, $0x10;
	v9 =	vand.u32 $0xFFFF0000, v10  }
0x1ce: {  	v10 =	vadd.f32 v14, v16;
	v14 =	vld [tilespmem:s21+$0xA0]  }
0x1cf: {  	v24 =	vld [tilespmem:s21+$0xFFFFFF30];
	v11 =	vadd.f32 v17, v11  }
.Ltmp5:
0x1d0: {  	v10 =	vmax.f32 v10, $0.0e+00;
	v16 =	vadd.f32 v18, v19;
	v12 =	vld [tilespmem:s22+$0x70];
	(pc) =	sbr.rel @p0 .LBB2_9-.Ltmp5, $4  }
0x1d1: {  	[tilespmem:s20+$0xFFFFFF60] =	vst v10;
	v17 =	vmax.f32 v11, $0.0e+00;
	v18 =	vadd.f32 v20, v21;
	v11 =	vld [tilespmem:s22+$0xB0];
	s22 =	smov.u32 s21  }
0x1d2: {  	v10 =	vld [tilespmem:s21+$0xFFFFFF70];
	[tilespmem:s20+$0xFFFFFFA0] =	vst v17;
	v16 =	vmax.f32 v16, $0.0e+00;
	v17 =	vadd.f32 v22, v13  }
0x1d3: {  	v13 =	vld [tilespmem:s21+$0xFFFFFFB0];
	[tilespmem:s20+$0xFFFFFFE0] =	vst v16;
	v18 =	vmax.f32 v18, $0.0e+00;
	v16 =	vadd.f32 v23, v14  }
0x1d4: {  	s13 =	sadd.s32 $0x100, s13;
	v15 =	vadd.f32 v15, v24;
	v14 =	vld [tilespmem:s21+$0xFFFFFFF0];
	[tilespmem:s20+$0x20] =	vst v18;
	v17 =	vmax.f32 v17, $0.0e+00  }
0x1d5: {  	[tilespmem:s20+$0x60] =	vst v17;
	v16 =	vmax.f32 v16, $0.0e+00;
	v2 =	vadd.f32 v2, v12;
	v59 =	vld [tilespmem:s22+$0x30]  }
0x1d6: {  	v15 =	vmax.f32 v15, $0.0e+00;
	[tilespmem:s20+$0xA0] =	vst v16;
	v3 =	vadd.f32 v3, v11;
	v60 =	vld [tilespmem:s22+$0x70]  }
0x1d7: {  	[tilespmem:s20+$0xFFFFFF30] =	vst v15;
	v5 =	vadd.f32 v5, v10;
	v2 =	vmax.f32 v2, $0.0e+00;
	v61 =	vld [tilespmem:s22+$0xB0]  }
0x1d8: {  	v6 =	vadd.f32 v6, v13;
	[tilespmem:s19+$0x70] =	vst v2;
	v2 =	vmax.f32 v3, $0.0e+00  }
0x1d9: {  	v3 =	vmax.f32 v5, $0.0e+00;
	v62 =	vadd.f32 v7, v14;
	[tilespmem:s19+$0xB0] =	vst v2  }
0x1da: {  	[tilespmem:s20+$0xFFFFFF70] =	vst v3;
	v2 =	vmax.f32 v6, $0.0e+00;
	v3 =	vadd.f32 v4, v59  }
0x1db: {  	[tilespmem:s20+$0xFFFFFFB0] =	vst v2;
	v2 =	vmax.f32 v62, $0.0e+00;
	v63 =	vadd.f32 v8, v60  }
.Ltmp6:
0x1dc: {  	[tilespmem:s20+$0xFFFFFFF0] =	vst v2;
	v2 =	vmax.f32 v3, $0.0e+00;
	v3 =	vadd.f32 v9, v61;
	(pc) =	sbr.rel @p1 .LBB2_12-.Ltmp6, $4  }
0x1dd: {  	[tilespmem:s20+$0x30] =	vst v2;
	v2 =	vmax.f32 v63, $0.0e+00  }
0x1de: {  	[tilespmem:s20+$0x70] =	vst v2;
	v2 =	vmax.f32 v3, $0.0e+00  }
0x1df: {  	s12 =	sadd.s32 $0x4F80, s18;
	[tilespmem:s20+$0xB0] =	vst v2  }
0x1e0: {  	[spmem:s1] =	stream.indirect.scatter.add.f32 [tilespmem:s29], [sflag:$0x6], $0x40, s12, s26, $0xb8;
	[tilespmem:$0x1DE00] =	vst v63  }
0x1e1: {  	s12 =	sadd.s32 $0x3, s17  }
0x1e2: {  	s13 =	sshll.u32 s12, $0x7  }
0x1e3: {  	s12 =	sadd.s32 s15, s12;
	s13 =	sand.u32 $0x3FFFFF80, s13  }
0x1e4: {  	[tilespmem:s30], [sflag:$0x2] =	stream.indirect.gather [hbm4b:s4+s26], $0x40, s13, s26, $0xb8;
	[tilespmem:$0x1DE00] =	vst v63  }
.Ltmp7:
0x1e5: {  	s12 =	sshll.u32 s12, $0xC;
	(pc) =	sbr.rel .LBB2_6-.Ltmp7, $4  }
0x1e6: {  	s12 =	sadd.s32 s8, s12  }
0x1e7: {  	s12 =	sshrl.u32 s12, $0x3  }
0x1e8: {  	s16 =	sadd.s32 $0x1, s16;
	s12 =	sadd.s32 s5, s12  }
0x1e9: {  	[tilespmem:s31], [sflag:$0x4] =	stream.linear.gather [hbm4b:s12+s3], $0x1000, $0x38;
	[tilespmem:$0x1DE00] =	vst v63  }
.LBB2_13:
0x1ea: {  	_ =	sfence.sel $0x180000  }
0x1eb: {  	[bflag:$0x0] =	sbarrier.arrive $0xFFFF  }
0x1ec: {  	_ =	strace $0x9000004A  }
0x1ed: {  	s0 =	stileid.u32;
	[bflag:$0x2] =	sbarrier.arrive $0xFFFF  }
0x1ee: {  	p0 =	sne.s32 s0, $0x0;
	s0 =	rddreg [dreg:$0x2]  }
0x1ef: {  	s0 =	sadd.s32 @!p0 $0x100000, s0  }
0x1f0: {  	[sflag:s0] =	ssyncadd.tile.s32 @!p0 $0x1;
	_ =	shalt  }
.Lfunc_end2:
_tile_overlayer_lowered:
.L_overlay_start_2:
0x1f1: {  	(tag) =	ssettag $0x2  }
0x1f2: {  	s0 =	rddreg [dreg:$0x0];
	s2 =	stileid.u32  }
0x1f3: {  	s1 =	rddreg [dreg:$0x1];
	p0 =	sne.s32 s2, $0x0  }
0x1f4: {  	s3 =	rddreg [dreg:$0x2];
	[bflag:$0x3] =	sbarrier.arrive $0xFFFF;
	s2 =	simm.s32 @!p0 $0x1C07  }
0x1f5: {  	[timem:s3], [sflag:s2] =	dma.local @!p0 [hbm:s0], s1  }
0x1f6: {  	s0 =	simm.s32 @!p0 $0x7  }
0x1f7: {  	_ =	swait.ge @!p0 [sflag:s0], s1  }
0x1f8: {  	s1 =	ssub.s32 @!p0 $0x0, s1;
	[sflag:s0] =	ssyncset.done @!p0 $0x0  }
0x1f9: {  	[sflag:s0] =	ssyncadd.s32 @!p0 s1  }
0x1fa: {  	[bflag:$0x3] =	sbarrier.arrive $0xFFFF  }
0x1fb: {  	_ =	shalt  }

// kernel: kernel.8.cloned.1.call-start
scs
__scs_entry_jumppad:
0x0: {  	(pc) =	sbr.rel $0x88, $3  }
0x1: {  	(tag) =	ssettag $0x0;
	lr =	simm.s32 $0x1  }
0x2: {  	[smem:$0x3F8D] =	sst lr;
	_ =	strace $0xD0000000  }
0x3: {  	_ = 	snop  }
0x4: {  	_ = 	snop  }
0x5: {  	_ = 	snop  }
0x6: {  	_ = 	snop  }
0x7: {  	_ = 	snop  }
__scs_overlays_trampoline_lowered:
0x8: {  	[smem:$0x3F9C] =	sst s0  }
0x9: {  	[smem:$0x3F9D] =	sst s1  }
0xa: {  	[smem:$0x3F9E] =	sst s2  }
0xb: {  	[smem:$0x3F9F] =	sst s3  }
0xc: {  	[smem:$0x3FA0] =	sst s4  }
0xd: {  	[smem:$0x3FA1] =	sst s5  }
0xe: {  	[smem:$0x3FA2] =	sst s6  }
0xf: {  	[smem:$0x3FA3] =	sst s7  }
0x10: {  	[smem:$0x3FA4] =	sst s8  }
0x11: {  	[smem:$0x3FA5] =	sst s9;
	s0 =	simm.s32 @!p0 $0x0  }
0x12: {  	s1 =	sld [smem:$0x3F8B];
	s0 =	simm.s32 @p0 $0x1  }
0x13: {  	[smem:$0x3FA6] =	sst s0;
	s0 =	simm.s32 @!p1 $0x0  }
0x14: {  	s2 =	sld [smem:$0x3F8A];
	s0 =	simm.s32 @p1 $0x1  }
0x15: {  	[smem:$0x3FA7] =	sst s0;
	s0 =	simm.s32 @!p2 $0x0  }
0x16: {  	s3 =	sld [smem:$0x3FDB];
	s0 =	simm.s32 @p2 $0x1  }
0x17: {  	s4 =	simm.s32 $0x1BF5;
	[smem:$0x3FA9] =	sst s0  }
0x18: {  	s0 =	sld [smem:$0x3F8C];
	_ =	swait.ge [sflag:s4], $0x0  }
0x19: {  	s7 =	sld [smem:$0x3F8D]  }
0x1a: {  	s8 =	sadd.s32 $0xFFFFE003, lr  }
0x1b: {  	s9 =	sadd.s32 $0xFFFFFEF7, lr;
	s5 =	simm.s32 $0xFFFFFFFF;
	p2 =	slt.u32 s8, $0xFFFFF086  }
0x1c: {  	p1 =	slt.u32 s9, $0xF7A;
	s5 =	simm.s32 @!p2 $0x0  }
0x1d: {  	s5 =	simm.s32 @p1 $0x1;
	p0 =	seq.s32 s7, s2  }
0x1e: {  	s7 =	smul.u32 @!p0 $0xF7A, s2;
	p2 =	seq.s32 @!p0 s5, $0x0  }
0x1f: {  	s9 =	smul.u32 $0xF7A, s1;
	s8 =	simm.s32 @!p0 $0x1BF5;
	p2 =	por !p2, p0  }
0x20: {  	[sflag:s8] =	ssyncset.s32 @!p0 $0xFFFFF086;
	s6 =	sadd.s32 @!p0 s3, s7;
	s7 =	simm.s32 @!p0 $0x108  }
0x21: {  	s3 =	sadd.s32 s3, s9;
	s6 =	sadd.s32 @!p0 $0x88, s6;
	s7 =	simm.s32 @p2 $0x1082  }
0x22: {  	[simem:s7], [sflag:s8] =	dma.local @!p0 [hbm:s6], $0xF7A  }
0x23: {  	s9 =	sor.u32 $0xD0000000, s2;
	s6 =	simm.s32 $0x108;
	_ =	swait.ge @!p0 [sflag:s8], $0x0  }
0x24: {  	s3 =	sadd.s32 $0x88, s3;
	s6 =	simm.s32 @!p1 $0x1082;
	[sflag:s4] =	ssyncset.s32 $0xFFFFF086  }
0x25: {  	[simem:s6], [sflag:s4] =	dma.local [hbm:s3], $0xF7A  }
0x26: {  	[smem:$0x3F8D] =	sst s1;
	(tag) =	ssettag s2;
	_ =	strace s9  }
0x27: {  	s1 =	sld [smem:$0x3F9D]  }
0x28: {  	s2 =	sld [smem:$0x3F9E]  }
0x29: {  	s4 =	sld [smem:$0x3FA0]  }
0x2a: {  	p0 =	seq.s32 s5, $0x0;
	s5 =	sld [smem:$0x3FA1]  }
0x2b: {  	s6 =	sld [smem:$0x3FA2]  }
0x2c: {  	s7 =	sld [smem:$0x3FA3]  }
0x2d: {  	s3 =	simm.s32 $0x108;
	s8 =	sld [smem:$0x3FA4]  }
0x2e: {  	s3 =	simm.s32 @!p0 $0x1082;
	s9 =	sld [smem:$0x3FA5]  }
0x2f: {  	lr =	sadd.s32 s0, s3;
	s0 =	sld [smem:$0x3F9C]  }
0x30: {  	s3 =	sld [smem:$0x3F9F]  }
0x31: {  	[smem:$0x3FA8] =	sst s10  }
0x32: {  	s10 =	sld [smem:$0x3FA6];
	_ =	sdelay $0x3  }
0x33: {  	p0 =	seq.s32 s10, $0x1;
	s10 =	sld [smem:$0x3FA8];
	_ =	sdelay $0x3  }
0x34: {  	[smem:$0x3FA8] =	sst s10  }
0x35: {  	s10 =	sld [smem:$0x3FA7];
	_ =	sdelay $0x3  }
0x36: {  	p1 =	seq.s32 s10, $0x1;
	s10 =	sld [smem:$0x3FA8];
	_ =	sdelay $0x3  }
0x37: {  	[smem:$0x3FA8] =	sst s10  }
0x38: {  	s10 =	sld [smem:$0x3FA9]  }
0x39: {  	_ = 	snop;
	(pc) =	sbr.ind lr, $3  }
0x3a: {  	_ = 	snop  }
0x3b: {  	_ = 	snop  }
0x3c: {  	p2 =	seq.s32 s10, $0x1;
	s10 =	sld [smem:$0x3FA8]  }
0x3d: {  	_ =	shalt  }
0x3e: {  	_ =	shalt  }
0x3f: {  	_ =	shalt  }
0x40: {  	_ =	shalt  }
0x41: {  	_ =	shalt  }
0x42: {  	_ =	shalt  }
0x43: {  	_ =	shalt  }
0x44: {  	_ =	shalt  }
0x45: {  	_ =	shalt  }
0x46: {  	_ =	shalt  }
0x47: {  	_ =	shalt  }
0x48: {  	_ =	shalt  }
0x49: {  	_ =	shalt  }
0x4a: {  	_ =	shalt  }
0x4b: {  	_ =	shalt  }
0x4c: {  	_ =	shalt  }
0x4d: {  	_ =	shalt  }
0x4e: {  	_ =	shalt  }
0x4f: {  	_ =	shalt  }
0x50: {  	_ =	shalt  }
0x51: {  	_ =	shalt  }
0x52: {  	_ =	shalt  }
0x53: {  	_ =	shalt  }
0x54: {  	_ =	shalt  }
0x55: {  	_ =	shalt  }
0x56: {  	_ =	shalt  }
0x57: {  	_ =	shalt  }
0x58: {  	_ =	shalt  }
0x59: {  	_ =	shalt  }
0x5a: {  	_ =	shalt  }
0x5b: {  	_ =	shalt  }
0x5c: {  	_ =	shalt  }
0x5d: {  	_ =	shalt  }
0x5e: {  	_ =	shalt  }
0x5f: {  	_ =	shalt  }
0x60: {  	_ =	shalt  }
0x61: {  	_ =	shalt  }
0x62: {  	_ =	shalt  }
0x63: {  	_ =	shalt  }
0x64: {  	_ =	shalt  }
0x65: {  	_ =	shalt  }
0x66: {  	_ =	shalt  }
0x67: {  	_ =	shalt  }
0x68: {  	_ =	shalt  }
0x69: {  	_ =	shalt  }
0x6a: {  	_ =	shalt  }
0x6b: {  	_ =	shalt  }
0x6c: {  	_ =	shalt  }
0x6d: {  	_ =	shalt  }
0x6e: {  	_ =	shalt  }
0x6f: {  	_ =	shalt  }
0x70: {  	_ =	shalt  }
0x71: {  	_ =	shalt  }
0x72: {  	_ =	shalt  }
0x73: {  	_ =	shalt  }
0x74: {  	_ =	shalt  }
0x75: {  	_ =	shalt  }
0x76: {  	_ =	shalt  }
0x77: {  	_ =	shalt  }
0x78: {  	_ =	shalt  }
0x79: {  	_ =	shalt  }
0x7a: {  	_ =	shalt  }
0x7b: {  	_ =	shalt  }
0x7c: {  	_ =	shalt  }
0x7d: {  	_ =	shalt  }
0x7e: {  	_ =	shalt  }
0x7f: {  	_ =	shalt  }
0x80: {  	_ =	shalt  }
0x81: {  	_ =	shalt  }
0x82: {  	_ =	shalt  }
0x83: {  	_ =	shalt  }
0x84: {  	_ =	shalt  }
0x85: {  	_ =	shalt  }
0x86: {  	_ =	shalt  }
0x87: {  	_ =	shalt  }
.Lfunc_end0:
.L_simem_size_0:
called_computation_lowered:
.L_overlay_start_0:
0x88: {  	s2 =	sld [smem:$0x3FD9]  }
0x89: {  	s3 =	sld [smem:$0x3FFE];
	_ =	sdelay $0x1  }
0x8a: {  	s1 =	srdreg.scid  }
0x8b: {  	s0 =	sand.u32 $0x1, s1  }
0x8c: {  	s16 =	sshll.u32 s0, $0xA;
	s2 =	sadd.s32 s3, s2  }
0x8d: {  	s2 =	sadd.s32 s2, s16  }
0x8e: {  	[smem:$0x3FB4] =	sst s2  }
0x8f: {  	_ = 	snop  }
0x90: {  	(tm) =	ssettm $0x1  }
0x91: {  	s17 =	sld [smem:$0x3FFB];
	_ =	sdelay $0x3  }
0x92: {  	_ =	strace s17  }
0x93: {  	s2 =	sld [smem:$0x3FFC];
	_ =	sdelay $0x3  }
0x94: {  	_ =	strace s2  }
0x95: {  	s2 =	sld [smem:$0x3FFD];
	_ =	sdelay $0x3  }
0x96: {  	_ =	strace s2  }
0x97: {  	_ =	strace $0x8FFFFFFF  }
0x98: {  	s18 =	sld [smem:$0x3FDB];
	_ =	sdelay $0x1  }
0x99: {  	s19 =	simm.s32 $_scs_section_size  }
0x9a: {  	s4 =	simm.s32 $_size__tile_overlayer_lowered;
	s5 =	simm.s32 $_tile_overlayer_lowered  }
0x9b: {  	s22 =	simm.s32 $0x1BFF;
	s21 =	sshll.u32 s5, $0x1;
	s2 =	sadd.s32 s19, s18  }
0x9c: {  	s6 =	simm.s32 $0x0;
	s20 =	sshll.u32 s4, $0x1;
	s4 =	sadd.s32 s21, s2  }
0x9d: {  	[timem:s6], [sflag:s22] =	dma.local [hbm:s4], s20  }
0x9e: {  	_ =	swait.ge [sflag:s22], s20  }
0x9f: {  	s3 =	ssub.s32 $0x0, s20;
	[sflag:s22] =	ssyncset.done $0x0  }
0xa0: {  	[sflag:s22] =	ssyncadd.s32 s3;
	_ =	sdelay $0x1  }
0xa1: {  	s23 =	simm.s32 $0x1B8B  }
0xa2: {  	_ =	swait.ge [sflag:s23], $0x1  }
0xa3: {  	[sflag:s23] =	ssyncset.done $0x0  }
0xa4: {  	s25 =	simm.s32 $0x1B8E;
	s24 =	sld [smem:$0x3FFE];
	[sflag:s23] =	ssyncadd.s32 $0xFFFFFFFF  }
0xa5: {  	s26 =	simm.s32 $execute0_lowered;
	[smem:$0x3FD2] =	sst s25  }
0xa6: {  	s4 =	sshll.u32 s26, $0x1;
	_ =	strace $0x80000046;
	[dreg:$0x1] =	wrdreg $0xFFFFFFFF  }
0xa7: {  	s28 =	simm.s32 $_size_execute0_lowered;
	s2 =	sadd.s32 s2, s4;
	[dreg:$0x0] =	wrdreg $0x0  }
0xa8: {  	s4 =	sshll.u32 s28, $0x1;
	[dreg:$0x2] =	wrdreg s2  }
0xa9: {  	[dreg:$0x3] =	wrdreg s4  }
0xaa: {  	[dreg:$0x4] =	wrdreg $0xC0  }
0xab: {  	_ =	task [dreg:s6], $0x5FFFF  }
0xac: {  	[dreg:$0x1] =	wrdreg $0xFFFFFFFF  }
0xad: {  	[dreg:$0x0] =	wrdreg $0x60  }
0xae: {  	[dreg:$0x2] =	wrdreg s24  }
0xaf: {  	[dreg:$0x3] =	wrdreg $0x13E000  }
0xb0: {  	[dreg:$0x4] =	wrdreg $0x9  }
0xb1: {  	_ =	task.clear_ibuf [dreg:s6], $0x5FFFF;
	_ =	strace $0x90000046  }
0xb2: {  	s29 =	simm.s32 $0x9;
	_ =	strace $0x80000048  }
0xb3: {  	_ =	swait.ge [sflag:s29], $0x1  }
0xb4: {  	[sflag:s29] =	ssyncadd.s32 $0xFFFFFFFF  }
0xb5: {  	_ =	strace $0x90000048  }
0xb6: {  	_ =	sfence  }
0xb7: {  	s30 =	sld [smem:$0x0];
	_ =	sdelay $0x2  }
0xb8: {  	s31 =	sshll.u32 s1, $0xD;
	s1 =	sshrl.u32 s1, $0x2  }
0xb9: {  	s3 =	sand.u32 $0x4000, s31;
	s1 =	sadd.s32 s1, s30  }
0xba: {  	s0 =	sor.u32 s3, s0;
	s1 =	sshll.u32 s1, $0x11  }
0xbb: {  	s0 =	sor.u32 s1, s0  }
0xbc: {  	s0 =	sadd.s32 $0x8F2B, s0  }
0xbd: {  	[sflag:s0] =	ssyncadd.remote.s32 $0x1  }
0xbe: {  	_ =	sfence.sel $0xFFFF  }
0xbf: {  	[dreg:$0x0] =	wrdreg $0xFFFFFFFF;
	(pc) =	sbr.abs _section_cstart, $3  }
0xc0: {  	[dreg:$0x1] =	wrdreg $0xFFFFFFFF  }
0xc1: {  	_ =	task.clear_ibuf [dreg:s6], $0x2FFFF;
	_ =	strace $0x9FFFFFFF  }
0xc2: {  	(tm) =	ssettm $0x7FFFFFFF  }
0xc3: {  	_ =	shalt  }
tec
execute0_lowered:
.L_overlay_start_1:
0x0: {  	(tag) =	ssettag $0x1  }
0x1: {  	s0 =	rddreg [dreg:$0x0]  }
0x2: {  	s1 =	rddreg [dreg:$0x1]  }
0x3: {  	s3 =	simm.s32 $0x0;
	s2 =	srdreg.scid;
	s22 =	stileid.u32  }
0x4: {  	s30 =	simm.s32 $0xBE00;
	s31 =	simm.s32 $0xEE00;
	s28 =	simm.s32 $0x4  }
0x5: {  	s29 =	simm.s32 $0x11E00;
	[smem:$0x7FF] =	sst s3;
	s6 =	smul.u32 $0x9E0, s22  }
0x6: {  	s2 =	sand.u32 $0x1, s2;
	s4 =	sadd.s32 $0x2DCE00, s0;
	s12 =	smul.u32 $0xA000, s22  }
0x7: {  	s5 =	sadd.s32 $0x16C00, s0;
	s15 =	smul.u32 $0x9E000, s22;
	s7 =	ssub.s32 $0x2, s2  }
0x8: {  	_ =	strace $0x80000047;
	s21 =	smul.u32 $0xA0000, s2;
	s8 =	sshrl.u32 s7, $0x1  }
0x9: {  	s13 =	sadd.s32 s6, s0;
	s0 =	sadd.s32 $0x30DE00, s0;
	s6 =	sadd.s32 s12, s1  }
0xa: {  	s16 =	sadd.s32 $0x2000, s12;
	s17 =	sadd.s32 $0x4000, s12;
	s18 =	sadd.s32 $0x6000, s12  }
0xb: {  	s19 =	sadd.s32 $0x8000, s12;
	s14 =	ssub.s32 s7, s8;
	s7 =	sadd.s32 s16, s1  }
0xc: {  	s8 =	smul.u32 $0x9E0000, s2;
	s9 =	sadd.s32 s17, s1;
	s10 =	sadd.s32 s18, s1  }
0xd: {  	s11 =	sadd.s32 s19, s1;
	s23 =	sadd.s32 $0x3000, s13;
	s13 =	sadd.s32 $0x304000, s13  }
0xe: {  	s12 =	sadd.s32 s12, s21;
	s16 =	sadd.s32 s21, s16;
	[dreg:$0x3] =	wrdreg s23  }
0xf: {  	[dreg:$0x4] =	wrdreg s13;
	s13 =	smul.u32 $0x2710, s2;
	s12 =	sshrl.u32 s12, $0x3  }
0x10: {  	s16 =	sshrl.u32 s16, $0x3;
	s23 =	sadd.s32 s21, s19;
	s20 =	sadd.s32 s15, s8  }
0x11: {  	s15 =	smul.u32 $0x9E, s22;
	s12 =	sadd.s32 s0, s12;
	s22 =	sadd.s32 s21, s18  }
0x12: {  	s24 =	sshrl.u32 s20, $0x3;
	s26 =	sor.u32 $0x1000, s20;
	[dreg:$0x7] =	wrdreg s12  }
0x13: {  	s20 =	sadd.s32 s21, s17;
	s12 =	sshrl.u32 s22, $0x3;
	s25 =	sadd.s32 s5, s24  }
0x14: {  	s2 =	sshrl.u32 s26, $0x3;
	s24 =	sadd.s32 s0, s12;
	[dreg:$0x5] =	wrdreg s25  }
0x15: {  	s26 =	smax.u32 s14, $0x1;
	s14 =	simm.s32 $0x0;
	[dreg:$0xa] =	wrdreg s24  }
0x16: {  	s2 =	sadd.s32 s5, s2;
	s25 =	sshrl.u32 s23, $0x3;
	[dreg:$0xc] =	wrdreg s26  }
.Ltmp0:
0x17: {  	[dreg:$0x6] =	wrdreg s2;
	s2 =	sadd.s32 s0, s16;
	(pc) =	sbr.rel .LBB2_1-.Ltmp0, $4  }
0x18: {  	s23 =	simm.s32 $0xFE00;
	[dreg:$0x8] =	wrdreg s2;
	s2 =	sshrl.u32 s20, $0x3  }
0x19: {  	s24 =	simm.s32 $0x7;
	s26 =	simm.s32 $0x80;
	s2 =	sadd.s32 s0, s2  }
0x1a: {  	s0 =	sadd.s32 s0, s25;
	s25 =	simm.s32 $0x2;
	[dreg:$0x9] =	wrdreg s2  }
0x1b: {  	v1 =	vimm.f32 $0.0e+00;
	v0 =	vmov s13;
	[dreg:$0xb] =	wrdreg s0;
	s0 =	simm.s32 $0x1;
	s2 =	simm.s32 $0x3  }
.LBB2_12:
0x1c: {  	s12 =	simm.s32 $0x5  }
0x1d: {  	_ =	swait.ge [sflag:s12], $0x2000  }
0x1e: {  	[sflag:s12] =	ssyncset.done $0x0  }
0x1f: {  	s16 =	simm.s32 $0x6;
	[sflag:s12] =	ssyncadd.s32 $0xFFFFE000  }
0x20: {  	_ =	swait.ge [sflag:s16], $0x2000  }
0x21: {  	[sflag:s16] =	ssyncset.done $0x0  }
0x22: {  	[sflag:s16] =	ssyncadd.s32 $0xFFFFE000  }
0x23: {  	[bflag:$0x0] =	sbarrier.arrive $0xFFFF  }
0x24: {  	[tilespmem:s23], [sflag:$0x7] =	stream.linear.gather [spmem:s6], $0x2000, $0x38;
	[tilespmem:$0x1DE00] =	vst v63  }
0x25: {  	_ =	swait.ge [sflag:s24], $0x2000  }
0x26: {  	[sflag:s24] =	ssyncset.done $0x0  }
0x27: {  	s17 =	rddreg [dreg:$0x7];
	[sflag:s24] =	ssyncadd.s32 $0xFFFFE000  }
0x28: {  	[hbm4b:s17+s3] =	stream.linear.scatter [tilespmem:s23], [sflag:$0x7], $0x2000, $0x38;
	[tilespmem:$0x1DE00] =	vst v63  }
0x29: {  	_ =	swait.ge [sflag:s24], $0x2000  }
0x2a: {  	[sflag:s24] =	ssyncset.done $0x0  }
0x2b: {  	[sflag:s24] =	ssyncadd.s32 $0xFFFFE000  }
0x2c: {  	[tilespmem:s23], [sflag:$0x7] =	stream.linear.gather [spmem:s7], $0x2000, $0x38;
	[tilespmem:$0x1DE00] =	vst v63  }
0x2d: {  	_ =	swait.ge [sflag:s24], $0x2000  }
0x2e: {  	[sflag:s24] =	ssyncset.done $0x0  }
0x2f: {  	s18 =	rddreg [dreg:$0x8];
	[sflag:s24] =	ssyncadd.s32 $0xFFFFE000  }
0x30: {  	[hbm4b:s18+s3] =	stream.linear.scatter [tilespmem:s23], [sflag:$0x7], $0x2000, $0x38;
	[tilespmem:$0x1DE00] =	vst v63  }
0x31: {  	_ =	swait.ge [sflag:s24], $0x2000  }
0x32: {  	[sflag:s24] =	ssyncset.done $0x0  }
0x33: {  	[sflag:s24] =	ssyncadd.s32 $0xFFFFE000  }
0x34: {  	[tilespmem:s23], [sflag:$0x7] =	stream.linear.gather [spmem:s9], $0x2000, $0x38;
	[tilespmem:$0x1DE00] =	vst v63  }
0x35: {  	_ =	swait.ge [sflag:s24], $0x2000  }
0x36: {  	[sflag:s24] =	ssyncset.done $0x0  }
0x37: {  	s19 =	rddreg [dreg:$0x9];
	[sflag:s24] =	ssyncadd.s32 $0xFFFFE000  }
0x38: {  	[hbm4b:s19+s3] =	stream.linear.scatter [tilespmem:s23], [sflag:$0x7], $0x2000, $0x38;
	[tilespmem:$0x1DE00] =	vst v63  }
0x39: {  	_ =	swait.ge [sflag:s24], $0x2000  }
0x3a: {  	[sflag:s24] =	ssyncset.done $0x0  }
0x3b: {  	[sflag:s24] =	ssyncadd.s32 $0xFFFFE000  }
0x3c: {  	[tilespmem:s23], [sflag:$0x7] =	stream.linear.gather [spmem:s10], $0x2000, $0x38;
	[tilespmem:$0x1DE00] =	vst v63  }
0x3d: {  	_ =	swait.ge [sflag:s24], $0x2000  }
0x3e: {  	[sflag:s24] =	ssyncset.done $0x0  }
0x3f: {  	s20 =	rddreg [dreg:$0xa];
	[sflag:s24] =	ssyncadd.s32 $0xFFFFE000  }
0x40: {  	[hbm4b:s20+s3] =	stream.linear.scatter [tilespmem:s23], [sflag:$0x7], $0x2000, $0x38;
	[tilespmem:$0x1DE00] =	vst v63  }
0x41: {  	_ =	swait.ge [sflag:s24], $0x2000  }
0x42: {  	[sflag:s24] =	ssyncset.done $0x0  }
0x43: {  	[sflag:s24] =	ssyncadd.s32 $0xFFFFE000  }
0x44: {  	[tilespmem:s23], [sflag:$0x7] =	stream.linear.gather [spmem:s11], $0x2000, $0x38;
	[tilespmem:$0x1DE00] =	vst v63  }
0x45: {  	_ =	swait.ge [sflag:s24], $0x2000  }
0x46: {  	[sflag:s24] =	ssyncset.done $0x0  }
0x47: {  	s21 =	rddreg [dreg:$0xb];
	[sflag:s24] =	ssyncadd.s32 $0xFFFFE000  }
0x48: {  	[hbm4b:s21+s3] =	stream.linear.scatter [tilespmem:s23], [sflag:$0x7], $0x2000, $0x38;
	[tilespmem:$0x1DE00] =	vst v63  }
0x49: {  	_ =	swait.ge [sflag:s24], $0x2000  }
0x4a: {  	s14 =	sadd.s32 $0x1, s14;
	s22 =	rddreg [dreg:$0xc]  }
0x4b: {  	p0 =	sne.s32 s14, s22  }
.Ltmp1:
0x4c: {  	_ = 	snop;
	(pc) =	sbr.rel @!p0 .LBB2_13-.Ltmp1, $3  }
0x4d: {  	_ =	sdelay $0x1  }
0x4e: {  	[sflag:s24] =	ssyncset.done $0x0  }
0x4f: {  	[sflag:s24] =	ssyncadd.s32 $0xFFFFE000  }
.LBB2_1:
0x50: {  	s13 =	simm.s32 $0x100;
	s12 =	simm.s32 $0x0  }
.LBB2_2:
0x51: {  	p0 =	sne.s32 s13, $0x7F00;
	[tilespmem:s12+$0xFE30] =	vst v1;
	s16 =	smov.u32 s13;
	s13 =	sadd.s32 $0x100, s13  }
.Ltmp2:
0x52: {  	[tilespmem:s12+$0xFE20] =	vst v1;
	(pc) =	sbr.rel @p0 .LBB2_2-.Ltmp2, $3  }
0x53: {  	[tilespmem:s12+$0xFE00] =	vst v1  }
0x54: {  	[tilespmem:s12+$0xFE10] =	vst v1;
	_ =	sdelay $0x1  }
0x55: {  	s12 =	sshra.s32 s16, $0x2  }
0x56: {  	[tilespmem:s12+$0xFE30] =	vst v1  }
0x57: {  	[tilespmem:s12+$0xFE20] =	vst v1  }
0x58: {  	[tilespmem:s12+$0xFE00] =	vst v1  }
0x59: {  	[tilespmem:s12+$0xFE10] =	vst v1  }
0x5a: {  	[spmem:s6] =	stream.linear.scatter [tilespmem:s23], [sflag:$0x7], $0x2000, $0x38;
	[tilespmem:$0x1DE00] =	vst v63  }
0x5b: {  	_ =	swait.ge [sflag:s24], $0x2000  }
0x5c: {  	[sflag:s24] =	ssyncset.done $0x0  }
0x5d: {  	[sflag:s24] =	ssyncadd.s32 $0xFFFFE000  }
0x5e: {  	[spmem:s7] =	stream.linear.scatter [tilespmem:s23], [sflag:$0x7], $0x2000, $0x38;
	[tilespmem:$0x1DE00] =	vst v63  }
0x5f: {  	_ =	swait.ge [sflag:s24], $0x2000  }
0x60: {  	[sflag:s24] =	ssyncset.done $0x0  }
0x61: {  	[sflag:s24] =	ssyncadd.s32 $0xFFFFE000  }
0x62: {  	[spmem:s9] =	stream.linear.scatter [tilespmem:s23], [sflag:$0x7], $0x2000, $0x38;
	[tilespmem:$0x1DE00] =	vst v63  }
0x63: {  	_ =	swait.ge [sflag:s24], $0x2000  }
0x64: {  	[sflag:s24] =	ssyncset.done $0x0  }
0x65: {  	[sflag:s24] =	ssyncadd.s32 $0xFFFFE000  }
0x66: {  	[spmem:s10] =	stream.linear.scatter [tilespmem:s23], [sflag:$0x7], $0x2000, $0x38;
	[tilespmem:$0x1DE00] =	vst v63  }
0x67: {  	_ =	swait.ge [sflag:s24], $0x2000  }
0x68: {  	[sflag:s24] =	ssyncset.done $0x0  }
0x69: {  	[sflag:s24] =	ssyncadd.s32 $0xFFFFE000  }
0x6a: {  	[spmem:s11] =	stream.linear.scatter [tilespmem:s23], [sflag:$0x7], $0x2000, $0x38;
	[tilespmem:$0x1DE00] =	vst v63  }
0x6b: {  	_ =	swait.ge [sflag:s24], $0x2000  }
0x6c: {  	[sflag:s24] =	ssyncset.done $0x0  }
0x6d: {  	[sflag:s24] =	ssyncadd.s32 $0xFFFFE000  }
0x6e: {  	[bflag:$0x0] =	sbarrier.arrive $0xFFFF  }
0x6f: {  	s21 =	simm.s32 $0x0;
	s13 =	rddreg [dreg:$0x3]  }
0x70: {  	[tilespmem:s21], [sflag:$0x7] =	stream.linear.gather [hbm4b:s13+s21], $0x4F00, $0x38;
	[tilespmem:$0x1DE00] =	vst v63  }
0x71: {  	_ =	swait.ge [sflag:s24], $0x4F00  }
0x72: {  	[sflag:s24] =	ssyncset.done $0x0  }
0x73: {  	s16 =	simm.s32 $0x4F00;
	s22 =	rddreg [dreg:$0x4];
	[sflag:s24] =	ssyncadd.s32 $0xFFFFB100  }
0x74: {  	[tilespmem:s16], [sflag:$0x7] =	stream.linear.gather [hbm4b:s22+s21], $0x4F00, $0x38;
	[tilespmem:$0x1DE00] =	vst v63  }
0x75: {  	_ =	swait.ge [sflag:s24], $0x4F00  }
0x76: {  	[sflag:s24] =	ssyncset.done $0x0  }
0x77: {  	s12 =	simm.s32 $0x0;
	[sflag:s24] =	ssyncadd.s32 $0xFFFFB100  }
0x78: {  	v4 =	vld [tilespmem:s12+$0x0]  }
0x79: {  	v6 =	vld [tilespmem:s12+$0x10]  }
0x7a: {  	v5 =	vld [tilespmem:s12+$0x20]  }
0x7b: {  	v3 =	vld [tilespmem:s12+$0x30]  }
0x7c: {  	v2 =	vld [tilespmem:s12+$0x40]  }
0x7d: {  	v7 =	vadd.s32 v0, v4;
	v4 =	vld [tilespmem:s12+$0x50]  }
0x7e: {  	s13 =	simm.s32 $0x200;
	[tilespmem:s12+$0x0] =	vst v7;
	v7 =	vadd.s32 v0, v6;
	v6 =	vld [tilespmem:s12+$0x60]  }
.LBB2_4:
0x7f: {  	s16 =	sshra.s32 s13, $0x2;
	p0 =	sne.s32 s13, $0x13A00;
	[tilespmem:s12+$0x10] =	vst v7;
	v5 =	vadd.s32 v0, v5;
	v7 =	vld [tilespmem:s12+$0x70]  }
0x80: {  	v8 =	vld [tilespmem:s16+$0x0];
	[tilespmem:s12+$0x20] =	vst v5;
	v3 =	vadd.s32 v0, v3  }
0x81: {  	v9 =	vld [tilespmem:s16+$0x10];
	[tilespmem:s12+$0x30] =	vst v3;
	v2 =	vadd.s32 v0, v2  }
.Ltmp3:
0x82: {  	v5 =	vld [tilespmem:s16+$0x20];
	[tilespmem:s12+$0x40] =	vst v2;
	v2 =	vadd.s32 v0, v4;
	(pc) =	sbr.rel @p0 .LBB2_4-.Ltmp3, $4  }
0x83: {  	v3 =	vld [tilespmem:s16+$0x30];
	[tilespmem:s12+$0x50] =	vst v2;
	v4 =	vadd.s32 v0, v6  }
0x84: {  	v2 =	vld [tilespmem:s16+$0x40];
	[tilespmem:s12+$0x60] =	vst v4;
	v6 =	vadd.s32 v0, v7  }
0x85: {  	v7 =	vadd.s32 v0, v8;
	v4 =	vld [tilespmem:s16+$0x50];
	[tilespmem:s12+$0x70] =	vst v6;
	s12 =	smov.u32 s16  }
0x86: {  	s13 =	sadd.s32 $0x200, s13;
	[tilespmem:s12+$0x0] =	vst v7;
	v7 =	vadd.s32 v0, v9;
	v6 =	vld [tilespmem:s12+$0x60]  }
0x87: {  	[tilespmem:s12+$0x10] =	vst v7;
	v5 =	vadd.s32 v0, v5;
	v63 =	vld [tilespmem:s12+$0x70]  }
0x88: {  	[tilespmem:s12+$0x20] =	vst v5;
	v3 =	vadd.s32 v0, v3  }
0x89: {  	[tilespmem:s12+$0x30] =	vst v3;
	v2 =	vadd.s32 v0, v2  }
0x8a: {  	[tilespmem:s12+$0x40] =	vst v2;
	v2 =	vadd.s32 v0, v4  }
0x8b: {  	[tilespmem:s12+$0x50] =	vst v2;
	v2 =	vadd.s32 v0, v6  }
0x8c: {  	[tilespmem:s12+$0x60] =	vst v2;
	v2 =	vadd.s32 v0, v63  }
0x8d: {  	s16 =	simm.s32 $0x0;
	s20 =	simm.s32 $0x9E00;
	[tilespmem:s12+$0x70] =	vst v2  }
0x8e: {  	[tilespmem:s20], [sflag:$0x1] =	stream.indirect.gather [hbm4b:s4+s26], $0x40, s16, s26, $0xb8;
	[tilespmem:$0x1DE00] =	vst v63  }
0x8f: {  	s21 =	rddreg [dreg:$0x5];
	s13 =	simm.s32 $0xDE00  }
0x90: {  	[tilespmem:s13], [sflag:$0x3] =	stream.linear.gather [hbm4b:s21+s16], $0x1000, $0x38;
	[tilespmem:$0x1DE00] =	vst v63  }
0x91: {  	_ = 	snop  }
0x92: {  	[tilespmem:s30], [sflag:$0x2] =	stream.indirect.gather [hbm4b:s4+s26], $0x40, s26, s26, $0xb8;
	[tilespmem:$0x1DE00] =	vst v63  }
0x93: {  	s22 =	rddreg [dreg:$0x6]  }
0x94: {  	[tilespmem:s31], [sflag:$0x4] =	stream.linear.gather [hbm4b:s22+s16], $0x1000, $0x38;
	[tilespmem:$0x1DE00] =	vst v63  }
.LBB2_6:
0x95: {  	_ =	swait.ge [sflag:s0], $0x2000  }
0x96: {  	[sflag:s0] =	ssyncset.done $0x0  }
0x97: {  	[sflag:s0] =	ssyncadd.s32 $0xFFFFE000  }
0x98: {  	_ =	swait.ge [sflag:s2], $0x1000  }
0x99: {  	p0 =	seq.s32 s16, $0x0;
	[sflag:s2] =	ssyncset.done $0x0  }
0x9a: {  	s12 =	simm.s32 @!p0 $0x5;
	[sflag:s2] =	ssyncadd.s32 $0xFFFFF000  }
0x9b: {  	_ =	swait.ge @!p0 [sflag:s12], $0x2000  }
0x9c: {  	[sflag:s12] =	ssyncset.done @!p0 $0x0  }
0x9d: {  	s21 =	simm.s32 $0xDE80;
	[sflag:s12] =	ssyncadd.s32 @!p0 $0xFFFFE000  }
0x9e: {  	s17 =	simm.s32 $0x9F00;
	v2 =	vld [tilespmem:s21+$0x60]  }
0x9f: {  	v3 =	vld [tilespmem:s17+$0xC0]  }
0xa0: {  	v4 =	vld [tilespmem:s21+$0xFFFFFFA0]  }
0xa1: {  	v5 =	vld [tilespmem:s21+$0xFFFFFFC0]  }
0xa2: {  	v6 =	vld [tilespmem:s21+$0xFFFFFFE0]  }
0xa3: {  	v8 =	vld [tilespmem:s21+$0x0]  }
0xa4: {  	v9 =	vld [tilespmem:s21+$0xFFFFFF80]  }
0xa5: {  	v10 =	vld [tilespmem:s17+$0xFFFFFF00]  }
0xa6: {  	v11 =	vld [tilespmem:s21+$0x40]  }
0xa7: {  	v12 =	vld [tilespmem:s17+$0xFFFFFF40]  }
0xa8: {  	v13 =	vld [tilespmem:s17+$0xFFFFFF80]  }
0xa9: {  	v15 =	vld [tilespmem:s17+$0xFFFFFFC0]  }
0xaa: {  	s20 =	simm.s32 $0xA100;
	v16 =	vld [tilespmem:s17+$0x40]  }
0xab: {  	s22 =	simm.s32 $0xDF80;
	v19 =	vld [tilespmem:s20+$0xC0]  }
0xac: {  	v20 =	vld [tilespmem:s22+$0xFFFFFFA0];
	v7 =	vshll.u32 v2, $0x10  }
0xad: {  	v21 =	vld [tilespmem:s22+$0xFFFFFFC0];
	v3 =	vadd.f32 v7, v3  }
0xae: {  	v22 =	vld [tilespmem:s22+$0xFFFFFFE0]  }
0xaf: {  	s18 =	simm.s32 $0xFF00;
	v24 =	vld [tilespmem:s22+$0x0];
	v3 =	vmax.f32 v3, $0.0e+00  }
0xb0: {  	v39 =	vld [tilespmem:s22+$0x20];
	[tilespmem:s18+$0xC0] =	vst v3  }
0xb1: {  	v3 =	vld [tilespmem:s17+$0xD0]  }
0xb2: {  	v28 =	vld [tilespmem:s20+$0xFFFFFF40]  }
0xb3: {  	v25 =	vld [tilespmem:s22+$0xFFFFFF80]  }
0xb4: {  	v26 =	vld [tilespmem:s20+$0xFFFFFF00];
	v14 =	vshll.u32 v9, $0x10  }
0xb5: {  	v2 =	vand.u32 $0xFFFF0000, v2;
	v7 =	vld [tilespmem:s21+$0x20];
	v10 =	vadd.f32 v14, v10  }
0xb6: {  	v17 =	vshll.u32 v5, $0x10;
	v31 =	vshll.u32 v20, $0x10;
	v14 =	vld [tilespmem:s17+$0x0];
	v2 =	vadd.f32 v2, v3  }
0xb7: {  	v32 =	vld [tilespmem:s20+$0x40];
	v28 =	vadd.f32 v31, v28;
	v10 =	vmax.f32 v10, $0.0e+00;
	v3 =	vshll.u32 v4, $0x10  }
0xb8: {  	v9 =	vand.u32 $0xFFFF0000, v9;
	[tilespmem:s18+$0xFFFFFF00] =	vst v10;
	v3 =	vadd.f32 v3, v12;
	v12 =	vld [tilespmem:s17+$0x80];
	v2 =	vmax.f32 v2, $0.0e+00  }
0xb9: {  	s19 =	simm.s32 $0x10100;
	v13 =	vadd.f32 v17, v13;
	v28 =	vmax.f32 v28, $0.0e+00;
	v10 =	vshll.u32 v6, $0x10;
	v17 =	vld [tilespmem:s17+$0xFFFFFF10];
	[tilespmem:s18+$0xD0] =	vst v2  }
0xba: {  	[tilespmem:s19+$0xFFFFFF40] =	vst v28;
	v10 =	vadd.f32 v10, v15;
	v2 =	vshll.u32 v8, $0x10;
	v3 =	vmax.f32 v3, $0.0e+00;
	v15 =	vld [tilespmem:s21+$0x70]  }
0xbb: {  	v18 =	vshll.u32 v7, $0x10;
	[tilespmem:s18+$0xFFFFFF40] =	vst v3;
	v3 =	vmax.f32 v13, $0.0e+00;
	v2 =	vadd.f32 v2, v14;
	v13 =	vld [tilespmem:s17+$0xE0]  }
0xbc: {  	v14 =	vshll.u32 v11, $0x10;
	[tilespmem:s18+$0xFFFFFF80] =	vst v3;
	v3 =	vmax.f32 v10, $0.0e+00;
	v10 =	vadd.f32 v18, v16;
	v16 =	vld [tilespmem:s17+$0xFFFFFF50]  }
0xbd: {  	v30 =	vshll.u32 v25, $0x10;
	[tilespmem:s18+$0xFFFFFFC0] =	vst v3;
	v2 =	vmax.f32 v2, $0.0e+00;
	v3 =	vadd.f32 v14, v12;
	v12 =	vld [tilespmem:s17+$0xFFFFFF90]  }
0xbe: {  	v46 =	vshll.u32 v39, $0x10;
	v9 =	vadd.f32 v9, v17;
	[tilespmem:s18+$0x0] =	vst v2;
	v2 =	vmax.f32 v10, $0.0e+00;
	v10 =	vld [tilespmem:s17+$0xFFFFFFD0]  }
0xbf: {  	v26 =	vadd.f32 v30, v26;
	v30 =	vadd.f32 v46, v32;
	v47 =	vld [tilespmem:s20+$0xFFFFFF50];
	[tilespmem:s18+$0x40] =	vst v2;
	v2 =	vmax.f32 v3, $0.0e+00  }
0xc0: {  	v5 =	vand.u32 $0xFFFF0000, v5;
	v4 =	vand.u32 $0xFFFF0000, v4;
	v3 =	vld [tilespmem:s17+$0x10];
	[tilespmem:s18+$0x80] =	vst v2;
	v2 =	vmax.f32 v9, $0.0e+00  }
0xc1: {  	v30 =	vmax.f32 v30, $0.0e+00;
	v14 =	vshll.u32 v15, $0x10;
	v9 =	vld [tilespmem:s17+$0x50];
	[tilespmem:s18+$0xFFFFFF10] =	vst v2;
	v2 =	vadd.f32 v4, v16  }
0xc2: {  	v6 =	vand.u32 $0xFFFF0000, v6;
	v13 =	vadd.f32 v14, v13;
	v4 =	vld [tilespmem:s17+$0x90];
	v5 =	vadd.f32 v5, v12  }
0xc3: {  	[tilespmem:s19+$0x40] =	vst v30;
	v14 =	vld [tilespmem:s21+$0xFFFFFF90];
	v2 =	vmax.f32 v2, $0.0e+00;
	v6 =	vadd.f32 v6, v10  }
0xc4: {  	v8 =	vand.u32 $0xFFFF0000, v8;
	v12 =	vmax.f32 v13, $0.0e+00;
	v13 =	vld [tilespmem:s17+$0xFFFFFF20];
	[tilespmem:s18+$0xFFFFFF50] =	vst v2;
	v2 =	vmax.f32 v5, $0.0e+00  }
0xc5: {  	v53 =	vld [tilespmem:s20+$0x50];
	v3 =	vadd.f32 v8, v3;
	[tilespmem:s18+$0xFFFFFF90] =	vst v2;
	v2 =	vmax.f32 v6, $0.0e+00  }
0xc6: {  	v5 =	vand.u32 $0xFFFF0000, v7;
	v10 =	vld [tilespmem:s21+$0xFFFFFFB0];
	[tilespmem:s18+$0xFFFFFFD0] =	vst v2  }
0xc7: {  	v5 =	vadd.f32 v5, v9;
	v2 =	vmax.f32 v3, $0.0e+00;
	v3 =	vand.u32 $0xFFFF0000, v11;
	v9 =	vld [tilespmem:s21+$0xFFFFFFF0]  }
0xc8: {  	[tilespmem:s18+$0x10] =	vst v2;
	v2 =	vadd.f32 v3, v4;
	v4 =	vld [tilespmem:s17+$0xFFFFFF60];
	v6 =	vshll.u32 v14, $0x10  }
0xc9: {  	v20 =	vand.u32 $0xFFFF0000, v20;
	v6 =	vadd.f32 v6, v13;
	v13 =	vld [tilespmem:s17+$0xFFFFFFE0]  }
0xca: {  	v27 =	vld [tilespmem:s22+$0x40];
	v20 =	vadd.f32 v20, v47  }
0xcb: {  	v29 =	vld [tilespmem:s20+$0xFFFFFF80];
	v57 =	vand.u32 $0xFFFF0000, v39  }
0xcc: {  	v40 =	vld [tilespmem:s20+$0x0];
	v26 =	vmax.f32 v26, $0.0e+00;
	v20 =	vmax.f32 v20, $0.0e+00;
	v7 =	vshll.u32 v10, $0x10  }
0xcd: {  	v42 =	vld [tilespmem:s20+$0x80];
	[tilespmem:s19+$0xFFFFFF50] =	vst v20;
	v20 =	vadd.f32 v57, v53;
	v4 =	vadd.f32 v7, v4;
	v7 =	vshll.u32 v9, $0x10  }
0xce: {  	[tilespmem:s19+$0xFFFFFF00] =	vst v26;
	v7 =	vadd.f32 v7, v13;
	v13 =	vld [tilespmem:s22+$0x60]  }
0xcf: {  	v43 =	vld [tilespmem:s20+$0xFFFFFF10];
	v20 =	vmax.f32 v20, $0.0e+00  }
0xd0: {  	v60 =	vld [tilespmem:s22+$0xFFFFFFB0];
	[tilespmem:s19+$0x50] =	vst v20  }
0xd1: {  	v20 =	vld [tilespmem:s20+$0x60];
	[tilespmem:s18+$0xE0] =	vst v12  }
0xd2: {  	v8 =	vld [tilespmem:s17+$0xF0]  }
0xd3: {  	v12 =	vld [tilespmem:s21+$0xFFFFFFD0];
	v23 =	vshll.u32 v13, $0x10  }
0xd4: {  	v3 =	vmax.f32 v5, $0.0e+00;
	v5 =	vld [tilespmem:s17+$0xFFFFFFA0];
	v19 =	vadd.f32 v23, v19  }
0xd5: {  	v11 =	vld [tilespmem:s21+$0x10]  }
0xd6: {  	[tilespmem:s18+$0x50] =	vst v3;
	v17 =	vld [tilespmem:s17+$0x20];
	v19 =	vmax.f32 v19, $0.0e+00  }
0xd7: {  	v3 =	vmax.f32 v2, $0.0e+00;
	v2 =	vld [tilespmem:s21+$0x30];
	[tilespmem:s19+$0xC0] =	vst v19  }
0xd8: {  	v19 =	vld [tilespmem:s20+$0xD0]  }
0xd9: {  	v15 =	vand.u32 $0xFFFF0000, v15;
	v18 =	vld [tilespmem:s17+$0x60]  }
0xda: {  	[tilespmem:s18+$0x90] =	vst v3;
	v8 =	vadd.f32 v15, v8;
	v15 =	vld [tilespmem:s20+$0xFFFFFFC0];
	v16 =	vshll.u32 v12, $0x10  }
0xdb: {  	v41 =	vshll.u32 v21, $0x10;
	v6 =	vmax.f32 v6, $0.0e+00;
	v3 =	vld [tilespmem:s21+$0x50];
	v5 =	vadd.f32 v16, v5  }
0xdc: {  	v29 =	vadd.f32 v41, v29;
	[tilespmem:s18+$0xFFFFFF20] =	vst v6;
	v16 =	vld [tilespmem:s17+$0xA0];
	v4 =	vmax.f32 v4, $0.0e+00;
	v13 =	vand.u32 $0xFFFF0000, v13  }
0xdd: {  	v6 =	vld [tilespmem:s17+$0xFFFFFF30];
	[tilespmem:s18+$0xFFFFFF60] =	vst v4;
	v4 =	vmax.f32 v5, $0.0e+00;
	v13 =	vadd.f32 v13, v19;
	v19 =	vshll.u32 v11, $0x10  }
0xde: {  	v7 =	vmax.f32 v7, $0.0e+00;
	v5 =	vld [tilespmem:s17+$0xFFFFFF70];
	[tilespmem:s18+$0xFFFFFFA0] =	vst v4;
	v17 =	vadd.f32 v19, v17;
	v19 =	vshll.u32 v22, $0x10  }
0xdf: {  	v48 =	vshll.u32 v27, $0x10;
	[tilespmem:s18+$0xFFFFFFE0] =	vst v7;
	v4 =	vld [tilespmem:s17+$0xFFFFFFB0];
	v13 =	vmax.f32 v13, $0.0e+00;
	v15 =	vadd.f32 v19, v15  }
0xe0: {  	v21 =	vand.u32 $0xFFFF0000, v21;
	v49 =	vadd.f32 v48, v42;
	v44 =	vmax.f32 v29, $0.0e+00;
	v7 =	vld [tilespmem:s17+$0xFFFFFFF0];
	[tilespmem:s19+$0xD0] =	vst v13  }
0xe1: {  	[tilespmem:s19+$0xFFFFFF80] =	vst v44;
	v14 =	vand.u32 $0xFFFF0000, v14;
	v13 =	vshll.u32 v2, $0x10;
	v19 =	vld [tilespmem:s22+$0x70];
	v15 =	vmax.f32 v15, $0.0e+00  }
0xe2: {  	v17 =	vmax.f32 v17, $0.0e+00;
	v13 =	vadd.f32 v13, v18;
	v18 =	vshll.u32 v24, $0x10;
	v45 =	vld [tilespmem:s20+$0xE0];
	[tilespmem:s19+$0xFFFFFFC0] =	vst v15  }
0xe3: {  	v8 =	vmax.f32 v8, $0.0e+00;
	[tilespmem:s18+$0x20] =	vst v17;
	v17 =	vand.u32 $0xFFFF0000, v25;
	v18 =	vadd.f32 v18, v40;
	v50 =	vld [tilespmem:s20+$0xFFFFFFD0]  }
0xe4: {  	v10 =	vand.u32 $0xFFFF0000, v10;
	[tilespmem:s18+$0xF0] =	vst v8;
	v25 =	vmax.f32 v49, $0.0e+00;
	v15 =	vld [tilespmem:s20+$0xFFFFFF90];
	v17 =	vadd.f32 v17, v43  }
0xe5: {  	v12 =	vand.u32 $0xFFFF0000, v12;
	v5 =	vadd.f32 v10, v5;
	v10 =	vld [tilespmem:s22+$0x30];
	[tilespmem:s19+$0x80] =	vst v25;
	v18 =	vmax.f32 v18, $0.0e+00  }
0xe6: {  	v6 =	vadd.f32 v14, v6;
	v17 =	vmax.f32 v17, $0.0e+00;
	[tilespmem:s19+$0x0] =	vst v18;
	v18 =	vld [tilespmem:s17+$0x30];
	v51 =	vshll.u32 v19, $0x10  }
0xe7: {  	v8 =	vand.u32 $0xFFFF0000, v9;
	v54 =	vld [tilespmem:s20+$0x90];
	[tilespmem:s19+$0xFFFFFF10] =	vst v17;
	v17 =	vand.u32 $0xFFFF0000, v22;
	v29 =	vadd.f32 v51, v45  }
0xe8: {  	v6 =	vmax.f32 v6, $0.0e+00;
	v4 =	vadd.f32 v12, v4;
	v52 =	vld [tilespmem:s20+$0x10];
	v9 =	vadd.f32 v17, v50  }
0xe9: {  	[tilespmem:s18+$0xFFFFFF30] =	vst v6;
	v7 =	vadd.f32 v8, v7;
	v56 =	vld [tilespmem:s20+$0xFFFFFF20];
	v15 =	vadd.f32 v21, v15;
	v55 =	vmax.f32 v29, $0.0e+00  }
0xea: {  	v5 =	vmax.f32 v5, $0.0e+00;
	v11 =	vand.u32 $0xFFFF0000, v11;
	v17 =	vld [tilespmem:s22+$0xFFFFFF90];
	[tilespmem:s19+$0xE0] =	vst v55;
	v9 =	vmax.f32 v9, $0.0e+00  }
0xeb: {  	v15 =	vmax.f32 v15, $0.0e+00;
	v8 =	vadd.f32 v11, v18;
	v11 =	vld [tilespmem:s20+$0xFFFFFF60];
	[tilespmem:s19+$0xFFFFFFD0] =	vst v9;
	v9 =	vshll.u32 v3, $0x10  }
0xec: {  	v4 =	vmax.f32 v4, $0.0e+00;
	v24 =	vand.u32 $0xFFFF0000, v24;
	[tilespmem:s19+$0xFFFFFF90] =	vst v15;
	v59 =	vld [tilespmem:s20+$0xF0];
	v9 =	vadd.f32 v9, v16  }
0xed: {  	v6 =	vmax.f32 v7, $0.0e+00;
	[tilespmem:s18+$0xFFFFFF70] =	vst v5;
	v15 =	vand.u32 $0xFFFF0000, v27;
	v58 =	vadd.f32 v24, v52;
	v61 =	vld [tilespmem:s22+$0xFFFFFFD0]  }
0xee: {  	[tilespmem:s18+$0xFFFFFFB0] =	vst v4;
	v2 =	vand.u32 $0xFFFF0000, v2;
	v15 =	vadd.f32 v15, v54;
	v16 =	vld [tilespmem:s22+$0xFFFFFFF0];
	v9 =	vmax.f32 v9, $0.0e+00  }
0xef: {  	v13 =	vmax.f32 v13, $0.0e+00;
	v12 =	vld [tilespmem:s20+$0xFFFFFFE0];
	v23 =	vmax.f32 v58, $0.0e+00;
	[tilespmem:s18+$0xA0] =	vst v9;
	v9 =	vshll.u32 v17, $0x10  }
0xf0: {  	v5 =	vand.u32 $0xFFFF0000, v19;
	v15 =	vmax.f32 v15, $0.0e+00;
	[tilespmem:s19+$0x10] =	vst v23;
	v7 =	vadd.f32 v9, v56;
	v9 =	vld [tilespmem:s20+$0xFFFFFFA0]  }
0xf1: {  	v3 =	vand.u32 $0xFFFF0000, v3;
	[tilespmem:s19+$0x90] =	vst v15;
	v15 =	vand.u32 $0xFFFF0000, v17;
	v14 =	vld [tilespmem:s22+$0x10];
	v17 =	vshll.u32 v60, $0x10  }
0xf2: {  	[tilespmem:s18+$0xFFFFFFF0] =	vst v6;
	v8 =	vmax.f32 v8, $0.0e+00;
	v18 =	vld [tilespmem:s20+$0x20];
	v4 =	vadd.f32 v5, v59;
	v11 =	vadd.f32 v17, v11  }
0xf3: {  	[tilespmem:s18+$0x60] =	vst v13;
	v13 =	vld [tilespmem:s22+$0x50];
	v5 =	vand.u32 $0xFFFF0000, v60;
	v19 =	vshll.u32 v61, $0x10;
	v7 =	vmax.f32 v7, $0.0e+00  }
0xf4: {  	v17 =	vld [tilespmem:s20+$0xA0];
	v62 =	vshll.u32 v16, $0x10;
	v4 =	vmax.f32 v4, $0.0e+00;
	v11 =	vmax.f32 v11, $0.0e+00;
	[tilespmem:s19+$0xFFFFFF20] =	vst v7  }
0xf5: {  	[tilespmem:s18+$0x30] =	vst v8;
	v7 =	vand.u32 $0xFFFF0000, v16;
	v16 =	vshll.u32 v10, $0x10;
	v63 =	vld [tilespmem:s20+$0xFFFFFF30];
	v9 =	vadd.f32 v19, v9  }
0xf6: {  	[tilespmem:s19+$0xF0] =	vst v4;
	v8 =	vshll.u32 v14, $0x10;
	v4 =	vand.u32 $0xFFFF0000, v14;
	v14 =	vadd.f32 v62, v12;
	v12 =	vld [tilespmem:s17+$0x70]  }
0xf7: {  	[tilespmem:s19+$0xFFFFFF60] =	vst v11;
	v11 =	vld [tilespmem:s17+$0xB0];
	v18 =	vadd.f32 v8, v18;
	v8 =	vand.u32 $0xFFFF0000, v10;
	v9 =	vmax.f32 v9, $0.0e+00  }
0xf8: {  	v10 =	vld [tilespmem:s20+$0xFFFFFF70];
	v19 =	vadd.f32 v16, v20;
	v16 =	vshll.u32 v13, $0x10;
	v14 =	vmax.f32 v14, $0.0e+00;
	[tilespmem:s19+$0xFFFFFFA0] =	vst v9  }
0xf9: {  	s12 =	simm.s32 $0xE080;
	v16 =	vadd.f32 v16, v17;
	[tilespmem:s19+$0xFFFFFFE0] =	vst v14;
	v18 =	vmax.f32 v18, $0.0e+00;
	v9 =	vand.u32 $0xFFFF0000, v13;
	v13 =	vld [tilespmem:s20+$0xFFFFFFB0]  }
0xfa: {  	s21 =	simm.s32 $0xA100;
	s22 =	simm.s32 $0x8;
	v6 =	vand.u32 $0xFFFF0000, v61;
	s17 =	sshll.u32 s16, $0x1;
	v17 =	vmax.f32 v19, $0.0e+00;
	v14 =	vld [tilespmem:s20+$0xFFFFFFF0];
	[tilespmem:s19+$0x20] =	vst v18;
	v15 =	vadd.f32 v15, v63  }
.LBB2_7:
0xfb: {  	v18 =	vld [tilespmem:s12+$0x60];
	s22 =	sadd.s32 $0x8, s22;
	[tilespmem:s19+$0x60] =	vst v17;
	v16 =	vmax.f32 v16, $0.0e+00;
	s20 =	sadd.s32 $0x200, s20;
	v12 =	vadd.f32 v2, v12;
	v2 =	vmov v8  }
0xfc: {  	v8 =	vld [tilespmem:s20+$0xC0];
	p1 =	slt.u32 s22, $0x78;
	v15 =	vmax.f32 v15, $0.0e+00;
	[tilespmem:s19+$0xA0] =	vst v16;
	v11 =	vadd.f32 v3, v11;
	v3 =	vmov v9  }
0xfd: {  	v9 =	vld [tilespmem:s12+$0xFFFFFFA0];
	[tilespmem:s19+$0xFFFFFF30] =	vst v15;
	v5 =	vadd.f32 v5, v10;
	v10 =	vmax.f32 v12, $0.0e+00  }
0xfe: {  	v12 =	vld [tilespmem:s12+$0xFFFFFFC0];
	v6 =	vadd.f32 v6, v13;
	[tilespmem:s18+$0x70] =	vst v10;
	v10 =	vmax.f32 v11, $0.0e+00  }
0xff: {  	v11 =	vld [tilespmem:s12+$0xFFFFFFE0];
	v5 =	vmax.f32 v5, $0.0e+00;
	v7 =	vadd.f32 v7, v14;
	[tilespmem:s18+$0xB0] =	vst v10;
	s18 =	smov.u32 s19  }
0x100: {  	v10 =	vld [tilespmem:s12+$0x0];
	v13 =	vshll.u32 v18, $0x10;
	[tilespmem:s19+$0xFFFFFF70] =	vst v5;
	v5 =	vmax.f32 v6, $0.0e+00  }
0x101: {  	v6 =	vld [tilespmem:s12+$0x20];
	v8 =	vadd.f32 v13, v8;
	[tilespmem:s19+$0xFFFFFFB0] =	vst v5;
	v5 =	vmax.f32 v7, $0.0e+00  }
0x102: {  	v7 =	vshll.u32 v9, $0x10;
	v9 =	vand.u32 $0xFFFF0000, v9;
	v13 =	vld [tilespmem:s12+$0x40];
	[tilespmem:s19+$0xFFFFFFF0] =	vst v5  }
0x103: {  	s19 =	sadd.s32 $0x200, s19;
	v5 =	vld [tilespmem:s12+$0xFFFFFF80];
	v14 =	vshll.u32 v12, $0x10;
	v12 =	vand.u32 $0xFFFF0000, v12;
	v8 =	vmax.f32 v8, $0.0e+00  }
0x104: {  	v15 =	vld [tilespmem:s20+$0xFFFFFF00];
	v16 =	vshll.u32 v11, $0x10;
	v11 =	vand.u32 $0xFFFF0000, v11;
	[tilespmem:s19+$0xC0] =	vst v8  }
0x105: {  	v8 =	vshll.u32 v10, $0x10;
	v10 =	vand.u32 $0xFFFF0000, v10;
	v17 =	vld [tilespmem:s20+$0xD0]  }
0x106: {  	v19 =	vld [tilespmem:s20+$0xFFFFFF40];
	v20 =	vshll.u32 v6, $0x10;
	v6 =	vand.u32 $0xFFFF0000, v6  }
0x107: {  	v21 =	vld [tilespmem:s20+$0xFFFFFF80];
	v22 =	vshll.u32 v13, $0x10;
	v13 =	vand.u32 $0xFFFF0000, v13  }
0x108: {  	v23 =	vshll.u32 v5, $0x10;
	v5 =	vand.u32 $0xFFFF0000, v5;
	v24 =	vld [tilespmem:s20+$0xFFFFFFC0]  }
0x109: {  	v18 =	vand.u32 $0xFFFF0000, v18;
	v15 =	vadd.f32 v23, v15;
	v23 =	vld [tilespmem:s20+$0x0]  }
0x10a: {  	v25 =	vld [tilespmem:s20+$0x40];
	v17 =	vadd.f32 v18, v17  }
0x10b: {  	v15 =	vmax.f32 v15, $0.0e+00;
	v7 =	vadd.f32 v7, v19;
	v18 =	vld [tilespmem:s20+$0x80]  }
0x10c: {  	[tilespmem:s19+$0xFFFFFF00] =	vst v15;
	v14 =	vadd.f32 v14, v21;
	v15 =	vmax.f32 v17, $0.0e+00;
	v17 =	vld [tilespmem:s21+$0x30]  }
0x10d: {  	v19 =	vld [tilespmem:s20+$0xFFFFFF10];
	v7 =	vmax.f32 v7, $0.0e+00;
	v16 =	vadd.f32 v16, v24;
	[tilespmem:s19+$0xD0] =	vst v15  }
0x10e: {  	[tilespmem:s19+$0xFFFFFF40] =	vst v7;
	v7 =	vmax.f32 v14, $0.0e+00;
	v8 =	vadd.f32 v8, v23;
	v14 =	vld [tilespmem:s12+$0x70]  }
0x10f: {  	[tilespmem:s19+$0xFFFFFF80] =	vst v7;
	v7 =	vmax.f32 v16, $0.0e+00;
	v15 =	vadd.f32 v20, v25;
	v16 =	vld [tilespmem:s20+$0xE0]  }
0x110: {  	v20 =	vld [tilespmem:s20+$0xFFFFFF50];
	[tilespmem:s19+$0xFFFFFFC0] =	vst v7;
	v7 =	vmax.f32 v8, $0.0e+00;
	v8 =	vadd.f32 v22, v18  }
0x111: {  	v18 =	vld [tilespmem:s20+$0xFFFFFF90];
	[tilespmem:s19+$0x0] =	vst v7;
	v7 =	vmax.f32 v15, $0.0e+00;
	v4 =	vadd.f32 v4, v17  }
0x112: {  	v5 =	vadd.f32 v5, v19;
	v15 =	vld [tilespmem:s20+$0xFFFFFFD0];
	[tilespmem:s19+$0x40] =	vst v7;
	v7 =	vmax.f32 v8, $0.0e+00  }
0x113: {  	v8 =	vld [tilespmem:s20+$0x10];
	[tilespmem:s19+$0x80] =	vst v7;
	v7 =	vshll.u32 v14, $0x10;
	v4 =	vmax.f32 v4, $0.0e+00  }
0x114: {  	v5 =	vmax.f32 v5, $0.0e+00;
	v17 =	vld [tilespmem:s20+$0x50];
	v7 =	vadd.f32 v7, v16;
	[tilespmem:s18+$0x30] =	vst v4  }
0x115: {  	[tilespmem:s19+$0xFFFFFF10] =	vst v5;
	v4 =	vadd.f32 v9, v20;
	v5 =	vld [tilespmem:s20+$0x90]  }
0x116: {  	v9 =	vld [tilespmem:s12+$0xFFFFFF90];
	v12 =	vadd.f32 v12, v18;
	v7 =	vmax.f32 v7, $0.0e+00  }
0x117: {  	v16 =	vld [tilespmem:s20+$0xFFFFFF20];
	v4 =	vmax.f32 v4, $0.0e+00;
	v11 =	vadd.f32 v11, v15;
	[tilespmem:s19+$0xE0] =	vst v7  }
0x118: {  	[tilespmem:s19+$0xFFFFFF50] =	vst v4;
	v4 =	vmax.f32 v12, $0.0e+00;
	v7 =	vadd.f32 v10, v8;
	v8 =	vld [tilespmem:s20+$0xF0]  }
0x119: {  	v10 =	vld [tilespmem:s12+$0xFFFFFFB0];
	[tilespmem:s19+$0xFFFFFF90] =	vst v4;
	v4 =	vmax.f32 v11, $0.0e+00;
	v6 =	vadd.f32 v6, v17  }
0x11a: {  	v11 =	vld [tilespmem:s12+$0xFFFFFFD0];
	[tilespmem:s19+$0xFFFFFFD0] =	vst v4;
	v4 =	vmax.f32 v7, $0.0e+00;
	v5 =	vadd.f32 v13, v5  }
0x11b: {  	v7 =	vshll.u32 v9, $0x10;
	v15 =	vand.u32 $0xFFFF0000, v9;
	v9 =	vld [tilespmem:s12+$0xFFFFFFF0];
	[tilespmem:s19+$0x10] =	vst v4;
	v4 =	vmax.f32 v6, $0.0e+00  }
0x11c: {  	v6 =	vadd.f32 v7, v16;
	v12 =	vld [tilespmem:s12+$0x10];
	[tilespmem:s19+$0x50] =	vst v4;
	v4 =	vmax.f32 v5, $0.0e+00;
	v5 =	vand.u32 $0xFFFF0000, v14  }
0x11d: {  	v13 =	vld [tilespmem:s12+$0x30];
	[tilespmem:s19+$0x90] =	vst v4;
	v4 =	vadd.f32 v5, v8  }
0x11e: {  	v6 =	vmax.f32 v6, $0.0e+00;
	v14 =	vshll.u32 v10, $0x10;
	v5 =	vand.u32 $0xFFFF0000, v10;
	v10 =	vld [tilespmem:s12+$0x50]  }
0x11f: {  	[tilespmem:s19+$0xFFFFFF20] =	vst v6;
	v16 =	vld [tilespmem:s20+$0xFFFFFF60];
	v17 =	vshll.u32 v11, $0x10;
	v6 =	vand.u32 $0xFFFF0000, v11;
	v4 =	vmax.f32 v4, $0.0e+00  }
0x120: {  	v11 =	vld [tilespmem:s20+$0xFFFFFFA0];
	v18 =	vshll.u32 v9, $0x10;
	v7 =	vand.u32 $0xFFFF0000, v9;
	[tilespmem:s19+$0xF0] =	vst v4  }
0x121: {  	v19 =	vld [tilespmem:s20+$0xFFFFFFE0];
	v20 =	vshll.u32 v12, $0x10;
	v4 =	vand.u32 $0xFFFF0000, v12  }
0x122: {  	v21 =	vld [tilespmem:s20+$0x20];
	v22 =	vshll.u32 v13, $0x10;
	v8 =	vand.u32 $0xFFFF0000, v13  }
0x123: {  	v13 =	vld [tilespmem:s20+$0x60];
	v23 =	vshll.u32 v10, $0x10;
	v9 =	vand.u32 $0xFFFF0000, v10  }
0x124: {  	v10 =	vadd.f32 v14, v16;
	v14 =	vld [tilespmem:s20+$0xA0]  }
0x125: {  	v24 =	vld [tilespmem:s20+$0xFFFFFF30];
	v11 =	vadd.f32 v17, v11  }
.Ltmp4:
0x126: {  	v10 =	vmax.f32 v10, $0.0e+00;
	v16 =	vadd.f32 v18, v19;
	v12 =	vld [tilespmem:s21+$0x70];
	(pc) =	sbr.rel @p1 .LBB2_7-.Ltmp4, $4  }
0x127: {  	[tilespmem:s19+$0xFFFFFF60] =	vst v10;
	v17 =	vmax.f32 v11, $0.0e+00;
	v18 =	vadd.f32 v20, v21;
	v11 =	vld [tilespmem:s21+$0xB0];
	s21 =	smov.u32 s20  }
0x128: {  	v10 =	vld [tilespmem:s20+$0xFFFFFF70];
	[tilespmem:s19+$0xFFFFFFA0] =	vst v17;
	v16 =	vmax.f32 v16, $0.0e+00;
	v17 =	vadd.f32 v22, v13  }
0x129: {  	v13 =	vld [tilespmem:s20+$0xFFFFFFB0];
	[tilespmem:s19+$0xFFFFFFE0] =	vst v16;
	v18 =	vmax.f32 v18, $0.0e+00;
	v16 =	vadd.f32 v23, v14  }
0x12a: {  	s12 =	sadd.s32 $0x100, s12;
	v15 =	vadd.f32 v15, v24;
	v14 =	vld [tilespmem:s20+$0xFFFFFFF0];
	[tilespmem:s19+$0x20] =	vst v18;
	v17 =	vmax.f32 v17, $0.0e+00  }
0x12b: {  	[tilespmem:s19+$0x60] =	vst v17;
	v16 =	vmax.f32 v16, $0.0e+00;
	v2 =	vadd.f32 v2, v12;
	v12 =	vld [tilespmem:s21+$0x30]  }
0x12c: {  	v15 =	vmax.f32 v15, $0.0e+00;
	[tilespmem:s19+$0xA0] =	vst v16;
	v3 =	vadd.f32 v3, v11;
	v11 =	vld [tilespmem:s21+$0x70]  }
0x12d: {  	[tilespmem:s19+$0xFFFFFF30] =	vst v15;
	v5 =	vadd.f32 v5, v10;
	v2 =	vmax.f32 v2, $0.0e+00;
	v10 =	vld [tilespmem:s21+$0xB0]  }
0x12e: {  	v6 =	vadd.f32 v6, v13;
	[tilespmem:s18+$0x70] =	vst v2;
	v2 =	vmax.f32 v3, $0.0e+00  }
0x12f: {  	v3 =	vmax.f32 v5, $0.0e+00;
	v5 =	vadd.f32 v7, v14;
	[tilespmem:s18+$0xB0] =	vst v2  }
0x130: {  	[tilespmem:s19+$0xFFFFFF70] =	vst v3;
	v2 =	vmax.f32 v6, $0.0e+00;
	v3 =	vadd.f32 v4, v12  }
0x131: {  	[tilespmem:s19+$0xFFFFFFB0] =	vst v2;
	v2 =	vmax.f32 v5, $0.0e+00;
	v4 =	vadd.f32 v8, v11  }
0x132: {  	[tilespmem:s19+$0xFFFFFFF0] =	vst v2;
	v2 =	vmax.f32 v3, $0.0e+00;
	v3 =	vadd.f32 v9, v10  }
0x133: {  	s12 =	sshll.u32 s16, $0x8;
	[tilespmem:s19+$0x30] =	vst v2;
	v2 =	vmax.f32 v4, $0.0e+00  }
0x134: {  	s18 =	sand.u32 $0x3FFFFF00, s12;
	[tilespmem:s19+$0x70] =	vst v2;
	v2 =	vmax.f32 v3, $0.0e+00  }
0x135: {  	p1 =	seq.s32 s16, $0x4E;
	s12 =	sadd.s32 $0x4F00, s18;
	[tilespmem:s19+$0xB0] =	vst v2  }
0x136: {  	[spmem:s1] =	stream.indirect.scatter.add.f32 [tilespmem:s23], [sflag:$0x5], $0x40, s12, s26, $0xb8;
	[tilespmem:$0x1DE00] =	vst v63  }
0x137: {  	s12 =	sadd.s32 @!p1 $0x2, s17  }
0x138: {  	s20 =	simm.s32 @!p1 $0x9E00;
	s13 =	sshll.u32 @!p1 s12, $0x7;
	s12 =	sadd.s32 @!p1 s15, s12  }
0x139: {  	s19 =	simm.s32 @!p1 $0x80;
	s13 =	sand.u32 @!p1 $0x3FFFFF80, s13;
	s12 =	sshll.u32 @!p1 s12, $0xC  }
0x13a: {  	[tilespmem:s20], [sflag:$0x1] =	stream.indirect.gather @!p1 [hbm4b:s4+s19], $0x40, s13, s19, $0xb8;
	[tilespmem:$0x1DE00] =	vst v63  }
0x13b: {  	s12 =	sadd.s32 @!p1 s8, s12  }
0x13c: {  	s12 =	sshrl.u32 @!p1 s12, $0x3  }
0x13d: {  	s13 =	simm.s32 @!p1 $0x0;
	s19 =	simm.s32 @!p1 $0xDE00;
	s12 =	sadd.s32 @!p1 s5, s12  }
0x13e: {  	[tilespmem:s19], [sflag:$0x3] =	stream.linear.gather @!p1 [hbm4b:s12+s13], $0x1000, $0x38;
	[tilespmem:$0x1DE00] =	vst v63  }
0x13f: {  	_ =	swait.ge [sflag:s25], $0x2000  }
0x140: {  	[sflag:s25] =	ssyncset.done $0x0  }
0x141: {  	[sflag:s25] =	ssyncadd.s32 $0xFFFFE000  }
0x142: {  	_ =	swait.ge [sflag:s28], $0x1000  }
0x143: {  	[sflag:s28] =	ssyncset.done $0x0  }
0x144: {  	s12 =	simm.s32 @!p0 $0x6;
	[sflag:s28] =	ssyncadd.s32 $0xFFFFF000  }
0x145: {  	_ =	swait.ge @!p0 [sflag:s12], $0x2000  }
0x146: {  	[sflag:s12] =	ssyncset.done @!p0 $0x0  }
0x147: {  	s21 =	simm.s32 $0xEE80;
	[sflag:s12] =	ssyncadd.s32 @!p0 $0xFFFFE000  }
0x148: {  	s22 =	simm.s32 $0xBF00;
	v2 =	vld [tilespmem:s21+$0x60]  }
0x149: {  	v3 =	vld [tilespmem:s22+$0xC0]  }
0x14a: {  	v4 =	vld [tilespmem:s21+$0xFFFFFFA0]  }
0x14b: {  	v5 =	vld [tilespmem:s21+$0xFFFFFFC0]  }
0x14c: {  	v6 =	vld [tilespmem:s21+$0xFFFFFFE0]  }
0x14d: {  	v8 =	vld [tilespmem:s21+$0x0]  }
0x14e: {  	v9 =	vld [tilespmem:s21+$0xFFFFFF80]  }
0x14f: {  	v10 =	vld [tilespmem:s22+$0xFFFFFF00]  }
0x150: {  	v11 =	vld [tilespmem:s21+$0x40]  }
0x151: {  	v12 =	vld [tilespmem:s22+$0xFFFFFF40]  }
0x152: {  	v13 =	vld [tilespmem:s22+$0xFFFFFF80]  }
0x153: {  	v15 =	vld [tilespmem:s22+$0xFFFFFFC0];
	v7 =	vshll.u32 v2, $0x10  }
0x154: {  	s13 =	simm.s32 $0xEF80;
	v16 =	vld [tilespmem:s22+$0x40];
	v3 =	vadd.f32 v7, v3  }
0x155: {  	v20 =	vld [tilespmem:s13+$0xFFFFFFA0]  }
0x156: {  	s19 =	simm.s32 $0x11F00;
	v21 =	vld [tilespmem:s13+$0xFFFFFFC0];
	v3 =	vmax.f32 v3, $0.0e+00  }
0x157: {  	v22 =	vld [tilespmem:s13+$0xFFFFFFE0];
	[tilespmem:s19+$0xC0] =	vst v3  }
0x158: {  	v3 =	vld [tilespmem:s22+$0xD0]  }
0x159: {  	v24 =	vld [tilespmem:s13+$0x0]  }
0x15a: {  	v39 =	vld [tilespmem:s13+$0x20]  }
0x15b: {  	v25 =	vld [tilespmem:s13+$0xFFFFFF80];
	v14 =	vshll.u32 v9, $0x10  }
0x15c: {  	v2 =	vand.u32 $0xFFFF0000, v2;
	v7 =	vld [tilespmem:s21+$0x20];
	v10 =	vadd.f32 v14, v10  }
0x15d: {  	v14 =	vld [tilespmem:s22+$0x0];
	v2 =	vadd.f32 v2, v3  }
0x15e: {  	v27 =	vld [tilespmem:s13+$0x40];
	v10 =	vmax.f32 v10, $0.0e+00;
	v3 =	vshll.u32 v4, $0x10  }
0x15f: {  	v17 =	vshll.u32 v5, $0x10;
	[tilespmem:s19+$0xFFFFFF00] =	vst v10;
	v3 =	vadd.f32 v3, v12;
	v12 =	vld [tilespmem:s22+$0x80];
	v2 =	vmax.f32 v2, $0.0e+00  }
0x160: {  	v13 =	vadd.f32 v17, v13;
	v10 =	vshll.u32 v6, $0x10;
	v17 =	vld [tilespmem:s22+$0xFFFFFF10];
	[tilespmem:s19+$0xD0] =	vst v2  }
0x161: {  	v10 =	vadd.f32 v10, v15;
	v2 =	vshll.u32 v8, $0x10;
	v3 =	vmax.f32 v3, $0.0e+00;
	v15 =	vld [tilespmem:s21+$0x70]  }
0x162: {  	v18 =	vshll.u32 v7, $0x10;
	[tilespmem:s19+$0xFFFFFF40] =	vst v3;
	v3 =	vmax.f32 v13, $0.0e+00;
	v2 =	vadd.f32 v2, v14;
	v13 =	vld [tilespmem:s22+$0xE0]  }
0x163: {  	v14 =	vshll.u32 v11, $0x10;
	[tilespmem:s19+$0xFFFFFF80] =	vst v3;
	v3 =	vmax.f32 v10, $0.0e+00;
	v10 =	vadd.f32 v18, v16;
	v16 =	vld [tilespmem:s22+$0xFFFFFF50]  }
0x164: {  	v9 =	vand.u32 $0xFFFF0000, v9;
	[tilespmem:s19+$0xFFFFFFC0] =	vst v3;
	v2 =	vmax.f32 v2, $0.0e+00;
	v3 =	vadd.f32 v14, v12;
	v12 =	vld [tilespmem:s22+$0xFFFFFF90]  }
0x165: {  	v9 =	vadd.f32 v9, v17;
	[tilespmem:s19+$0x0] =	vst v2;
	v2 =	vmax.f32 v10, $0.0e+00;
	v10 =	vld [tilespmem:s22+$0xFFFFFFD0]  }
0x166: {  	[tilespmem:s19+$0x40] =	vst v2;
	v2 =	vmax.f32 v3, $0.0e+00;
	v3 =	vld [tilespmem:s22+$0x10];
	v14 =	vshll.u32 v15, $0x10  }
0x167: {  	v4 =	vand.u32 $0xFFFF0000, v4;
	[tilespmem:s19+$0x80] =	vst v2;
	v2 =	vmax.f32 v9, $0.0e+00;
	v9 =	vld [tilespmem:s22+$0x50];
	v13 =	vadd.f32 v14, v13  }
0x168: {  	v5 =	vand.u32 $0xFFFF0000, v5;
	[tilespmem:s19+$0xFFFFFF10] =	vst v2;
	v2 =	vadd.f32 v4, v16;
	v4 =	vld [tilespmem:s22+$0x90]  }
0x169: {  	v6 =	vand.u32 $0xFFFF0000, v6;
	v14 =	vld [tilespmem:s21+$0xFFFFFF90];
	v5 =	vadd.f32 v5, v12;
	v12 =	vmax.f32 v13, $0.0e+00  }
0x16a: {  	v8 =	vand.u32 $0xFFFF0000, v8;
	v13 =	vld [tilespmem:s22+$0xFFFFFF20];
	v2 =	vmax.f32 v2, $0.0e+00;
	v6 =	vadd.f32 v6, v10;
	[tilespmem:s19+$0xE0] =	vst v12  }
0x16b: {  	[tilespmem:s19+$0xFFFFFF50] =	vst v2;
	v2 =	vmax.f32 v5, $0.0e+00;
	v3 =	vadd.f32 v8, v3;
	v8 =	vld [tilespmem:s22+$0xF0]  }
0x16c: {  	v10 =	vld [tilespmem:s21+$0xFFFFFFB0];
	[tilespmem:s19+$0xFFFFFF90] =	vst v2;
	v2 =	vmax.f32 v6, $0.0e+00  }
0x16d: {  	v5 =	vand.u32 $0xFFFF0000, v7;
	v12 =	vld [tilespmem:s21+$0xFFFFFFD0];
	[tilespmem:s19+$0xFFFFFFD0] =	vst v2  }
0x16e: {  	v5 =	vadd.f32 v5, v9;
	v2 =	vmax.f32 v3, $0.0e+00;
	v3 =	vand.u32 $0xFFFF0000, v11;
	v9 =	vld [tilespmem:s21+$0xFFFFFFF0]  }
0x16f: {  	[tilespmem:s19+$0x10] =	vst v2;
	v2 =	vadd.f32 v3, v4;
	v4 =	vld [tilespmem:s22+$0xFFFFFF60]  }
0x170: {  	v3 =	vmax.f32 v5, $0.0e+00;
	v5 =	vld [tilespmem:s22+$0xFFFFFFA0]  }
0x171: {  	v6 =	vshll.u32 v14, $0x10;
	v11 =	vld [tilespmem:s21+$0x10]  }
0x172: {  	v6 =	vadd.f32 v6, v13;
	v13 =	vld [tilespmem:s22+$0xFFFFFFE0]  }
0x173: {  	[tilespmem:s19+$0x50] =	vst v3;
	v17 =	vld [tilespmem:s22+$0x20];
	v3 =	vmax.f32 v2, $0.0e+00  }
0x174: {  	v2 =	vld [tilespmem:s21+$0x30];
	[tilespmem:s19+$0x90] =	vst v3  }
0x175: {  	v7 =	vshll.u32 v10, $0x10;
	v3 =	vld [tilespmem:s21+$0x50];
	s21 =	simm.s32 $0xC100  }
0x176: {  	v4 =	vadd.f32 v7, v4;
	v7 =	vshll.u32 v9, $0x10;
	v28 =	vld [tilespmem:s21+$0xFFFFFF40]  }
0x177: {  	v7 =	vadd.f32 v7, v13;
	v13 =	vld [tilespmem:s13+$0x60]  }
0x178: {  	v19 =	vld [tilespmem:s21+$0xC0]  }
0x179: {  	v18 =	vld [tilespmem:s22+$0x60];
	v16 =	vshll.u32 v12, $0x10  }
0x17a: {  	v5 =	vadd.f32 v16, v5;
	v16 =	vld [tilespmem:s22+$0xA0]  }
0x17b: {  	v31 =	vshll.u32 v20, $0x10;
	v6 =	vmax.f32 v6, $0.0e+00;
	v26 =	vld [tilespmem:s21+$0xFFFFFF00]  }
0x17c: {  	[tilespmem:s19+$0xFFFFFF20] =	vst v6;
	v32 =	vld [tilespmem:s21+$0x40];
	v28 =	vadd.f32 v31, v28;
	v23 =	vshll.u32 v13, $0x10  }
0x17d: {  	v6 =	vld [tilespmem:s22+$0xFFFFFF30];
	v19 =	vadd.f32 v23, v19  }
0x17e: {  	s20 =	simm.s32 $0x12100;
	v15 =	vand.u32 $0xFFFF0000, v15;
	v29 =	vld [tilespmem:s21+$0xFFFFFF80];
	v28 =	vmax.f32 v28, $0.0e+00  }
0x17f: {  	v8 =	vadd.f32 v15, v8;
	v15 =	vld [tilespmem:s21+$0xFFFFFFC0];
	[tilespmem:s20+$0xFFFFFF40] =	vst v28;
	v19 =	vmax.f32 v19, $0.0e+00  }
0x180: {  	v30 =	vshll.u32 v25, $0x10;
	v46 =	vshll.u32 v39, $0x10;
	v47 =	vld [tilespmem:s21+$0xFFFFFF50];
	[tilespmem:s20+$0xC0] =	vst v19  }
0x181: {  	v26 =	vadd.f32 v30, v26;
	v30 =	vadd.f32 v46, v32;
	v19 =	vld [tilespmem:s21+$0xD0]  }
0x182: {  	v40 =	vld [tilespmem:s21+$0x0];
	v4 =	vmax.f32 v4, $0.0e+00  }
0x183: {  	v41 =	vshll.u32 v21, $0x10;
	v42 =	vld [tilespmem:s21+$0x80];
	[tilespmem:s19+$0xFFFFFF60] =	vst v4;
	v30 =	vmax.f32 v30, $0.0e+00  }
0x184: {  	v48 =	vshll.u32 v27, $0x10;
	v20 =	vand.u32 $0xFFFF0000, v20;
	v4 =	vmax.f32 v5, $0.0e+00;
	v5 =	vld [tilespmem:s22+$0xFFFFFF70];
	[tilespmem:s20+$0x40] =	vst v30  }
0x185: {  	v7 =	vmax.f32 v7, $0.0e+00;
	[tilespmem:s19+$0xFFFFFFA0] =	vst v4;
	v13 =	vand.u32 $0xFFFF0000, v13;
	v53 =	vld [tilespmem:s21+$0x50];
	v20 =	vadd.f32 v20, v47  }
0x186: {  	v21 =	vand.u32 $0xFFFF0000, v21;
	[tilespmem:s19+$0xFFFFFFE0] =	vst v7;
	v4 =	vld [tilespmem:s22+$0xFFFFFFB0];
	v26 =	vmax.f32 v26, $0.0e+00;
	v13 =	vadd.f32 v13, v19  }
0x187: {  	v7 =	vld [tilespmem:s22+$0xFFFFFFF0];
	v29 =	vadd.f32 v41, v29;
	[tilespmem:s20+$0xFFFFFF00] =	vst v26;
	v19 =	vshll.u32 v11, $0x10;
	v20 =	vmax.f32 v20, $0.0e+00  }
0x188: {  	v43 =	vld [tilespmem:s21+$0xFFFFFF10];
	v17 =	vadd.f32 v19, v17;
	v19 =	vshll.u32 v22, $0x10;
	[tilespmem:s20+$0xFFFFFF50] =	vst v20;
	v13 =	vmax.f32 v13, $0.0e+00  }
0x189: {  	v57 =	vand.u32 $0xFFFF0000, v39;
	v44 =	vmax.f32 v29, $0.0e+00;
	v15 =	vadd.f32 v19, v15;
	v60 =	vld [tilespmem:s13+$0xFFFFFFB0];
	[tilespmem:s20+$0xD0] =	vst v13  }
0x18a: {  	v10 =	vand.u32 $0xFFFF0000, v10;
	[tilespmem:s20+$0xFFFFFF80] =	vst v44;
	v20 =	vadd.f32 v57, v53;
	v17 =	vmax.f32 v17, $0.0e+00;
	v19 =	vld [tilespmem:s13+$0x70]  }
0x18b: {  	v49 =	vadd.f32 v48, v42;
	v13 =	vshll.u32 v2, $0x10;
	v45 =	vld [tilespmem:s21+$0xE0];
	v15 =	vmax.f32 v15, $0.0e+00;
	[tilespmem:s19+$0x20] =	vst v17  }
0x18c: {  	v20 =	vmax.f32 v20, $0.0e+00;
	v13 =	vadd.f32 v13, v18;
	v18 =	vshll.u32 v24, $0x10;
	[tilespmem:s20+$0xFFFFFFC0] =	vst v15;
	v15 =	vld [tilespmem:s21+$0xFFFFFF90]  }
0x18d: {  	v8 =	vmax.f32 v8, $0.0e+00;
	v17 =	vand.u32 $0xFFFF0000, v25;
	[tilespmem:s20+$0x50] =	vst v20;
	v18 =	vadd.f32 v18, v40;
	v50 =	vld [tilespmem:s21+$0xFFFFFFD0]  }
0x18e: {  	[tilespmem:s19+$0xF0] =	vst v8;
	v5 =	vadd.f32 v10, v5;
	v25 =	vmax.f32 v49, $0.0e+00;
	v17 =	vadd.f32 v17, v43;
	v10 =	vld [tilespmem:s13+$0x30]  }
0x18f: {  	v14 =	vand.u32 $0xFFFF0000, v14;
	v12 =	vand.u32 $0xFFFF0000, v12;
	[tilespmem:s20+$0x80] =	vst v25;
	v20 =	vld [tilespmem:s21+$0x60];
	v18 =	vmax.f32 v18, $0.0e+00  }
0x190: {  	v6 =	vadd.f32 v14, v6;
	v17 =	vmax.f32 v17, $0.0e+00;
	[tilespmem:s20+$0x0] =	vst v18;
	v18 =	vld [tilespmem:s22+$0x30];
	v51 =	vshll.u32 v19, $0x10  }
0x191: {  	v8 =	vand.u32 $0xFFFF0000, v9;
	v54 =	vld [tilespmem:s21+$0x90];
	[tilespmem:s20+$0xFFFFFF10] =	vst v17;
	v17 =	vand.u32 $0xFFFF0000, v22;
	v29 =	vadd.f32 v51, v45  }
0x192: {  	v6 =	vmax.f32 v6, $0.0e+00;
	v4 =	vadd.f32 v12, v4;
	v52 =	vld [tilespmem:s21+$0x10];
	v9 =	vadd.f32 v17, v50  }
0x193: {  	[tilespmem:s19+$0xFFFFFF30] =	vst v6;
	v7 =	vadd.f32 v8, v7;
	v56 =	vld [tilespmem:s21+$0xFFFFFF20];
	v15 =	vadd.f32 v21, v15;
	v55 =	vmax.f32 v29, $0.0e+00  }
0x194: {  	v5 =	vmax.f32 v5, $0.0e+00;
	v11 =	vand.u32 $0xFFFF0000, v11;
	v17 =	vld [tilespmem:s13+$0xFFFFFF90];
	[tilespmem:s20+$0xE0] =	vst v55;
	v9 =	vmax.f32 v9, $0.0e+00  }
0x195: {  	v15 =	vmax.f32 v15, $0.0e+00;
	v8 =	vadd.f32 v11, v18;
	v11 =	vld [tilespmem:s21+$0xFFFFFF60];
	[tilespmem:s20+$0xFFFFFFD0] =	vst v9;
	v9 =	vshll.u32 v3, $0x10  }
0x196: {  	v4 =	vmax.f32 v4, $0.0e+00;
	v24 =	vand.u32 $0xFFFF0000, v24;
	[tilespmem:s20+$0xFFFFFF90] =	vst v15;
	v59 =	vld [tilespmem:s21+$0xF0];
	v9 =	vadd.f32 v9, v16  }
0x197: {  	v6 =	vmax.f32 v7, $0.0e+00;
	[tilespmem:s19+$0xFFFFFF70] =	vst v5;
	v15 =	vand.u32 $0xFFFF0000, v27;
	v58 =	vadd.f32 v24, v52;
	v61 =	vld [tilespmem:s13+$0xFFFFFFD0]  }
0x198: {  	[tilespmem:s19+$0xFFFFFFB0] =	vst v4;
	v2 =	vand.u32 $0xFFFF0000, v2;
	v15 =	vadd.f32 v15, v54;
	v16 =	vld [tilespmem:s13+$0xFFFFFFF0];
	v9 =	vmax.f32 v9, $0.0e+00  }
0x199: {  	v13 =	vmax.f32 v13, $0.0e+00;
	v12 =	vld [tilespmem:s21+$0xFFFFFFE0];
	v23 =	vmax.f32 v58, $0.0e+00;
	[tilespmem:s19+$0xA0] =	vst v9;
	v9 =	vshll.u32 v17, $0x10  }
0x19a: {  	v5 =	vand.u32 $0xFFFF0000, v19;
	v15 =	vmax.f32 v15, $0.0e+00;
	[tilespmem:s20+$0x10] =	vst v23;
	v7 =	vadd.f32 v9, v56;
	v9 =	vld [tilespmem:s21+$0xFFFFFFA0]  }
0x19b: {  	v3 =	vand.u32 $0xFFFF0000, v3;
	[tilespmem:s20+$0x90] =	vst v15;
	v15 =	vand.u32 $0xFFFF0000, v17;
	v14 =	vld [tilespmem:s13+$0x10];
	v17 =	vshll.u32 v60, $0x10  }
0x19c: {  	[tilespmem:s19+$0xFFFFFFF0] =	vst v6;
	v8 =	vmax.f32 v8, $0.0e+00;
	v18 =	vld [tilespmem:s21+$0x20];
	v4 =	vadd.f32 v5, v59;
	v11 =	vadd.f32 v17, v11  }
0x19d: {  	[tilespmem:s19+$0x60] =	vst v13;
	v13 =	vld [tilespmem:s13+$0x50];
	v5 =	vand.u32 $0xFFFF0000, v60;
	v19 =	vshll.u32 v61, $0x10;
	v7 =	vmax.f32 v7, $0.0e+00  }
0x19e: {  	v17 =	vld [tilespmem:s21+$0xA0];
	v62 =	vshll.u32 v16, $0x10;
	v4 =	vmax.f32 v4, $0.0e+00;
	v11 =	vmax.f32 v11, $0.0e+00;
	[tilespmem:s20+$0xFFFFFF20] =	vst v7  }
0x19f: {  	[tilespmem:s19+$0x30] =	vst v8;
	v7 =	vand.u32 $0xFFFF0000, v16;
	v16 =	vshll.u32 v10, $0x10;
	v63 =	vld [tilespmem:s21+$0xFFFFFF30];
	v9 =	vadd.f32 v19, v9  }
0x1a0: {  	[tilespmem:s20+$0xF0] =	vst v4;
	v8 =	vshll.u32 v14, $0x10;
	v4 =	vand.u32 $0xFFFF0000, v14;
	v14 =	vadd.f32 v62, v12;
	v12 =	vld [tilespmem:s22+$0x70]  }
0x1a1: {  	[tilespmem:s20+$0xFFFFFF60] =	vst v11;
	v11 =	vld [tilespmem:s22+$0xB0];
	v18 =	vadd.f32 v8, v18;
	v8 =	vand.u32 $0xFFFF0000, v10;
	v9 =	vmax.f32 v9, $0.0e+00  }
0x1a2: {  	v10 =	vld [tilespmem:s21+$0xFFFFFF70];
	v19 =	vadd.f32 v16, v20;
	v16 =	vshll.u32 v13, $0x10;
	v14 =	vmax.f32 v14, $0.0e+00;
	[tilespmem:s20+$0xFFFFFFA0] =	vst v9  }
0x1a3: {  	v16 =	vadd.f32 v16, v17;
	[tilespmem:s20+$0xFFFFFFE0] =	vst v14;
	v18 =	vmax.f32 v18, $0.0e+00;
	v9 =	vand.u32 $0xFFFF0000, v13;
	v13 =	vld [tilespmem:s21+$0xFFFFFFB0]  }
0x1a4: {  	s12 =	simm.s32 $0x8;
	s13 =	simm.s32 $0xF080;
	v6 =	vand.u32 $0xFFFF0000, v61;
	s22 =	simm.s32 $0xC100;
	v17 =	vmax.f32 v19, $0.0e+00;
	v14 =	vld [tilespmem:s21+$0xFFFFFFF0];
	[tilespmem:s20+$0x20] =	vst v18;
	v15 =	vadd.f32 v15, v63  }
.LBB2_9:
0x1a5: {  	v18 =	vld [tilespmem:s13+$0x60];
	s12 =	sadd.s32 $0x8, s12;
	[tilespmem:s20+$0x60] =	vst v17;
	v16 =	vmax.f32 v16, $0.0e+00;
	s21 =	sadd.s32 $0x200, s21;
	v12 =	vadd.f32 v2, v12;
	v2 =	vmov v8  }
0x1a6: {  	v8 =	vld [tilespmem:s21+$0xC0];
	p0 =	slt.u32 s12, $0x78;
	v15 =	vmax.f32 v15, $0.0e+00;
	[tilespmem:s20+$0xA0] =	vst v16;
	v11 =	vadd.f32 v3, v11;
	v3 =	vmov v9  }
0x1a7: {  	v9 =	vld [tilespmem:s13+$0xFFFFFFA0];
	[tilespmem:s20+$0xFFFFFF30] =	vst v15;
	v5 =	vadd.f32 v5, v10;
	v10 =	vmax.f32 v12, $0.0e+00  }
0x1a8: {  	v12 =	vld [tilespmem:s13+$0xFFFFFFC0];
	v6 =	vadd.f32 v6, v13;
	[tilespmem:s19+$0x70] =	vst v10;
	v10 =	vmax.f32 v11, $0.0e+00  }
0x1a9: {  	v11 =	vld [tilespmem:s13+$0xFFFFFFE0];
	v5 =	vmax.f32 v5, $0.0e+00;
	v7 =	vadd.f32 v7, v14;
	[tilespmem:s19+$0xB0] =	vst v10;
	s19 =	smov.u32 s20  }
0x1aa: {  	v10 =	vld [tilespmem:s13+$0x0];
	v13 =	vshll.u32 v18, $0x10;
	[tilespmem:s20+$0xFFFFFF70] =	vst v5;
	v5 =	vmax.f32 v6, $0.0e+00  }
0x1ab: {  	v6 =	vld [tilespmem:s13+$0x20];
	v8 =	vadd.f32 v13, v8;
	[tilespmem:s20+$0xFFFFFFB0] =	vst v5;
	v5 =	vmax.f32 v7, $0.0e+00  }
0x1ac: {  	v7 =	vshll.u32 v9, $0x10;
	v9 =	vand.u32 $0xFFFF0000, v9;
	v13 =	vld [tilespmem:s13+$0x40];
	[tilespmem:s20+$0xFFFFFFF0] =	vst v5  }
0x1ad: {  	s20 =	sadd.s32 $0x200, s20;
	v5 =	vld [tilespmem:s13+$0xFFFFFF80];
	v14 =	vshll.u32 v12, $0x10;
	v12 =	vand.u32 $0xFFFF0000, v12;
	v8 =	vmax.f32 v8, $0.0e+00  }
0x1ae: {  	v15 =	vld [tilespmem:s21+$0xFFFFFF00];
	v16 =	vshll.u32 v11, $0x10;
	v11 =	vand.u32 $0xFFFF0000, v11;
	[tilespmem:s20+$0xC0] =	vst v8  }
0x1af: {  	v8 =	vshll.u32 v10, $0x10;
	v10 =	vand.u32 $0xFFFF0000, v10;
	v17 =	vld [tilespmem:s21+$0xD0]  }
0x1b0: {  	v19 =	vld [tilespmem:s21+$0xFFFFFF40];
	v20 =	vshll.u32 v6, $0x10;
	v6 =	vand.u32 $0xFFFF0000, v6  }
0x1b1: {  	v21 =	vld [tilespmem:s21+$0xFFFFFF80];
	v22 =	vshll.u32 v13, $0x10;
	v13 =	vand.u32 $0xFFFF0000, v13  }
0x1b2: {  	v23 =	vshll.u32 v5, $0x10;
	v5 =	vand.u32 $0xFFFF0000, v5;
	v24 =	vld [tilespmem:s21+$0xFFFFFFC0]  }
0x1b3: {  	v18 =	vand.u32 $0xFFFF0000, v18;
	v15 =	vadd.f32 v23, v15;
	v23 =	vld [tilespmem:s21+$0x0]  }
0x1b4: {  	v25 =	vld [tilespmem:s21+$0x40];
	v17 =	vadd.f32 v18, v17  }
0x1b5: {  	v15 =	vmax.f32 v15, $0.0e+00;
	v7 =	vadd.f32 v7, v19;
	v18 =	vld [tilespmem:s21+$0x80]  }
0x1b6: {  	[tilespmem:s20+$0xFFFFFF00] =	vst v15;
	v14 =	vadd.f32 v14, v21;
	v15 =	vmax.f32 v17, $0.0e+00;
	v17 =	vld [tilespmem:s22+$0x30]  }
0x1b7: {  	v19 =	vld [tilespmem:s21+$0xFFFFFF10];
	v7 =	vmax.f32 v7, $0.0e+00;
	v16 =	vadd.f32 v16, v24;
	[tilespmem:s20+$0xD0] =	vst v15  }
0x1b8: {  	[tilespmem:s20+$0xFFFFFF40] =	vst v7;
	v7 =	vmax.f32 v14, $0.0e+00;
	v8 =	vadd.f32 v8, v23;
	v14 =	vld [tilespmem:s13+$0x70]  }
0x1b9: {  	[tilespmem:s20+$0xFFFFFF80] =	vst v7;
	v7 =	vmax.f32 v16, $0.0e+00;
	v15 =	vadd.f32 v20, v25;
	v16 =	vld [tilespmem:s21+$0xE0]  }
0x1ba: {  	v20 =	vld [tilespmem:s21+$0xFFFFFF50];
	[tilespmem:s20+$0xFFFFFFC0] =	vst v7;
	v7 =	vmax.f32 v8, $0.0e+00;
	v8 =	vadd.f32 v22, v18  }
0x1bb: {  	v18 =	vld [tilespmem:s21+$0xFFFFFF90];
	[tilespmem:s20+$0x0] =	vst v7;
	v7 =	vmax.f32 v15, $0.0e+00;
	v4 =	vadd.f32 v4, v17  }
0x1bc: {  	v5 =	vadd.f32 v5, v19;
	v15 =	vld [tilespmem:s21+$0xFFFFFFD0];
	[tilespmem:s20+$0x40] =	vst v7;
	v7 =	vmax.f32 v8, $0.0e+00  }
0x1bd: {  	v8 =	vld [tilespmem:s21+$0x10];
	[tilespmem:s20+$0x80] =	vst v7;
	v7 =	vshll.u32 v14, $0x10;
	v4 =	vmax.f32 v4, $0.0e+00  }
0x1be: {  	v5 =	vmax.f32 v5, $0.0e+00;
	v17 =	vld [tilespmem:s21+$0x50];
	v7 =	vadd.f32 v7, v16;
	[tilespmem:s19+$0x30] =	vst v4  }
0x1bf: {  	[tilespmem:s20+$0xFFFFFF10] =	vst v5;
	v4 =	vadd.f32 v9, v20;
	v5 =	vld [tilespmem:s21+$0x90]  }
0x1c0: {  	v9 =	vld [tilespmem:s13+$0xFFFFFF90];
	v12 =	vadd.f32 v12, v18;
	v7 =	vmax.f32 v7, $0.0e+00  }
0x1c1: {  	v16 =	vld [tilespmem:s21+$0xFFFFFF20];
	v4 =	vmax.f32 v4, $0.0e+00;
	v11 =	vadd.f32 v11, v15;
	[tilespmem:s20+$0xE0] =	vst v7  }
0x1c2: {  	[tilespmem:s20+$0xFFFFFF50] =	vst v4;
	v4 =	vmax.f32 v12, $0.0e+00;
	v7 =	vadd.f32 v10, v8;
	v8 =	vld [tilespmem:s21+$0xF0]  }
0x1c3: {  	v10 =	vld [tilespmem:s13+$0xFFFFFFB0];
	[tilespmem:s20+$0xFFFFFF90] =	vst v4;
	v4 =	vmax.f32 v11, $0.0e+00;
	v6 =	vadd.f32 v6, v17  }
0x1c4: {  	v11 =	vld [tilespmem:s13+$0xFFFFFFD0];
	[tilespmem:s20+$0xFFFFFFD0] =	vst v4;
	v4 =	vmax.f32 v7, $0.0e+00;
	v5 =	vadd.f32 v13, v5  }
0x1c5: {  	v7 =	vshll.u32 v9, $0x10;
	v15 =	vand.u32 $0xFFFF0000, v9;
	v9 =	vld [tilespmem:s13+$0xFFFFFFF0];
	[tilespmem:s20+$0x10] =	vst v4;
	v4 =	vmax.f32 v6, $0.0e+00  }
0x1c6: {  	v6 =	vadd.f32 v7, v16;
	v12 =	vld [tilespmem:s13+$0x10];
	[tilespmem:s20+$0x50] =	vst v4;
	v4 =	vmax.f32 v5, $0.0e+00;
	v5 =	vand.u32 $0xFFFF0000, v14  }
0x1c7: {  	v13 =	vld [tilespmem:s13+$0x30];
	[tilespmem:s20+$0x90] =	vst v4;
	v4 =	vadd.f32 v5, v8  }
0x1c8: {  	v6 =	vmax.f32 v6, $0.0e+00;
	v14 =	vshll.u32 v10, $0x10;
	v5 =	vand.u32 $0xFFFF0000, v10;
	v10 =	vld [tilespmem:s13+$0x50]  }
0x1c9: {  	[tilespmem:s20+$0xFFFFFF20] =	vst v6;
	v16 =	vld [tilespmem:s21+$0xFFFFFF60];
	v17 =	vshll.u32 v11, $0x10;
	v6 =	vand.u32 $0xFFFF0000, v11;
	v4 =	vmax.f32 v4, $0.0e+00  }
0x1ca: {  	v11 =	vld [tilespmem:s21+$0xFFFFFFA0];
	v18 =	vshll.u32 v9, $0x10;
	v7 =	vand.u32 $0xFFFF0000, v9;
	[tilespmem:s20+$0xF0] =	vst v4  }
0x1cb: {  	v19 =	vld [tilespmem:s21+$0xFFFFFFE0];
	v20 =	vshll.u32 v12, $0x10;
	v4 =	vand.u32 $0xFFFF0000, v12  }
0x1cc: {  	v21 =	vld [tilespmem:s21+$0x20];
	v22 =	vshll.u32 v13, $0x10;
	v8 =	vand.u32 $0xFFFF0000, v13  }
0x1cd: {  	v13 =	vld [tilespmem:s21+$0x60];
	v23 =	vshll.u32 v10, $0x10;
	v9 =	vand.u32 $0xFFFF0000, v10  }
0x1ce: {  	v10 =	vadd.f32 v14, v16;
	v14 =	vld [tilespmem:s21+$0xA0]  }
0x1cf: {  	v24 =	vld [tilespmem:s21+$0xFFFFFF30];
	v11 =	vadd.f32 v17, v11  }
.Ltmp5:
0x1d0: {  	v10 =	vmax.f32 v10, $0.0e+00;
	v16 =	vadd.f32 v18, v19;
	v12 =	vld [tilespmem:s22+$0x70];
	(pc) =	sbr.rel @p0 .LBB2_9-.Ltmp5, $4  }
0x1d1: {  	[tilespmem:s20+$0xFFFFFF60] =	vst v10;
	v17 =	vmax.f32 v11, $0.0e+00;
	v18 =	vadd.f32 v20, v21;
	v11 =	vld [tilespmem:s22+$0xB0];
	s22 =	smov.u32 s21  }
0x1d2: {  	v10 =	vld [tilespmem:s21+$0xFFFFFF70];
	[tilespmem:s20+$0xFFFFFFA0] =	vst v17;
	v16 =	vmax.f32 v16, $0.0e+00;
	v17 =	vadd.f32 v22, v13  }
0x1d3: {  	v13 =	vld [tilespmem:s21+$0xFFFFFFB0];
	[tilespmem:s20+$0xFFFFFFE0] =	vst v16;
	v18 =	vmax.f32 v18, $0.0e+00;
	v16 =	vadd.f32 v23, v14  }
0x1d4: {  	s13 =	sadd.s32 $0x100, s13;
	v15 =	vadd.f32 v15, v24;
	v14 =	vld [tilespmem:s21+$0xFFFFFFF0];
	[tilespmem:s20+$0x20] =	vst v18;
	v17 =	vmax.f32 v17, $0.0e+00  }
0x1d5: {  	[tilespmem:s20+$0x60] =	vst v17;
	v16 =	vmax.f32 v16, $0.0e+00;
	v2 =	vadd.f32 v2, v12;
	v59 =	vld [tilespmem:s22+$0x30]  }
0x1d6: {  	v15 =	vmax.f32 v15, $0.0e+00;
	[tilespmem:s20+$0xA0] =	vst v16;
	v3 =	vadd.f32 v3, v11;
	v60 =	vld [tilespmem:s22+$0x70]  }
0x1d7: {  	[tilespmem:s20+$0xFFFFFF30] =	vst v15;
	v5 =	vadd.f32 v5, v10;
	v2 =	vmax.f32 v2, $0.0e+00;
	v61 =	vld [tilespmem:s22+$0xB0]  }
0x1d8: {  	v6 =	vadd.f32 v6, v13;
	[tilespmem:s19+$0x70] =	vst v2;
	v2 =	vmax.f32 v3, $0.0e+00  }
0x1d9: {  	v3 =	vmax.f32 v5, $0.0e+00;
	v62 =	vadd.f32 v7, v14;
	[tilespmem:s19+$0xB0] =	vst v2  }
0x1da: {  	[tilespmem:s20+$0xFFFFFF70] =	vst v3;
	v2 =	vmax.f32 v6, $0.0e+00;
	v3 =	vadd.f32 v4, v59  }
0x1db: {  	[tilespmem:s20+$0xFFFFFFB0] =	vst v2;
	v2 =	vmax.f32 v62, $0.0e+00;
	v63 =	vadd.f32 v8, v60  }
.Ltmp6:
0x1dc: {  	[tilespmem:s20+$0xFFFFFFF0] =	vst v2;
	v2 =	vmax.f32 v3, $0.0e+00;
	v3 =	vadd.f32 v9, v61;
	(pc) =	sbr.rel @p1 .LBB2_12-.Ltmp6, $4  }
0x1dd: {  	[tilespmem:s20+$0x30] =	vst v2;
	v2 =	vmax.f32 v63, $0.0e+00  }
0x1de: {  	[tilespmem:s20+$0x70] =	vst v2;
	v2 =	vmax.f32 v3, $0.0e+00  }
0x1df: {  	s12 =	sadd.s32 $0x4F80, s18;
	[tilespmem:s20+$0xB0] =	vst v2  }
0x1e0: {  	[spmem:s1] =	stream.indirect.scatter.add.f32 [tilespmem:s29], [sflag:$0x6], $0x40, s12, s26, $0xb8;
	[tilespmem:$0x1DE00] =	vst v63  }
0x1e1: {  	s12 =	sadd.s32 $0x3, s17  }
0x1e2: {  	s13 =	sshll.u32 s12, $0x7  }
0x1e3: {  	s12 =	sadd.s32 s15, s12;
	s13 =	sand.u32 $0x3FFFFF80, s13  }
0x1e4: {  	[tilespmem:s30], [sflag:$0x2] =	stream.indirect.gather [hbm4b:s4+s26], $0x40, s13, s26, $0xb8;
	[tilespmem:$0x1DE00] =	vst v63  }
.Ltmp7:
0x1e5: {  	s12 =	sshll.u32 s12, $0xC;
	(pc) =	sbr.rel .LBB2_6-.Ltmp7, $4  }
0x1e6: {  	s12 =	sadd.s32 s8, s12  }
0x1e7: {  	s12 =	sshrl.u32 s12, $0x3  }
0x1e8: {  	s16 =	sadd.s32 $0x1, s16;
	s12 =	sadd.s32 s5, s12  }
0x1e9: {  	[tilespmem:s31], [sflag:$0x4] =	stream.linear.gather [hbm4b:s12+s3], $0x1000, $0x38;
	[tilespmem:$0x1DE00] =	vst v63  }
.LBB2_13:
0x1ea: {  	_ =	sfence.sel $0x180000  }
0x1eb: {  	[bflag:$0x0] =	sbarrier.arrive $0xFFFF  }
0x1ec: {  	_ =	strace $0x90000047  }
0x1ed: {  	s0 =	stileid.u32;
	[bflag:$0x2] =	sbarrier.arrive $0xFFFF  }
0x1ee: {  	p0 =	sne.s32 s0, $0x0;
	s0 =	rddreg [dreg:$0x2]  }
0x1ef: {  	s0 =	sadd.s32 @!p0 $0x100000, s0  }
0x1f0: {  	[sflag:s0] =	ssyncadd.tile.s32 @!p0 $0x1;
	_ =	shalt  }
.Lfunc_end2:
_tile_overlayer_lowered:
.L_overlay_start_2:
0x1f1: {  	(tag) =	ssettag $0x2  }
0x1f2: {  	s0 =	rddreg [dreg:$0x0];
	s2 =	stileid.u32  }
0x1f3: {  	s1 =	rddreg [dreg:$0x1];
	p0 =	sne.s32 s2, $0x0  }
0x1f4: {  	s3 =	rddreg [dreg:$0x2];
	[bflag:$0x3] =	sbarrier.arrive $0xFFFF;
	s2 =	simm.s32 @!p0 $0x1C07  }
0x1f5: {  	[timem:s3], [sflag:s2] =	dma.local @!p0 [hbm:s0], s1  }
0x1f6: {  	s0 =	simm.s32 @!p0 $0x7  }
0x1f7: {  	_ =	swait.ge @!p0 [sflag:s0], s1  }
0x1f8: {  	s1 =	ssub.s32 @!p0 $0x0, s1;
	[sflag:s0] =	ssyncset.done @!p0 $0x0  }
0x1f9: {  	[sflag:s0] =	ssyncadd.s32 @!p0 s1  }
0x1fa: {  	[bflag:$0x3] =	sbarrier.arrive $0xFFFF  }
0x1fb: {  	_ =	shalt  }

</sc_bundles>
